<compile_context>
chip_gen: v7x
topology: tpu7x:2x2x1
jax: 0.10.2.dev20260603
libtpu: 0.0.44.dev20260713+nightly
codegen_flags: <defaults>
</compile_context>

<pallas_src>
import functools

import jax
import jax.numpy as jnp
from jax import lax
from jax.experimental import pallas as pl
from jax.experimental.pallas import tpu as pltpu
from jax.experimental.pallas import tpu_sc as plsc

L = 12
KV = 2
NSTATES = 1 << L
D = 1 << KV
S = 1 << (L - KV)
B = 1024
T_V = 64
BBC = 512
NCH = B // BBC

NC, NS, LANES = 2, 16, 16
NW = NC * NS
RPG = LANES
GROUPS = B // (NW * RPG)


def _min4(t0, t1, t2, t3):
    m01 = jnp.minimum(t0, t1)
    a01 = jnp.where(t1 < t0, 1, 0)
    m23 = jnp.minimum(t2, t3)
    a23 = jnp.where(t3 < t2, 3, 2)
    m = jnp.minimum(m01, m23)
    a = jnp.where(m23 < m01, a23, a01)
    return m, a


def _limbs(a):
    hi = a.astype(jnp.bfloat16)
    r1 = a - hi.astype(jnp.float32)
    mid = r1.astype(jnp.bfloat16)
    lo = (r1 - mid.astype(jnp.float32)).astype(jnp.bfloat16)
    return hi, mid, lo


def _rep4(limbs, lo_lane, rep3):
    sl = slice(lo_lane, lo_lane + S // D)
    op = jnp.concatenate([l[:, sl] for l in limbs], axis=1)
    return jax.lax.dot_general(
        op, rep3,
        dimension_numbers=(((1,), (0,)), ((), ())),
        preferred_element_type=jnp.float32,
    )


def _fwd_kernel(x_ref, lutl_ref, lut4_ref, rep_ref, pk_ref, rfin_ref, cost_ref):
    t = pl.program_id(1)
    lane = jax.lax.broadcasted_iota(jnp.int32, (BBC, T_V), 1)
    xt = jnp.sum(jnp.where(lane == t, x_ref[...], 0.0), axis=1,
                 keepdims=True)

    @pl.when(t == 0)
    def _():
        e = [(lutl_ref[p, :][None, :] - xt) ** 2 for p in range(D)]
        cost, low = _min4(e[0], e[1], e[2], e[3])
        cost_ref[...] = cost
        pk_ref[0, :, :] = low

    @pl.when(t > 0)
    def _():
        cost = cost_ref[...]
        rep3 = rep_ref[...]
        limbs = _limbs(cost)
        newcost = bd = None
        for d in range(D):
            crd = _rep4(limbs, 256 * d, rep3)
            err = (lut4_ref[d, :][None, :] - xt) ** 2
            tot = crd + err
            if d == 0:
                newcost, bd = tot, jnp.zeros((BBC, S), jnp.int32)
            else:
                bd = jnp.where(tot < newcost, d, bd)
                newcost = jnp.minimum(newcost, tot)
        g = t >> 4
        sh = 2 * (t & 15)
        prev = jnp.where(sh == 0, 0, pk_ref[g, :, :])
        pk_ref[g, :, :] = prev | (bd << sh)
        cost_ref[...] = newcost

        @pl.when(t == T_V - 1)
        def _():
            mfin = jnp.min(newcost, axis=1, keepdims=True)
            iota_s = jax.lax.broadcasted_iota(jnp.int32, (BBC, S), 1)
            rfin_ref[...] = jnp.min(
                jnp.where(newcost == mfin, iota_s, S), axis=1, keepdims=True)


def _forward(X, lutl, lut4, rep):
    return pl.pallas_call(
        _fwd_kernel,
        grid=(NCH, T_V),
        in_specs=[
            pl.BlockSpec((BBC, T_V), lambda j, t: (j, 0)),
            pl.BlockSpec((D, S), lambda j, t: (0, 0)),
            pl.BlockSpec((D, S), lambda j, t: (0, 0)),
            pl.BlockSpec((3 * S // D, S), lambda j, t: (0, 0)),
        ],
        out_specs=[
            pl.BlockSpec((D, BBC, S), lambda j, t: (0, j, 0)),
            pl.BlockSpec((BBC, 1), lambda j, t: (j, 0)),
        ],
        out_shape=[
            jax.ShapeDtypeStruct((D, B, S), jnp.int32),
            jax.ShapeDtypeStruct((B, 1), jnp.int32),
        ],
        scratch_shapes=[pltpu.VMEM((BBC, S), jnp.float32)],
    )(X, lutl, lut4, rep)


def _backtrace_sc(pk, rfin, lutv):
    mesh = plsc.VectorSubcoreMesh(core_axis_name="c", subcore_axis_name="s")
    pk2 = pk.reshape(D, B * S)

    @functools.partial(
        pl.kernel,
        out_type=jax.ShapeDtypeStruct((B * T_V,), jnp.float32),
        mesh=mesh,
        compiler_params=pltpu.CompilerParams(needs_layout_passes=False),
        scratch_types=[
            pltpu.VMEM((D * RPG * S,), jnp.int32),
            pltpu.VMEM((RPG,), jnp.int32),
            pltpu.VMEM((NSTATES,), jnp.float32),
            pltpu.VMEM((RPG * T_V,), jnp.float32),
        ],
    )
    def _bt(pk_hbm, rfin_hbm, lut_hbm, out_hbm, pk_v, r0_v, lut_v, out_v):
        wid = lax.axis_index("s") * NC + lax.axis_index("c")
        lanes = lax.iota(jnp.int32, LANES)
        lanes_pk = lanes << (L - KV)
        lanes_out = lanes * T_V
        pltpu.sync_copy(lut_hbm, lut_v)
        for grp in range(GROUPS):
            base = wid * (RPG * GROUPS) + grp * RPG
            for g in range(D):
                pltpu.sync_copy(
                    pk_hbm.at[g, pl.ds(base * S, RPG * S)],
                    pk_v.at[pl.ds(g * RPG * S, RPG * S)])
            pltpu.sync_copy(rfin_hbm.at[pl.ds(base, RPG)], r0_v)
            r = r0_v[...]
            for i in range(T_V - 1, 0, -1):
                g, sh = i >> 4, 2 * (i & 15)
                vals = plsc.load_gather(pk_v, [g * (RPG * S) + lanes_pk + r])
                d = (vals >> sh) & 3
                h = plsc.load_gather(lut_v, [r + (d << 10)])
                plsc.store_scatter(out_v, [lanes_out + i], h)
                r = (r >> KV) + (d << 8)
            low = plsc.load_gather(pk_v, [lanes_pk + r]) & 3
            h0 = plsc.load_gather(lut_v, [(r << KV) + low])
            plsc.store_scatter(out_v, [lanes_out], h0)
            pltpu.sync_copy(out_v, out_hbm.at[pl.ds(base * T_V, RPG * T_V)])

    return _bt(pk2, rfin.reshape(B), lutv).reshape(B, T_V)


def kernel(X, lut):
    lutv = lut.reshape(-1).astype(jnp.float32)
    lutl = lutv.reshape(S, D).T
    lut4 = lutv.reshape(D, S)
    rep1 = (jnp.arange(S, dtype=jnp.int32)[None, :] // D
            == jnp.arange(S // D, dtype=jnp.int32)[:, None]).astype(jnp.bfloat16)
    rep = jnp.concatenate([rep1, rep1, rep1], axis=0)

    pk, rfin = _forward(X, lutl, lut4, rep)
    return _backtrace_sc(pk, rfin, lutv)

# --- scband reference (transcript-rebuilt; emitter-appended) ---
"""Pipeline reference for scband-trellis-quantizer-86569360818549 (READ-ONLY COPY).

The authoritative reference and input builder live on the scoring server;
editing this copy changes nothing except your own understanding.
"""

import jax, jax.numpy as jnp
import numpy as np

L = 12
K = 2
V = 1
KV = K * V
NSTATES = 1 << L
D = 1 << KV
S_RED = 1 << (L - KV)
B = 1024
T = 64


def _decode_1mad_np(x):
    x = x.astype(np.int64)
    x = x & ((1 << 32) - 1)
    x = (x * 34038481 + 76625530) & ((1 << 32) - 1)
    y = (x & 255) + ((x >> 8) & 255) + ((x >> 16) & 255) + ((x >> 24) & 255)
    return (y - 510).astype(np.float32) / 147.800537109375


def _candidates():
    state = np.arange(NSTATES, dtype=np.int32)
    sumdelta = (np.arange(D, dtype=np.int32) << (L - KV))
    cand = (state >> KV)[::D][:, None] + sumdelta[None, :]
    return jnp.asarray(cand)


def setup_inputs(seed: int = 0):
    key = jax.random.key(seed)
    X = jax.random.normal(key, (B, T), dtype=jnp.float32)
    lut = jnp.asarray(_decode_1mad_np(np.arange(NSTATES)))[:, None]
    return {"X": X, "lut": lut}


def _viterbi(X, lut):
    b, t = X.shape
    T_v = t // V
    cand = _candidates()
    cand_red = cand >> KV
    recons_state = lut  # (NSTATES, V)

    def state_err(obs):
        return jnp.sum((recons_state[None, :, :] - obs[:, None, :]) ** 2, axis=-1)

    cost_full = state_err(X[:, :V])
    cf = cost_full.reshape(b, S_RED, D)
    cost_reduced = jnp.min(cf, axis=2)
    low_bits = jnp.argmin(cf, axis=2).astype(jnp.int32)
    full_states = jnp.arange(S_RED, dtype=jnp.int32)[None, :] * D + low_bits
    from_state = [full_states.astype(jnp.int32)]
    rows = jnp.arange(S_RED, dtype=jnp.int32)[None, :]
    for i in range(1, T_v):
        obs = X[:, i * V:(i + 1) * V]
        err = state_err(obs)                      # (b, NSTATES)
        err_cand = err[:, cand]                   # gather -> (b, S_RED, D)
        cost_cand = cost_reduced[:, cand_red]     # gather -> (b, S_RED, D)
        total = cost_cand + err_cand
        cost_reduced = jnp.min(total, axis=-1)
        best_idx = jnp.argmin(total, axis=-1)
        prev_state = cand[rows, best_idx].astype(jnp.int32)
        from_state.append(prev_state)
    bidx = jnp.arange(b)
    final = [None] * T_v
    final[T_v - 1] = from_state[T_v - 1][bidx, jnp.argmin(cost_reduced, axis=1)]
    for i in range(T_v - 2, -1, -1):
        reduced = final[i + 1] >> KV
        final[i] = from_state[i][bidx, reduced]
    return jnp.stack(final, axis=1)  # (b, T_v) int32


def reference(X, lut):
    final_state = _viterbi(X, lut)
    hatX = lut[final_state].reshape(X.shape[0], -1)  # embedding-style gather
    return hatX

if __name__ == "__main__":
    import jax
    _d = setup_inputs()
    print(jax.jit(kernel)(*tuple(_d.values())))

</pallas_src>

<mosaic_0001>
#map = affine_map<(d0, d1) -> (0, 0)>
#map1 = affine_map<(d0, d1) -> (0)>
module attributes {stable_mosaic.version = 14 : i64} {
  func.func @_bt(%arg0: i32, %arg1: i32, %arg2: memref<4x1048576xi32, #tpu.memory_space<hbm>>, %arg3: memref<1024xi32, #tpu.memory_space<hbm>>, %arg4: memref<4096xf32, #tpu.memory_space<hbm>>, %arg5: memref<65536xf32, #tpu.memory_space<hbm>>, %arg6: memref<65536xi32, #tpu.memory_space<vmem>>, %arg7: memref<16xi32, #tpu.memory_space<vmem>>, %arg8: memref<4096xf32, #tpu.memory_space<vmem>>, %arg9: memref<1024xf32, #tpu.memory_space<vmem>>) attributes {dimension_semantics = [#tpu.dimension_semantics<core_parallel>, #tpu.dimension_semantics<subcore_parallel>], iteration_bounds = array<i64: 2, 16>, scalar_prefetch = 0 : i64, scratch_operands = 4 : i64, tpu.core_type = #tpu.core_type<sc_vector_subcore>, window_params = [{transform_indices = #map}, {transform_indices = #map1}, {transform_indices = #map1}, {transform_indices = #map1}]} {
    %mul3A = arith.constant 2 : i32
    %mul3A_0 = arith.muli %arg1, %mul3A : i32
    %add3A = arith.addi %mul3A_0, %arg0 : i32
    %iota3A = tpu.iota {dimensions = array<i32: 0>} : vector<16xi32>
    %shift_left3A = arith.constant 10 : i32
    %shift_left3A_1 = vector.broadcast %shift_left3A : i32 to vector<16xi32>
    %shift_left3A_2 = arith.shli %iota3A, %shift_left3A_1 : vector<16xi32>
    %mul3A_3 = arith.constant 64 : i32
    %mul3A_4 = vector.broadcast %mul3A_3 : i32 to vector<16xi32>
    %mul3A_5 = arith.muli %iota3A, %mul3A_4 : vector<16xi32>
    "tpu.region"() ({
      %run_scoped3A_3337 = tpu.sem_alloc : memref<!tpu.dma_semaphore, #tpu.memory_space<semaphore_mem>>
      tpu.enqueue_dma source(%arg4 : memref<4096xf32, #tpu.memory_space<hbm>>) target(%arg8 : memref<4096xf32, #tpu.memory_space<vmem>>) target_semaphore(%run_scoped3A_3337 : memref<!tpu.dma_semaphore, #tpu.memory_space<semaphore_mem>>)
      tpu.wait_dma2 semaphore(%run_scoped3A_3337 : memref<!tpu.dma_semaphore, #tpu.memory_space<semaphore_mem>>) src(%arg4 : memref<4096xf32, #tpu.memory_space<hbm>>) dst(%arg8 : memref<4096xf32, #tpu.memory_space<vmem>>)
      tpu.yield
    }) : () -> ()
    %mul3A_6 = arith.constant 32 : i32
    %mul3A_7 = arith.muli %add3A, %mul3A_6 : i32
    %add3A_8 = arith.constant 0 : i32
    %add3A_9 = arith.addi %mul3A_7, %add3A_8 : i32
    %mul3A_10 = arith.constant 1024 : i32
    %mul3A_11 = arith.muli %add3A_9, %mul3A_10 : i32
    %run_scoped3A = arith.constant 0 : i32
    "tpu.region"() ({
      %run_scoped3A_3337 = tpu.sem_alloc : memref<!tpu.dma_semaphore, #tpu.memory_space<semaphore_mem>>
      %dma_start3A = arith.constant 0 : i32
      %dma_start3A_3338 = tpu.memref_slice %arg6[%dma_start3A] : memref<65536xi32, #tpu.memory_space<vmem>> -> memref<16384xi32, #tpu.memory_space<vmem>>
      %dma_start3A_3339 = tpu.memref_slice %arg2[%run_scoped3A, %mul3A_11] : memref<4x1048576xi32, #tpu.memory_space<hbm>> -> memref<1x16384xi32, #tpu.memory_space<hbm>>
      %dma_start3A_3340 = tpu.memref_squeeze %dma_start3A_3339 : memref<1x16384xi32, #tpu.memory_space<hbm>> -> memref<16384xi32, #tpu.memory_space<hbm>>
      %dma_start3A_3341 = arith.constant 0 : i32
      %dma_start3A_3342 = tpu.memref_slice %arg6[%dma_start3A_3341] : memref<65536xi32, #tpu.memory_space<vmem>> -> memref<16384xi32, #tpu.memory_space<vmem>>
      %dma_start3A_3343 = tpu.memref_slice %arg2[%run_scoped3A, %mul3A_11] : memref<4x1048576xi32, #tpu.memory_space<hbm>> -> memref<1x16384xi32, #tpu.memory_space<hbm>>
      %dma_start3A_3344 = tpu.memref_squeeze %dma_start3A_3343 : memref<1x16384xi32, #tpu.memory_space<hbm>> -> memref<16384xi32, #tpu.memory_space<hbm>>
      tpu.enqueue_dma source(%dma_start3A_3344 : memref<16384xi32, #tpu.memory_space<hbm>>) target(%dma_start3A_3342 : memref<16384xi32, #tpu.memory_space<vmem>>) target_semaphore(%run_scoped3A_3337 : memref<!tpu.dma_semaphore, #tpu.memory_space<semaphore_mem>>)
      %dma_wait3A = arith.constant 0 : i32
      %dma_wait3A_3345 = tpu.memref_slice %arg6[%dma_wait3A] : memref<65536xi32, #tpu.memory_space<vmem>> -> memref<16384xi32, #tpu.memory_space<vmem>>
      %dma_wait3A_3346 = tpu.memref_slice %arg2[%run_scoped3A, %mul3A_11] : memref<4x1048576xi32, #tpu.memory_space<hbm>> -> memref<1x16384xi32, #tpu.memory_space<hbm>>
      %dma_wait3A_3347 = tpu.memref_squeeze %dma_wait3A_3346 : memref<1x16384xi32, #tpu.memory_space<hbm>> -> memref<16384xi32, #tpu.memory_space<hbm>>
      %dma_wait3A_3348 = arith.constant 0 : i32
      %dma_wait3A_3349 = tpu.memref_slice %arg6[%dma_wait3A_3348] : memref<65536xi32, #tpu.memory_space<vmem>> -> memref<16384xi32, #tpu.memory_space<vmem>>
      %dma_wait3A_3350 = tpu.memref_slice %arg2[%run_scoped3A, %mul3A_11] : memref<4x1048576xi32, #tpu.memory_space<hbm>> -> memref<1x16384xi32, #tpu.memory_space<hbm>>
      %dma_wait3A_3351 = tpu.memref_squeeze %dma_wait3A_3350 : memref<1x16384xi32, #tpu.memory_space<hbm>> -> memref<16384xi32, #tpu.memory_space<hbm>>
      tpu.wait_dma2 semaphore(%run_scoped3A_3337 : memref<!tpu.dma_semaphore, #tpu.memory_space<semaphore_mem>>) src(%dma_wait3A_3351 : memref<16384xi32, #tpu.memory_space<hbm>>) dst(%dma_wait3A_3349 : memref<16384xi32, #tpu.memory_space<vmem>>)
      tpu.yield
    }) : () -> ()
    %mul3A_12 = arith.constant 1024 : i32
    %mul3A_13 = arith.muli %add3A_9, %mul3A_12 : i32
    %run_scoped3A_14 = arith.constant 1 : i32
    "tpu.region"() ({
      %run_scoped3A_3337 = tpu.sem_alloc : memref<!tpu.dma_semaphore, #tpu.memory_space<semaphore_mem>>
      %dma_start3A = arith.constant 16384 : i32
      %dma_start3A_3338 = tpu.memref_slice %arg6[%dma_start3A] : memref<65536xi32, #tpu.memory_space<vmem>> -> memref<16384xi32, #tpu.memory_space<vmem>>
      %dma_start3A_3339 = tpu.memref_slice %arg2[%run_scoped3A_14, %mul3A_13] : memref<4x1048576xi32, #tpu.memory_space<hbm>> -> memref<1x16384xi32, #tpu.memory_space<hbm>>
      %dma_start3A_3340 = tpu.memref_squeeze %dma_start3A_3339 : memref<1x16384xi32, #tpu.memory_space<hbm>> -> memref<16384xi32, #tpu.memory_space<hbm>>
      %dma_start3A_3341 = arith.constant 16384 : i32
      %dma_start3A_3342 = tpu.memref_slice %arg6[%dma_start3A_3341] : memref<65536xi32, #tpu.memory_space<vmem>> -> memref<16384xi32, #tpu.memory_space<vmem>>
      %dma_start3A_3343 = tpu.memref_slice %arg2[%run_scoped3A_14, %mul3A_13] : memref<4x1048576xi32, #tpu.memory_space<hbm>> -> memref<1x16384xi32, #tpu.memory_space<hbm>>
      %dma_start3A_3344 = tpu.memref_squeeze %dma_start3A_3343 : memref<1x16384xi32, #tpu.memory_space<hbm>> -> memref<16384xi32, #tpu.memory_space<hbm>>
      tpu.enqueue_dma source(%dma_start3A_3344 : memref<16384xi32, #tpu.memory_space<hbm>>) target(%dma_start3A_3342 : memref<16384xi32, #tpu.memory_space<vmem>>) target_semaphore(%run_scoped3A_3337 : memref<!tpu.dma_semaphore, #tpu.memory_space<semaphore_mem>>)
      %dma_wait3A = arith.constant 16384 : i32
      %dma_wait3A_3345 = tpu.memref_slice %arg6[%dma_wait3A] : memref<65536xi32, #tpu.memory_space<vmem>> -> memref<16384xi32, #tpu.memory_space<vmem>>
      %dma_wait3A_3346 = tpu.memref_slice %arg2[%run_scoped3A_14, %mul3A_13] : memref<4x1048576xi32, #tpu.memory_space<hbm>> -> memref<1x16384xi32, #tpu.memory_space<hbm>>
      %dma_wait3A_3347 = tpu.memref_squeeze %dma_wait3A_3346 : memref<1x16384xi32, #tpu.memory_space<hbm>> -> memref<16384xi32, #tpu.memory_space<hbm>>
      %dma_wait3A_3348 = arith.constant 16384 : i32
      %dma_wait3A_3349 = tpu.memref_slice %arg6[%dma_wait3A_3348] : memref<65536xi32, #tpu.memory_space<vmem>> -> memref<16384xi32, #tpu.memory_space<vmem>>
      %dma_wait3A_3350 = tpu.memref_slice %arg2[%run_scoped3A_14, %mul3A_13] : memref<4x1048576xi32, #tpu.memory_space<hbm>> -> memref<1x16384xi32, #tpu.memory_space<hbm>>
      %dma_wait3A_3351 = tpu.memref_squeeze %dma_wait3A_3350 : memref<1x16384xi32, #tpu.memory_space<hbm>> -> memref<16384xi32, #tpu.memory_space<hbm>>
      tpu.wait_dma2 semaphore(%run_scoped3A_3337 : memref<!tpu.dma_semaphore, #tpu.memory_space<semaphore_mem>>) src(%dma_wait3A_3351 : memref<16384xi32, #tpu.memory_space<hbm>>) dst(%dma_wait3A_3349 : memref<16384xi32, #tpu.memory_space<vmem>>)
      tpu.yield
    }) : () -> ()
    %mul3A_15 = arith.constant 1024 : i32
    %mul3A_16 = arith.muli %add3A_9, %mul3A_15 : i32
    %run_scoped3A_17 = arith.constant 2 : i32
    "tpu.region"() ({
      %run_scoped3A_3337 = tpu.sem_alloc : memref<!tpu.dma_semaphore, #tpu.memory_space<semaphore_mem>>
      %dma_start3A = arith.constant 32768 : i32
      %dma_start3A_3338 = tpu.memref_slice %arg6[%dma_start3A] : memref<65536xi32, #tpu.memory_space<vmem>> -> memref<16384xi32, #tpu.memory_space<vmem>>
      %dma_start3A_3339 = tpu.memref_slice %arg2[%run_scoped3A_17, %mul3A_16] : memref<4x1048576xi32, #tpu.memory_space<hbm>> -> memref<1x16384xi32, #tpu.memory_space<hbm>>
      %dma_start3A_3340 = tpu.memref_squeeze %dma_start3A_3339 : memref<1x16384xi32, #tpu.memory_space<hbm>> -> memref<16384xi32, #tpu.memory_space<hbm>>
      %dma_start3A_3341 = arith.constant 32768 : i32
      %dma_start3A_3342 = tpu.memref_slice %arg6[%dma_start3A_3341] : memref<65536xi32, #tpu.memory_space<vmem>> -> memref<16384xi32, #tpu.memory_space<vmem>>
      %dma_start3A_3343 = tpu.memref_slice %arg2[%run_scoped3A_17, %mul3A_16] : memref<4x1048576xi32, #tpu.memory_space<hbm>> -> memref<1x16384xi32, #tpu.memory_space<hbm>>
      %dma_start3A_3344 = tpu.memref_squeeze %dma_start3A_3343 : memref<1x16384xi32, #tpu.memory_space<hbm>> -> memref<16384xi32, #tpu.memory_space<hbm>>
      tpu.enqueue_dma source(%dma_start3A_3344 : memref<16384xi32, #tpu.memory_space<hbm>>) target(%dma_start3A_3342 : memref<16384xi32, #tpu.memory_space<vmem>>) target_semaphore(%run_scoped3A_3337 : memref<!tpu.dma_semaphore, #tpu.memory_space<semaphore_mem>>)
      %dma_wait3A = arith.constant 32768 : i32
      %dma_wait3A_3345 = tpu.memref_slice %arg6[%dma_wait3A] : memref<65536xi32, #tpu.memory_space<vmem>> -> memref<16384xi32, #tpu.memory_space<vmem>>
      %dma_wait3A_3346 = tpu.memref_slice %arg2[%run_scoped3A_17, %mul3A_16] : memref<4x1048576xi32, #tpu.memory_space<hbm>> -> memref<1x16384xi32, #tpu.memory_space<hbm>>
      %dma_wait3A_3347 = tpu.memref_squeeze %dma_wait3A_3346 : memref<1x16384xi32, #tpu.memory_space<hbm>> -> memref<16384xi32, #tpu.memory_space<hbm>>
      %dma_wait3A_3348 = arith.constant 32768 : i32
      %dma_wait3A_3349 = tpu.memref_slice %arg6[%dma_wait3A_3348] : memref<65536xi32, #tpu.memory_space<vmem>> -> memref<16384xi32, #tpu.memory_space<vmem>>
      %dma_wait3A_3350 = tpu.memref_slice %arg2[%run_scoped3A_17, %mul3A_16] : memref<4x1048576xi32, #tpu.memory_space<hbm>> -> memref<1x16384xi32, #tpu.memory_space<hbm>>
      %dma_wait3A_3351 = tpu.memref_squeeze %dma_wait3A_3350 : memref<1x16384xi32, #tpu.memory_space<hbm>> -> memref<16384xi32, #tpu.memory_space<hbm>>
      tpu.wait_dma2 semaphore(%run_scoped3A_3337 : memref<!tpu.dma_semaphore, #tpu.memory_space<semaphore_mem>>) src(%dma_wait3A_3351 : memref<16384xi32, #tpu.memory_space<hbm>>) dst(%dma_wait3A_3349 : memref<16384xi32, #tpu.memory_space<vmem>>)
      tpu.yield
    }) : () -> ()
    %mul3A_18 = arith.constant 1024 : i32
    %mul3A_19 = arith.muli %add3A_9, %mul3A_18 : i32
    %run_scoped3A_20 = arith.constant 3 : i32
    "tpu.region"() ({
      %run_scoped3A_3337 = tpu.sem_alloc : memref<!tpu.dma_semaphore, #tpu.memory_space<semaphore_mem>>
      %dma_start3A = arith.constant 49152 : i32
      %dma_start3A_3338 = tpu.memref_slice %arg6[%dma_start3A] : memref<65536xi32, #tpu.memory_space<vmem>> -> memref<16384xi32, #tpu.memory_space<vmem>>
      %dma_start3A_3339 = tpu.memref_slice %arg2[%run_scoped3A_20, %mul3A_19] : memref<4x1048576xi32, #tpu.memory_space<hbm>> -> memref<1x16384xi32, #tpu.memory_space<hbm>>
      %dma_start3A_3340 = tpu.memref_squeeze %dma_start3A_3339 : memref<1x16384xi32, #tpu.memory_space<hbm>> -> memref<16384xi32, #tpu.memory_space<hbm>>
      %dma_start3A_3341 = arith.constant 49152 : i32
      %dma_start3A_3342 = tpu.memref_slice %arg6[%dma_start3A_3341] : memref<65536xi32, #tpu.memory_space<vmem>> -> memref<16384xi32, #tpu.memory_space<vmem>>
      %dma_start3A_3343 = tpu.memref_slice %arg2[%run_scoped3A_20, %mul3A_19] : memref<4x1048576xi32, #tpu.memory_space<hbm>> -> memref<1x16384xi32, #tpu.memory_space<hbm>>
      %dma_start3A_3344 = tpu.memref_squeeze %dma_start3A_3343 : memref<1x16384xi32, #tpu.memory_space<hbm>> -> memref<16384xi32, #tpu.memory_space<hbm>>
      tpu.enqueue_dma source(%dma_start3A_3344 : memref<16384xi32, #tpu.memory_space<hbm>>) target(%dma_start3A_3342 : memref<16384xi32, #tpu.memory_space<vmem>>) target_semaphore(%run_scoped3A_3337 : memref<!tpu.dma_semaphore, #tpu.memory_space<semaphore_mem>>)
      %dma_wait3A = arith.constant 49152 : i32
      %dma_wait3A_3345 = tpu.memref_slice %arg6[%dma_wait3A] : memref<65536xi32, #tpu.memory_space<vmem>> -> memref<16384xi32, #tpu.memory_space<vmem>>
      %dma_wait3A_3346 = tpu.memref_slice %arg2[%run_scoped3A_20, %mul3A_19] : memref<4x1048576xi32, #tpu.memory_space<hbm>> -> memref<1x16384xi32, #tpu.memory_space<hbm>>
      %dma_wait3A_3347 = tpu.memref_squeeze %dma_wait3A_3346 : memref<1x16384xi32, #tpu.memory_space<hbm>> -> memref<16384xi32, #tpu.memory_space<hbm>>
      %dma_wait3A_3348 = arith.constant 49152 : i32
      %dma_wait3A_3349 = tpu.memref_slice %arg6[%dma_wait3A_3348] : memref<65536xi32, #tpu.memory_space<vmem>> -> memref<16384xi32, #tpu.memory_space<vmem>>
      %dma_wait3A_3350 = tpu.memref_slice %arg2[%run_scoped3A_20, %mul3A_19] : memref<4x1048576xi32, #tpu.memory_space<hbm>> -> memref<1x16384xi32, #tpu.memory_space<hbm>>
      %dma_wait3A_3351 = tpu.memref_squeeze %dma_wait3A_3350 : memref<1x16384xi32, #tpu.memory_space<hbm>> -> memref<16384xi32, #tpu.memory_space<hbm>>
      tpu.wait_dma2 semaphore(%run_scoped3A_3337 : memref<!tpu.dma_semaphore, #tpu.memory_space<semaphore_mem>>) src(%dma_wait3A_3351 : memref<16384xi32, #tpu.memory_space<hbm>>) dst(%dma_wait3A_3349 : memref<16384xi32, #tpu.memory_space<vmem>>)
      tpu.yield
    }) : () -> ()
    "tpu.region"() ({
      %run_scoped3A_3337 = tpu.sem_alloc : memref<!tpu.dma_semaphore, #tpu.memory_space<semaphore_mem>>
      %dma_start3A = tpu.memref_slice %arg3[%add3A_9] : memref<1024xi32, #tpu.memory_space<hbm>> -> memref<16xi32, #tpu.memory_space<hbm>>
      %dma_start3A_3338 = tpu.memref_slice %arg3[%add3A_9] : memref<1024xi32, #tpu.memory_space<hbm>> -> memref<16xi32, #tpu.memory_space<hbm>>
      tpu.enqueue_dma source(%dma_start3A_3338 : memref<16xi32, #tpu.memory_space<hbm>>) target(%arg7 : memref<16xi32, #tpu.memory_space<vmem>>) target_semaphore(%run_scoped3A_3337 : memref<!tpu.dma_semaphore, #tpu.memory_space<semaphore_mem>>)
      %dma_wait3A = tpu.memref_slice %arg3[%add3A_9] : memref<1024xi32, #tpu.memory_space<hbm>> -> memref<16xi32, #tpu.memory_space<hbm>>
      %dma_wait3A_3339 = tpu.memref_slice %arg3[%add3A_9] : memref<1024xi32, #tpu.memory_space<hbm>> -> memref<16xi32, #tpu.memory_space<hbm>>
      tpu.wait_dma2 semaphore(%run_scoped3A_3337 : memref<!tpu.dma_semaphore, #tpu.memory_space<semaphore_mem>>) src(%dma_wait3A_3339 : memref<16xi32, #tpu.memory_space<hbm>>) dst(%arg7 : memref<16xi32, #tpu.memory_space<vmem>>)
      tpu.yield
    }) : () -> ()
    %get3A = arith.constant 0 : index
    %get3A_21 = tpu.vector_load %arg7[%get3A] {strides = array<i32>} : memref<16xi32, #tpu.memory_space<vmem>>, vector<16xi32>,
    %add3A_22 = arith.constant 49152 : i32
    %add3A_23 = vector.broadcast %add3A_22 : i32 to vector<16xi32>
    %add3A_24 = arith.addi %add3A_23, %shift_left3A_2 : vector<16xi32>
    %add3A_25 = arith.addi %add3A_24, %get3A_21 : vector<16xi32>
    %gather3A = tpu.vector_load_idx %arg6[%add3A_25] : memref<65536xi32, #tpu.memory_space<vmem>>[vector<16xi32>], vector<16xi32>,
    %shift_right_arithmetic3A = arith.constant 30 : i32
    %shift_right_arithmetic3A_26 = vector.broadcast %shift_right_arithmetic3A : i32 to vector<16xi32>
    %shift_right_arithmetic3A_27 = arith.shrsi %gather3A, %shift_right_arithmetic3A_26 : vector<16xi32>
    %and3A = arith.constant 3 : i32
    %and3A_28 = vector.broadcast %and3A : i32 to vector<16xi32>
    %and3A_29 = arith.andi %shift_right_arithmetic3A_27, %and3A_28 : vector<16xi32>
    %shift_left3A_30 = arith.constant 10 : i32
    %shift_left3A_31 = vector.broadcast %shift_left3A_30 : i32 to vector<16xi32>
    %shift_left3A_32 = arith.shli %and3A_29, %shift_left3A_31 : vector<16xi32>
    %add3A_33 = arith.addi %get3A_21, %shift_left3A_32 : vector<16xi32>
    %gather3A_34 = tpu.vector_load_idx %arg8[%add3A_33] : memref<4096xf32, #tpu.memory_space<vmem>>[vector<16xi32>], vector<16xf32>,
    %add3A_35 = arith.constant 63 : i32
    %add3A_36 = vector.broadcast %add3A_35 : i32 to vector<16xi32>
    %add3A_37 = arith.addi %mul3A_5, %add3A_36 : vector<16xi32>
    tpu.vector_store_idx %arg9[%add3A_37], %gather3A_34 : memref<1024xf32, #tpu.memory_space<vmem>>[vector<16xi32>], vector<16xf32>,
    %shift_right_arithmetic3A_38 = arith.constant 2 : i32
    %shift_right_arithmetic3A_39 = vector.broadcast %shift_right_arithmetic3A_38 : i32 to vector<16xi32>
    %shift_right_arithmetic3A_40 = arith.shrsi %get3A_21, %shift_right_arithmetic3A_39 : vector<16xi32>
    %shift_left3A_41 = arith.constant 8 : i32
    %shift_left3A_42 = vector.broadcast %shift_left3A_41 : i32 to vector<16xi32>
    %shift_left3A_43 = arith.shli %and3A_29, %shift_left3A_42 : vector<16xi32>
    %add3A_44 = arith.addi %shift_right_arithmetic3A_40, %shift_left3A_43 : vector<16xi32>
    %add3A_45 = arith.constant 49152 : i32
    %add3A_46 = vector.broadcast %add3A_45 : i32 to vector<16xi32>
    %add3A_47 = arith.addi %add3A_46, %shift_left3A_2 : vector<16xi32>
    %add3A_48 = arith.addi %add3A_47, %add3A_44 : vector<16xi32>
    %gather3A_49 = tpu.vector_load_idx %arg6[%add3A_48] : memref<65536xi32, #tpu.memory_space<vmem>>[vector<16xi32>], vector<16xi32>,
    %shift_right_arithmetic3A_50 = arith.constant 28 : i32
    %shift_right_arithmetic3A_51 = vector.broadcast %shift_right_arithmetic3A_50 : i32 to vector<16xi32>
    %shift_right_arithmetic3A_52 = arith.shrsi %gather3A_49, %shift_right_arithmetic3A_51 : vector<16xi32>
    %and3A_53 = arith.constant 3 : i32
    %and3A_54 = vector.broadcast %and3A_53 : i32 to vector<16xi32>
    %and3A_55 = arith.andi %shift_right_arithmetic3A_52, %and3A_54 : vector<16xi32>
    %shift_left3A_56 = arith.constant 10 : i32
    %shift_left3A_57 = vector.broadcast %shift_left3A_56 : i32 to vector<16xi32>
    %shift_left3A_58 = arith.shli %and3A_55, %shift_left3A_57 : vector<16xi32>
    %add3A_59 = arith.addi %add3A_44, %shift_left3A_58 : vector<16xi32>
    %gather3A_60 = tpu.vector_load_idx %arg8[%add3A_59] : memref<4096xf32, #tpu.memory_space<vmem>>[vector<16xi32>], vector<16xf32>,
    %add3A_61 = arith.constant 62 : i32
    %add3A_62 = vector.broadcast %add3A_61 : i32 to vector<16xi32>
    %add3A_63 = arith.addi %mul3A_5, %add3A_62 : vector<16xi32>
    tpu.vector_store_idx %arg9[%add3A_63], %gather3A_60 : memref<1024xf32, #tpu.memory_space<vmem>>[vector<16xi32>], vector<16xf32>,
    %shift_right_arithmetic3A_64 = arith.constant 2 : i32
    %shift_right_arithmetic3A_65 = vector.broadcast %shift_right_arithmetic3A_64 : i32 to vector<16xi32>
    %shift_right_arithmetic3A_66 = arith.shrsi %add3A_44, %shift_right_arithmetic3A_65 : vector<16xi32>
    %shift_left3A_67 = arith.constant 8 : i32
    %shift_left3A_68 = vector.broadcast %shift_left3A_67 : i32 to vector<16xi32>
    %shift_left3A_69 = arith.shli %and3A_55, %shift_left3A_68 : vector<16xi32>
    %add3A_70 = arith.addi %shift_right_arithmetic3A_66, %shift_left3A_69 : vector<16xi32>
    %add3A_71 = arith.constant 49152 : i32
    %add3A_72 = vector.broadcast %add3A_71 : i32 to vector<16xi32>
    %add3A_73 = arith.addi %add3A_72, %shift_left3A_2 : vector<16xi32>
    %add3A_74 = arith.addi %add3A_73, %add3A_70 : vector<16xi32>
    %gather3A_75 = tpu.vector_load_idx %arg6[%add3A_74] : memref<65536xi32, #tpu.memory_space<vmem>>[vector<16xi32>], vector<16xi32>,
    %shift_right_arithmetic3A_76 = arith.constant 26 : i32
    %shift_right_arithmetic3A_77 = vector.broadcast %shift_right_arithmetic3A_76 : i32 to vector<16xi32>
    %shift_right_arithmetic3A_78 = arith.shrsi %gather3A_75, %shift_right_arithmetic3A_77 : vector<16xi32>
    %and3A_79 = arith.constant 3 : i32
    %and3A_80 = vector.broadcast %and3A_79 : i32 to vector<16xi32>
    %and3A_81 = arith.andi %shift_right_arithmetic3A_78, %and3A_80 : vector<16xi32>
    %shift_left3A_82 = arith.constant 10 : i32
    %shift_left3A_83 = vector.broadcast %shift_left3A_82 : i32 to vector<16xi32>
    %shift_left3A_84 = arith.shli %and3A_81, %shift_left3A_83 : vector<16xi32>
    %add3A_85 = arith.addi %add3A_70, %shift_left3A_84 : vector<16xi32>
    %gather3A_86 = tpu.vector_load_idx %arg8[%add3A_85] : memref<4096xf32, #tpu.memory_space<vmem>>[vector<16xi32>], vector<16xf32>,
    %add3A_87 = arith.constant 61 : i32
    %add3A_88 = vector.broadcast %add3A_87 : i32 to vector<16xi32>
    %add3A_89 = arith.addi %mul3A_5, %add3A_88 : vector<16xi32>
    tpu.vector_store_idx %arg9[%add3A_89], %gather3A_86 : memref<1024xf32, #tpu.memory_space<vmem>>[vector<16xi32>], vector<16xf32>,
    %shift_right_arithmetic3A_90 = arith.constant 2 : i32
    %shift_right_arithmetic3A_91 = vector.broadcast %shift_right_arithmetic3A_90 : i32 to vector<16xi32>
    %shift_right_arithmetic3A_92 = arith.shrsi %add3A_70, %shift_right_arithmetic3A_91 : vector<16xi32>
    %shift_left3A_93 = arith.constant 8 : i32
    %shift_left3A_94 = vector.broadcast %shift_left3A_93 : i32 to vector<16xi32>
    %shift_left3A_95 = arith.shli %and3A_81, %shift_left3A_94 : vector<16xi32>
    %add3A_96 = arith.addi %shift_right_arithmetic3A_92, %shift_left3A_95 : vector<16xi32>
    %add3A_97 = arith.constant 49152 : i32
    %add3A_98 = vector.broadcast %add3A_97 : i32 to vector<16xi32>
    %add3A_99 = arith.addi %add3A_98, %shift_left3A_2 : vector<16xi32>
    %add3A_100 = arith.addi %add3A_99, %add3A_96 : vector<16xi32>
    %gather3A_101 = tpu.vector_load_idx %arg6[%add3A_100] : memref<65536xi32, #tpu.memory_space<vmem>>[vector<16xi32>], vector<16xi32>,
    %shift_right_arithmetic3A_102 = arith.constant 24 : i32
    %shift_right_arithmetic3A_103 = vector.broadcast %shift_right_arithmetic3A_102 : i32 to vector<16xi32>
    %shift_right_arithmetic3A_104 = arith.shrsi %gather3A_101, %shift_right_arithmetic3A_103 : vector<16xi32>
    %and3A_105 = arith.constant 3 : i32
    %and3A_106 = vector.broadcast %and3A_105 : i32 to vector<16xi32>
    %and3A_107 = arith.andi %shift_right_arithmetic3A_104, %and3A_106 : vector<16xi32>
    %shift_left3A_108 = arith.constant 10 : i32
    %shift_left3A_109 = vector.broadcast %shift_left3A_108 : i32 to vector<16xi32>
    %shift_left3A_110 = arith.shli %and3A_107, %shift_left3A_109 : vector<16xi32>
    %add3A_111 = arith.addi %add3A_96, %shift_left3A_110 : vector<16xi32>
    %gather3A_112 = tpu.vector_load_idx %arg8[%add3A_111] : memref<4096xf32, #tpu.memory_space<vmem>>[vector<16xi32>], vector<16xf32>,
    %add3A_113 = arith.constant 60 : i32
    %add3A_114 = vector.broadcast %add3A_113 : i32 to vector<16xi32>
    %add3A_115 = arith.addi %mul3A_5, %add3A_114 : vector<16xi32>
    tpu.vector_store_idx %arg9[%add3A_115], %gather3A_112 : memref<1024xf32, #tpu.memory_space<vmem>>[vector<16xi32>], vector<16xf32>,
    %shift_right_arithmetic3A_116 = arith.constant 2 : i32
    %shift_right_arithmetic3A_117 = vector.broadcast %shift_right_arithmetic3A_116 : i32 to vector<16xi32>
    %shift_right_arithmetic3A_118 = arith.shrsi %add3A_96, %shift_right_arithmetic3A_117 : vector<16xi32>
    %shift_left3A_119 = arith.constant 8 : i32
    %shift_left3A_120 = vector.broadcast %shift_left3A_119 : i32 to vector<16xi32>
    %shift_left3A_121 = arith.shli %and3A_107, %shift_left3A_120 : vector<16xi32>
    %add3A_122 = arith.addi %shift_right_arithmetic3A_118, %shift_left3A_121 : vector<16xi32>
    %add3A_123 = arith.constant 49152 : i32
    %add3A_124 = vector.broadcast %add3A_123 : i32 to vector<16xi32>
    %add3A_125 = arith.addi %add3A_124, %shift_left3A_2 : vector<16xi32>
    %add3A_126 = arith.addi %add3A_125, %add3A_122 : vector<16xi32>
    %gather3A_127 = tpu.vector_load_idx %arg6[%add3A_126] : memref<65536xi32, #tpu.memory_space<vmem>>[vector<16xi32>], vector<16xi32>,
    %shift_right_arithmetic3A_128 = arith.constant 22 : i32
    %shift_right_arithmetic3A_129 = vector.broadcast %shift_right_arithmetic3A_128 : i32 to vector<16xi32>
    %shift_right_arithmetic3A_130 = arith.shrsi %gather3A_127, %shift_right_arithmetic3A_129 : vector<16xi32>
    %and3A_131 = arith.constant 3 : i32
    %and3A_132 = vector.broadcast %and3A_131 : i32 to vector<16xi32>
    %and3A_133 = arith.andi %shift_right_arithmetic3A_130, %and3A_132 : vector<16xi32>
    %shift_left3A_134 = arith.constant 10 : i32
    %shift_left3A_135 = vector.broadcast %shift_left3A_134 : i32 to vector<16xi32>
    %shift_left3A_136 = arith.shli %and3A_133, %shift_left3A_135 : vector<16xi32>
    %add3A_137 = arith.addi %add3A_122, %shift_left3A_136 : vector<16xi32>
    %gather3A_138 = tpu.vector_load_idx %arg8[%add3A_137] : memref<4096xf32, #tpu.memory_space<vmem>>[vector<16xi32>], vector<16xf32>,
    %add3A_139 = arith.constant 59 : i32
    %add3A_140 = vector.broadcast %add3A_139 : i32 to vector<16xi32>
    %add3A_141 = arith.addi %mul3A_5, %add3A_140 : vector<16xi32>
    tpu.vector_store_idx %arg9[%add3A_141], %gather3A_138 : memref<1024xf32, #tpu.memory_space<vmem>>[vector<16xi32>], vector<16xf32>,
    %shift_right_arithmetic3A_142 = arith.constant 2 : i32
    %shift_right_arithmetic3A_143 = vector.broadcast %shift_right_arithmetic3A_142 : i32 to vector<16xi32>
    %shift_right_arithmetic3A_144 = arith.shrsi %add3A_122, %shift_right_arithmetic3A_143 : vector<16xi32>
    %shift_left3A_145 = arith.constant 8 : i32
    %shift_left3A_146 = vector.broadcast %shift_left3A_145 : i32 to vector<16xi32>
    %shift_left3A_147 = arith.shli %and3A_133, %shift_left3A_146 : vector<16xi32>
    %add3A_148 = arith.addi %shift_right_arithmetic3A_144, %shift_left3A_147 : vector<16xi32>
    %add3A_149 = arith.constant 49152 : i32
    %add3A_150 = vector.broadcast %add3A_149 : i32 to vector<16xi32>
    %add3A_151 = arith.addi %add3A_150, %shift_left3A_2 : vector<16xi32>
    %add3A_152 = arith.addi %add3A_151, %add3A_148 : vector<16xi32>
    %gather3A_153 = tpu.vector_load_idx %arg6[%add3A_152] : memref<65536xi32, #tpu.memory_space<vmem>>[vector<16xi32>], vector<16xi32>,
    %shift_right_arithmetic3A_154 = arith.constant 20 : i32
    %shift_right_arithmetic3A_155 = vector.broadcast %shift_right_arithmetic3A_154 : i32 to vector<16xi32>
    %shift_right_arithmetic3A_156 = arith.shrsi %gather3A_153, %shift_right_arithmetic3A_155 : vector<16xi32>
    %and3A_157 = arith.constant 3 : i32
    %and3A_158 = vector.broadcast %and3A_157 : i32 to vector<16xi32>
    %and3A_159 = arith.andi %shift_right_arithmetic3A_156, %and3A_158 : vector<16xi32>
    %shift_left3A_160 = arith.constant 10 : i32
    %shift_left3A_161 = vector.broadcast %shift_left3A_160 : i32 to vector<16xi32>
    %shift_left3A_162 = arith.shli %and3A_159, %shift_left3A_161 : vector<16xi32>
    %add3A_163 = arith.addi %add3A_148, %shift_left3A_162 : vector<16xi32>
    %gather3A_164 = tpu.vector_load_idx %arg8[%add3A_163] : memref<4096xf32, #tpu.memory_space<vmem>>[vector<16xi32>], vector<16xf32>,
    %add3A_165 = arith.constant 58 : i32
    %add3A_166 = vector.broadcast %add3A_165 : i32 to vector<16xi32>
    %add3A_167 = arith.addi %mul3A_5, %add3A_166 : vector<16xi32>
    tpu.vector_store_idx %arg9[%add3A_167], %gather3A_164 : memref<1024xf32, #tpu.memory_space<vmem>>[vector<16xi32>], vector<16xf32>,
    %shift_right_arithmetic3A_168 = arith.constant 2 : i32
    %shift_right_arithmetic3A_169 = vector.broadcast %shift_right_arithmetic3A_168 : i32 to vector<16xi32>
    %shift_right_arithmetic3A_170 = arith.shrsi %add3A_148, %shift_right_arithmetic3A_169 : vector<16xi32>
    %shift_left3A_171 = arith.constant 8 : i32
    %shift_left3A_172 = vector.broadcast %shift_left3A_171 : i32 to vector<16xi32>
    %shift_left3A_173 = arith.shli %and3A_159, %shift_left3A_172 : vector<16xi32>
    %add3A_174 = arith.addi %shift_right_arithmetic3A_170, %shift_left3A_173 : vector<16xi32>
    %add3A_175 = arith.constant 49152 : i32
    %add3A_176 = vector.broadcast %add3A_175 : i32 to vector<16xi32>
    %add3A_177 = arith.addi %add3A_176, %shift_left3A_2 : vector<16xi32>
    %add3A_178 = arith.addi %add3A_177, %add3A_174 : vector<16xi32>
    %gather3A_179 = tpu.vector_load_idx %arg6[%add3A_178] : memref<65536xi32, #tpu.memory_space<vmem>>[vector<16xi32>], vector<16xi32>,
    %shift_right_arithmetic3A_180 = arith.constant 18 : i32
    %shift_right_arithmetic3A_181 = vector.broadcast %shift_right_arithmetic3A_180 : i32 to vector<16xi32>
    %shift_right_arithmetic3A_182 = arith.shrsi %gather3A_179, %shift_right_arithmetic3A_181 : vector<16xi32>
    %and3A_183 = arith.constant 3 : i32
    %and3A_184 = vector.broadcast %and3A_183 : i32 to vector<16xi32>
    %and3A_185 = arith.andi %shift_right_arithmetic3A_182, %and3A_184 : vector<16xi32>
    %shift_left3A_186 = arith.constant 10 : i32
    %shift_left3A_187 = vector.broadcast %shift_left3A_186 : i32 to vector<16xi32>
    %shift_left3A_188 = arith.shli %and3A_185, %shift_left3A_187 : vector<16xi32>
    %add3A_189 = arith.addi %add3A_174, %shift_left3A_188 : vector<16xi32>
    %gather3A_190 = tpu.vector_load_idx %arg8[%add3A_189] : memref<4096xf32, #tpu.memory_space<vmem>>[vector<16xi32>], vector<16xf32>,
    %add3A_191 = arith.constant 57 : i32
    %add3A_192 = vector.broadcast %add3A_191 : i32 to vector<16xi32>
    %add3A_193 = arith.addi %mul3A_5, %add3A_192 : vector<16xi32>
    tpu.vector_store_idx %arg9[%add3A_193], %gather3A_190 : memref<1024xf32, #tpu.memory_space<vmem>>[vector<16xi32>], vector<16xf32>,
    %shift_right_arithmetic3A_194 = arith.constant 2 : i32
    %shift_right_arithmetic3A_195 = vector.broadcast %shift_right_arithmetic3A_194 : i32 to vector<16xi32>
    %shift_right_arithmetic3A_196 = arith.shrsi %add3A_174, %shift_right_arithmetic3A_195 : vector<16xi32>
    %shift_left3A_197 = arith.constant 8 : i32
    %shift_left3A_198 = vector.broadcast %shift_left3A_197 : i32 to vector<16xi32>
    %shift_left3A_199 = arith.shli %and3A_185, %shift_left3A_198 : vector<16xi32>
    %add3A_200 = arith.addi %shift_right_arithmetic3A_196, %shift_left3A_199 : vector<16xi32>
    %add3A_201 = arith.constant 49152 : i32
    %add3A_202 = vector.broadcast %add3A_201 : i32 to vector<16xi32>
    %add3A_203 = arith.addi %add3A_202, %shift_left3A_2 : vector<16xi32>
    %add3A_204 = arith.addi %add3A_203, %add3A_200 : vector<16xi32>
    %gather3A_205 = tpu.vector_load_idx %arg6[%add3A_204] : memref<65536xi32, #tpu.memory_space<vmem>>[vector<16xi32>], vector<16xi32>,
    %shift_right_arithmetic3A_206 = arith.constant 16 : i32
    %shift_right_arithmetic3A_207 = vector.broadcast %shift_right_arithmetic3A_206 : i32 to vector<16xi32>
    %shift_right_arithmetic3A_208 = arith.shrsi %gather3A_205, %shift_right_arithmetic3A_207 : vector<16xi32>
    %and3A_209 = arith.constant 3 : i32
    %and3A_210 = vector.broadcast %and3A_209 : i32 to vector<16xi32>
    %and3A_211 = arith.andi %shift_right_arithmetic3A_208, %and3A_210 : vector<16xi32>
    %shift_left3A_212 = arith.constant 10 : i32
    %shift_left3A_213 = vector.broadcast %shift_left3A_212 : i32 to vector<16xi32>
    %shift_left3A_214 = arith.shli %and3A_211, %shift_left3A_213 : vector<16xi32>
    %add3A_215 = arith.addi %add3A_200, %shift_left3A_214 : vector<16xi32>
    %gather3A_216 = tpu.vector_load_idx %arg8[%add3A_215] : memref<4096xf32, #tpu.memory_space<vmem>>[vector<16xi32>], vector<16xf32>,
    %add3A_217 = arith.constant 56 : i32
    %add3A_218 = vector.broadcast %add3A_217 : i32 to vector<16xi32>
    %add3A_219 = arith.addi %mul3A_5, %add3A_218 : vector<16xi32>
    tpu.vector_store_idx %arg9[%add3A_219], %gather3A_216 : memref<1024xf32, #tpu.memory_space<vmem>>[vector<16xi32>], vector<16xf32>,
    %shift_right_arithmetic3A_220 = arith.constant 2 : i32
    %shift_right_arithmetic3A_221 = vector.broadcast %shift_right_arithmetic3A_220 : i32 to vector<16xi32>
    %shift_right_arithmetic3A_222 = arith.shrsi %add3A_200, %shift_right_arithmetic3A_221 : vector<16xi32>
    %shift_left3A_223 = arith.constant 8 : i32
    %shift_left3A_224 = vector.broadcast %shift_left3A_223 : i32 to vector<16xi32>
    %shift_left3A_225 = arith.shli %and3A_211, %shift_left3A_224 : vector<16xi32>
    %add3A_226 = arith.addi %shift_right_arithmetic3A_222, %shift_left3A_225 : vector<16xi32>
    %add3A_227 = arith.constant 49152 : i32
    %add3A_228 = vector.broadcast %add3A_227 : i32 to vector<16xi32>
    %add3A_229 = arith.addi %add3A_228, %shift_left3A_2 : vector<16xi32>
    %add3A_230 = arith.addi %add3A_229, %add3A_226 : vector<16xi32>
    %gather3A_231 = tpu.vector_load_idx %arg6[%add3A_230] : memref<65536xi32, #tpu.memory_space<vmem>>[vector<16xi32>], vector<16xi32>,
    %shift_right_arithmetic3A_232 = arith.constant 14 : i32
    %shift_right_arithmetic3A_233 = vector.broadcast %shift_right_arithmetic3A_232 : i32 to vector<16xi32>
    %shift_right_arithmetic3A_234 = arith.shrsi %gather3A_231, %shift_right_arithmetic3A_233 : vector<16xi32>
    %and3A_235 = arith.constant 3 : i32
    %and3A_236 = vector.broadcast %and3A_235 : i32 to vector<16xi32>
    %and3A_237 = arith.andi %shift_right_arithmetic3A_234, %and3A_236 : vector<16xi32>
    %shift_left3A_238 = arith.constant 10 : i32
    %shift_left3A_239 = vector.broadcast %shift_left3A_238 : i32 to vector<16xi32>
    %shift_left3A_240 = arith.shli %and3A_237, %shift_left3A_239 : vector<16xi32>
    %add3A_241 = arith.addi %add3A_226, %shift_left3A_240 : vector<16xi32>
    %gather3A_242 = tpu.vector_load_idx %arg8[%add3A_241] : memref<4096xf32, #tpu.memory_space<vmem>>[vector<16xi32>], vector<16xf32>,
    %add3A_243 = arith.constant 55 : i32
    %add3A_244 = vector.broadcast %add3A_243 : i32 to vector<16xi32>
    %add3A_245 = arith.addi %mul3A_5, %add3A_244 : vector<16xi32>
    tpu.vector_store_idx %arg9[%add3A_245], %gather3A_242 : memref<1024xf32, #tpu.memory_space<vmem>>[vector<16xi32>], vector<16xf32>,
    %shift_right_arithmetic3A_246 = arith.constant 2 : i32
    %shift_right_arithmetic3A_247 = vector.broadcast %shift_right_arithmetic3A_246 : i32 to vector<16xi32>
    %shift_right_arithmetic3A_248 = arith.shrsi %add3A_226, %shift_right_arithmetic3A_247 : vector<16xi32>
    %shift_left3A_249 = arith.constant 8 : i32
    %shift_left3A_250 = vector.broadcast %shift_left3A_249 : i32 to vector<16xi32>
    %shift_left3A_251 = arith.shli %and3A_237, %shift_left3A_250 : vector<16xi32>
    %add3A_252 = arith.addi %shift_right_arithmetic3A_248, %shift_left3A_251 : vector<16xi32>
    %add3A_253 = arith.constant 49152 : i32
    %add3A_254 = vector.broadcast %add3A_253 : i32 to vector<16xi32>
    %add3A_255 = arith.addi %add3A_254, %shift_left3A_2 : vector<16xi32>
    %add3A_256 = arith.addi %add3A_255, %add3A_252 : vector<16xi32>
    %gather3A_257 = tpu.vector_load_idx %arg6[%add3A_256] : memref<65536xi32, #tpu.memory_space<vmem>>[vector<16xi32>], vector<16xi32>,
    %shift_right_arithmetic3A_258 = arith.constant 12 : i32
    %shift_right_arithmetic3A_259 = vector.broadcast %shift_right_arithmetic3A_258 : i32 to vector<16xi32>
    %shift_right_arithmetic3A_260 = arith.shrsi %gather3A_257, %shift_right_arithmetic3A_259 : vector<16xi32>
    %and3A_261 = arith.constant 3 : i32
    %and3A_262 = vector.broadcast %and3A_261 : i32 to vector<16xi32>
    %and3A_263 = arith.andi %shift_right_arithmetic3A_260, %and3A_262 : vector<16xi32>
    %shift_left3A_264 = arith.constant 10 : i32
    %shift_left3A_265 = vector.broadcast %shift_left3A_264 : i32 to vector<16xi32>
    %shift_left3A_266 = arith.shli %and3A_263, %shift_left3A_265 : vector<16xi32>
    %add3A_267 = arith.addi %add3A_252, %shift_left3A_266 : vector<16xi32>
    %gather3A_268 = tpu.vector_load_idx %arg8[%add3A_267] : memref<4096xf32, #tpu.memory_space<vmem>>[vector<16xi32>], vector<16xf32>,
    %add3A_269 = arith.constant 54 : i32
    %add3A_270 = vector.broadcast %add3A_269 : i32 to vector<16xi32>
    %add3A_271 = arith.addi %mul3A_5, %add3A_270 : vector<16xi32>
    tpu.vector_store_idx %arg9[%add3A_271], %gather3A_268 : memref<1024xf32, #tpu.memory_space<vmem>>[vector<16xi32>], vector<16xf32>,
    %shift_right_arithmetic3A_272 = arith.constant 2 : i32
    %shift_right_arithmetic3A_273 = vector.broadcast %shift_right_arithmetic3A_272 : i32 to vector<16xi32>
    %shift_right_arithmetic3A_274 = arith.shrsi %add3A_252, %shift_right_arithmetic3A_273 : vector<16xi32>
    %shift_left3A_275 = arith.constant 8 : i32
    %shift_left3A_276 = vector.broadcast %shift_left3A_275 : i32 to vector<16xi32>
    %shift_left3A_277 = arith.shli %and3A_263, %shift_left3A_276 : vector<16xi32>
    %add3A_278 = arith.addi %shift_right_arithmetic3A_274, %shift_left3A_277 : vector<16xi32>
    %add3A_279 = arith.constant 49152 : i32
    %add3A_280 = vector.broadcast %add3A_279 : i32 to vector<16xi32>
    %add3A_281 = arith.addi %add3A_280, %shift_left3A_2 : vector<16xi32>
    %add3A_282 = arith.addi %add3A_281, %add3A_278 : vector<16xi32>
    %gather3A_283 = tpu.vector_load_idx %arg6[%add3A_282] : memref<65536xi32, #tpu.memory_space<vmem>>[vector<16xi32>], vector<16xi32>,
    %shift_right_arithmetic3A_284 = arith.constant 10 : i32
    %shift_right_arithmetic3A_285 = vector.broadcast %shift_right_arithmetic3A_284 : i32 to vector<16xi32>
    %shift_right_arithmetic3A_286 = arith.shrsi %gather3A_283, %shift_right_arithmetic3A_285 : vector<16xi32>
    %and3A_287 = arith.constant 3 : i32
    %and3A_288 = vector.broadcast %and3A_287 : i32 to vector<16xi32>
    %and3A_289 = arith.andi %shift_right_arithmetic3A_286, %and3A_288 : vector<16xi32>
    %shift_left3A_290 = arith.constant 10 : i32
    %shift_left3A_291 = vector.broadcast %shift_left3A_290 : i32 to vector<16xi32>
    %shift_left3A_292 = arith.shli %and3A_289, %shift_left3A_291 : vector<16xi32>
    %add3A_293 = arith.addi %add3A_278, %shift_left3A_292 : vector<16xi32>
    %gather3A_294 = tpu.vector_load_idx %arg8[%add3A_293] : memref<4096xf32, #tpu.memory_space<vmem>>[vector<16xi32>], vector<16xf32>,
    %add3A_295 = arith.constant 53 : i32
    %add3A_296 = vector.broadcast %add3A_295 : i32 to vector<16xi32>
    %add3A_297 = arith.addi %mul3A_5, %add3A_296 : vector<16xi32>
    tpu.vector_store_idx %arg9[%add3A_297], %gather3A_294 : memref<1024xf32, #tpu.memory_space<vmem>>[vector<16xi32>], vector<16xf32>,
    %shift_right_arithmetic3A_298 = arith.constant 2 : i32
    %shift_right_arithmetic3A_299 = vector.broadcast %shift_right_arithmetic3A_298 : i32 to vector<16xi32>
    %shift_right_arithmetic3A_300 = arith.shrsi %add3A_278, %shift_right_arithmetic3A_299 : vector<16xi32>
    %shift_left3A_301 = arith.constant 8 : i32
    %shift_left3A_302 = vector.broadcast %shift_left3A_301 : i32 to vector<16xi32>
    %shift_left3A_303 = arith.shli %and3A_289, %shift_left3A_302 : vector<16xi32>
    %add3A_304 = arith.addi %shift_right_arithmetic3A_300, %shift_left3A_303 : vector<16xi32>
    %add3A_305 = arith.constant 49152 : i32
    %add3A_306 = vector.broadcast %add3A_305 : i32 to vector<16xi32>
    %add3A_307 = arith.addi %add3A_306, %shift_left3A_2 : vector<16xi32>
    %add3A_308 = arith.addi %add3A_307, %add3A_304 : vector<16xi32>
    %gather3A_309 = tpu.vector_load_idx %arg6[%add3A_308] : memref<65536xi32, #tpu.memory_space<vmem>>[vector<16xi32>], vector<16xi32>,
    %shift_right_arithmetic3A_310 = arith.constant 8 : i32
    %shift_right_arithmetic3A_311 = vector.broadcast %shift_right_arithmetic3A_310 : i32 to vector<16xi32>
    %shift_right_arithmetic3A_312 = arith.shrsi %gather3A_309, %shift_right_arithmetic3A_311 : vector<16xi32>
    %and3A_313 = arith.constant 3 : i32
    %and3A_314 = vector.broadcast %and3A_313 : i32 to vector<16xi32>
    %and3A_315 = arith.andi %shift_right_arithmetic3A_312, %and3A_314 : vector<16xi32>
    %shift_left3A_316 = arith.constant 10 : i32
    %shift_left3A_317 = vector.broadcast %shift_left3A_316 : i32 to vector<16xi32>
    %shift_left3A_318 = arith.shli %and3A_315, %shift_left3A_317 : vector<16xi32>
    %add3A_319 = arith.addi %add3A_304, %shift_left3A_318 : vector<16xi32>
    %gather3A_320 = tpu.vector_load_idx %arg8[%add3A_319] : memref<4096xf32, #tpu.memory_space<vmem>>[vector<16xi32>], vector<16xf32>,
    %add3A_321 = arith.constant 52 : i32
    %add3A_322 = vector.broadcast %add3A_321 : i32 to vector<16xi32>
    %add3A_323 = arith.addi %mul3A_5, %add3A_322 : vector<16xi32>
    tpu.vector_store_idx %arg9[%add3A_323], %gather3A_320 : memref<1024xf32, #tpu.memory_space<vmem>>[vector<16xi32>], vector<16xf32>,
    %shift_right_arithmetic3A_324 = arith.constant 2 : i32
    %shift_right_arithmetic3A_325 = vector.broadcast %shift_right_arithmetic3A_324 : i32 to vector<16xi32>
    %shift_right_arithmetic3A_326 = arith.shrsi %add3A_304, %shift_right_arithmetic3A_325 : vector<16xi32>
    %shift_left3A_327 = arith.constant 8 : i32
    %shift_left3A_328 = vector.broadcast %shift_left3A_327 : i32 to vector<16xi32>
    %shift_left3A_329 = arith.shli %and3A_315, %shift_left3A_328 : vector<16xi32>
    %add3A_330 = arith.addi %shift_right_arithmetic3A_326, %shift_left3A_329 : vector<16xi32>
    %add3A_331 = arith.constant 49152 : i32
    %add3A_332 = vector.broadcast %add3A_331 : i32 to vector<16xi32>
    %add3A_333 = arith.addi %add3A_332, %shift_left3A_2 : vector<16xi32>
    %add3A_334 = arith.addi %add3A_333, %add3A_330 : vector<16xi32>
    %gather3A_335 = tpu.vector_load_idx %arg6[%add3A_334] : memref<65536xi32, #tpu.memory_space<vmem>>[vector<16xi32>], vector<16xi32>,
    %shift_right_arithmetic3A_336 = arith.constant 6 : i32
    %shift_right_arithmetic3A_337 = vector.broadcast %shift_right_arithmetic3A_336 : i32 to vector<16xi32>
    %shift_right_arithmetic3A_338 = arith.shrsi %gather3A_335, %shift_right_arithmetic3A_337 : vector<16xi32>
    %and3A_339 = arith.constant 3 : i32
    %and3A_340 = vector.broadcast %and3A_339 : i32 to vector<16xi32>
    %and3A_341 = arith.andi %shift_right_arithmetic3A_338, %and3A_340 : vector<16xi32>
    %shift_left3A_342 = arith.constant 10 : i32
    %shift_left3A_343 = vector.broadcast %shift_left3A_342 : i32 to vector<16xi32>
    %shift_left3A_344 = arith.shli %and3A_341, %shift_left3A_343 : vector<16xi32>
    %add3A_345 = arith.addi %add3A_330, %shift_left3A_344 : vector<16xi32>
    %gather3A_346 = tpu.vector_load_idx %arg8[%add3A_345] : memref<4096xf32, #tpu.memory_space<vmem>>[vector<16xi32>], vector<16xf32>,
    %add3A_347 = arith.constant 51 : i32
    %add3A_348 = vector.broadcast %add3A_347 : i32 to vector<16xi32>
    %add3A_349 = arith.addi %mul3A_5, %add3A_348 : vector<16xi32>
    tpu.vector_store_idx %arg9[%add3A_349], %gather3A_346 : memref<1024xf32, #tpu.memory_space<vmem>>[vector<16xi32>], vector<16xf32>,
    %shift_right_arithmetic3A_350 = arith.constant 2 : i32
    %shift_right_arithmetic3A_351 = vector.broadcast %shift_right_arithmetic3A_350 : i32 to vector<16xi32>
    %shift_right_arithmetic3A_352 = arith.shrsi %add3A_330, %shift_right_arithmetic3A_351 : vector<16xi32>
    %shift_left3A_353 = arith.constant 8 : i32
    %shift_left3A_354 = vector.broadcast %shift_left3A_353 : i32 to vector<16xi32>
    %shift_left3A_355 = arith.shli %and3A_341, %shift_left3A_354 : vector<16xi32>
    %add3A_356 = arith.addi %shift_right_arithmetic3A_352, %shift_left3A_355 : vector<16xi32>
    %add3A_357 = arith.constant 49152 : i32
    %add3A_358 = vector.broadcast %add3A_357 : i32 to vector<16xi32>
    %add3A_359 = arith.addi %add3A_358, %shift_left3A_2 : vector<16xi32>
    %add3A_360 = arith.addi %add3A_359, %add3A_356 : vector<16xi32>
    %gather3A_361 = tpu.vector_load_idx %arg6[%add3A_360] : memref<65536xi32, #tpu.memory_space<vmem>>[vector<16xi32>], vector<16xi32>,
    %shift_right_arithmetic3A_362 = arith.constant 4 : i32
    %shift_right_arithmetic3A_363 = vector.broadcast %shift_right_arithmetic3A_362 : i32 to vector<16xi32>
    %shift_right_arithmetic3A_364 = arith.shrsi %gather3A_361, %shift_right_arithmetic3A_363 : vector<16xi32>
    %and3A_365 = arith.constant 3 : i32
    %and3A_366 = vector.broadcast %and3A_365 : i32 to vector<16xi32>
    %and3A_367 = arith.andi %shift_right_arithmetic3A_364, %and3A_366 : vector<16xi32>
    %shift_left3A_368 = arith.constant 10 : i32
    %shift_left3A_369 = vector.broadcast %shift_left3A_368 : i32 to vector<16xi32>
    %shift_left3A_370 = arith.shli %and3A_367, %shift_left3A_369 : vector<16xi32>
    %add3A_371 = arith.addi %add3A_356, %shift_left3A_370 : vector<16xi32>
    %gather3A_372 = tpu.vector_load_idx %arg8[%add3A_371] : memref<4096xf32, #tpu.memory_space<vmem>>[vector<16xi32>], vector<16xf32>,
    %add3A_373 = arith.constant 50 : i32
    %add3A_374 = vector.broadcast %add3A_373 : i32 to vector<16xi32>
    %add3A_375 = arith.addi %mul3A_5, %add3A_374 : vector<16xi32>
    tpu.vector_store_idx %arg9[%add3A_375], %gather3A_372 : memref<1024xf32, #tpu.memory_space<vmem>>[vector<16xi32>], vector<16xf32>,
    %shift_right_arithmetic3A_376 = arith.constant 2 : i32
    %shift_right_arithmetic3A_377 = vector.broadcast %shift_right_arithmetic3A_376 : i32 to vector<16xi32>
    %shift_right_arithmetic3A_378 = arith.shrsi %add3A_356, %shift_right_arithmetic3A_377 : vector<16xi32>
    %shift_left3A_379 = arith.constant 8 : i32
    %shift_left3A_380 = vector.broadcast %shift_left3A_379 : i32 to vector<16xi32>
    %shift_left3A_381 = arith.shli %and3A_367, %shift_left3A_380 : vector<16xi32>
    %add3A_382 = arith.addi %shift_right_arithmetic3A_378, %shift_left3A_381 : vector<16xi32>
    %add3A_383 = arith.constant 49152 : i32
    %add3A_384 = vector.broadcast %add3A_383 : i32 to vector<16xi32>
    %add3A_385 = arith.addi %add3A_384, %shift_left3A_2 : vector<16xi32>
    %add3A_386 = arith.addi %add3A_385, %add3A_382 : vector<16xi32>
    %gather3A_387 = tpu.vector_load_idx %arg6[%add3A_386] : memref<65536xi32, #tpu.memory_space<vmem>>[vector<16xi32>], vector<16xi32>,
    %shift_right_arithmetic3A_388 = arith.constant 2 : i32
    %shift_right_arithmetic3A_389 = vector.broadcast %shift_right_arithmetic3A_388 : i32 to vector<16xi32>
    %shift_right_arithmetic3A_390 = arith.shrsi %gather3A_387, %shift_right_arithmetic3A_389 : vector<16xi32>
    %and3A_391 = arith.constant 3 : i32
    %and3A_392 = vector.broadcast %and3A_391 : i32 to vector<16xi32>
    %and3A_393 = arith.andi %shift_right_arithmetic3A_390, %and3A_392 : vector<16xi32>
    %shift_left3A_394 = arith.constant 10 : i32
    %shift_left3A_395 = vector.broadcast %shift_left3A_394 : i32 to vector<16xi32>
    %shift_left3A_396 = arith.shli %and3A_393, %shift_left3A_395 : vector<16xi32>
    %add3A_397 = arith.addi %add3A_382, %shift_left3A_396 : vector<16xi32>
    %gather3A_398 = tpu.vector_load_idx %arg8[%add3A_397] : memref<4096xf32, #tpu.memory_space<vmem>>[vector<16xi32>], vector<16xf32>,
    %add3A_399 = arith.constant 49 : i32
    %add3A_400 = vector.broadcast %add3A_399 : i32 to vector<16xi32>
    %add3A_401 = arith.addi %mul3A_5, %add3A_400 : vector<16xi32>
    tpu.vector_store_idx %arg9[%add3A_401], %gather3A_398 : memref<1024xf32, #tpu.memory_space<vmem>>[vector<16xi32>], vector<16xf32>,
    %shift_right_arithmetic3A_402 = arith.constant 2 : i32
    %shift_right_arithmetic3A_403 = vector.broadcast %shift_right_arithmetic3A_402 : i32 to vector<16xi32>
    %shift_right_arithmetic3A_404 = arith.shrsi %add3A_382, %shift_right_arithmetic3A_403 : vector<16xi32>
    %shift_left3A_405 = arith.constant 8 : i32
    %shift_left3A_406 = vector.broadcast %shift_left3A_405 : i32 to vector<16xi32>
    %shift_left3A_407 = arith.shli %and3A_393, %shift_left3A_406 : vector<16xi32>
    %add3A_408 = arith.addi %shift_right_arithmetic3A_404, %shift_left3A_407 : vector<16xi32>
    %add3A_409 = arith.constant 49152 : i32
    %add3A_410 = vector.broadcast %add3A_409 : i32 to vector<16xi32>
    %add3A_411 = arith.addi %add3A_410, %shift_left3A_2 : vector<16xi32>
    %add3A_412 = arith.addi %add3A_411, %add3A_408 : vector<16xi32>
    %gather3A_413 = tpu.vector_load_idx %arg6[%add3A_412] : memref<65536xi32, #tpu.memory_space<vmem>>[vector<16xi32>], vector<16xi32>,
    %shift_right_arithmetic3A_414 = arith.constant 0 : i32
    %shift_right_arithmetic3A_415 = vector.broadcast %shift_right_arithmetic3A_414 : i32 to vector<16xi32>
    %shift_right_arithmetic3A_416 = arith.shrsi %gather3A_413, %shift_right_arithmetic3A_415 : vector<16xi32>
    %and3A_417 = arith.constant 3 : i32
    %and3A_418 = vector.broadcast %and3A_417 : i32 to vector<16xi32>
    %and3A_419 = arith.andi %shift_right_arithmetic3A_416, %and3A_418 : vector<16xi32>
    %shift_left3A_420 = arith.constant 10 : i32
    %shift_left3A_421 = vector.broadcast %shift_left3A_420 : i32 to vector<16xi32>
    %shift_left3A_422 = arith.shli %and3A_419, %shift_left3A_421 : vector<16xi32>
    %add3A_423 = arith.addi %add3A_408, %shift_left3A_422 : vector<16xi32>
    %gather3A_424 = tpu.vector_load_idx %arg8[%add3A_423] : memref<4096xf32, #tpu.memory_space<vmem>>[vector<16xi32>], vector<16xf32>,
    %add3A_425 = arith.constant 48 : i32
    %add3A_426 = vector.broadcast %add3A_425 : i32 to vector<16xi32>
    %add3A_427 = arith.addi %mul3A_5, %add3A_426 : vector<16xi32>
    tpu.vector_store_idx %arg9[%add3A_427], %gather3A_424 : memref<1024xf32, #tpu.memory_space<vmem>>[vector<16xi32>], vector<16xf32>,
    %shift_right_arithmetic3A_428 = arith.constant 2 : i32
    %shift_right_arithmetic3A_429 = vector.broadcast %shift_right_arithmetic3A_428 : i32 to vector<16xi32>
    %shift_right_arithmetic3A_430 = arith.shrsi %add3A_408, %shift_right_arithmetic3A_429 : vector<16xi32>
    %shift_left3A_431 = arith.constant 8 : i32
    %shift_left3A_432 = vector.broadcast %shift_left3A_431 : i32 to vector<16xi32>
    %shift_left3A_433 = arith.shli %and3A_419, %shift_left3A_432 : vector<16xi32>
    %add3A_434 = arith.addi %shift_right_arithmetic3A_430, %shift_left3A_433 : vector<16xi32>
    %add3A_435 = arith.constant 32768 : i32
    %add3A_436 = vector.broadcast %add3A_435 : i32 to vector<16xi32>
    %add3A_437 = arith.addi %add3A_436, %shift_left3A_2 : vector<16xi32>
    %add3A_438 = arith.addi %add3A_437, %add3A_434 : vector<16xi32>
    %gather3A_439 = tpu.vector_load_idx %arg6[%add3A_438] : memref<65536xi32, #tpu.memory_space<vmem>>[vector<16xi32>], vector<16xi32>,
    %shift_right_arithmetic3A_440 = arith.constant 30 : i32
    %shift_right_arithmetic3A_441 = vector.broadcast %shift_right_arithmetic3A_440 : i32 to vector<16xi32>
    %shift_right_arithmetic3A_442 = arith.shrsi %gather3A_439, %shift_right_arithmetic3A_441 : vector<16xi32>
    %and3A_443 = arith.constant 3 : i32
    %and3A_444 = vector.broadcast %and3A_443 : i32 to vector<16xi32>
    %and3A_445 = arith.andi %shift_right_arithmetic3A_442, %and3A_444 : vector<16xi32>
    %shift_left3A_446 = arith.constant 10 : i32
    %shift_left3A_447 = vector.broadcast %shift_left3A_446 : i32 to vector<16xi32>
    %shift_left3A_448 = arith.shli %and3A_445, %shift_left3A_447 : vector<16xi32>
    %add3A_449 = arith.addi %add3A_434, %shift_left3A_448 : vector<16xi32>
    %gather3A_450 = tpu.vector_load_idx %arg8[%add3A_449] : memref<4096xf32, #tpu.memory_space<vmem>>[vector<16xi32>], vector<16xf32>,
    %add3A_451 = arith.constant 47 : i32
    %add3A_452 = vector.broadcast %add3A_451 : i32 to vector<16xi32>
    %add3A_453 = arith.addi %mul3A_5, %add3A_452 : vector<16xi32>
    tpu.vector_store_idx %arg9[%add3A_453], %gather3A_450 : memref<1024xf32, #tpu.memory_space<vmem>>[vector<16xi32>], vector<16xf32>,
    %shift_right_arithmetic3A_454 = arith.constant 2 : i32
    %shift_right_arithmetic3A_455 = vector.broadcast %shift_right_arithmetic3A_454 : i32 to vector<16xi32>
    %shift_right_arithmetic3A_456 = arith.shrsi %add3A_434, %shift_right_arithmetic3A_455 : vector<16xi32>
    %shift_left3A_457 = arith.constant 8 : i32
    %shift_left3A_458 = vector.broadcast %shift_left3A_457 : i32 to vector<16xi32>
    %shift_left3A_459 = arith.shli %and3A_445, %shift_left3A_458 : vector<16xi32>
    %add3A_460 = arith.addi %shift_right_arithmetic3A_456, %shift_left3A_459 : vector<16xi32>
    %add3A_461 = arith.constant 32768 : i32
    %add3A_462 = vector.broadcast %add3A_461 : i32 to vector<16xi32>
    %add3A_463 = arith.addi %add3A_462, %shift_left3A_2 : vector<16xi32>
    %add3A_464 = arith.addi %add3A_463, %add3A_460 : vector<16xi32>
    %gather3A_465 = tpu.vector_load_idx %arg6[%add3A_464] : memref<65536xi32, #tpu.memory_space<vmem>>[vector<16xi32>], vector<16xi32>,
    %shift_right_arithmetic3A_466 = arith.constant 28 : i32
    %shift_right_arithmetic3A_467 = vector.broadcast %shift_right_arithmetic3A_466 : i32 to vector<16xi32>
    %shift_right_arithmetic3A_468 = arith.shrsi %gather3A_465, %shift_right_arithmetic3A_467 : vector<16xi32>
    %and3A_469 = arith.constant 3 : i32
    %and3A_470 = vector.broadcast %and3A_469 : i32 to vector<16xi32>
    %and3A_471 = arith.andi %shift_right_arithmetic3A_468, %and3A_470 : vector<16xi32>
    %shift_left3A_472 = arith.constant 10 : i32
    %shift_left3A_473 = vector.broadcast %shift_left3A_472 : i32 to vector<16xi32>
    %shift_left3A_474 = arith.shli %and3A_471, %shift_left3A_473 : vector<16xi32>
    %add3A_475 = arith.addi %add3A_460, %shift_left3A_474 : vector<16xi32>
    %gather3A_476 = tpu.vector_load_idx %arg8[%add3A_475] : memref<4096xf32, #tpu.memory_space<vmem>>[vector<16xi32>], vector<16xf32>,
    %add3A_477 = arith.constant 46 : i32
    %add3A_478 = vector.broadcast %add3A_477 : i32 to vector<16xi32>
    %add3A_479 = arith.addi %mul3A_5, %add3A_478 : vector<16xi32>
    tpu.vector_store_idx %arg9[%add3A_479], %gather3A_476 : memref<1024xf32, #tpu.memory_space<vmem>>[vector<16xi32>], vector<16xf32>,
    %shift_right_arithmetic3A_480 = arith.constant 2 : i32
    %shift_right_arithmetic3A_481 = vector.broadcast %shift_right_arithmetic3A_480 : i32 to vector<16xi32>
    %shift_right_arithmetic3A_482 = arith.shrsi %add3A_460, %shift_right_arithmetic3A_481 : vector<16xi32>
    %shift_left3A_483 = arith.constant 8 : i32
    %shift_left3A_484 = vector.broadcast %shift_left3A_483 : i32 to vector<16xi32>
    %shift_left3A_485 = arith.shli %and3A_471, %shift_left3A_484 : vector<16xi32>
    %add3A_486 = arith.addi %shift_right_arithmetic3A_482, %shift_left3A_485 : vector<16xi32>
    %add3A_487 = arith.constant 32768 : i32
    %add3A_488 = vector.broadcast %add3A_487 : i32 to vector<16xi32>
    %add3A_489 = arith.addi %add3A_488, %shift_left3A_2 : vector<16xi32>
    %add3A_490 = arith.addi %add3A_489, %add3A_486 : vector<16xi32>
    %gather3A_491 = tpu.vector_load_idx %arg6[%add3A_490] : memref<65536xi32, #tpu.memory_space<vmem>>[vector<16xi32>], vector<16xi32>,
    %shift_right_arithmetic3A_492 = arith.constant 26 : i32
    %shift_right_arithmetic3A_493 = vector.broadcast %shift_right_arithmetic3A_492 : i32 to vector<16xi32>
    %shift_right_arithmetic3A_494 = arith.shrsi %gather3A_491, %shift_right_arithmetic3A_493 : vector<16xi32>
    %and3A_495 = arith.constant 3 : i32
    %and3A_496 = vector.broadcast %and3A_495 : i32 to vector<16xi32>
    %and3A_497 = arith.andi %shift_right_arithmetic3A_494, %and3A_496 : vector<16xi32>
    %shift_left3A_498 = arith.constant 10 : i32
    %shift_left3A_499 = vector.broadcast %shift_left3A_498 : i32 to vector<16xi32>
    %shift_left3A_500 = arith.shli %and3A_497, %shift_left3A_499 : vector<16xi32>
    %add3A_501 = arith.addi %add3A_486, %shift_left3A_500 : vector<16xi32>
    %gather3A_502 = tpu.vector_load_idx %arg8[%add3A_501] : memref<4096xf32, #tpu.memory_space<vmem>>[vector<16xi32>], vector<16xf32>,
    %add3A_503 = arith.constant 45 : i32
    %add3A_504 = vector.broadcast %add3A_503 : i32 to vector<16xi32>
    %add3A_505 = arith.addi %mul3A_5, %add3A_504 : vector<16xi32>
    tpu.vector_store_idx %arg9[%add3A_505], %gather3A_502 : memref<1024xf32, #tpu.memory_space<vmem>>[vector<16xi32>], vector<16xf32>,
    %shift_right_arithmetic3A_506 = arith.constant 2 : i32
    %shift_right_arithmetic3A_507 = vector.broadcast %shift_right_arithmetic3A_506 : i32 to vector<16xi32>
    %shift_right_arithmetic3A_508 = arith.shrsi %add3A_486, %shift_right_arithmetic3A_507 : vector<16xi32>
    %shift_left3A_509 = arith.constant 8 : i32
    %shift_left3A_510 = vector.broadcast %shift_left3A_509 : i32 to vector<16xi32>
    %shift_left3A_511 = arith.shli %and3A_497, %shift_left3A_510 : vector<16xi32>
    %add3A_512 = arith.addi %shift_right_arithmetic3A_508, %shift_left3A_511 : vector<16xi32>
    %add3A_513 = arith.constant 32768 : i32
    %add3A_514 = vector.broadcast %add3A_513 : i32 to vector<16xi32>
    %add3A_515 = arith.addi %add3A_514, %shift_left3A_2 : vector<16xi32>
    %add3A_516 = arith.addi %add3A_515, %add3A_512 : vector<16xi32>
    %gather3A_517 = tpu.vector_load_idx %arg6[%add3A_516] : memref<65536xi32, #tpu.memory_space<vmem>>[vector<16xi32>], vector<16xi32>,
    %shift_right_arithmetic3A_518 = arith.constant 24 : i32
    %shift_right_arithmetic3A_519 = vector.broadcast %shift_right_arithmetic3A_518 : i32 to vector<16xi32>
    %shift_right_arithmetic3A_520 = arith.shrsi %gather3A_517, %shift_right_arithmetic3A_519 : vector<16xi32>
    %and3A_521 = arith.constant 3 : i32
    %and3A_522 = vector.broadcast %and3A_521 : i32 to vector<16xi32>
    %and3A_523 = arith.andi %shift_right_arithmetic3A_520, %and3A_522 : vector<16xi32>
    %shift_left3A_524 = arith.constant 10 : i32
    %shift_left3A_525 = vector.broadcast %shift_left3A_524 : i32 to vector<16xi32>
    %shift_left3A_526 = arith.shli %and3A_523, %shift_left3A_525 : vector<16xi32>
    %add3A_527 = arith.addi %add3A_512, %shift_left3A_526 : vector<16xi32>
    %gather3A_528 = tpu.vector_load_idx %arg8[%add3A_527] : memref<4096xf32, #tpu.memory_space<vmem>>[vector<16xi32>], vector<16xf32>,
    %add3A_529 = arith.constant 44 : i32
    %add3A_530 = vector.broadcast %add3A_529 : i32 to vector<16xi32>
    %add3A_531 = arith.addi %mul3A_5, %add3A_530 : vector<16xi32>
    tpu.vector_store_idx %arg9[%add3A_531], %gather3A_528 : memref<1024xf32, #tpu.memory_space<vmem>>[vector<16xi32>], vector<16xf32>,
    %shift_right_arithmetic3A_532 = arith.constant 2 : i32
    %shift_right_arithmetic3A_533 = vector.broadcast %shift_right_arithmetic3A_532 : i32 to vector<16xi32>
    %shift_right_arithmetic3A_534 = arith.shrsi %add3A_512, %shift_right_arithmetic3A_533 : vector<16xi32>
    %shift_left3A_535 = arith.constant 8 : i32
    %shift_left3A_536 = vector.broadcast %shift_left3A_535 : i32 to vector<16xi32>
    %shift_left3A_537 = arith.shli %and3A_523, %shift_left3A_536 : vector<16xi32>
    %add3A_538 = arith.addi %shift_right_arithmetic3A_534, %shift_left3A_537 : vector<16xi32>
    %add3A_539 = arith.constant 32768 : i32
    %add3A_540 = vector.broadcast %add3A_539 : i32 to vector<16xi32>
    %add3A_541 = arith.addi %add3A_540, %shift_left3A_2 : vector<16xi32>
    %add3A_542 = arith.addi %add3A_541, %add3A_538 : vector<16xi32>
    %gather3A_543 = tpu.vector_load_idx %arg6[%add3A_542] : memref<65536xi32, #tpu.memory_space<vmem>>[vector<16xi32>], vector<16xi32>,
    %shift_right_arithmetic3A_544 = arith.constant 22 : i32
    %shift_right_arithmetic3A_545 = vector.broadcast %shift_right_arithmetic3A_544 : i32 to vector<16xi32>
    %shift_right_arithmetic3A_546 = arith.shrsi %gather3A_543, %shift_right_arithmetic3A_545 : vector<16xi32>
    %and3A_547 = arith.constant 3 : i32
    %and3A_548 = vector.broadcast %and3A_547 : i32 to vector<16xi32>
    %and3A_549 = arith.andi %shift_right_arithmetic3A_546, %and3A_548 : vector<16xi32>
    %shift_left3A_550 = arith.constant 10 : i32
    %shift_left3A_551 = vector.broadcast %shift_left3A_550 : i32 to vector<16xi32>
    %shift_left3A_552 = arith.shli %and3A_549, %shift_left3A_551 : vector<16xi32>
    %add3A_553 = arith.addi %add3A_538, %shift_left3A_552 : vector<16xi32>
    %gather3A_554 = tpu.vector_load_idx %arg8[%add3A_553] : memref<4096xf32, #tpu.memory_space<vmem>>[vector<16xi32>], vector<16xf32>,
    %add3A_555 = arith.constant 43 : i32
    %add3A_556 = vector.broadcast %add3A_555 : i32 to vector<16xi32>
    %add3A_557 = arith.addi %mul3A_5, %add3A_556 : vector<16xi32>
    tpu.vector_store_idx %arg9[%add3A_557], %gather3A_554 : memref<1024xf32, #tpu.memory_space<vmem>>[vector<16xi32>], vector<16xf32>,
    %shift_right_arithmetic3A_558 = arith.constant 2 : i32
    %shift_right_arithmetic3A_559 = vector.broadcast %shift_right_arithmetic3A_558 : i32 to vector<16xi32>
    %shift_right_arithmetic3A_560 = arith.shrsi %add3A_538, %shift_right_arithmetic3A_559 : vector<16xi32>
    %shift_left3A_561 = arith.constant 8 : i32
    %shift_left3A_562 = vector.broadcast %shift_left3A_561 : i32 to vector<16xi32>
    %shift_left3A_563 = arith.shli %and3A_549, %shift_left3A_562 : vector<16xi32>
    %add3A_564 = arith.addi %shift_right_arithmetic3A_560, %shift_left3A_563 : vector<16xi32>
    %add3A_565 = arith.constant 32768 : i32
    %add3A_566 = vector.broadcast %add3A_565 : i32 to vector<16xi32>
    %add3A_567 = arith.addi %add3A_566, %shift_left3A_2 : vector<16xi32>
    %add3A_568 = arith.addi %add3A_567, %add3A_564 : vector<16xi32>
    %gather3A_569 = tpu.vector_load_idx %arg6[%add3A_568] : memref<65536xi32, #tpu.memory_space<vmem>>[vector<16xi32>], vector<16xi32>,
    %shift_right_arithmetic3A_570 = arith.constant 20 : i32
    %shift_right_arithmetic3A_571 = vector.broadcast %shift_right_arithmetic3A_570 : i32 to vector<16xi32>
    %shift_right_arithmetic3A_572 = arith.shrsi %gather3A_569, %shift_right_arithmetic3A_571 : vector<16xi32>
    %and3A_573 = arith.constant 3 : i32
    %and3A_574 = vector.broadcast %and3A_573 : i32 to vector<16xi32>
    %and3A_575 = arith.andi %shift_right_arithmetic3A_572, %and3A_574 : vector<16xi32>
    %shift_left3A_576 = arith.constant 10 : i32
    %shift_left3A_577 = vector.broadcast %shift_left3A_576 : i32 to vector<16xi32>
    %shift_left3A_578 = arith.shli %and3A_575, %shift_left3A_577 : vector<16xi32>
    %add3A_579 = arith.addi %add3A_564, %shift_left3A_578 : vector<16xi32>
    %gather3A_580 = tpu.vector_load_idx %arg8[%add3A_579] : memref<4096xf32, #tpu.memory_space<vmem>>[vector<16xi32>], vector<16xf32>,
    %add3A_581 = arith.constant 42 : i32
    %add3A_582 = vector.broadcast %add3A_581 : i32 to vector<16xi32>
    %add3A_583 = arith.addi %mul3A_5, %add3A_582 : vector<16xi32>
    tpu.vector_store_idx %arg9[%add3A_583], %gather3A_580 : memref<1024xf32, #tpu.memory_space<vmem>>[vector<16xi32>], vector<16xf32>,
    %shift_right_arithmetic3A_584 = arith.constant 2 : i32
    %shift_right_arithmetic3A_585 = vector.broadcast %shift_right_arithmetic3A_584 : i32 to vector<16xi32>
    %shift_right_arithmetic3A_586 = arith.shrsi %add3A_564, %shift_right_arithmetic3A_585 : vector<16xi32>
    %shift_left3A_587 = arith.constant 8 : i32
    %shift_left3A_588 = vector.broadcast %shift_left3A_587 : i32 to vector<16xi32>
    %shift_left3A_589 = arith.shli %and3A_575, %shift_left3A_588 : vector<16xi32>
    %add3A_590 = arith.addi %shift_right_arithmetic3A_586, %shift_left3A_589 : vector<16xi32>
    %add3A_591 = arith.constant 32768 : i32
    %add3A_592 = vector.broadcast %add3A_591 : i32 to vector<16xi32>
    %add3A_593 = arith.addi %add3A_592, %shift_left3A_2 : vector<16xi32>
    %add3A_594 = arith.addi %add3A_593, %add3A_590 : vector<16xi32>
    %gather3A_595 = tpu.vector_load_idx %arg6[%add3A_594] : memref<65536xi32, #tpu.memory_space<vmem>>[vector<16xi32>], vector<16xi32>,
    %shift_right_arithmetic3A_596 = arith.constant 18 : i32
    %shift_right_arithmetic3A_597 = vector.broadcast %shift_right_arithmetic3A_596 : i32 to vector<16xi32>
    %shift_right_arithmetic3A_598 = arith.shrsi %gather3A_595, %shift_right_arithmetic3A_597 : vector<16xi32>
    %and3A_599 = arith.constant 3 : i32
    %and3A_600 = vector.broadcast %and3A_599 : i32 to vector<16xi32>
    %and3A_601 = arith.andi %shift_right_arithmetic3A_598, %and3A_600 : vector<16xi32>
    %shift_left3A_602 = arith.constant 10 : i32
    %shift_left3A_603 = vector.broadcast %shift_left3A_602 : i32 to vector<16xi32>
    %shift_left3A_604 = arith.shli %and3A_601, %shift_left3A_603 : vector<16xi32>
    %add3A_605 = arith.addi %add3A_590, %shift_left3A_604 : vector<16xi32>
    %gather3A_606 = tpu.vector_load_idx %arg8[%add3A_605] : memref<4096xf32, #tpu.memory_space<vmem>>[vector<16xi32>], vector<16xf32>,
    %add3A_607 = arith.constant 41 : i32
    %add3A_608 = vector.broadcast %add3A_607 : i32 to vector<16xi32>
    %add3A_609 = arith.addi %mul3A_5, %add3A_608 : vector<16xi32>
    tpu.vector_store_idx %arg9[%add3A_609], %gather3A_606 : memref<1024xf32, #tpu.memory_space<vmem>>[vector<16xi32>], vector<16xf32>,
    %shift_right_arithmetic3A_610 = arith.constant 2 : i32
    %shift_right_arithmetic3A_611 = vector.broadcast %shift_right_arithmetic3A_610 : i32 to vector<16xi32>
    %shift_right_arithmetic3A_612 = arith.shrsi %add3A_590, %shift_right_arithmetic3A_611 : vector<16xi32>
    %shift_left3A_613 = arith.constant 8 : i32
    %shift_left3A_614 = vector.broadcast %shift_left3A_613 : i32 to vector<16xi32>
    %shift_left3A_615 = arith.shli %and3A_601, %shift_left3A_614 : vector<16xi32>
    %add3A_616 = arith.addi %shift_right_arithmetic3A_612, %shift_left3A_615 : vector<16xi32>
    %add3A_617 = arith.constant 32768 : i32
    %add3A_618 = vector.broadcast %add3A_617 : i32 to vector<16xi32>
    %add3A_619 = arith.addi %add3A_618, %shift_left3A_2 : vector<16xi32>
    %add3A_620 = arith.addi %add3A_619, %add3A_616 : vector<16xi32>
    %gather3A_621 = tpu.vector_load_idx %arg6[%add3A_620] : memref<65536xi32, #tpu.memory_space<vmem>>[vector<16xi32>], vector<16xi32>,
    %shift_right_arithmetic3A_622 = arith.constant 16 : i32
    %shift_right_arithmetic3A_623 = vector.broadcast %shift_right_arithmetic3A_622 : i32 to vector<16xi32>
    %shift_right_arithmetic3A_624 = arith.shrsi %gather3A_621, %shift_right_arithmetic3A_623 : vector<16xi32>
    %and3A_625 = arith.constant 3 : i32
    %and3A_626 = vector.broadcast %and3A_625 : i32 to vector<16xi32>
    %and3A_627 = arith.andi %shift_right_arithmetic3A_624, %and3A_626 : vector<16xi32>
    %shift_left3A_628 = arith.constant 10 : i32
    %shift_left3A_629 = vector.broadcast %shift_left3A_628 : i32 to vector<16xi32>
    %shift_left3A_630 = arith.shli %and3A_627, %shift_left3A_629 : vector<16xi32>
    %add3A_631 = arith.addi %add3A_616, %shift_left3A_630 : vector<16xi32>
    %gather3A_632 = tpu.vector_load_idx %arg8[%add3A_631] : memref<4096xf32, #tpu.memory_space<vmem>>[vector<16xi32>], vector<16xf32>,
    %add3A_633 = arith.constant 40 : i32
    %add3A_634 = vector.broadcast %add3A_633 : i32 to vector<16xi32>
    %add3A_635 = arith.addi %mul3A_5, %add3A_634 : vector<16xi32>
    tpu.vector_store_idx %arg9[%add3A_635], %gather3A_632 : memref<1024xf32, #tpu.memory_space<vmem>>[vector<16xi32>], vector<16xf32>,
    %shift_right_arithmetic3A_636 = arith.constant 2 : i32
    %shift_right_arithmetic3A_637 = vector.broadcast %shift_right_arithmetic3A_636 : i32 to vector<16xi32>
    %shift_right_arithmetic3A_638 = arith.shrsi %add3A_616, %shift_right_arithmetic3A_637 : vector<16xi32>
    %shift_left3A_639 = arith.constant 8 : i32
    %shift_left3A_640 = vector.broadcast %shift_left3A_639 : i32 to vector<16xi32>
    %shift_left3A_641 = arith.shli %and3A_627, %shift_left3A_640 : vector<16xi32>
    %add3A_642 = arith.addi %shift_right_arithmetic3A_638, %shift_left3A_641 : vector<16xi32>
    %add3A_643 = arith.constant 32768 : i32
    %add3A_644 = vector.broadcast %add3A_643 : i32 to vector<16xi32>
    %add3A_645 = arith.addi %add3A_644, %shift_left3A_2 : vector<16xi32>
    %add3A_646 = arith.addi %add3A_645, %add3A_642 : vector<16xi32>
    %gather3A_647 = tpu.vector_load_idx %arg6[%add3A_646] : memref<65536xi32, #tpu.memory_space<vmem>>[vector<16xi32>], vector<16xi32>,
    %shift_right_arithmetic3A_648 = arith.constant 14 : i32
    %shift_right_arithmetic3A_649 = vector.broadcast %shift_right_arithmetic3A_648 : i32 to vector<16xi32>
    %shift_right_arithmetic3A_650 = arith.shrsi %gather3A_647, %shift_right_arithmetic3A_649 : vector<16xi32>
    %and3A_651 = arith.constant 3 : i32
    %and3A_652 = vector.broadcast %and3A_651 : i32 to vector<16xi32>
    %and3A_653 = arith.andi %shift_right_arithmetic3A_650, %and3A_652 : vector<16xi32>
    %shift_left3A_654 = arith.constant 10 : i32
    %shift_left3A_655 = vector.broadcast %shift_left3A_654 : i32 to vector<16xi32>
    %shift_left3A_656 = arith.shli %and3A_653, %shift_left3A_655 : vector<16xi32>
    %add3A_657 = arith.addi %add3A_642, %shift_left3A_656 : vector<16xi32>
    %gather3A_658 = tpu.vector_load_idx %arg8[%add3A_657] : memref<4096xf32, #tpu.memory_space<vmem>>[vector<16xi32>], vector<16xf32>,
    %add3A_659 = arith.constant 39 : i32
    %add3A_660 = vector.broadcast %add3A_659 : i32 to vector<16xi32>
    %add3A_661 = arith.addi %mul3A_5, %add3A_660 : vector<16xi32>
    tpu.vector_store_idx %arg9[%add3A_661], %gather3A_658 : memref<1024xf32, #tpu.memory_space<vmem>>[vector<16xi32>], vector<16xf32>,
    %shift_right_arithmetic3A_662 = arith.constant 2 : i32
    %shift_right_arithmetic3A_663 = vector.broadcast %shift_right_arithmetic3A_662 : i32 to vector<16xi32>
    %shift_right_arithmetic3A_664 = arith.shrsi %add3A_642, %shift_right_arithmetic3A_663 : vector<16xi32>
    %shift_left3A_665 = arith.constant 8 : i32
    %shift_left3A_666 = vector.broadcast %shift_left3A_665 : i32 to vector<16xi32>
    %shift_left3A_667 = arith.shli %and3A_653, %shift_left3A_666 : vector<16xi32>
    %add3A_668 = arith.addi %shift_right_arithmetic3A_664, %shift_left3A_667 : vector<16xi32>
    %add3A_669 = arith.constant 32768 : i32
    %add3A_670 = vector.broadcast %add3A_669 : i32 to vector<16xi32>
    %add3A_671 = arith.addi %add3A_670, %shift_left3A_2 : vector<16xi32>
    %add3A_672 = arith.addi %add3A_671, %add3A_668 : vector<16xi32>
    %gather3A_673 = tpu.vector_load_idx %arg6[%add3A_672] : memref<65536xi32, #tpu.memory_space<vmem>>[vector<16xi32>], vector<16xi32>,
    %shift_right_arithmetic3A_674 = arith.constant 12 : i32
    %shift_right_arithmetic3A_675 = vector.broadcast %shift_right_arithmetic3A_674 : i32 to vector<16xi32>
    %shift_right_arithmetic3A_676 = arith.shrsi %gather3A_673, %shift_right_arithmetic3A_675 : vector<16xi32>
    %and3A_677 = arith.constant 3 : i32
    %and3A_678 = vector.broadcast %and3A_677 : i32 to vector<16xi32>
    %and3A_679 = arith.andi %shift_right_arithmetic3A_676, %and3A_678 : vector<16xi32>
    %shift_left3A_680 = arith.constant 10 : i32
    %shift_left3A_681 = vector.broadcast %shift_left3A_680 : i32 to vector<16xi32>
    %shift_left3A_682 = arith.shli %and3A_679, %shift_left3A_681 : vector<16xi32>
    %add3A_683 = arith.addi %add3A_668, %shift_left3A_682 : vector<16xi32>
    %gather3A_684 = tpu.vector_load_idx %arg8[%add3A_683] : memref<4096xf32, #tpu.memory_space<vmem>>[vector<16xi32>], vector<16xf32>,
    %add3A_685 = arith.constant 38 : i32
    %add3A_686 = vector.broadcast %add3A_685 : i32 to vector<16xi32>
    %add3A_687 = arith.addi %mul3A_5, %add3A_686 : vector<16xi32>
    tpu.vector_store_idx %arg9[%add3A_687], %gather3A_684 : memref<1024xf32, #tpu.memory_space<vmem>>[vector<16xi32>], vector<16xf32>,
    %shift_right_arithmetic3A_688 = arith.constant 2 : i32
    %shift_right_arithmetic3A_689 = vector.broadcast %shift_right_arithmetic3A_688 : i32 to vector<16xi32>
    %shift_right_arithmetic3A_690 = arith.shrsi %add3A_668, %shift_right_arithmetic3A_689 : vector<16xi32>
    %shift_left3A_691 = arith.constant 8 : i32
    %shift_left3A_692 = vector.broadcast %shift_left3A_691 : i32 to vector<16xi32>
    %shift_left3A_693 = arith.shli %and3A_679, %shift_left3A_692 : vector<16xi32>
    %add3A_694 = arith.addi %shift_right_arithmetic3A_690, %shift_left3A_693 : vector<16xi32>
    %add3A_695 = arith.constant 32768 : i32
    %add3A_696 = vector.broadcast %add3A_695 : i32 to vector<16xi32>
    %add3A_697 = arith.addi %add3A_696, %shift_left3A_2 : vector<16xi32>
    %add3A_698 = arith.addi %add3A_697, %add3A_694 : vector<16xi32>
    %gather3A_699 = tpu.vector_load_idx %arg6[%add3A_698] : memref<65536xi32, #tpu.memory_space<vmem>>[vector<16xi32>], vector<16xi32>,
    %shift_right_arithmetic3A_700 = arith.constant 10 : i32
    %shift_right_arithmetic3A_701 = vector.broadcast %shift_right_arithmetic3A_700 : i32 to vector<16xi32>
    %shift_right_arithmetic3A_702 = arith.shrsi %gather3A_699, %shift_right_arithmetic3A_701 : vector<16xi32>
    %and3A_703 = arith.constant 3 : i32
    %and3A_704 = vector.broadcast %and3A_703 : i32 to vector<16xi32>
    %and3A_705 = arith.andi %shift_right_arithmetic3A_702, %and3A_704 : vector<16xi32>
    %shift_left3A_706 = arith.constant 10 : i32
    %shift_left3A_707 = vector.broadcast %shift_left3A_706 : i32 to vector<16xi32>
    %shift_left3A_708 = arith.shli %and3A_705, %shift_left3A_707 : vector<16xi32>
    %add3A_709 = arith.addi %add3A_694, %shift_left3A_708 : vector<16xi32>
    %gather3A_710 = tpu.vector_load_idx %arg8[%add3A_709] : memref<4096xf32, #tpu.memory_space<vmem>>[vector<16xi32>], vector<16xf32>,
    %add3A_711 = arith.constant 37 : i32
    %add3A_712 = vector.broadcast %add3A_711 : i32 to vector<16xi32>
    %add3A_713 = arith.addi %mul3A_5, %add3A_712 : vector<16xi32>
    tpu.vector_store_idx %arg9[%add3A_713], %gather3A_710 : memref<1024xf32, #tpu.memory_space<vmem>>[vector<16xi32>], vector<16xf32>,
    %shift_right_arithmetic3A_714 = arith.constant 2 : i32
    %shift_right_arithmetic3A_715 = vector.broadcast %shift_right_arithmetic3A_714 : i32 to vector<16xi32>
    %shift_right_arithmetic3A_716 = arith.shrsi %add3A_694, %shift_right_arithmetic3A_715 : vector<16xi32>
    %shift_left3A_717 = arith.constant 8 : i32
    %shift_left3A_718 = vector.broadcast %shift_left3A_717 : i32 to vector<16xi32>
    %shift_left3A_719 = arith.shli %and3A_705, %shift_left3A_718 : vector<16xi32>
    %add3A_720 = arith.addi %shift_right_arithmetic3A_716, %shift_left3A_719 : vector<16xi32>
    %add3A_721 = arith.constant 32768 : i32
    %add3A_722 = vector.broadcast %add3A_721 : i32 to vector<16xi32>
    %add3A_723 = arith.addi %add3A_722, %shift_left3A_2 : vector<16xi32>
    %add3A_724 = arith.addi %add3A_723, %add3A_720 : vector<16xi32>
    %gather3A_725 = tpu.vector_load_idx %arg6[%add3A_724] : memref<65536xi32, #tpu.memory_space<vmem>>[vector<16xi32>], vector<16xi32>,
    %shift_right_arithmetic3A_726 = arith.constant 8 : i32
    %shift_right_arithmetic3A_727 = vector.broadcast %shift_right_arithmetic3A_726 : i32 to vector<16xi32>
    %shift_right_arithmetic3A_728 = arith.shrsi %gather3A_725, %shift_right_arithmetic3A_727 : vector<16xi32>
    %and3A_729 = arith.constant 3 : i32
    %and3A_730 = vector.broadcast %and3A_729 : i32 to vector<16xi32>
    %and3A_731 = arith.andi %shift_right_arithmetic3A_728, %and3A_730 : vector<16xi32>
    %shift_left3A_732 = arith.constant 10 : i32
    %shift_left3A_733 = vector.broadcast %shift_left3A_732 : i32 to vector<16xi32>
    %shift_left3A_734 = arith.shli %and3A_731, %shift_left3A_733 : vector<16xi32>
    %add3A_735 = arith.addi %add3A_720, %shift_left3A_734 : vector<16xi32>
    %gather3A_736 = tpu.vector_load_idx %arg8[%add3A_735] : memref<4096xf32, #tpu.memory_space<vmem>>[vector<16xi32>], vector<16xf32>,
    %add3A_737 = arith.constant 36 : i32
    %add3A_738 = vector.broadcast %add3A_737 : i32 to vector<16xi32>
    %add3A_739 = arith.addi %mul3A_5, %add3A_738 : vector<16xi32>
    tpu.vector_store_idx %arg9[%add3A_739], %gather3A_736 : memref<1024xf32, #tpu.memory_space<vmem>>[vector<16xi32>], vector<16xf32>,
    %shift_right_arithmetic3A_740 = arith.constant 2 : i32
    %shift_right_arithmetic3A_741 = vector.broadcast %shift_right_arithmetic3A_740 : i32 to vector<16xi32>
    %shift_right_arithmetic3A_742 = arith.shrsi %add3A_720, %shift_right_arithmetic3A_741 : vector<16xi32>
    %shift_left3A_743 = arith.constant 8 : i32
    %shift_left3A_744 = vector.broadcast %shift_left3A_743 : i32 to vector<16xi32>
    %shift_left3A_745 = arith.shli %and3A_731, %shift_left3A_744 : vector<16xi32>
    %add3A_746 = arith.addi %shift_right_arithmetic3A_742, %shift_left3A_745 : vector<16xi32>
    %add3A_747 = arith.constant 32768 : i32
    %add3A_748 = vector.broadcast %add3A_747 : i32 to vector<16xi32>
    %add3A_749 = arith.addi %add3A_748, %shift_left3A_2 : vector<16xi32>
    %add3A_750 = arith.addi %add3A_749, %add3A_746 : vector<16xi32>
    %gather3A_751 = tpu.vector_load_idx %arg6[%add3A_750] : memref<65536xi32, #tpu.memory_space<vmem>>[vector<16xi32>], vector<16xi32>,
    %shift_right_arithmetic3A_752 = arith.constant 6 : i32
    %shift_right_arithmetic3A_753 = vector.broadcast %shift_right_arithmetic3A_752 : i32 to vector<16xi32>
    %shift_right_arithmetic3A_754 = arith.shrsi %gather3A_751, %shift_right_arithmetic3A_753 : vector<16xi32>
    %and3A_755 = arith.constant 3 : i32
    %and3A_756 = vector.broadcast %and3A_755 : i32 to vector<16xi32>
    %and3A_757 = arith.andi %shift_right_arithmetic3A_754, %and3A_756 : vector<16xi32>
    %shift_left3A_758 = arith.constant 10 : i32
    %shift_left3A_759 = vector.broadcast %shift_left3A_758 : i32 to vector<16xi32>
    %shift_left3A_760 = arith.shli %and3A_757, %shift_left3A_759 : vector<16xi32>
    %add3A_761 = arith.addi %add3A_746, %shift_left3A_760 : vector<16xi32>
    %gather3A_762 = tpu.vector_load_idx %arg8[%add3A_761] : memref<4096xf32, #tpu.memory_space<vmem>>[vector<16xi32>], vector<16xf32>,
    %add3A_763 = arith.constant 35 : i32
    %add3A_764 = vector.broadcast %add3A_763 : i32 to vector<16xi32>
    %add3A_765 = arith.addi %mul3A_5, %add3A_764 : vector<16xi32>
    tpu.vector_store_idx %arg9[%add3A_765], %gather3A_762 : memref<1024xf32, #tpu.memory_space<vmem>>[vector<16xi32>], vector<16xf32>,
    %shift_right_arithmetic3A_766 = arith.constant 2 : i32
    %shift_right_arithmetic3A_767 = vector.broadcast %shift_right_arithmetic3A_766 : i32 to vector<16xi32>
    %shift_right_arithmetic3A_768 = arith.shrsi %add3A_746, %shift_right_arithmetic3A_767 : vector<16xi32>
    %shift_left3A_769 = arith.constant 8 : i32
    %shift_left3A_770 = vector.broadcast %shift_left3A_769 : i32 to vector<16xi32>
    %shift_left3A_771 = arith.shli %and3A_757, %shift_left3A_770 : vector<16xi32>
    %add3A_772 = arith.addi %shift_right_arithmetic3A_768, %shift_left3A_771 : vector<16xi32>
    %add3A_773 = arith.constant 32768 : i32
    %add3A_774 = vector.broadcast %add3A_773 : i32 to vector<16xi32>
    %add3A_775 = arith.addi %add3A_774, %shift_left3A_2 : vector<16xi32>
    %add3A_776 = arith.addi %add3A_775, %add3A_772 : vector<16xi32>
    %gather3A_777 = tpu.vector_load_idx %arg6[%add3A_776] : memref<65536xi32, #tpu.memory_space<vmem>>[vector<16xi32>], vector<16xi32>,
    %shift_right_arithmetic3A_778 = arith.constant 4 : i32
    %shift_right_arithmetic3A_779 = vector.broadcast %shift_right_arithmetic3A_778 : i32 to vector<16xi32>
    %shift_right_arithmetic3A_780 = arith.shrsi %gather3A_777, %shift_right_arithmetic3A_779 : vector<16xi32>
    %and3A_781 = arith.constant 3 : i32
    %and3A_782 = vector.broadcast %and3A_781 : i32 to vector<16xi32>
    %and3A_783 = arith.andi %shift_right_arithmetic3A_780, %and3A_782 : vector<16xi32>
    %shift_left3A_784 = arith.constant 10 : i32
    %shift_left3A_785 = vector.broadcast %shift_left3A_784 : i32 to vector<16xi32>
    %shift_left3A_786 = arith.shli %and3A_783, %shift_left3A_785 : vector<16xi32>
    %add3A_787 = arith.addi %add3A_772, %shift_left3A_786 : vector<16xi32>
    %gather3A_788 = tpu.vector_load_idx %arg8[%add3A_787] : memref<4096xf32, #tpu.memory_space<vmem>>[vector<16xi32>], vector<16xf32>,
    %add3A_789 = arith.constant 34 : i32
    %add3A_790 = vector.broadcast %add3A_789 : i32 to vector<16xi32>
    %add3A_791 = arith.addi %mul3A_5, %add3A_790 : vector<16xi32>
    tpu.vector_store_idx %arg9[%add3A_791], %gather3A_788 : memref<1024xf32, #tpu.memory_space<vmem>>[vector<16xi32>], vector<16xf32>,
    %shift_right_arithmetic3A_792 = arith.constant 2 : i32
    %shift_right_arithmetic3A_793 = vector.broadcast %shift_right_arithmetic3A_792 : i32 to vector<16xi32>
    %shift_right_arithmetic3A_794 = arith.shrsi %add3A_772, %shift_right_arithmetic3A_793 : vector<16xi32>
    %shift_left3A_795 = arith.constant 8 : i32
    %shift_left3A_796 = vector.broadcast %shift_left3A_795 : i32 to vector<16xi32>
    %shift_left3A_797 = arith.shli %and3A_783, %shift_left3A_796 : vector<16xi32>
    %add3A_798 = arith.addi %shift_right_arithmetic3A_794, %shift_left3A_797 : vector<16xi32>
    %add3A_799 = arith.constant 32768 : i32
    %add3A_800 = vector.broadcast %add3A_799 : i32 to vector<16xi32>
    %add3A_801 = arith.addi %add3A_800, %shift_left3A_2 : vector<16xi32>
    %add3A_802 = arith.addi %add3A_801, %add3A_798 : vector<16xi32>
    %gather3A_803 = tpu.vector_load_idx %arg6[%add3A_802] : memref<65536xi32, #tpu.memory_space<vmem>>[vector<16xi32>], vector<16xi32>,
    %shift_right_arithmetic3A_804 = arith.constant 2 : i32
    %shift_right_arithmetic3A_805 = vector.broadcast %shift_right_arithmetic3A_804 : i32 to vector<16xi32>
    %shift_right_arithmetic3A_806 = arith.shrsi %gather3A_803, %shift_right_arithmetic3A_805 : vector<16xi32>
    %and3A_807 = arith.constant 3 : i32
    %and3A_808 = vector.broadcast %and3A_807 : i32 to vector<16xi32>
    %and3A_809 = arith.andi %shift_right_arithmetic3A_806, %and3A_808 : vector<16xi32>
    %shift_left3A_810 = arith.constant 10 : i32
    %shift_left3A_811 = vector.broadcast %shift_left3A_810 : i32 to vector<16xi32>
    %shift_left3A_812 = arith.shli %and3A_809, %shift_left3A_811 : vector<16xi32>
    %add3A_813 = arith.addi %add3A_798, %shift_left3A_812 : vector<16xi32>
    %gather3A_814 = tpu.vector_load_idx %arg8[%add3A_813] : memref<4096xf32, #tpu.memory_space<vmem>>[vector<16xi32>], vector<16xf32>,
    %add3A_815 = arith.constant 33 : i32
    %add3A_816 = vector.broadcast %add3A_815 : i32 to vector<16xi32>
    %add3A_817 = arith.addi %mul3A_5, %add3A_816 : vector<16xi32>
    tpu.vector_store_idx %arg9[%add3A_817], %gather3A_814 : memref<1024xf32, #tpu.memory_space<vmem>>[vector<16xi32>], vector<16xf32>,
    %shift_right_arithmetic3A_818 = arith.constant 2 : i32
    %shift_right_arithmetic3A_819 = vector.broadcast %shift_right_arithmetic3A_818 : i32 to vector<16xi32>
    %shift_right_arithmetic3A_820 = arith.shrsi %add3A_798, %shift_right_arithmetic3A_819 : vector<16xi32>
    %shift_left3A_821 = arith.constant 8 : i32
    %shift_left3A_822 = vector.broadcast %shift_left3A_821 : i32 to vector<16xi32>
    %shift_left3A_823 = arith.shli %and3A_809, %shift_left3A_822 : vector<16xi32>
    %add3A_824 = arith.addi %shift_right_arithmetic3A_820, %shift_left3A_823 : vector<16xi32>
    %add3A_825 = arith.constant 32768 : i32
    %add3A_826 = vector.broadcast %add3A_825 : i32 to vector<16xi32>
    %add3A_827 = arith.addi %add3A_826, %shift_left3A_2 : vector<16xi32>
    %add3A_828 = arith.addi %add3A_827, %add3A_824 : vector<16xi32>
    %gather3A_829 = tpu.vector_load_idx %arg6[%add3A_828] : memref<65536xi32, #tpu.memory_space<vmem>>[vector<16xi32>], vector<16xi32>,
    %shift_right_arithmetic3A_830 = arith.constant 0 : i32
    %shift_right_arithmetic3A_831 = vector.broadcast %shift_right_arithmetic3A_830 : i32 to vector<16xi32>
    %shift_right_arithmetic3A_832 = arith.shrsi %gather3A_829, %shift_right_arithmetic3A_831 : vector<16xi32>
    %and3A_833 = arith.constant 3 : i32
    %and3A_834 = vector.broadcast %and3A_833 : i32 to vector<16xi32>
    %and3A_835 = arith.andi %shift_right_arithmetic3A_832, %and3A_834 : vector<16xi32>
    %shift_left3A_836 = arith.constant 10 : i32
    %shift_left3A_837 = vector.broadcast %shift_left3A_836 : i32 to vector<16xi32>
    %shift_left3A_838 = arith.shli %and3A_835, %shift_left3A_837 : vector<16xi32>
    %add3A_839 = arith.addi %add3A_824, %shift_left3A_838 : vector<16xi32>
    %gather3A_840 = tpu.vector_load_idx %arg8[%add3A_839] : memref<4096xf32, #tpu.memory_space<vmem>>[vector<16xi32>], vector<16xf32>,
    %add3A_841 = arith.constant 32 : i32
    %add3A_842 = vector.broadcast %add3A_841 : i32 to vector<16xi32>
    %add3A_843 = arith.addi %mul3A_5, %add3A_842 : vector<16xi32>
    tpu.vector_store_idx %arg9[%add3A_843], %gather3A_840 : memref<1024xf32, #tpu.memory_space<vmem>>[vector<16xi32>], vector<16xf32>,
    %shift_right_arithmetic3A_844 = arith.constant 2 : i32
    %shift_right_arithmetic3A_845 = vector.broadcast %shift_right_arithmetic3A_844 : i32 to vector<16xi32>
    %shift_right_arithmetic3A_846 = arith.shrsi %add3A_824, %shift_right_arithmetic3A_845 : vector<16xi32>
    %shift_left3A_847 = arith.constant 8 : i32
    %shift_left3A_848 = vector.broadcast %shift_left3A_847 : i32 to vector<16xi32>
    %shift_left3A_849 = arith.shli %and3A_835, %shift_left3A_848 : vector<16xi32>
    %add3A_850 = arith.addi %shift_right_arithmetic3A_846, %shift_left3A_849 : vector<16xi32>
    %add3A_851 = arith.constant 16384 : i32
    %add3A_852 = vector.broadcast %add3A_851 : i32 to vector<16xi32>
    %add3A_853 = arith.addi %add3A_852, %shift_left3A_2 : vector<16xi32>
    %add3A_854 = arith.addi %add3A_853, %add3A_850 : vector<16xi32>
    %gather3A_855 = tpu.vector_load_idx %arg6[%add3A_854] : memref<65536xi32, #tpu.memory_space<vmem>>[vector<16xi32>], vector<16xi32>,
    %shift_right_arithmetic3A_856 = arith.constant 30 : i32
    %shift_right_arithmetic3A_857 = vector.broadcast %shift_right_arithmetic3A_856 : i32 to vector<16xi32>
    %shift_right_arithmetic3A_858 = arith.shrsi %gather3A_855, %shift_right_arithmetic3A_857 : vector<16xi32>
    %and3A_859 = arith.constant 3 : i32
    %and3A_860 = vector.broadcast %and3A_859 : i32 to vector<16xi32>
    %and3A_861 = arith.andi %shift_right_arithmetic3A_858, %and3A_860 : vector<16xi32>
    %shift_left3A_862 = arith.constant 10 : i32
    %shift_left3A_863 = vector.broadcast %shift_left3A_862 : i32 to vector<16xi32>
    %shift_left3A_864 = arith.shli %and3A_861, %shift_left3A_863 : vector<16xi32>
    %add3A_865 = arith.addi %add3A_850, %shift_left3A_864 : vector<16xi32>
    %gather3A_866 = tpu.vector_load_idx %arg8[%add3A_865] : memref<4096xf32, #tpu.memory_space<vmem>>[vector<16xi32>], vector<16xf32>,
    %add3A_867 = arith.constant 31 : i32
    %add3A_868 = vector.broadcast %add3A_867 : i32 to vector<16xi32>
    %add3A_869 = arith.addi %mul3A_5, %add3A_868 : vector<16xi32>
    tpu.vector_store_idx %arg9[%add3A_869], %gather3A_866 : memref<1024xf32, #tpu.memory_space<vmem>>[vector<16xi32>], vector<16xf32>,
    %shift_right_arithmetic3A_870 = arith.constant 2 : i32
    %shift_right_arithmetic3A_871 = vector.broadcast %shift_right_arithmetic3A_870 : i32 to vector<16xi32>
    %shift_right_arithmetic3A_872 = arith.shrsi %add3A_850, %shift_right_arithmetic3A_871 : vector<16xi32>
    %shift_left3A_873 = arith.constant 8 : i32
    %shift_left3A_874 = vector.broadcast %shift_left3A_873 : i32 to vector<16xi32>
    %shift_left3A_875 = arith.shli %and3A_861, %shift_left3A_874 : vector<16xi32>
    %add3A_876 = arith.addi %shift_right_arithmetic3A_872, %shift_left3A_875 : vector<16xi32>
    %add3A_877 = arith.constant 16384 : i32
    %add3A_878 = vector.broadcast %add3A_877 : i32 to vector<16xi32>
    %add3A_879 = arith.addi %add3A_878, %shift_left3A_2 : vector<16xi32>
    %add3A_880 = arith.addi %add3A_879, %add3A_876 : vector<16xi32>
    %gather3A_881 = tpu.vector_load_idx %arg6[%add3A_880] : memref<65536xi32, #tpu.memory_space<vmem>>[vector<16xi32>], vector<16xi32>,
    %shift_right_arithmetic3A_882 = arith.constant 28 : i32
    %shift_right_arithmetic3A_883 = vector.broadcast %shift_right_arithmetic3A_882 : i32 to vector<16xi32>
    %shift_right_arithmetic3A_884 = arith.shrsi %gather3A_881, %shift_right_arithmetic3A_883 : vector<16xi32>
    %and3A_885 = arith.constant 3 : i32
    %and3A_886 = vector.broadcast %and3A_885 : i32 to vector<16xi32>
    %and3A_887 = arith.andi %shift_right_arithmetic3A_884, %and3A_886 : vector<16xi32>
    %shift_left3A_888 = arith.constant 10 : i32
    %shift_left3A_889 = vector.broadcast %shift_left3A_888 : i32 to vector<16xi32>
    %shift_left3A_890 = arith.shli %and3A_887, %shift_left3A_889 : vector<16xi32>
    %add3A_891 = arith.addi %add3A_876, %shift_left3A_890 : vector<16xi32>
    %gather3A_892 = tpu.vector_load_idx %arg8[%add3A_891] : memref<4096xf32, #tpu.memory_space<vmem>>[vector<16xi32>], vector<16xf32>,
    %add3A_893 = arith.constant 30 : i32
    %add3A_894 = vector.broadcast %add3A_893 : i32 to vector<16xi32>
    %add3A_895 = arith.addi %mul3A_5, %add3A_894 : vector<16xi32>
    tpu.vector_store_idx %arg9[%add3A_895], %gather3A_892 : memref<1024xf32, #tpu.memory_space<vmem>>[vector<16xi32>], vector<16xf32>,
    %shift_right_arithmetic3A_896 = arith.constant 2 : i32
    %shift_right_arithmetic3A_897 = vector.broadcast %shift_right_arithmetic3A_896 : i32 to vector<16xi32>
    %shift_right_arithmetic3A_898 = arith.shrsi %add3A_876, %shift_right_arithmetic3A_897 : vector<16xi32>
    %shift_left3A_899 = arith.constant 8 : i32
    %shift_left3A_900 = vector.broadcast %shift_left3A_899 : i32 to vector<16xi32>
    %shift_left3A_901 = arith.shli %and3A_887, %shift_left3A_900 : vector<16xi32>
    %add3A_902 = arith.addi %shift_right_arithmetic3A_898, %shift_left3A_901 : vector<16xi32>
    %add3A_903 = arith.constant 16384 : i32
    %add3A_904 = vector.broadcast %add3A_903 : i32 to vector<16xi32>
    %add3A_905 = arith.addi %add3A_904, %shift_left3A_2 : vector<16xi32>
    %add3A_906 = arith.addi %add3A_905, %add3A_902 : vector<16xi32>
    %gather3A_907 = tpu.vector_load_idx %arg6[%add3A_906] : memref<65536xi32, #tpu.memory_space<vmem>>[vector<16xi32>], vector<16xi32>,
    %shift_right_arithmetic3A_908 = arith.constant 26 : i32
    %shift_right_arithmetic3A_909 = vector.broadcast %shift_right_arithmetic3A_908 : i32 to vector<16xi32>
    %shift_right_arithmetic3A_910 = arith.shrsi %gather3A_907, %shift_right_arithmetic3A_909 : vector<16xi32>
    %and3A_911 = arith.constant 3 : i32
    %and3A_912 = vector.broadcast %and3A_911 : i32 to vector<16xi32>
    %and3A_913 = arith.andi %shift_right_arithmetic3A_910, %and3A_912 : vector<16xi32>
    %shift_left3A_914 = arith.constant 10 : i32
    %shift_left3A_915 = vector.broadcast %shift_left3A_914 : i32 to vector<16xi32>
    %shift_left3A_916 = arith.shli %and3A_913, %shift_left3A_915 : vector<16xi32>
    %add3A_917 = arith.addi %add3A_902, %shift_left3A_916 : vector<16xi32>
    %gather3A_918 = tpu.vector_load_idx %arg8[%add3A_917] : memref<4096xf32, #tpu.memory_space<vmem>>[vector<16xi32>], vector<16xf32>,
    %add3A_919 = arith.constant 29 : i32
    %add3A_920 = vector.broadcast %add3A_919 : i32 to vector<16xi32>
    %add3A_921 = arith.addi %mul3A_5, %add3A_920 : vector<16xi32>
    tpu.vector_store_idx %arg9[%add3A_921], %gather3A_918 : memref<1024xf32, #tpu.memory_space<vmem>>[vector<16xi32>], vector<16xf32>,
    %shift_right_arithmetic3A_922 = arith.constant 2 : i32
    %shift_right_arithmetic3A_923 = vector.broadcast %shift_right_arithmetic3A_922 : i32 to vector<16xi32>
    %shift_right_arithmetic3A_924 = arith.shrsi %add3A_902, %shift_right_arithmetic3A_923 : vector<16xi32>
    %shift_left3A_925 = arith.constant 8 : i32
    %shift_left3A_926 = vector.broadcast %shift_left3A_925 : i32 to vector<16xi32>
    %shift_left3A_927 = arith.shli %and3A_913, %shift_left3A_926 : vector<16xi32>
    %add3A_928 = arith.addi %shift_right_arithmetic3A_924, %shift_left3A_927 : vector<16xi32>
    %add3A_929 = arith.constant 16384 : i32
    %add3A_930 = vector.broadcast %add3A_929 : i32 to vector<16xi32>
    %add3A_931 = arith.addi %add3A_930, %shift_left3A_2 : vector<16xi32>
    %add3A_932 = arith.addi %add3A_931, %add3A_928 : vector<16xi32>
    %gather3A_933 = tpu.vector_load_idx %arg6[%add3A_932] : memref<65536xi32, #tpu.memory_space<vmem>>[vector<16xi32>], vector<16xi32>,
    %shift_right_arithmetic3A_934 = arith.constant 24 : i32
    %shift_right_arithmetic3A_935 = vector.broadcast %shift_right_arithmetic3A_934 : i32 to vector<16xi32>
    %shift_right_arithmetic3A_936 = arith.shrsi %gather3A_933, %shift_right_arithmetic3A_935 : vector<16xi32>
    %and3A_937 = arith.constant 3 : i32
    %and3A_938 = vector.broadcast %and3A_937 : i32 to vector<16xi32>
    %and3A_939 = arith.andi %shift_right_arithmetic3A_936, %and3A_938 : vector<16xi32>
    %shift_left3A_940 = arith.constant 10 : i32
    %shift_left3A_941 = vector.broadcast %shift_left3A_940 : i32 to vector<16xi32>
    %shift_left3A_942 = arith.shli %and3A_939, %shift_left3A_941 : vector<16xi32>
    %add3A_943 = arith.addi %add3A_928, %shift_left3A_942 : vector<16xi32>
    %gather3A_944 = tpu.vector_load_idx %arg8[%add3A_943] : memref<4096xf32, #tpu.memory_space<vmem>>[vector<16xi32>], vector<16xf32>,
    %add3A_945 = arith.constant 28 : i32
    %add3A_946 = vector.broadcast %add3A_945 : i32 to vector<16xi32>
    %add3A_947 = arith.addi %mul3A_5, %add3A_946 : vector<16xi32>
    tpu.vector_store_idx %arg9[%add3A_947], %gather3A_944 : memref<1024xf32, #tpu.memory_space<vmem>>[vector<16xi32>], vector<16xf32>,
    %shift_right_arithmetic3A_948 = arith.constant 2 : i32
    %shift_right_arithmetic3A_949 = vector.broadcast %shift_right_arithmetic3A_948 : i32 to vector<16xi32>
    %shift_right_arithmetic3A_950 = arith.shrsi %add3A_928, %shift_right_arithmetic3A_949 : vector<16xi32>
    %shift_left3A_951 = arith.constant 8 : i32
    %shift_left3A_952 = vector.broadcast %shift_left3A_951 : i32 to vector<16xi32>
    %shift_left3A_953 = arith.shli %and3A_939, %shift_left3A_952 : vector<16xi32>
    %add3A_954 = arith.addi %shift_right_arithmetic3A_950, %shift_left3A_953 : vector<16xi32>
    %add3A_955 = arith.constant 16384 : i32
    %add3A_956 = vector.broadcast %add3A_955 : i32 to vector<16xi32>
    %add3A_957 = arith.addi %add3A_956, %shift_left3A_2 : vector<16xi32>
    %add3A_958 = arith.addi %add3A_957, %add3A_954 : vector<16xi32>
    %gather3A_959 = tpu.vector_load_idx %arg6[%add3A_958] : memref<65536xi32, #tpu.memory_space<vmem>>[vector<16xi32>], vector<16xi32>,
    %shift_right_arithmetic3A_960 = arith.constant 22 : i32
    %shift_right_arithmetic3A_961 = vector.broadcast %shift_right_arithmetic3A_960 : i32 to vector<16xi32>
    %shift_right_arithmetic3A_962 = arith.shrsi %gather3A_959, %shift_right_arithmetic3A_961 : vector<16xi32>
    %and3A_963 = arith.constant 3 : i32
    %and3A_964 = vector.broadcast %and3A_963 : i32 to vector<16xi32>
    %and3A_965 = arith.andi %shift_right_arithmetic3A_962, %and3A_964 : vector<16xi32>
    %shift_left3A_966 = arith.constant 10 : i32
    %shift_left3A_967 = vector.broadcast %shift_left3A_966 : i32 to vector<16xi32>
    %shift_left3A_968 = arith.shli %and3A_965, %shift_left3A_967 : vector<16xi32>
    %add3A_969 = arith.addi %add3A_954, %shift_left3A_968 : vector<16xi32>
    %gather3A_970 = tpu.vector_load_idx %arg8[%add3A_969] : memref<4096xf32, #tpu.memory_space<vmem>>[vector<16xi32>], vector<16xf32>,
    %add3A_971 = arith.constant 27 : i32
    %add3A_972 = vector.broadcast %add3A_971 : i32 to vector<16xi32>
    %add3A_973 = arith.addi %mul3A_5, %add3A_972 : vector<16xi32>
    tpu.vector_store_idx %arg9[%add3A_973], %gather3A_970 : memref<1024xf32, #tpu.memory_space<vmem>>[vector<16xi32>], vector<16xf32>,
    %shift_right_arithmetic3A_974 = arith.constant 2 : i32
    %shift_right_arithmetic3A_975 = vector.broadcast %shift_right_arithmetic3A_974 : i32 to vector<16xi32>
    %shift_right_arithmetic3A_976 = arith.shrsi %add3A_954, %shift_right_arithmetic3A_975 : vector<16xi32>
    %shift_left3A_977 = arith.constant 8 : i32
    %shift_left3A_978 = vector.broadcast %shift_left3A_977 : i32 to vector<16xi32>
    %shift_left3A_979 = arith.shli %and3A_965, %shift_left3A_978 : vector<16xi32>
    %add3A_980 = arith.addi %shift_right_arithmetic3A_976, %shift_left3A_979 : vector<16xi32>
    %add3A_981 = arith.constant 16384 : i32
    %add3A_982 = vector.broadcast %add3A_981 : i32 to vector<16xi32>
    %add3A_983 = arith.addi %add3A_982, %shift_left3A_2 : vector<16xi32>
    %add3A_984 = arith.addi %add3A_983, %add3A_980 : vector<16xi32>
    %gather3A_985 = tpu.vector_load_idx %arg6[%add3A_984] : memref<65536xi32, #tpu.memory_space<vmem>>[vector<16xi32>], vector<16xi32>,
    %shift_right_arithmetic3A_986 = arith.constant 20 : i32
    %shift_right_arithmetic3A_987 = vector.broadcast %shift_right_arithmetic3A_986 : i32 to vector<16xi32>
    %shift_right_arithmetic3A_988 = arith.shrsi %gather3A_985, %shift_right_arithmetic3A_987 : vector<16xi32>
    %and3A_989 = arith.constant 3 : i32
    %and3A_990 = vector.broadcast %and3A_989 : i32 to vector<16xi32>
    %and3A_991 = arith.andi %shift_right_arithmetic3A_988, %and3A_990 : vector<16xi32>
    %shift_left3A_992 = arith.constant 10 : i32
    %shift_left3A_993 = vector.broadcast %shift_left3A_992 : i32 to vector<16xi32>
    %shift_left3A_994 = arith.shli %and3A_991, %shift_left3A_993 : vector<16xi32>
    %add3A_995 = arith.addi %add3A_980, %shift_left3A_994 : vector<16xi32>
    %gather3A_996 = tpu.vector_load_idx %arg8[%add3A_995] : memref<4096xf32, #tpu.memory_space<vmem>>[vector<16xi32>], vector<16xf32>,
    %add3A_997 = arith.constant 26 : i32
    %add3A_998 = vector.broadcast %add3A_997 : i32 to vector<16xi32>
    %add3A_999 = arith.addi %mul3A_5, %add3A_998 : vector<16xi32>
    tpu.vector_store_idx %arg9[%add3A_999], %gather3A_996 : memref<1024xf32, #tpu.memory_space<vmem>>[vector<16xi32>], vector<16xf32>,
    %shift_right_arithmetic3A_1000 = arith.constant 2 : i32
    %shift_right_arithmetic3A_1001 = vector.broadcast %shift_right_arithmetic3A_1000 : i32 to vector<16xi32>
    %shift_right_arithmetic3A_1002 = arith.shrsi %add3A_980, %shift_right_arithmetic3A_1001 : vector<16xi32>
    %shift_left3A_1003 = arith.constant 8 : i32
    %shift_left3A_1004 = vector.broadcast %shift_left3A_1003 : i32 to vector<16xi32>
    %shift_left3A_1005 = arith.shli %and3A_991, %shift_left3A_1004 : vector<16xi32>
    %add3A_1006 = arith.addi %shift_right_arithmetic3A_1002, %shift_left3A_1005 : vector<16xi32>
    %add3A_1007 = arith.constant 16384 : i32
    %add3A_1008 = vector.broadcast %add3A_1007 : i32 to vector<16xi32>
    %add3A_1009 = arith.addi %add3A_1008, %shift_left3A_2 : vector<16xi32>
    %add3A_1010 = arith.addi %add3A_1009, %add3A_1006 : vector<16xi32>
    %gather3A_1011 = tpu.vector_load_idx %arg6[%add3A_1010] : memref<65536xi32, #tpu.memory_space<vmem>>[vector<16xi32>], vector<16xi32>,
    %shift_right_arithmetic3A_1012 = arith.constant 18 : i32
    %shift_right_arithmetic3A_1013 = vector.broadcast %shift_right_arithmetic3A_1012 : i32 to vector<16xi32>
    %shift_right_arithmetic3A_1014 = arith.shrsi %gather3A_1011, %shift_right_arithmetic3A_1013 : vector<16xi32>
    %and3A_1015 = arith.constant 3 : i32
    %and3A_1016 = vector.broadcast %and3A_1015 : i32 to vector<16xi32>
    %and3A_1017 = arith.andi %shift_right_arithmetic3A_1014, %and3A_1016 : vector<16xi32>
    %shift_left3A_1018 = arith.constant 10 : i32
    %shift_left3A_1019 = vector.broadcast %shift_left3A_1018 : i32 to vector<16xi32>
    %shift_left3A_1020 = arith.shli %and3A_1017, %shift_left3A_1019 : vector<16xi32>
    %add3A_1021 = arith.addi %add3A_1006, %shift_left3A_1020 : vector<16xi32>
    %gather3A_1022 = tpu.vector_load_idx %arg8[%add3A_1021] : memref<4096xf32, #tpu.memory_space<vmem>>[vector<16xi32>], vector<16xf32>,
    %add3A_1023 = arith.constant 25 : i32
    %add3A_1024 = vector.broadcast %add3A_1023 : i32 to vector<16xi32>
    %add3A_1025 = arith.addi %mul3A_5, %add3A_1024 : vector<16xi32>
    tpu.vector_store_idx %arg9[%add3A_1025], %gather3A_1022 : memref<1024xf32, #tpu.memory_space<vmem>>[vector<16xi32>], vector<16xf32>,
    %shift_right_arithmetic3A_1026 = arith.constant 2 : i32
    %shift_right_arithmetic3A_1027 = vector.broadcast %shift_right_arithmetic3A_1026 : i32 to vector<16xi32>
    %shift_right_arithmetic3A_1028 = arith.shrsi %add3A_1006, %shift_right_arithmetic3A_1027 : vector<16xi32>
    %shift_left3A_1029 = arith.constant 8 : i32
    %shift_left3A_1030 = vector.broadcast %shift_left3A_1029 : i32 to vector<16xi32>
    %shift_left3A_1031 = arith.shli %and3A_1017, %shift_left3A_1030 : vector<16xi32>
    %add3A_1032 = arith.addi %shift_right_arithmetic3A_1028, %shift_left3A_1031 : vector<16xi32>
    %add3A_1033 = arith.constant 16384 : i32
    %add3A_1034 = vector.broadcast %add3A_1033 : i32 to vector<16xi32>
    %add3A_1035 = arith.addi %add3A_1034, %shift_left3A_2 : vector<16xi32>
    %add3A_1036 = arith.addi %add3A_1035, %add3A_1032 : vector<16xi32>
    %gather3A_1037 = tpu.vector_load_idx %arg6[%add3A_1036] : memref<65536xi32, #tpu.memory_space<vmem>>[vector<16xi32>], vector<16xi32>,
    %shift_right_arithmetic3A_1038 = arith.constant 16 : i32
    %shift_right_arithmetic3A_1039 = vector.broadcast %shift_right_arithmetic3A_1038 : i32 to vector<16xi32>
    %shift_right_arithmetic3A_1040 = arith.shrsi %gather3A_1037, %shift_right_arithmetic3A_1039 : vector<16xi32>
    %and3A_1041 = arith.constant 3 : i32
    %and3A_1042 = vector.broadcast %and3A_1041 : i32 to vector<16xi32>
    %and3A_1043 = arith.andi %shift_right_arithmetic3A_1040, %and3A_1042 : vector<16xi32>
    %shift_left3A_1044 = arith.constant 10 : i32
    %shift_left3A_1045 = vector.broadcast %shift_left3A_1044 : i32 to vector<16xi32>
    %shift_left3A_1046 = arith.shli %and3A_1043, %shift_left3A_1045 : vector<16xi32>
    %add3A_1047 = arith.addi %add3A_1032, %shift_left3A_1046 : vector<16xi32>
    %gather3A_1048 = tpu.vector_load_idx %arg8[%add3A_1047] : memref<4096xf32, #tpu.memory_space<vmem>>[vector<16xi32>], vector<16xf32>,
    %add3A_1049 = arith.constant 24 : i32
    %add3A_1050 = vector.broadcast %add3A_1049 : i32 to vector<16xi32>
    %add3A_1051 = arith.addi %mul3A_5, %add3A_1050 : vector<16xi32>
    tpu.vector_store_idx %arg9[%add3A_1051], %gather3A_1048 : memref<1024xf32, #tpu.memory_space<vmem>>[vector<16xi32>], vector<16xf32>,
    %shift_right_arithmetic3A_1052 = arith.constant 2 : i32
    %shift_right_arithmetic3A_1053 = vector.broadcast %shift_right_arithmetic3A_1052 : i32 to vector<16xi32>
    %shift_right_arithmetic3A_1054 = arith.shrsi %add3A_1032, %shift_right_arithmetic3A_1053 : vector<16xi32>
    %shift_left3A_1055 = arith.constant 8 : i32
    %shift_left3A_1056 = vector.broadcast %shift_left3A_1055 : i32 to vector<16xi32>
    %shift_left3A_1057 = arith.shli %and3A_1043, %shift_left3A_1056 : vector<16xi32>
    %add3A_1058 = arith.addi %shift_right_arithmetic3A_1054, %shift_left3A_1057 : vector<16xi32>
    %add3A_1059 = arith.constant 16384 : i32
    %add3A_1060 = vector.broadcast %add3A_1059 : i32 to vector<16xi32>
    %add3A_1061 = arith.addi %add3A_1060, %shift_left3A_2 : vector<16xi32>
    %add3A_1062 = arith.addi %add3A_1061, %add3A_1058 : vector<16xi32>
    %gather3A_1063 = tpu.vector_load_idx %arg6[%add3A_1062] : memref<65536xi32, #tpu.memory_space<vmem>>[vector<16xi32>], vector<16xi32>,
    %shift_right_arithmetic3A_1064 = arith.constant 14 : i32
    %shift_right_arithmetic3A_1065 = vector.broadcast %shift_right_arithmetic3A_1064 : i32 to vector<16xi32>
    %shift_right_arithmetic3A_1066 = arith.shrsi %gather3A_1063, %shift_right_arithmetic3A_1065 : vector<16xi32>
    %and3A_1067 = arith.constant 3 : i32
    %and3A_1068 = vector.broadcast %and3A_1067 : i32 to vector<16xi32>
    %and3A_1069 = arith.andi %shift_right_arithmetic3A_1066, %and3A_1068 : vector<16xi32>
    %shift_left3A_1070 = arith.constant 10 : i32
    %shift_left3A_1071 = vector.broadcast %shift_left3A_1070 : i32 to vector<16xi32>
    %shift_left3A_1072 = arith.shli %and3A_1069, %shift_left3A_1071 : vector<16xi32>
    %add3A_1073 = arith.addi %add3A_1058, %shift_left3A_1072 : vector<16xi32>
    %gather3A_1074 = tpu.vector_load_idx %arg8[%add3A_1073] : memref<4096xf32, #tpu.memory_space<vmem>>[vector<16xi32>], vector<16xf32>,
    %add3A_1075 = arith.constant 23 : i32
    %add3A_1076 = vector.broadcast %add3A_1075 : i32 to vector<16xi32>
    %add3A_1077 = arith.addi %mul3A_5, %add3A_1076 : vector<16xi32>
    tpu.vector_store_idx %arg9[%add3A_1077], %gather3A_1074 : memref<1024xf32, #tpu.memory_space<vmem>>[vector<16xi32>], vector<16xf32>,
    %shift_right_arithmetic3A_1078 = arith.constant 2 : i32
    %shift_right_arithmetic3A_1079 = vector.broadcast %shift_right_arithmetic3A_1078 : i32 to vector<16xi32>
    %shift_right_arithmetic3A_1080 = arith.shrsi %add3A_1058, %shift_right_arithmetic3A_1079 : vector<16xi32>
    %shift_left3A_1081 = arith.constant 8 : i32
    %shift_left3A_1082 = vector.broadcast %shift_left3A_1081 : i32 to vector<16xi32>
    %shift_left3A_1083 = arith.shli %and3A_1069, %shift_left3A_1082 : vector<16xi32>
    %add3A_1084 = arith.addi %shift_right_arithmetic3A_1080, %shift_left3A_1083 : vector<16xi32>
    %add3A_1085 = arith.constant 16384 : i32
    %add3A_1086 = vector.broadcast %add3A_1085 : i32 to vector<16xi32>
    %add3A_1087 = arith.addi %add3A_1086, %shift_left3A_2 : vector<16xi32>
    %add3A_1088 = arith.addi %add3A_1087, %add3A_1084 : vector<16xi32>
    %gather3A_1089 = tpu.vector_load_idx %arg6[%add3A_1088] : memref<65536xi32, #tpu.memory_space<vmem>>[vector<16xi32>], vector<16xi32>,
    %shift_right_arithmetic3A_1090 = arith.constant 12 : i32
    %shift_right_arithmetic3A_1091 = vector.broadcast %shift_right_arithmetic3A_1090 : i32 to vector<16xi32>
    %shift_right_arithmetic3A_1092 = arith.shrsi %gather3A_1089, %shift_right_arithmetic3A_1091 : vector<16xi32>
    %and3A_1093 = arith.constant 3 : i32
    %and3A_1094 = vector.broadcast %and3A_1093 : i32 to vector<16xi32>
    %and3A_1095 = arith.andi %shift_right_arithmetic3A_1092, %and3A_1094 : vector<16xi32>
    %shift_left3A_1096 = arith.constant 10 : i32
    %shift_left3A_1097 = vector.broadcast %shift_left3A_1096 : i32 to vector<16xi32>
    %shift_left3A_1098 = arith.shli %and3A_1095, %shift_left3A_1097 : vector<16xi32>
    %add3A_1099 = arith.addi %add3A_1084, %shift_left3A_1098 : vector<16xi32>
    %gather3A_1100 = tpu.vector_load_idx %arg8[%add3A_1099] : memref<4096xf32, #tpu.memory_space<vmem>>[vector<16xi32>], vector<16xf32>,
    %add3A_1101 = arith.constant 22 : i32
    %add3A_1102 = vector.broadcast %add3A_1101 : i32 to vector<16xi32>
    %add3A_1103 = arith.addi %mul3A_5, %add3A_1102 : vector<16xi32>
    tpu.vector_store_idx %arg9[%add3A_1103], %gather3A_1100 : memref<1024xf32, #tpu.memory_space<vmem>>[vector<16xi32>], vector<16xf32>,
    %shift_right_arithmetic3A_1104 = arith.constant 2 : i32
    %shift_right_arithmetic3A_1105 = vector.broadcast %shift_right_arithmetic3A_1104 : i32 to vector<16xi32>
    %shift_right_arithmetic3A_1106 = arith.shrsi %add3A_1084, %shift_right_arithmetic3A_1105 : vector<16xi32>
    %shift_left3A_1107 = arith.constant 8 : i32
    %shift_left3A_1108 = vector.broadcast %shift_left3A_1107 : i32 to vector<16xi32>
    %shift_left3A_1109 = arith.shli %and3A_1095, %shift_left3A_1108 : vector<16xi32>
    %add3A_1110 = arith.addi %shift_right_arithmetic3A_1106, %shift_left3A_1109 : vector<16xi32>
    %add3A_1111 = arith.constant 16384 : i32
    %add3A_1112 = vector.broadcast %add3A_1111 : i32 to vector<16xi32>
    %add3A_1113 = arith.addi %add3A_1112, %shift_left3A_2 : vector<16xi32>
    %add3A_1114 = arith.addi %add3A_1113, %add3A_1110 : vector<16xi32>
    %gather3A_1115 = tpu.vector_load_idx %arg6[%add3A_1114] : memref<65536xi32, #tpu.memory_space<vmem>>[vector<16xi32>], vector<16xi32>,
    %shift_right_arithmetic3A_1116 = arith.constant 10 : i32
    %shift_right_arithmetic3A_1117 = vector.broadcast %shift_right_arithmetic3A_1116 : i32 to vector<16xi32>
    %shift_right_arithmetic3A_1118 = arith.shrsi %gather3A_1115, %shift_right_arithmetic3A_1117 : vector<16xi32>
    %and3A_1119 = arith.constant 3 : i32
    %and3A_1120 = vector.broadcast %and3A_1119 : i32 to vector<16xi32>
    %and3A_1121 = arith.andi %shift_right_arithmetic3A_1118, %and3A_1120 : vector<16xi32>
    %shift_left3A_1122 = arith.constant 10 : i32
    %shift_left3A_1123 = vector.broadcast %shift_left3A_1122 : i32 to vector<16xi32>
    %shift_left3A_1124 = arith.shli %and3A_1121, %shift_left3A_1123 : vector<16xi32>
    %add3A_1125 = arith.addi %add3A_1110, %shift_left3A_1124 : vector<16xi32>
    %gather3A_1126 = tpu.vector_load_idx %arg8[%add3A_1125] : memref<4096xf32, #tpu.memory_space<vmem>>[vector<16xi32>], vector<16xf32>,
    %add3A_1127 = arith.constant 21 : i32
    %add3A_1128 = vector.broadcast %add3A_1127 : i32 to vector<16xi32>
    %add3A_1129 = arith.addi %mul3A_5, %add3A_1128 : vector<16xi32>
    tpu.vector_store_idx %arg9[%add3A_1129], %gather3A_1126 : memref<1024xf32, #tpu.memory_space<vmem>>[vector<16xi32>], vector<16xf32>,
    %shift_right_arithmetic3A_1130 = arith.constant 2 : i32
    %shift_right_arithmetic3A_1131 = vector.broadcast %shift_right_arithmetic3A_1130 : i32 to vector<16xi32>
    %shift_right_arithmetic3A_1132 = arith.shrsi %add3A_1110, %shift_right_arithmetic3A_1131 : vector<16xi32>
    %shift_left3A_1133 = arith.constant 8 : i32
    %shift_left3A_1134 = vector.broadcast %shift_left3A_1133 : i32 to vector<16xi32>
    %shift_left3A_1135 = arith.shli %and3A_1121, %shift_left3A_1134 : vector<16xi32>
    %add3A_1136 = arith.addi %shift_right_arithmetic3A_1132, %shift_left3A_1135 : vector<16xi32>
    %add3A_1137 = arith.constant 16384 : i32
    %add3A_1138 = vector.broadcast %add3A_1137 : i32 to vector<16xi32>
    %add3A_1139 = arith.addi %add3A_1138, %shift_left3A_2 : vector<16xi32>
    %add3A_1140 = arith.addi %add3A_1139, %add3A_1136 : vector<16xi32>
    %gather3A_1141 = tpu.vector_load_idx %arg6[%add3A_1140] : memref<65536xi32, #tpu.memory_space<vmem>>[vector<16xi32>], vector<16xi32>,
    %shift_right_arithmetic3A_1142 = arith.constant 8 : i32
    %shift_right_arithmetic3A_1143 = vector.broadcast %shift_right_arithmetic3A_1142 : i32 to vector<16xi32>
    %shift_right_arithmetic3A_1144 = arith.shrsi %gather3A_1141, %shift_right_arithmetic3A_1143 : vector<16xi32>
    %and3A_1145 = arith.constant 3 : i32
    %and3A_1146 = vector.broadcast %and3A_1145 : i32 to vector<16xi32>
    %and3A_1147 = arith.andi %shift_right_arithmetic3A_1144, %and3A_1146 : vector<16xi32>
    %shift_left3A_1148 = arith.constant 10 : i32
    %shift_left3A_1149 = vector.broadcast %shift_left3A_1148 : i32 to vector<16xi32>
    %shift_left3A_1150 = arith.shli %and3A_1147, %shift_left3A_1149 : vector<16xi32>
    %add3A_1151 = arith.addi %add3A_1136, %shift_left3A_1150 : vector<16xi32>
    %gather3A_1152 = tpu.vector_load_idx %arg8[%add3A_1151] : memref<4096xf32, #tpu.memory_space<vmem>>[vector<16xi32>], vector<16xf32>,
    %add3A_1153 = arith.constant 20 : i32
    %add3A_1154 = vector.broadcast %add3A_1153 : i32 to vector<16xi32>
    %add3A_1155 = arith.addi %mul3A_5, %add3A_1154 : vector<16xi32>
    tpu.vector_store_idx %arg9[%add3A_1155], %gather3A_1152 : memref<1024xf32, #tpu.memory_space<vmem>>[vector<16xi32>], vector<16xf32>,
    %shift_right_arithmetic3A_1156 = arith.constant 2 : i32
    %shift_right_arithmetic3A_1157 = vector.broadcast %shift_right_arithmetic3A_1156 : i32 to vector<16xi32>
    %shift_right_arithmetic3A_1158 = arith.shrsi %add3A_1136, %shift_right_arithmetic3A_1157 : vector<16xi32>
    %shift_left3A_1159 = arith.constant 8 : i32
    %shift_left3A_1160 = vector.broadcast %shift_left3A_1159 : i32 to vector<16xi32>
    %shift_left3A_1161 = arith.shli %and3A_1147, %shift_left3A_1160 : vector<16xi32>
    %add3A_1162 = arith.addi %shift_right_arithmetic3A_1158, %shift_left3A_1161 : vector<16xi32>
    %add3A_1163 = arith.constant 16384 : i32
    %add3A_1164 = vector.broadcast %add3A_1163 : i32 to vector<16xi32>
    %add3A_1165 = arith.addi %add3A_1164, %shift_left3A_2 : vector<16xi32>
    %add3A_1166 = arith.addi %add3A_1165, %add3A_1162 : vector<16xi32>
    %gather3A_1167 = tpu.vector_load_idx %arg6[%add3A_1166] : memref<65536xi32, #tpu.memory_space<vmem>>[vector<16xi32>], vector<16xi32>,
    %shift_right_arithmetic3A_1168 = arith.constant 6 : i32
    %shift_right_arithmetic3A_1169 = vector.broadcast %shift_right_arithmetic3A_1168 : i32 to vector<16xi32>
    %shift_right_arithmetic3A_1170 = arith.shrsi %gather3A_1167, %shift_right_arithmetic3A_1169 : vector<16xi32>
    %and3A_1171 = arith.constant 3 : i32
    %and3A_1172 = vector.broadcast %and3A_1171 : i32 to vector<16xi32>
    %and3A_1173 = arith.andi %shift_right_arithmetic3A_1170, %and3A_1172 : vector<16xi32>
    %shift_left3A_1174 = arith.constant 10 : i32
    %shift_left3A_1175 = vector.broadcast %shift_left3A_1174 : i32 to vector<16xi32>
    %shift_left3A_1176 = arith.shli %and3A_1173, %shift_left3A_1175 : vector<16xi32>
    %add3A_1177 = arith.addi %add3A_1162, %shift_left3A_1176 : vector<16xi32>
    %gather3A_1178 = tpu.vector_load_idx %arg8[%add3A_1177] : memref<4096xf32, #tpu.memory_space<vmem>>[vector<16xi32>], vector<16xf32>,
    %add3A_1179 = arith.constant 19 : i32
    %add3A_1180 = vector.broadcast %add3A_1179 : i32 to vector<16xi32>
    %add3A_1181 = arith.addi %mul3A_5, %add3A_1180 : vector<16xi32>
    tpu.vector_store_idx %arg9[%add3A_1181], %gather3A_1178 : memref<1024xf32, #tpu.memory_space<vmem>>[vector<16xi32>], vector<16xf32>,
    %shift_right_arithmetic3A_1182 = arith.constant 2 : i32
    %shift_right_arithmetic3A_1183 = vector.broadcast %shift_right_arithmetic3A_1182 : i32 to vector<16xi32>
    %shift_right_arithmetic3A_1184 = arith.shrsi %add3A_1162, %shift_right_arithmetic3A_1183 : vector<16xi32>
    %shift_left3A_1185 = arith.constant 8 : i32
    %shift_left3A_1186 = vector.broadcast %shift_left3A_1185 : i32 to vector<16xi32>
    %shift_left3A_1187 = arith.shli %and3A_1173, %shift_left3A_1186 : vector<16xi32>
    %add3A_1188 = arith.addi %shift_right_arithmetic3A_1184, %shift_left3A_1187 : vector<16xi32>
    %add3A_1189 = arith.constant 16384 : i32
    %add3A_1190 = vector.broadcast %add3A_1189 : i32 to vector<16xi32>
    %add3A_1191 = arith.addi %add3A_1190, %shift_left3A_2 : vector<16xi32>
    %add3A_1192 = arith.addi %add3A_1191, %add3A_1188 : vector<16xi32>
    %gather3A_1193 = tpu.vector_load_idx %arg6[%add3A_1192] : memref<65536xi32, #tpu.memory_space<vmem>>[vector<16xi32>], vector<16xi32>,
    %shift_right_arithmetic3A_1194 = arith.constant 4 : i32
    %shift_right_arithmetic3A_1195 = vector.broadcast %shift_right_arithmetic3A_1194 : i32 to vector<16xi32>
    %shift_right_arithmetic3A_1196 = arith.shrsi %gather3A_1193, %shift_right_arithmetic3A_1195 : vector<16xi32>
    %and3A_1197 = arith.constant 3 : i32
    %and3A_1198 = vector.broadcast %and3A_1197 : i32 to vector<16xi32>
    %and3A_1199 = arith.andi %shift_right_arithmetic3A_1196, %and3A_1198 : vector<16xi32>
    %shift_left3A_1200 = arith.constant 10 : i32
    %shift_left3A_1201 = vector.broadcast %shift_left3A_1200 : i32 to vector<16xi32>
    %shift_left3A_1202 = arith.shli %and3A_1199, %shift_left3A_1201 : vector<16xi32>
    %add3A_1203 = arith.addi %add3A_1188, %shift_left3A_1202 : vector<16xi32>
    %gather3A_1204 = tpu.vector_load_idx %arg8[%add3A_1203] : memref<4096xf32, #tpu.memory_space<vmem>>[vector<16xi32>], vector<16xf32>,
    %add3A_1205 = arith.constant 18 : i32
    %add3A_1206 = vector.broadcast %add3A_1205 : i32 to vector<16xi32>
    %add3A_1207 = arith.addi %mul3A_5, %add3A_1206 : vector<16xi32>
    tpu.vector_store_idx %arg9[%add3A_1207], %gather3A_1204 : memref<1024xf32, #tpu.memory_space<vmem>>[vector<16xi32>], vector<16xf32>,
    %shift_right_arithmetic3A_1208 = arith.constant 2 : i32
    %shift_right_arithmetic3A_1209 = vector.broadcast %shift_right_arithmetic3A_1208 : i32 to vector<16xi32>
    %shift_right_arithmetic3A_1210 = arith.shrsi %add3A_1188, %shift_right_arithmetic3A_1209 : vector<16xi32>
    %shift_left3A_1211 = arith.constant 8 : i32
    %shift_left3A_1212 = vector.broadcast %shift_left3A_1211 : i32 to vector<16xi32>
    %shift_left3A_1213 = arith.shli %and3A_1199, %shift_left3A_1212 : vector<16xi32>
    %add3A_1214 = arith.addi %shift_right_arithmetic3A_1210, %shift_left3A_1213 : vector<16xi32>
    %add3A_1215 = arith.constant 16384 : i32
    %add3A_1216 = vector.broadcast %add3A_1215 : i32 to vector<16xi32>
    %add3A_1217 = arith.addi %add3A_1216, %shift_left3A_2 : vector<16xi32>
    %add3A_1218 = arith.addi %add3A_1217, %add3A_1214 : vector<16xi32>
    %gather3A_1219 = tpu.vector_load_idx %arg6[%add3A_1218] : memref<65536xi32, #tpu.memory_space<vmem>>[vector<16xi32>], vector<16xi32>,
    %shift_right_arithmetic3A_1220 = arith.constant 2 : i32
    %shift_right_arithmetic3A_1221 = vector.broadcast %shift_right_arithmetic3A_1220 : i32 to vector<16xi32>
    %shift_right_arithmetic3A_1222 = arith.shrsi %gather3A_1219, %shift_right_arithmetic3A_1221 : vector<16xi32>
    %and3A_1223 = arith.constant 3 : i32
    %and3A_1224 = vector.broadcast %and3A_1223 : i32 to vector<16xi32>
    %and3A_1225 = arith.andi %shift_right_arithmetic3A_1222, %and3A_1224 : vector<16xi32>
    %shift_left3A_1226 = arith.constant 10 : i32
    %shift_left3A_1227 = vector.broadcast %shift_left3A_1226 : i32 to vector<16xi32>
    %shift_left3A_1228 = arith.shli %and3A_1225, %shift_left3A_1227 : vector<16xi32>
    %add3A_1229 = arith.addi %add3A_1214, %shift_left3A_1228 : vector<16xi32>
    %gather3A_1230 = tpu.vector_load_idx %arg8[%add3A_1229] : memref<4096xf32, #tpu.memory_space<vmem>>[vector<16xi32>], vector<16xf32>,
    %add3A_1231 = arith.constant 17 : i32
    %add3A_1232 = vector.broadcast %add3A_1231 : i32 to vector<16xi32>
    %add3A_1233 = arith.addi %mul3A_5, %add3A_1232 : vector<16xi32>
    tpu.vector_store_idx %arg9[%add3A_1233], %gather3A_1230 : memref<1024xf32, #tpu.memory_space<vmem>>[vector<16xi32>], vector<16xf32>,
    %shift_right_arithmetic3A_1234 = arith.constant 2 : i32
    %shift_right_arithmetic3A_1235 = vector.broadcast %shift_right_arithmetic3A_1234 : i32 to vector<16xi32>
    %shift_right_arithmetic3A_1236 = arith.shrsi %add3A_1214, %shift_right_arithmetic3A_1235 : vector<16xi32>
    %shift_left3A_1237 = arith.constant 8 : i32
    %shift_left3A_1238 = vector.broadcast %shift_left3A_1237 : i32 to vector<16xi32>
    %shift_left3A_1239 = arith.shli %and3A_1225, %shift_left3A_1238 : vector<16xi32>
    %add3A_1240 = arith.addi %shift_right_arithmetic3A_1236, %shift_left3A_1239 : vector<16xi32>
    %add3A_1241 = arith.constant 16384 : i32
    %add3A_1242 = vector.broadcast %add3A_1241 : i32 to vector<16xi32>
    %add3A_1243 = arith.addi %add3A_1242, %shift_left3A_2 : vector<16xi32>
    %add3A_1244 = arith.addi %add3A_1243, %add3A_1240 : vector<16xi32>
    %gather3A_1245 = tpu.vector_load_idx %arg6[%add3A_1244] : memref<65536xi32, #tpu.memory_space<vmem>>[vector<16xi32>], vector<16xi32>,
    %shift_right_arithmetic3A_1246 = arith.constant 0 : i32
    %shift_right_arithmetic3A_1247 = vector.broadcast %shift_right_arithmetic3A_1246 : i32 to vector<16xi32>
    %shift_right_arithmetic3A_1248 = arith.shrsi %gather3A_1245, %shift_right_arithmetic3A_1247 : vector<16xi32>
    %and3A_1249 = arith.constant 3 : i32
    %and3A_1250 = vector.broadcast %and3A_1249 : i32 to vector<16xi32>
    %and3A_1251 = arith.andi %shift_right_arithmetic3A_1248, %and3A_1250 : vector<16xi32>
    %shift_left3A_1252 = arith.constant 10 : i32
    %shift_left3A_1253 = vector.broadcast %shift_left3A_1252 : i32 to vector<16xi32>
    %shift_left3A_1254 = arith.shli %and3A_1251, %shift_left3A_1253 : vector<16xi32>
    %add3A_1255 = arith.addi %add3A_1240, %shift_left3A_1254 : vector<16xi32>
    %gather3A_1256 = tpu.vector_load_idx %arg8[%add3A_1255] : memref<4096xf32, #tpu.memory_space<vmem>>[vector<16xi32>], vector<16xf32>,
    %add3A_1257 = arith.constant 16 : i32
    %add3A_1258 = vector.broadcast %add3A_1257 : i32 to vector<16xi32>
    %add3A_1259 = arith.addi %mul3A_5, %add3A_1258 : vector<16xi32>
    tpu.vector_store_idx %arg9[%add3A_1259], %gather3A_1256 : memref<1024xf32, #tpu.memory_space<vmem>>[vector<16xi32>], vector<16xf32>,
    %shift_right_arithmetic3A_1260 = arith.constant 2 : i32
    %shift_right_arithmetic3A_1261 = vector.broadcast %shift_right_arithmetic3A_1260 : i32 to vector<16xi32>
    %shift_right_arithmetic3A_1262 = arith.shrsi %add3A_1240, %shift_right_arithmetic3A_1261 : vector<16xi32>
    %shift_left3A_1263 = arith.constant 8 : i32
    %shift_left3A_1264 = vector.broadcast %shift_left3A_1263 : i32 to vector<16xi32>
    %shift_left3A_1265 = arith.shli %and3A_1251, %shift_left3A_1264 : vector<16xi32>
    %add3A_1266 = arith.addi %shift_right_arithmetic3A_1262, %shift_left3A_1265 : vector<16xi32>
    %add3A_1267 = arith.constant 0 : i32
    %add3A_1268 = vector.broadcast %add3A_1267 : i32 to vector<16xi32>
    %add3A_1269 = arith.addi %add3A_1268, %shift_left3A_2 : vector<16xi32>
    %add3A_1270 = arith.addi %add3A_1269, %add3A_1266 : vector<16xi32>
    %gather3A_1271 = tpu.vector_load_idx %arg6[%add3A_1270] : memref<65536xi32, #tpu.memory_space<vmem>>[vector<16xi32>], vector<16xi32>,
    %shift_right_arithmetic3A_1272 = arith.constant 30 : i32
    %shift_right_arithmetic3A_1273 = vector.broadcast %shift_right_arithmetic3A_1272 : i32 to vector<16xi32>
    %shift_right_arithmetic3A_1274 = arith.shrsi %gather3A_1271, %shift_right_arithmetic3A_1273 : vector<16xi32>
    %and3A_1275 = arith.constant 3 : i32
    %and3A_1276 = vector.broadcast %and3A_1275 : i32 to vector<16xi32>
    %and3A_1277 = arith.andi %shift_right_arithmetic3A_1274, %and3A_1276 : vector<16xi32>
    %shift_left3A_1278 = arith.constant 10 : i32
    %shift_left3A_1279 = vector.broadcast %shift_left3A_1278 : i32 to vector<16xi32>
    %shift_left3A_1280 = arith.shli %and3A_1277, %shift_left3A_1279 : vector<16xi32>
    %add3A_1281 = arith.addi %add3A_1266, %shift_left3A_1280 : vector<16xi32>
    %gather3A_1282 = tpu.vector_load_idx %arg8[%add3A_1281] : memref<4096xf32, #tpu.memory_space<vmem>>[vector<16xi32>], vector<16xf32>,
    %add3A_1283 = arith.constant 15 : i32
    %add3A_1284 = vector.broadcast %add3A_1283 : i32 to vector<16xi32>
    %add3A_1285 = arith.addi %mul3A_5, %add3A_1284 : vector<16xi32>
    tpu.vector_store_idx %arg9[%add3A_1285], %gather3A_1282 : memref<1024xf32, #tpu.memory_space<vmem>>[vector<16xi32>], vector<16xf32>,
    %shift_right_arithmetic3A_1286 = arith.constant 2 : i32
    %shift_right_arithmetic3A_1287 = vector.broadcast %shift_right_arithmetic3A_1286 : i32 to vector<16xi32>
    %shift_right_arithmetic3A_1288 = arith.shrsi %add3A_1266, %shift_right_arithmetic3A_1287 : vector<16xi32>
    %shift_left3A_1289 = arith.constant 8 : i32
    %shift_left3A_1290 = vector.broadcast %shift_left3A_1289 : i32 to vector<16xi32>
    %shift_left3A_1291 = arith.shli %and3A_1277, %shift_left3A_1290 : vector<16xi32>
    %add3A_1292 = arith.addi %shift_right_arithmetic3A_1288, %shift_left3A_1291 : vector<16xi32>
    %add3A_1293 = arith.constant 0 : i32
    %add3A_1294 = vector.broadcast %add3A_1293 : i32 to vector<16xi32>
    %add3A_1295 = arith.addi %add3A_1294, %shift_left3A_2 : vector<16xi32>
    %add3A_1296 = arith.addi %add3A_1295, %add3A_1292 : vector<16xi32>
    %gather3A_1297 = tpu.vector_load_idx %arg6[%add3A_1296] : memref<65536xi32, #tpu.memory_space<vmem>>[vector<16xi32>], vector<16xi32>,
    %shift_right_arithmetic3A_1298 = arith.constant 28 : i32
    %shift_right_arithmetic3A_1299 = vector.broadcast %shift_right_arithmetic3A_1298 : i32 to vector<16xi32>
    %shift_right_arithmetic3A_1300 = arith.shrsi %gather3A_1297, %shift_right_arithmetic3A_1299 : vector<16xi32>
    %and3A_1301 = arith.constant 3 : i32
    %and3A_1302 = vector.broadcast %and3A_1301 : i32 to vector<16xi32>
    %and3A_1303 = arith.andi %shift_right_arithmetic3A_1300, %and3A_1302 : vector<16xi32>
    %shift_left3A_1304 = arith.constant 10 : i32
    %shift_left3A_1305 = vector.broadcast %shift_left3A_1304 : i32 to vector<16xi32>
    %shift_left3A_1306 = arith.shli %and3A_1303, %shift_left3A_1305 : vector<16xi32>
    %add3A_1307 = arith.addi %add3A_1292, %shift_left3A_1306 : vector<16xi32>
    %gather3A_1308 = tpu.vector_load_idx %arg8[%add3A_1307] : memref<4096xf32, #tpu.memory_space<vmem>>[vector<16xi32>], vector<16xf32>,
    %add3A_1309 = arith.constant 14 : i32
    %add3A_1310 = vector.broadcast %add3A_1309 : i32 to vector<16xi32>
    %add3A_1311 = arith.addi %mul3A_5, %add3A_1310 : vector<16xi32>
    tpu.vector_store_idx %arg9[%add3A_1311], %gather3A_1308 : memref<1024xf32, #tpu.memory_space<vmem>>[vector<16xi32>], vector<16xf32>,
    %shift_right_arithmetic3A_1312 = arith.constant 2 : i32
    %shift_right_arithmetic3A_1313 = vector.broadcast %shift_right_arithmetic3A_1312 : i32 to vector<16xi32>
    %shift_right_arithmetic3A_1314 = arith.shrsi %add3A_1292, %shift_right_arithmetic3A_1313 : vector<16xi32>
    %shift_left3A_1315 = arith.constant 8 : i32
    %shift_left3A_1316 = vector.broadcast %shift_left3A_1315 : i32 to vector<16xi32>
    %shift_left3A_1317 = arith.shli %and3A_1303, %shift_left3A_1316 : vector<16xi32>
    %add3A_1318 = arith.addi %shift_right_arithmetic3A_1314, %shift_left3A_1317 : vector<16xi32>
    %add3A_1319 = arith.constant 0 : i32
    %add3A_1320 = vector.broadcast %add3A_1319 : i32 to vector<16xi32>
    %add3A_1321 = arith.addi %add3A_1320, %shift_left3A_2 : vector<16xi32>
    %add3A_1322 = arith.addi %add3A_1321, %add3A_1318 : vector<16xi32>
    %gather3A_1323 = tpu.vector_load_idx %arg6[%add3A_1322] : memref<65536xi32, #tpu.memory_space<vmem>>[vector<16xi32>], vector<16xi32>,
    %shift_right_arithmetic3A_1324 = arith.constant 26 : i32
    %shift_right_arithmetic3A_1325 = vector.broadcast %shift_right_arithmetic3A_1324 : i32 to vector<16xi32>
    %shift_right_arithmetic3A_1326 = arith.shrsi %gather3A_1323, %shift_right_arithmetic3A_1325 : vector<16xi32>
    %and3A_1327 = arith.constant 3 : i32
    %and3A_1328 = vector.broadcast %and3A_1327 : i32 to vector<16xi32>
    %and3A_1329 = arith.andi %shift_right_arithmetic3A_1326, %and3A_1328 : vector<16xi32>
    %shift_left3A_1330 = arith.constant 10 : i32
    %shift_left3A_1331 = vector.broadcast %shift_left3A_1330 : i32 to vector<16xi32>
    %shift_left3A_1332 = arith.shli %and3A_1329, %shift_left3A_1331 : vector<16xi32>
    %add3A_1333 = arith.addi %add3A_1318, %shift_left3A_1332 : vector<16xi32>
    %gather3A_1334 = tpu.vector_load_idx %arg8[%add3A_1333] : memref<4096xf32, #tpu.memory_space<vmem>>[vector<16xi32>], vector<16xf32>,
    %add3A_1335 = arith.constant 13 : i32
    %add3A_1336 = vector.broadcast %add3A_1335 : i32 to vector<16xi32>
    %add3A_1337 = arith.addi %mul3A_5, %add3A_1336 : vector<16xi32>
    tpu.vector_store_idx %arg9[%add3A_1337], %gather3A_1334 : memref<1024xf32, #tpu.memory_space<vmem>>[vector<16xi32>], vector<16xf32>,
    %shift_right_arithmetic3A_1338 = arith.constant 2 : i32
    %shift_right_arithmetic3A_1339 = vector.broadcast %shift_right_arithmetic3A_1338 : i32 to vector<16xi32>
    %shift_right_arithmetic3A_1340 = arith.shrsi %add3A_1318, %shift_right_arithmetic3A_1339 : vector<16xi32>
    %shift_left3A_1341 = arith.constant 8 : i32
    %shift_left3A_1342 = vector.broadcast %shift_left3A_1341 : i32 to vector<16xi32>
    %shift_left3A_1343 = arith.shli %and3A_1329, %shift_left3A_1342 : vector<16xi32>
    %add3A_1344 = arith.addi %shift_right_arithmetic3A_1340, %shift_left3A_1343 : vector<16xi32>
    %add3A_1345 = arith.constant 0 : i32
    %add3A_1346 = vector.broadcast %add3A_1345 : i32 to vector<16xi32>
    %add3A_1347 = arith.addi %add3A_1346, %shift_left3A_2 : vector<16xi32>
    %add3A_1348 = arith.addi %add3A_1347, %add3A_1344 : vector<16xi32>
    %gather3A_1349 = tpu.vector_load_idx %arg6[%add3A_1348] : memref<65536xi32, #tpu.memory_space<vmem>>[vector<16xi32>], vector<16xi32>,
    %shift_right_arithmetic3A_1350 = arith.constant 24 : i32
    %shift_right_arithmetic3A_1351 = vector.broadcast %shift_right_arithmetic3A_1350 : i32 to vector<16xi32>
    %shift_right_arithmetic3A_1352 = arith.shrsi %gather3A_1349, %shift_right_arithmetic3A_1351 : vector<16xi32>
    %and3A_1353 = arith.constant 3 : i32
    %and3A_1354 = vector.broadcast %and3A_1353 : i32 to vector<16xi32>
    %and3A_1355 = arith.andi %shift_right_arithmetic3A_1352, %and3A_1354 : vector<16xi32>
    %shift_left3A_1356 = arith.constant 10 : i32
    %shift_left3A_1357 = vector.broadcast %shift_left3A_1356 : i32 to vector<16xi32>
    %shift_left3A_1358 = arith.shli %and3A_1355, %shift_left3A_1357 : vector<16xi32>
    %add3A_1359 = arith.addi %add3A_1344, %shift_left3A_1358 : vector<16xi32>
    %gather3A_1360 = tpu.vector_load_idx %arg8[%add3A_1359] : memref<4096xf32, #tpu.memory_space<vmem>>[vector<16xi32>], vector<16xf32>,
    %add3A_1361 = arith.constant 12 : i32
    %add3A_1362 = vector.broadcast %add3A_1361 : i32 to vector<16xi32>
    %add3A_1363 = arith.addi %mul3A_5, %add3A_1362 : vector<16xi32>
    tpu.vector_store_idx %arg9[%add3A_1363], %gather3A_1360 : memref<1024xf32, #tpu.memory_space<vmem>>[vector<16xi32>], vector<16xf32>,
    %shift_right_arithmetic3A_1364 = arith.constant 2 : i32
    %shift_right_arithmetic3A_1365 = vector.broadcast %shift_right_arithmetic3A_1364 : i32 to vector<16xi32>
    %shift_right_arithmetic3A_1366 = arith.shrsi %add3A_1344, %shift_right_arithmetic3A_1365 : vector<16xi32>
    %shift_left3A_1367 = arith.constant 8 : i32
    %shift_left3A_1368 = vector.broadcast %shift_left3A_1367 : i32 to vector<16xi32>
    %shift_left3A_1369 = arith.shli %and3A_1355, %shift_left3A_1368 : vector<16xi32>
    %add3A_1370 = arith.addi %shift_right_arithmetic3A_1366, %shift_left3A_1369 : vector<16xi32>
    %add3A_1371 = arith.constant 0 : i32
    %add3A_1372 = vector.broadcast %add3A_1371 : i32 to vector<16xi32>
    %add3A_1373 = arith.addi %add3A_1372, %shift_left3A_2 : vector<16xi32>
    %add3A_1374 = arith.addi %add3A_1373, %add3A_1370 : vector<16xi32>
    %gather3A_1375 = tpu.vector_load_idx %arg6[%add3A_1374] : memref<65536xi32, #tpu.memory_space<vmem>>[vector<16xi32>], vector<16xi32>,
    %shift_right_arithmetic3A_1376 = arith.constant 22 : i32
    %shift_right_arithmetic3A_1377 = vector.broadcast %shift_right_arithmetic3A_1376 : i32 to vector<16xi32>
    %shift_right_arithmetic3A_1378 = arith.shrsi %gather3A_1375, %shift_right_arithmetic3A_1377 : vector<16xi32>
    %and3A_1379 = arith.constant 3 : i32
    %and3A_1380 = vector.broadcast %and3A_1379 : i32 to vector<16xi32>
    %and3A_1381 = arith.andi %shift_right_arithmetic3A_1378, %and3A_1380 : vector<16xi32>
    %shift_left3A_1382 = arith.constant 10 : i32
    %shift_left3A_1383 = vector.broadcast %shift_left3A_1382 : i32 to vector<16xi32>
    %shift_left3A_1384 = arith.shli %and3A_1381, %shift_left3A_1383 : vector<16xi32>
    %add3A_1385 = arith.addi %add3A_1370, %shift_left3A_1384 : vector<16xi32>
    %gather3A_1386 = tpu.vector_load_idx %arg8[%add3A_1385] : memref<4096xf32, #tpu.memory_space<vmem>>[vector<16xi32>], vector<16xf32>,
    %add3A_1387 = arith.constant 11 : i32
    %add3A_1388 = vector.broadcast %add3A_1387 : i32 to vector<16xi32>
    %add3A_1389 = arith.addi %mul3A_5, %add3A_1388 : vector<16xi32>
    tpu.vector_store_idx %arg9[%add3A_1389], %gather3A_1386 : memref<1024xf32, #tpu.memory_space<vmem>>[vector<16xi32>], vector<16xf32>,
    %shift_right_arithmetic3A_1390 = arith.constant 2 : i32
    %shift_right_arithmetic3A_1391 = vector.broadcast %shift_right_arithmetic3A_1390 : i32 to vector<16xi32>
    %shift_right_arithmetic3A_1392 = arith.shrsi %add3A_1370, %shift_right_arithmetic3A_1391 : vector<16xi32>
    %shift_left3A_1393 = arith.constant 8 : i32
    %shift_left3A_1394 = vector.broadcast %shift_left3A_1393 : i32 to vector<16xi32>
    %shift_left3A_1395 = arith.shli %and3A_1381, %shift_left3A_1394 : vector<16xi32>
    %add3A_1396 = arith.addi %shift_right_arithmetic3A_1392, %shift_left3A_1395 : vector<16xi32>
    %add3A_1397 = arith.constant 0 : i32
    %add3A_1398 = vector.broadcast %add3A_1397 : i32 to vector<16xi32>
    %add3A_1399 = arith.addi %add3A_1398, %shift_left3A_2 : vector<16xi32>
    %add3A_1400 = arith.addi %add3A_1399, %add3A_1396 : vector<16xi32>
    %gather3A_1401 = tpu.vector_load_idx %arg6[%add3A_1400] : memref<65536xi32, #tpu.memory_space<vmem>>[vector<16xi32>], vector<16xi32>,
    %shift_right_arithmetic3A_1402 = arith.constant 20 : i32
    %shift_right_arithmetic3A_1403 = vector.broadcast %shift_right_arithmetic3A_1402 : i32 to vector<16xi32>
    %shift_right_arithmetic3A_1404 = arith.shrsi %gather3A_1401, %shift_right_arithmetic3A_1403 : vector<16xi32>
    %and3A_1405 = arith.constant 3 : i32
    %and3A_1406 = vector.broadcast %and3A_1405 : i32 to vector<16xi32>
    %and3A_1407 = arith.andi %shift_right_arithmetic3A_1404, %and3A_1406 : vector<16xi32>
    %shift_left3A_1408 = arith.constant 10 : i32
    %shift_left3A_1409 = vector.broadcast %shift_left3A_1408 : i32 to vector<16xi32>
    %shift_left3A_1410 = arith.shli %and3A_1407, %shift_left3A_1409 : vector<16xi32>
    %add3A_1411 = arith.addi %add3A_1396, %shift_left3A_1410 : vector<16xi32>
    %gather3A_1412 = tpu.vector_load_idx %arg8[%add3A_1411] : memref<4096xf32, #tpu.memory_space<vmem>>[vector<16xi32>], vector<16xf32>,
    %add3A_1413 = arith.constant 10 : i32
    %add3A_1414 = vector.broadcast %add3A_1413 : i32 to vector<16xi32>
    %add3A_1415 = arith.addi %mul3A_5, %add3A_1414 : vector<16xi32>
    tpu.vector_store_idx %arg9[%add3A_1415], %gather3A_1412 : memref<1024xf32, #tpu.memory_space<vmem>>[vector<16xi32>], vector<16xf32>,
    %shift_right_arithmetic3A_1416 = arith.constant 2 : i32
    %shift_right_arithmetic3A_1417 = vector.broadcast %shift_right_arithmetic3A_1416 : i32 to vector<16xi32>
    %shift_right_arithmetic3A_1418 = arith.shrsi %add3A_1396, %shift_right_arithmetic3A_1417 : vector<16xi32>
    %shift_left3A_1419 = arith.constant 8 : i32
    %shift_left3A_1420 = vector.broadcast %shift_left3A_1419 : i32 to vector<16xi32>
    %shift_left3A_1421 = arith.shli %and3A_1407, %shift_left3A_1420 : vector<16xi32>
    %add3A_1422 = arith.addi %shift_right_arithmetic3A_1418, %shift_left3A_1421 : vector<16xi32>
    %add3A_1423 = arith.constant 0 : i32
    %add3A_1424 = vector.broadcast %add3A_1423 : i32 to vector<16xi32>
    %add3A_1425 = arith.addi %add3A_1424, %shift_left3A_2 : vector<16xi32>
    %add3A_1426 = arith.addi %add3A_1425, %add3A_1422 : vector<16xi32>
    %gather3A_1427 = tpu.vector_load_idx %arg6[%add3A_1426] : memref<65536xi32, #tpu.memory_space<vmem>>[vector<16xi32>], vector<16xi32>,
    %shift_right_arithmetic3A_1428 = arith.constant 18 : i32
    %shift_right_arithmetic3A_1429 = vector.broadcast %shift_right_arithmetic3A_1428 : i32 to vector<16xi32>
    %shift_right_arithmetic3A_1430 = arith.shrsi %gather3A_1427, %shift_right_arithmetic3A_1429 : vector<16xi32>
    %and3A_1431 = arith.constant 3 : i32
    %and3A_1432 = vector.broadcast %and3A_1431 : i32 to vector<16xi32>
    %and3A_1433 = arith.andi %shift_right_arithmetic3A_1430, %and3A_1432 : vector<16xi32>
    %shift_left3A_1434 = arith.constant 10 : i32
    %shift_left3A_1435 = vector.broadcast %shift_left3A_1434 : i32 to vector<16xi32>
    %shift_left3A_1436 = arith.shli %and3A_1433, %shift_left3A_1435 : vector<16xi32>
    %add3A_1437 = arith.addi %add3A_1422, %shift_left3A_1436 : vector<16xi32>
    %gather3A_1438 = tpu.vector_load_idx %arg8[%add3A_1437] : memref<4096xf32, #tpu.memory_space<vmem>>[vector<16xi32>], vector<16xf32>,
    %add3A_1439 = arith.constant 9 : i32
    %add3A_1440 = vector.broadcast %add3A_1439 : i32 to vector<16xi32>
    %add3A_1441 = arith.addi %mul3A_5, %add3A_1440 : vector<16xi32>
    tpu.vector_store_idx %arg9[%add3A_1441], %gather3A_1438 : memref<1024xf32, #tpu.memory_space<vmem>>[vector<16xi32>], vector<16xf32>,
    %shift_right_arithmetic3A_1442 = arith.constant 2 : i32
    %shift_right_arithmetic3A_1443 = vector.broadcast %shift_right_arithmetic3A_1442 : i32 to vector<16xi32>
    %shift_right_arithmetic3A_1444 = arith.shrsi %add3A_1422, %shift_right_arithmetic3A_1443 : vector<16xi32>
    %shift_left3A_1445 = arith.constant 8 : i32
    %shift_left3A_1446 = vector.broadcast %shift_left3A_1445 : i32 to vector<16xi32>
    %shift_left3A_1447 = arith.shli %and3A_1433, %shift_left3A_1446 : vector<16xi32>
    %add3A_1448 = arith.addi %shift_right_arithmetic3A_1444, %shift_left3A_1447 : vector<16xi32>
    %add3A_1449 = arith.constant 0 : i32
    %add3A_1450 = vector.broadcast %add3A_1449 : i32 to vector<16xi32>
    %add3A_1451 = arith.addi %add3A_1450, %shift_left3A_2 : vector<16xi32>
    %add3A_1452 = arith.addi %add3A_1451, %add3A_1448 : vector<16xi32>
    %gather3A_1453 = tpu.vector_load_idx %arg6[%add3A_1452] : memref<65536xi32, #tpu.memory_space<vmem>>[vector<16xi32>], vector<16xi32>,
    %shift_right_arithmetic3A_1454 = arith.constant 16 : i32
    %shift_right_arithmetic3A_1455 = vector.broadcast %shift_right_arithmetic3A_1454 : i32 to vector<16xi32>
    %shift_right_arithmetic3A_1456 = arith.shrsi %gather3A_1453, %shift_right_arithmetic3A_1455 : vector<16xi32>
    %and3A_1457 = arith.constant 3 : i32
    %and3A_1458 = vector.broadcast %and3A_1457 : i32 to vector<16xi32>
    %and3A_1459 = arith.andi %shift_right_arithmetic3A_1456, %and3A_1458 : vector<16xi32>
    %shift_left3A_1460 = arith.constant 10 : i32
    %shift_left3A_1461 = vector.broadcast %shift_left3A_1460 : i32 to vector<16xi32>
    %shift_left3A_1462 = arith.shli %and3A_1459, %shift_left3A_1461 : vector<16xi32>
    %add3A_1463 = arith.addi %add3A_1448, %shift_left3A_1462 : vector<16xi32>
    %gather3A_1464 = tpu.vector_load_idx %arg8[%add3A_1463] : memref<4096xf32, #tpu.memory_space<vmem>>[vector<16xi32>], vector<16xf32>,
    %add3A_1465 = arith.constant 8 : i32
    %add3A_1466 = vector.broadcast %add3A_1465 : i32 to vector<16xi32>
    %add3A_1467 = arith.addi %mul3A_5, %add3A_1466 : vector<16xi32>
    tpu.vector_store_idx %arg9[%add3A_1467], %gather3A_1464 : memref<1024xf32, #tpu.memory_space<vmem>>[vector<16xi32>], vector<16xf32>,
    %shift_right_arithmetic3A_1468 = arith.constant 2 : i32
    %shift_right_arithmetic3A_1469 = vector.broadcast %shift_right_arithmetic3A_1468 : i32 to vector<16xi32>
    %shift_right_arithmetic3A_1470 = arith.shrsi %add3A_1448, %shift_right_arithmetic3A_1469 : vector<16xi32>
    %shift_left3A_1471 = arith.constant 8 : i32
    %shift_left3A_1472 = vector.broadcast %shift_left3A_1471 : i32 to vector<16xi32>
    %shift_left3A_1473 = arith.shli %and3A_1459, %shift_left3A_1472 : vector<16xi32>
    %add3A_1474 = arith.addi %shift_right_arithmetic3A_1470, %shift_left3A_1473 : vector<16xi32>
    %add3A_1475 = arith.constant 0 : i32
    %add3A_1476 = vector.broadcast %add3A_1475 : i32 to vector<16xi32>
    %add3A_1477 = arith.addi %add3A_1476, %shift_left3A_2 : vector<16xi32>
    %add3A_1478 = arith.addi %add3A_1477, %add3A_1474 : vector<16xi32>
    %gather3A_1479 = tpu.vector_load_idx %arg6[%add3A_1478] : memref<65536xi32, #tpu.memory_space<vmem>>[vector<16xi32>], vector<16xi32>,
    %shift_right_arithmetic3A_1480 = arith.constant 14 : i32
    %shift_right_arithmetic3A_1481 = vector.broadcast %shift_right_arithmetic3A_1480 : i32 to vector<16xi32>
    %shift_right_arithmetic3A_1482 = arith.shrsi %gather3A_1479, %shift_right_arithmetic3A_1481 : vector<16xi32>
    %and3A_1483 = arith.constant 3 : i32
    %and3A_1484 = vector.broadcast %and3A_1483 : i32 to vector<16xi32>
    %and3A_1485 = arith.andi %shift_right_arithmetic3A_1482, %and3A_1484 : vector<16xi32>
    %shift_left3A_1486 = arith.constant 10 : i32
    %shift_left3A_1487 = vector.broadcast %shift_left3A_1486 : i32 to vector<16xi32>
    %shift_left3A_1488 = arith.shli %and3A_1485, %shift_left3A_1487 : vector<16xi32>
    %add3A_1489 = arith.addi %add3A_1474, %shift_left3A_1488 : vector<16xi32>
    %gather3A_1490 = tpu.vector_load_idx %arg8[%add3A_1489] : memref<4096xf32, #tpu.memory_space<vmem>>[vector<16xi32>], vector<16xf32>,
    %add3A_1491 = arith.constant 7 : i32
    %add3A_1492 = vector.broadcast %add3A_1491 : i32 to vector<16xi32>
    %add3A_1493 = arith.addi %mul3A_5, %add3A_1492 : vector<16xi32>
    tpu.vector_store_idx %arg9[%add3A_1493], %gather3A_1490 : memref<1024xf32, #tpu.memory_space<vmem>>[vector<16xi32>], vector<16xf32>,
    %shift_right_arithmetic3A_1494 = arith.constant 2 : i32
    %shift_right_arithmetic3A_1495 = vector.broadcast %shift_right_arithmetic3A_1494 : i32 to vector<16xi32>
    %shift_right_arithmetic3A_1496 = arith.shrsi %add3A_1474, %shift_right_arithmetic3A_1495 : vector<16xi32>
    %shift_left3A_1497 = arith.constant 8 : i32
    %shift_left3A_1498 = vector.broadcast %shift_left3A_1497 : i32 to vector<16xi32>
    %shift_left3A_1499 = arith.shli %and3A_1485, %shift_left3A_1498 : vector<16xi32>
    %add3A_1500 = arith.addi %shift_right_arithmetic3A_1496, %shift_left3A_1499 : vector<16xi32>
    %add3A_1501 = arith.constant 0 : i32
    %add3A_1502 = vector.broadcast %add3A_1501 : i32 to vector<16xi32>
    %add3A_1503 = arith.addi %add3A_1502, %shift_left3A_2 : vector<16xi32>
    %add3A_1504 = arith.addi %add3A_1503, %add3A_1500 : vector<16xi32>
    %gather3A_1505 = tpu.vector_load_idx %arg6[%add3A_1504] : memref<65536xi32, #tpu.memory_space<vmem>>[vector<16xi32>], vector<16xi32>,
    %shift_right_arithmetic3A_1506 = arith.constant 12 : i32
    %shift_right_arithmetic3A_1507 = vector.broadcast %shift_right_arithmetic3A_1506 : i32 to vector<16xi32>
    %shift_right_arithmetic3A_1508 = arith.shrsi %gather3A_1505, %shift_right_arithmetic3A_1507 : vector<16xi32>
    %and3A_1509 = arith.constant 3 : i32
    %and3A_1510 = vector.broadcast %and3A_1509 : i32 to vector<16xi32>
    %and3A_1511 = arith.andi %shift_right_arithmetic3A_1508, %and3A_1510 : vector<16xi32>
    %shift_left3A_1512 = arith.constant 10 : i32
    %shift_left3A_1513 = vector.broadcast %shift_left3A_1512 : i32 to vector<16xi32>
    %shift_left3A_1514 = arith.shli %and3A_1511, %shift_left3A_1513 : vector<16xi32>
    %add3A_1515 = arith.addi %add3A_1500, %shift_left3A_1514 : vector<16xi32>
    %gather3A_1516 = tpu.vector_load_idx %arg8[%add3A_1515] : memref<4096xf32, #tpu.memory_space<vmem>>[vector<16xi32>], vector<16xf32>,
    %add3A_1517 = arith.constant 6 : i32
    %add3A_1518 = vector.broadcast %add3A_1517 : i32 to vector<16xi32>
    %add3A_1519 = arith.addi %mul3A_5, %add3A_1518 : vector<16xi32>
    tpu.vector_store_idx %arg9[%add3A_1519], %gather3A_1516 : memref<1024xf32, #tpu.memory_space<vmem>>[vector<16xi32>], vector<16xf32>,
    %shift_right_arithmetic3A_1520 = arith.constant 2 : i32
    %shift_right_arithmetic3A_1521 = vector.broadcast %shift_right_arithmetic3A_1520 : i32 to vector<16xi32>
    %shift_right_arithmetic3A_1522 = arith.shrsi %add3A_1500, %shift_right_arithmetic3A_1521 : vector<16xi32>
    %shift_left3A_1523 = arith.constant 8 : i32
    %shift_left3A_1524 = vector.broadcast %shift_left3A_1523 : i32 to vector<16xi32>
    %shift_left3A_1525 = arith.shli %and3A_1511, %shift_left3A_1524 : vector<16xi32>
    %add3A_1526 = arith.addi %shift_right_arithmetic3A_1522, %shift_left3A_1525 : vector<16xi32>
    %add3A_1527 = arith.constant 0 : i32
    %add3A_1528 = vector.broadcast %add3A_1527 : i32 to vector<16xi32>
    %add3A_1529 = arith.addi %add3A_1528, %shift_left3A_2 : vector<16xi32>
    %add3A_1530 = arith.addi %add3A_1529, %add3A_1526 : vector<16xi32>
    %gather3A_1531 = tpu.vector_load_idx %arg6[%add3A_1530] : memref<65536xi32, #tpu.memory_space<vmem>>[vector<16xi32>], vector<16xi32>,
    %shift_right_arithmetic3A_1532 = arith.constant 10 : i32
    %shift_right_arithmetic3A_1533 = vector.broadcast %shift_right_arithmetic3A_1532 : i32 to vector<16xi32>
    %shift_right_arithmetic3A_1534 = arith.shrsi %gather3A_1531, %shift_right_arithmetic3A_1533 : vector<16xi32>
    %and3A_1535 = arith.constant 3 : i32
    %and3A_1536 = vector.broadcast %and3A_1535 : i32 to vector<16xi32>
    %and3A_1537 = arith.andi %shift_right_arithmetic3A_1534, %and3A_1536 : vector<16xi32>
    %shift_left3A_1538 = arith.constant 10 : i32
    %shift_left3A_1539 = vector.broadcast %shift_left3A_1538 : i32 to vector<16xi32>
    %shift_left3A_1540 = arith.shli %and3A_1537, %shift_left3A_1539 : vector<16xi32>
    %add3A_1541 = arith.addi %add3A_1526, %shift_left3A_1540 : vector<16xi32>
    %gather3A_1542 = tpu.vector_load_idx %arg8[%add3A_1541] : memref<4096xf32, #tpu.memory_space<vmem>>[vector<16xi32>], vector<16xf32>,
    %add3A_1543 = arith.constant 5 : i32
    %add3A_1544 = vector.broadcast %add3A_1543 : i32 to vector<16xi32>
    %add3A_1545 = arith.addi %mul3A_5, %add3A_1544 : vector<16xi32>
    tpu.vector_store_idx %arg9[%add3A_1545], %gather3A_1542 : memref<1024xf32, #tpu.memory_space<vmem>>[vector<16xi32>], vector<16xf32>,
    %shift_right_arithmetic3A_1546 = arith.constant 2 : i32
    %shift_right_arithmetic3A_1547 = vector.broadcast %shift_right_arithmetic3A_1546 : i32 to vector<16xi32>
    %shift_right_arithmetic3A_1548 = arith.shrsi %add3A_1526, %shift_right_arithmetic3A_1547 : vector<16xi32>
    %shift_left3A_1549 = arith.constant 8 : i32
    %shift_left3A_1550 = vector.broadcast %shift_left3A_1549 : i32 to vector<16xi32>
    %shift_left3A_1551 = arith.shli %and3A_1537, %shift_left3A_1550 : vector<16xi32>
    %add3A_1552 = arith.addi %shift_right_arithmetic3A_1548, %shift_left3A_1551 : vector<16xi32>
    %add3A_1553 = arith.constant 0 : i32
    %add3A_1554 = vector.broadcast %add3A_1553 : i32 to vector<16xi32>
    %add3A_1555 = arith.addi %add3A_1554, %shift_left3A_2 : vector<16xi32>
    %add3A_1556 = arith.addi %add3A_1555, %add3A_1552 : vector<16xi32>
    %gather3A_1557 = tpu.vector_load_idx %arg6[%add3A_1556] : memref<65536xi32, #tpu.memory_space<vmem>>[vector<16xi32>], vector<16xi32>,
    %shift_right_arithmetic3A_1558 = arith.constant 8 : i32
    %shift_right_arithmetic3A_1559 = vector.broadcast %shift_right_arithmetic3A_1558 : i32 to vector<16xi32>
    %shift_right_arithmetic3A_1560 = arith.shrsi %gather3A_1557, %shift_right_arithmetic3A_1559 : vector<16xi32>
    %and3A_1561 = arith.constant 3 : i32
    %and3A_1562 = vector.broadcast %and3A_1561 : i32 to vector<16xi32>
    %and3A_1563 = arith.andi %shift_right_arithmetic3A_1560, %and3A_1562 : vector<16xi32>
    %shift_left3A_1564 = arith.constant 10 : i32
    %shift_left3A_1565 = vector.broadcast %shift_left3A_1564 : i32 to vector<16xi32>
    %shift_left3A_1566 = arith.shli %and3A_1563, %shift_left3A_1565 : vector<16xi32>
    %add3A_1567 = arith.addi %add3A_1552, %shift_left3A_1566 : vector<16xi32>
    %gather3A_1568 = tpu.vector_load_idx %arg8[%add3A_1567] : memref<4096xf32, #tpu.memory_space<vmem>>[vector<16xi32>], vector<16xf32>,
    %add3A_1569 = arith.constant 4 : i32
    %add3A_1570 = vector.broadcast %add3A_1569 : i32 to vector<16xi32>
    %add3A_1571 = arith.addi %mul3A_5, %add3A_1570 : vector<16xi32>
    tpu.vector_store_idx %arg9[%add3A_1571], %gather3A_1568 : memref<1024xf32, #tpu.memory_space<vmem>>[vector<16xi32>], vector<16xf32>,
    %shift_right_arithmetic3A_1572 = arith.constant 2 : i32
    %shift_right_arithmetic3A_1573 = vector.broadcast %shift_right_arithmetic3A_1572 : i32 to vector<16xi32>
    %shift_right_arithmetic3A_1574 = arith.shrsi %add3A_1552, %shift_right_arithmetic3A_1573 : vector<16xi32>
    %shift_left3A_1575 = arith.constant 8 : i32
    %shift_left3A_1576 = vector.broadcast %shift_left3A_1575 : i32 to vector<16xi32>
    %shift_left3A_1577 = arith.shli %and3A_1563, %shift_left3A_1576 : vector<16xi32>
    %add3A_1578 = arith.addi %shift_right_arithmetic3A_1574, %shift_left3A_1577 : vector<16xi32>
    %add3A_1579 = arith.constant 0 : i32
    %add3A_1580 = vector.broadcast %add3A_1579 : i32 to vector<16xi32>
    %add3A_1581 = arith.addi %add3A_1580, %shift_left3A_2 : vector<16xi32>
    %add3A_1582 = arith.addi %add3A_1581, %add3A_1578 : vector<16xi32>
    %gather3A_1583 = tpu.vector_load_idx %arg6[%add3A_1582] : memref<65536xi32, #tpu.memory_space<vmem>>[vector<16xi32>], vector<16xi32>,
    %shift_right_arithmetic3A_1584 = arith.constant 6 : i32
    %shift_right_arithmetic3A_1585 = vector.broadcast %shift_right_arithmetic3A_1584 : i32 to vector<16xi32>
    %shift_right_arithmetic3A_1586 = arith.shrsi %gather3A_1583, %shift_right_arithmetic3A_1585 : vector<16xi32>
    %and3A_1587 = arith.constant 3 : i32
    %and3A_1588 = vector.broadcast %and3A_1587 : i32 to vector<16xi32>
    %and3A_1589 = arith.andi %shift_right_arithmetic3A_1586, %and3A_1588 : vector<16xi32>
    %shift_left3A_1590 = arith.constant 10 : i32
    %shift_left3A_1591 = vector.broadcast %shift_left3A_1590 : i32 to vector<16xi32>
    %shift_left3A_1592 = arith.shli %and3A_1589, %shift_left3A_1591 : vector<16xi32>
    %add3A_1593 = arith.addi %add3A_1578, %shift_left3A_1592 : vector<16xi32>
    %gather3A_1594 = tpu.vector_load_idx %arg8[%add3A_1593] : memref<4096xf32, #tpu.memory_space<vmem>>[vector<16xi32>], vector<16xf32>,
    %add3A_1595 = arith.constant 3 : i32
    %add3A_1596 = vector.broadcast %add3A_1595 : i32 to vector<16xi32>
    %add3A_1597 = arith.addi %mul3A_5, %add3A_1596 : vector<16xi32>
    tpu.vector_store_idx %arg9[%add3A_1597], %gather3A_1594 : memref<1024xf32, #tpu.memory_space<vmem>>[vector<16xi32>], vector<16xf32>,
    %shift_right_arithmetic3A_1598 = arith.constant 2 : i32
    %shift_right_arithmetic3A_1599 = vector.broadcast %shift_right_arithmetic3A_1598 : i32 to vector<16xi32>
    %shift_right_arithmetic3A_1600 = arith.shrsi %add3A_1578, %shift_right_arithmetic3A_1599 : vector<16xi32>
    %shift_left3A_1601 = arith.constant 8 : i32
    %shift_left3A_1602 = vector.broadcast %shift_left3A_1601 : i32 to vector<16xi32>
    %shift_left3A_1603 = arith.shli %and3A_1589, %shift_left3A_1602 : vector<16xi32>
    %add3A_1604 = arith.addi %shift_right_arithmetic3A_1600, %shift_left3A_1603 : vector<16xi32>
    %add3A_1605 = arith.constant 0 : i32
    %add3A_1606 = vector.broadcast %add3A_1605 : i32 to vector<16xi32>
    %add3A_1607 = arith.addi %add3A_1606, %shift_left3A_2 : vector<16xi32>
    %add3A_1608 = arith.addi %add3A_1607, %add3A_1604 : vector<16xi32>
    %gather3A_1609 = tpu.vector_load_idx %arg6[%add3A_1608] : memref<65536xi32, #tpu.memory_space<vmem>>[vector<16xi32>], vector<16xi32>,
    %shift_right_arithmetic3A_1610 = arith.constant 4 : i32
    %shift_right_arithmetic3A_1611 = vector.broadcast %shift_right_arithmetic3A_1610 : i32 to vector<16xi32>
    %shift_right_arithmetic3A_1612 = arith.shrsi %gather3A_1609, %shift_right_arithmetic3A_1611 : vector<16xi32>
    %and3A_1613 = arith.constant 3 : i32
    %and3A_1614 = vector.broadcast %and3A_1613 : i32 to vector<16xi32>
    %and3A_1615 = arith.andi %shift_right_arithmetic3A_1612, %and3A_1614 : vector<16xi32>
    %shift_left3A_1616 = arith.constant 10 : i32
    %shift_left3A_1617 = vector.broadcast %shift_left3A_1616 : i32 to vector<16xi32>
    %shift_left3A_1618 = arith.shli %and3A_1615, %shift_left3A_1617 : vector<16xi32>
    %add3A_1619 = arith.addi %add3A_1604, %shift_left3A_1618 : vector<16xi32>
    %gather3A_1620 = tpu.vector_load_idx %arg8[%add3A_1619] : memref<4096xf32, #tpu.memory_space<vmem>>[vector<16xi32>], vector<16xf32>,
    %add3A_1621 = arith.constant 2 : i32
    %add3A_1622 = vector.broadcast %add3A_1621 : i32 to vector<16xi32>
    %add3A_1623 = arith.addi %mul3A_5, %add3A_1622 : vector<16xi32>
    tpu.vector_store_idx %arg9[%add3A_1623], %gather3A_1620 : memref<1024xf32, #tpu.memory_space<vmem>>[vector<16xi32>], vector<16xf32>,
    %shift_right_arithmetic3A_1624 = arith.constant 2 : i32
    %shift_right_arithmetic3A_1625 = vector.broadcast %shift_right_arithmetic3A_1624 : i32 to vector<16xi32>
    %shift_right_arithmetic3A_1626 = arith.shrsi %add3A_1604, %shift_right_arithmetic3A_1625 : vector<16xi32>
    %shift_left3A_1627 = arith.constant 8 : i32
    %shift_left3A_1628 = vector.broadcast %shift_left3A_1627 : i32 to vector<16xi32>
    %shift_left3A_1629 = arith.shli %and3A_1615, %shift_left3A_1628 : vector<16xi32>
    %add3A_1630 = arith.addi %shift_right_arithmetic3A_1626, %shift_left3A_1629 : vector<16xi32>
    %add3A_1631 = arith.constant 0 : i32
    %add3A_1632 = vector.broadcast %add3A_1631 : i32 to vector<16xi32>
    %add3A_1633 = arith.addi %add3A_1632, %shift_left3A_2 : vector<16xi32>
    %add3A_1634 = arith.addi %add3A_1633, %add3A_1630 : vector<16xi32>
    %gather3A_1635 = tpu.vector_load_idx %arg6[%add3A_1634] : memref<65536xi32, #tpu.memory_space<vmem>>[vector<16xi32>], vector<16xi32>,
    %shift_right_arithmetic3A_1636 = arith.constant 2 : i32
    %shift_right_arithmetic3A_1637 = vector.broadcast %shift_right_arithmetic3A_1636 : i32 to vector<16xi32>
    %shift_right_arithmetic3A_1638 = arith.shrsi %gather3A_1635, %shift_right_arithmetic3A_1637 : vector<16xi32>
    %and3A_1639 = arith.constant 3 : i32
    %and3A_1640 = vector.broadcast %and3A_1639 : i32 to vector<16xi32>
    %and3A_1641 = arith.andi %shift_right_arithmetic3A_1638, %and3A_1640 : vector<16xi32>
    %shift_left3A_1642 = arith.constant 10 : i32
    %shift_left3A_1643 = vector.broadcast %shift_left3A_1642 : i32 to vector<16xi32>
    %shift_left3A_1644 = arith.shli %and3A_1641, %shift_left3A_1643 : vector<16xi32>
    %add3A_1645 = arith.addi %add3A_1630, %shift_left3A_1644 : vector<16xi32>
    %gather3A_1646 = tpu.vector_load_idx %arg8[%add3A_1645] : memref<4096xf32, #tpu.memory_space<vmem>>[vector<16xi32>], vector<16xf32>,
    %add3A_1647 = arith.constant 1 : i32
    %add3A_1648 = vector.broadcast %add3A_1647 : i32 to vector<16xi32>
    %add3A_1649 = arith.addi %mul3A_5, %add3A_1648 : vector<16xi32>
    tpu.vector_store_idx %arg9[%add3A_1649], %gather3A_1646 : memref<1024xf32, #tpu.memory_space<vmem>>[vector<16xi32>], vector<16xf32>,
    %shift_right_arithmetic3A_1650 = arith.constant 2 : i32
    %shift_right_arithmetic3A_1651 = vector.broadcast %shift_right_arithmetic3A_1650 : i32 to vector<16xi32>
    %shift_right_arithmetic3A_1652 = arith.shrsi %add3A_1630, %shift_right_arithmetic3A_1651 : vector<16xi32>
    %shift_left3A_1653 = arith.constant 8 : i32
    %shift_left3A_1654 = vector.broadcast %shift_left3A_1653 : i32 to vector<16xi32>
    %shift_left3A_1655 = arith.shli %and3A_1641, %shift_left3A_1654 : vector<16xi32>
    %add3A_1656 = arith.addi %shift_right_arithmetic3A_1652, %shift_left3A_1655 : vector<16xi32>
    %add3A_1657 = arith.addi %shift_left3A_2, %add3A_1656 : vector<16xi32>
    %gather3A_1658 = tpu.vector_load_idx %arg6[%add3A_1657] : memref<65536xi32, #tpu.memory_space<vmem>>[vector<16xi32>], vector<16xi32>,
    %and3A_1659 = arith.constant 3 : i32
    %and3A_1660 = vector.broadcast %and3A_1659 : i32 to vector<16xi32>
    %and3A_1661 = arith.andi %gather3A_1658, %and3A_1660 : vector<16xi32>
    %shift_left3A_1662 = arith.constant 2 : i32
    %shift_left3A_1663 = vector.broadcast %shift_left3A_1662 : i32 to vector<16xi32>
    %shift_left3A_1664 = arith.shli %add3A_1656, %shift_left3A_1663 : vector<16xi32>
    %add3A_1665 = arith.addi %shift_left3A_1664, %and3A_1661 : vector<16xi32>
    %gather3A_1666 = tpu.vector_load_idx %arg8[%add3A_1665] : memref<4096xf32, #tpu.memory_space<vmem>>[vector<16xi32>], vector<16xf32>,
    tpu.vector_store_idx %arg9[%mul3A_5], %gather3A_1666 : memref<1024xf32, #tpu.memory_space<vmem>>[vector<16xi32>], vector<16xf32>,
    %mul3A_1667 = arith.constant 64 : i32
    %mul3A_1668 = arith.muli %add3A_9, %mul3A_1667 : i32
    "tpu.region"() ({
      %run_scoped3A_3337 = tpu.sem_alloc : memref<!tpu.dma_semaphore, #tpu.memory_space<semaphore_mem>>
      %dma_start3A = tpu.memref_slice %arg5[%mul3A_1668] : memref<65536xf32, #tpu.memory_space<hbm>> -> memref<1024xf32, #tpu.memory_space<hbm>>
      %dma_start3A_3338 = tpu.memref_slice %arg5[%mul3A_1668] : memref<65536xf32, #tpu.memory_space<hbm>> -> memref<1024xf32, #tpu.memory_space<hbm>>
      tpu.enqueue_dma source(%arg9 : memref<1024xf32, #tpu.memory_space<vmem>>) target(%dma_start3A_3338 : memref<1024xf32, #tpu.memory_space<hbm>>) target_semaphore(%run_scoped3A_3337 : memref<!tpu.dma_semaphore, #tpu.memory_space<semaphore_mem>>)
      %dma_wait3A = tpu.memref_slice %arg5[%mul3A_1668] : memref<65536xf32, #tpu.memory_space<hbm>> -> memref<1024xf32, #tpu.memory_space<hbm>>
      %dma_wait3A_3339 = tpu.memref_slice %arg5[%mul3A_1668] : memref<65536xf32, #tpu.memory_space<hbm>> -> memref<1024xf32, #tpu.memory_space<hbm>>
      tpu.wait_dma2 semaphore(%run_scoped3A_3337 : memref<!tpu.dma_semaphore, #tpu.memory_space<semaphore_mem>>) src(%arg9 : memref<1024xf32, #tpu.memory_space<vmem>>) dst(%dma_wait3A_3339 : memref<1024xf32, #tpu.memory_space<hbm>>)
      tpu.yield
    }) : () -> ()
    %mul3A_1669 = arith.constant 32 : i32
    %mul3A_1670 = arith.muli %add3A, %mul3A_1669 : i32
    %add3A_1671 = arith.constant 16 : i32
    %add3A_1672 = arith.addi %mul3A_1670, %add3A_1671 : i32
    %mul3A_1673 = arith.constant 1024 : i32
    %mul3A_1674 = arith.muli %add3A_1672, %mul3A_1673 : i32
    %run_scoped3A_1675 = arith.constant 0 : i32
    "tpu.region"() ({
      %run_scoped3A_3337 = tpu.sem_alloc : memref<!tpu.dma_semaphore, #tpu.memory_space<semaphore_mem>>
      %dma_start3A = arith.constant 0 : i32
      %dma_start3A_3338 = tpu.memref_slice %arg6[%dma_start3A] : memref<65536xi32, #tpu.memory_space<vmem>> -> memref<16384xi32, #tpu.memory_space<vmem>>
      %dma_start3A_3339 = tpu.memref_slice %arg2[%run_scoped3A_1675, %mul3A_1674] : memref<4x1048576xi32, #tpu.memory_space<hbm>> -> memref<1x16384xi32, #tpu.memory_space<hbm>>
      %dma_start3A_3340 = tpu.memref_squeeze %dma_start3A_3339 : memref<1x16384xi32, #tpu.memory_space<hbm>> -> memref<16384xi32, #tpu.memory_space<hbm>>
      %dma_start3A_3341 = arith.constant 0 : i32
      %dma_start3A_3342 = tpu.memref_slice %arg6[%dma_start3A_3341] : memref<65536xi32, #tpu.memory_space<vmem>> -> memref<16384xi32, #tpu.memory_space<vmem>>
      %dma_start3A_3343 = tpu.memref_slice %arg2[%run_scoped3A_1675, %mul3A_1674] : memref<4x1048576xi32, #tpu.memory_space<hbm>> -> memref<1x16384xi32, #tpu.memory_space<hbm>>
      %dma_start3A_3344 = tpu.memref_squeeze %dma_start3A_3343 : memref<1x16384xi32, #tpu.memory_space<hbm>> -> memref<16384xi32, #tpu.memory_space<hbm>>
      tpu.enqueue_dma source(%dma_start3A_3344 : memref<16384xi32, #tpu.memory_space<hbm>>) target(%dma_start3A_3342 : memref<16384xi32, #tpu.memory_space<vmem>>) target_semaphore(%run_scoped3A_3337 : memref<!tpu.dma_semaphore, #tpu.memory_space<semaphore_mem>>)
      %dma_wait3A = arith.constant 0 : i32
      %dma_wait3A_3345 = tpu.memref_slice %arg6[%dma_wait3A] : memref<65536xi32, #tpu.memory_space<vmem>> -> memref<16384xi32, #tpu.memory_space<vmem>>
      %dma_wait3A_3346 = tpu.memref_slice %arg2[%run_scoped3A_1675, %mul3A_1674] : memref<4x1048576xi32, #tpu.memory_space<hbm>> -> memref<1x16384xi32, #tpu.memory_space<hbm>>
      %dma_wait3A_3347 = tpu.memref_squeeze %dma_wait3A_3346 : memref<1x16384xi32, #tpu.memory_space<hbm>> -> memref<16384xi32, #tpu.memory_space<hbm>>
      %dma_wait3A_3348 = arith.constant 0 : i32
      %dma_wait3A_3349 = tpu.memref_slice %arg6[%dma_wait3A_3348] : memref<65536xi32, #tpu.memory_space<vmem>> -> memref<16384xi32, #tpu.memory_space<vmem>>
      %dma_wait3A_3350 = tpu.memref_slice %arg2[%run_scoped3A_1675, %mul3A_1674] : memref<4x1048576xi32, #tpu.memory_space<hbm>> -> memref<1x16384xi32, #tpu.memory_space<hbm>>
      %dma_wait3A_3351 = tpu.memref_squeeze %dma_wait3A_3350 : memref<1x16384xi32, #tpu.memory_space<hbm>> -> memref<16384xi32, #tpu.memory_space<hbm>>
      tpu.wait_dma2 semaphore(%run_scoped3A_3337 : memref<!tpu.dma_semaphore, #tpu.memory_space<semaphore_mem>>) src(%dma_wait3A_3351 : memref<16384xi32, #tpu.memory_space<hbm>>) dst(%dma_wait3A_3349 : memref<16384xi32, #tpu.memory_space<vmem>>)
      tpu.yield
    }) : () -> ()
    %mul3A_1676 = arith.constant 1024 : i32
    %mul3A_1677 = arith.muli %add3A_1672, %mul3A_1676 : i32
    %run_scoped3A_1678 = arith.constant 1 : i32
    "tpu.region"() ({
      %run_scoped3A_3337 = tpu.sem_alloc : memref<!tpu.dma_semaphore, #tpu.memory_space<semaphore_mem>>
      %dma_start3A = arith.constant 16384 : i32
      %dma_start3A_3338 = tpu.memref_slice %arg6[%dma_start3A] : memref<65536xi32, #tpu.memory_space<vmem>> -> memref<16384xi32, #tpu.memory_space<vmem>>
      %dma_start3A_3339 = tpu.memref_slice %arg2[%run_scoped3A_1678, %mul3A_1677] : memref<4x1048576xi32, #tpu.memory_space<hbm>> -> memref<1x16384xi32, #tpu.memory_space<hbm>>
      %dma_start3A_3340 = tpu.memref_squeeze %dma_start3A_3339 : memref<1x16384xi32, #tpu.memory_space<hbm>> -> memref<16384xi32, #tpu.memory_space<hbm>>
      %dma_start3A_3341 = arith.constant 16384 : i32
      %dma_start3A_3342 = tpu.memref_slice %arg6[%dma_start3A_3341] : memref<65536xi32, #tpu.memory_space<vmem>> -> memref<16384xi32, #tpu.memory_space<vmem>>
      %dma_start3A_3343 = tpu.memref_slice %arg2[%run_scoped3A_1678, %mul3A_1677] : memref<4x1048576xi32, #tpu.memory_space<hbm>> -> memref<1x16384xi32, #tpu.memory_space<hbm>>
      %dma_start3A_3344 = tpu.memref_squeeze %dma_start3A_3343 : memref<1x16384xi32, #tpu.memory_space<hbm>> -> memref<16384xi32, #tpu.memory_space<hbm>>
      tpu.enqueue_dma source(%dma_start3A_3344 : memref<16384xi32, #tpu.memory_space<hbm>>) target(%dma_start3A_3342 : memref<16384xi32, #tpu.memory_space<vmem>>) target_semaphore(%run_scoped3A_3337 : memref<!tpu.dma_semaphore, #tpu.memory_space<semaphore_mem>>)
      %dma_wait3A = arith.constant 16384 : i32
      %dma_wait3A_3345 = tpu.memref_slice %arg6[%dma_wait3A] : memref<65536xi32, #tpu.memory_space<vmem>> -> memref<16384xi32, #tpu.memory_space<vmem>>
      %dma_wait3A_3346 = tpu.memref_slice %arg2[%run_scoped3A_1678, %mul3A_1677] : memref<4x1048576xi32, #tpu.memory_space<hbm>> -> memref<1x16384xi32, #tpu.memory_space<hbm>>
      %dma_wait3A_3347 = tpu.memref_squeeze %dma_wait3A_3346 : memref<1x16384xi32, #tpu.memory_space<hbm>> -> memref<16384xi32, #tpu.memory_space<hbm>>
      %dma_wait3A_3348 = arith.constant 16384 : i32
      %dma_wait3A_3349 = tpu.memref_slice %arg6[%dma_wait3A_3348] : memref<65536xi32, #tpu.memory_space<vmem>> -> memref<16384xi32, #tpu.memory_space<vmem>>
      %dma_wait3A_3350 = tpu.memref_slice %arg2[%run_scoped3A_1678, %mul3A_1677] : memref<4x1048576xi32, #tpu.memory_space<hbm>> -> memref<1x16384xi32, #tpu.memory_space<hbm>>
      %dma_wait3A_3351 = tpu.memref_squeeze %dma_wait3A_3350 : memref<1x16384xi32, #tpu.memory_space<hbm>> -> memref<16384xi32, #tpu.memory_space<hbm>>
      tpu.wait_dma2 semaphore(%run_scoped3A_3337 : memref<!tpu.dma_semaphore, #tpu.memory_space<semaphore_mem>>) src(%dma_wait3A_3351 : memref<16384xi32, #tpu.memory_space<hbm>>) dst(%dma_wait3A_3349 : memref<16384xi32, #tpu.memory_space<vmem>>)
      tpu.yield
    }) : () -> ()
    %mul3A_1679 = arith.constant 1024 : i32
    %mul3A_1680 = arith.muli %add3A_1672, %mul3A_1679 : i32
    %run_scoped3A_1681 = arith.constant 2 : i32
    "tpu.region"() ({
      %run_scoped3A_3337 = tpu.sem_alloc : memref<!tpu.dma_semaphore, #tpu.memory_space<semaphore_mem>>
      %dma_start3A = arith.constant 32768 : i32
      %dma_start3A_3338 = tpu.memref_slice %arg6[%dma_start3A] : memref<65536xi32, #tpu.memory_space<vmem>> -> memref<16384xi32, #tpu.memory_space<vmem>>
      %dma_start3A_3339 = tpu.memref_slice %arg2[%run_scoped3A_1681, %mul3A_1680] : memref<4x1048576xi32, #tpu.memory_space<hbm>> -> memref<1x16384xi32, #tpu.memory_space<hbm>>
      %dma_start3A_3340 = tpu.memref_squeeze %dma_start3A_3339 : memref<1x16384xi32, #tpu.memory_space<hbm>> -> memref<16384xi32, #tpu.memory_space<hbm>>
      %dma_start3A_3341 = arith.constant 32768 : i32
      %dma_start3A_3342 = tpu.memref_slice %arg6[%dma_start3A_3341] : memref<65536xi32, #tpu.memory_space<vmem>> -> memref<16384xi32, #tpu.memory_space<vmem>>
      %dma_start3A_3343 = tpu.memref_slice %arg2[%run_scoped3A_1681, %mul3A_1680] : memref<4x1048576xi32, #tpu.memory_space<hbm>> -> memref<1x16384xi32, #tpu.memory_space<hbm>>
      %dma_start3A_3344 = tpu.memref_squeeze %dma_start3A_3343 : memref<1x16384xi32, #tpu.memory_space<hbm>> -> memref<16384xi32, #tpu.memory_space<hbm>>
      tpu.enqueue_dma source(%dma_start3A_3344 : memref<16384xi32, #tpu.memory_space<hbm>>) target(%dma_start3A_3342 : memref<16384xi32, #tpu.memory_space<vmem>>) target_semaphore(%run_scoped3A_3337 : memref<!tpu.dma_semaphore, #tpu.memory_space<semaphore_mem>>)
      %dma_wait3A = arith.constant 32768 : i32
      %dma_wait3A_3345 = tpu.memref_slice %arg6[%dma_wait3A] : memref<65536xi32, #tpu.memory_space<vmem>> -> memref<16384xi32, #tpu.memory_space<vmem>>
      %dma_wait3A_3346 = tpu.memref_slice %arg2[%run_scoped3A_1681, %mul3A_1680] : memref<4x1048576xi32, #tpu.memory_space<hbm>> -> memref<1x16384xi32, #tpu.memory_space<hbm>>
      %dma_wait3A_3347 = tpu.memref_squeeze %dma_wait3A_3346 : memref<1x16384xi32, #tpu.memory_space<hbm>> -> memref<16384xi32, #tpu.memory_space<hbm>>
      %dma_wait3A_3348 = arith.constant 32768 : i32
      %dma_wait3A_3349 = tpu.memref_slice %arg6[%dma_wait3A_3348] : memref<65536xi32, #tpu.memory_space<vmem>> -> memref<16384xi32, #tpu.memory_space<vmem>>
      %dma_wait3A_3350 = tpu.memref_slice %arg2[%run_scoped3A_1681, %mul3A_1680] : memref<4x1048576xi32, #tpu.memory_space<hbm>> -> memref<1x16384xi32, #tpu.memory_space<hbm>>
      %dma_wait3A_3351 = tpu.memref_squeeze %dma_wait3A_3350 : memref<1x16384xi32, #tpu.memory_space<hbm>> -> memref<16384xi32, #tpu.memory_space<hbm>>
      tpu.wait_dma2 semaphore(%run_scoped3A_3337 : memref<!tpu.dma_semaphore, #tpu.memory_space<semaphore_mem>>) src(%dma_wait3A_3351 : memref<16384xi32, #tpu.memory_space<hbm>>) dst(%dma_wait3A_3349 : memref<16384xi32, #tpu.memory_space<vmem>>)
      tpu.yield
    }) : () -> ()
    %mul3A_1682 = arith.constant 1024 : i32
    %mul3A_1683 = arith.muli %add3A_1672, %mul3A_1682 : i32
    %run_scoped3A_1684 = arith.constant 3 : i32
    "tpu.region"() ({
      %run_scoped3A_3337 = tpu.sem_alloc : memref<!tpu.dma_semaphore, #tpu.memory_space<semaphore_mem>>
      %dma_start3A = arith.constant 49152 : i32
      %dma_start3A_3338 = tpu.memref_slice %arg6[%dma_start3A] : memref<65536xi32, #tpu.memory_space<vmem>> -> memref<16384xi32, #tpu.memory_space<vmem>>
      %dma_start3A_3339 = tpu.memref_slice %arg2[%run_scoped3A_1684, %mul3A_1683] : memref<4x1048576xi32, #tpu.memory_space<hbm>> -> memref<1x16384xi32, #tpu.memory_space<hbm>>
      %dma_start3A_3340 = tpu.memref_squeeze %dma_start3A_3339 : memref<1x16384xi32, #tpu.memory_space<hbm>> -> memref<16384xi32, #tpu.memory_space<hbm>>
      %dma_start3A_3341 = arith.constant 49152 : i32
      %dma_start3A_3342 = tpu.memref_slice %arg6[%dma_start3A_3341] : memref<65536xi32, #tpu.memory_space<vmem>> -> memref<16384xi32, #tpu.memory_space<vmem>>
      %dma_start3A_3343 = tpu.memref_slice %arg2[%run_scoped3A_1684, %mul3A_1683] : memref<4x1048576xi32, #tpu.memory_space<hbm>> -> memref<1x16384xi32, #tpu.memory_space<hbm>>
      %dma_start3A_3344 = tpu.memref_squeeze %dma_start3A_3343 : memref<1x16384xi32, #tpu.memory_space<hbm>> -> memref<16384xi32, #tpu.memory_space<hbm>>
      tpu.enqueue_dma source(%dma_start3A_3344 : memref<16384xi32, #tpu.memory_space<hbm>>) target(%dma_start3A_3342 : memref<16384xi32, #tpu.memory_space<vmem>>) target_semaphore(%run_scoped3A_3337 : memref<!tpu.dma_semaphore, #tpu.memory_space<semaphore_mem>>)
      %dma_wait3A = arith.constant 49152 : i32
      %dma_wait3A_3345 = tpu.memref_slice %arg6[%dma_wait3A] : memref<65536xi32, #tpu.memory_space<vmem>> -> memref<16384xi32, #tpu.memory_space<vmem>>
      %dma_wait3A_3346 = tpu.memref_slice %arg2[%run_scoped3A_1684, %mul3A_1683] : memref<4x1048576xi32, #tpu.memory_space<hbm>> -> memref<1x16384xi32, #tpu.memory_space<hbm>>
      %dma_wait3A_3347 = tpu.memref_squeeze %dma_wait3A_3346 : memref<1x16384xi32, #tpu.memory_space<hbm>> -> memref<16384xi32, #tpu.memory_space<hbm>>
      %dma_wait3A_3348 = arith.constant 49152 : i32
      %dma_wait3A_3349 = tpu.memref_slice %arg6[%dma_wait3A_3348] : memref<65536xi32, #tpu.memory_space<vmem>> -> memref<16384xi32, #tpu.memory_space<vmem>>
      %dma_wait3A_3350 = tpu.memref_slice %arg2[%run_scoped3A_1684, %mul3A_1683] : memref<4x1048576xi32, #tpu.memory_space<hbm>> -> memref<1x16384xi32, #tpu.memory_space<hbm>>
      %dma_wait3A_3351 = tpu.memref_squeeze %dma_wait3A_3350 : memref<1x16384xi32, #tpu.memory_space<hbm>> -> memref<16384xi32, #tpu.memory_space<hbm>>
      tpu.wait_dma2 semaphore(%run_scoped3A_3337 : memref<!tpu.dma_semaphore, #tpu.memory_space<semaphore_mem>>) src(%dma_wait3A_3351 : memref<16384xi32, #tpu.memory_space<hbm>>) dst(%dma_wait3A_3349 : memref<16384xi32, #tpu.memory_space<vmem>>)
      tpu.yield
    }) : () -> ()
    "tpu.region"() ({
      %run_scoped3A_3337 = tpu.sem_alloc : memref<!tpu.dma_semaphore, #tpu.memory_space<semaphore_mem>>
      %dma_start3A = tpu.memref_slice %arg3[%add3A_1672] : memref<1024xi32, #tpu.memory_space<hbm>> -> memref<16xi32, #tpu.memory_space<hbm>>
      %dma_start3A_3338 = tpu.memref_slice %arg3[%add3A_1672] : memref<1024xi32, #tpu.memory_space<hbm>> -> memref<16xi32, #tpu.memory_space<hbm>>
      tpu.enqueue_dma source(%dma_start3A_3338 : memref<16xi32, #tpu.memory_space<hbm>>) target(%arg7 : memref<16xi32, #tpu.memory_space<vmem>>) target_semaphore(%run_scoped3A_3337 : memref<!tpu.dma_semaphore, #tpu.memory_space<semaphore_mem>>)
      %dma_wait3A = tpu.memref_slice %arg3[%add3A_1672] : memref<1024xi32, #tpu.memory_space<hbm>> -> memref<16xi32, #tpu.memory_space<hbm>>
      %dma_wait3A_3339 = tpu.memref_slice %arg3[%add3A_1672] : memref<1024xi32, #tpu.memory_space<hbm>> -> memref<16xi32, #tpu.memory_space<hbm>>
      tpu.wait_dma2 semaphore(%run_scoped3A_3337 : memref<!tpu.dma_semaphore, #tpu.memory_space<semaphore_mem>>) src(%dma_wait3A_3339 : memref<16xi32, #tpu.memory_space<hbm>>) dst(%arg7 : memref<16xi32, #tpu.memory_space<vmem>>)
      tpu.yield
    }) : () -> ()
    %get3A_1685 = arith.constant 0 : index
    %get3A_1686 = tpu.vector_load %arg7[%get3A_1685] {strides = array<i32>} : memref<16xi32, #tpu.memory_space<vmem>>, vector<16xi32>,
    %add3A_1687 = arith.constant 49152 : i32
    %add3A_1688 = vector.broadcast %add3A_1687 : i32 to vector<16xi32>
    %add3A_1689 = arith.addi %add3A_1688, %shift_left3A_2 : vector<16xi32>
    %add3A_1690 = arith.addi %add3A_1689, %get3A_1686 : vector<16xi32>
    %gather3A_1691 = tpu.vector_load_idx %arg6[%add3A_1690] : memref<65536xi32, #tpu.memory_space<vmem>>[vector<16xi32>], vector<16xi32>,
    %shift_right_arithmetic3A_1692 = arith.constant 30 : i32
    %shift_right_arithmetic3A_1693 = vector.broadcast %shift_right_arithmetic3A_1692 : i32 to vector<16xi32>
    %shift_right_arithmetic3A_1694 = arith.shrsi %gather3A_1691, %shift_right_arithmetic3A_1693 : vector<16xi32>
    %and3A_1695 = arith.constant 3 : i32
    %and3A_1696 = vector.broadcast %and3A_1695 : i32 to vector<16xi32>
    %and3A_1697 = arith.andi %shift_right_arithmetic3A_1694, %and3A_1696 : vector<16xi32>
    %shift_left3A_1698 = arith.constant 10 : i32
    %shift_left3A_1699 = vector.broadcast %shift_left3A_1698 : i32 to vector<16xi32>
    %shift_left3A_1700 = arith.shli %and3A_1697, %shift_left3A_1699 : vector<16xi32>
    %add3A_1701 = arith.addi %get3A_1686, %shift_left3A_1700 : vector<16xi32>
    %gather3A_1702 = tpu.vector_load_idx %arg8[%add3A_1701] : memref<4096xf32, #tpu.memory_space<vmem>>[vector<16xi32>], vector<16xf32>,
    %add3A_1703 = arith.constant 63 : i32
    %add3A_1704 = vector.broadcast %add3A_1703 : i32 to vector<16xi32>
    %add3A_1705 = arith.addi %mul3A_5, %add3A_1704 : vector<16xi32>
    tpu.vector_store_idx %arg9[%add3A_1705], %gather3A_1702 : memref<1024xf32, #tpu.memory_space<vmem>>[vector<16xi32>], vector<16xf32>,
    %shift_right_arithmetic3A_1706 = arith.constant 2 : i32
    %shift_right_arithmetic3A_1707 = vector.broadcast %shift_right_arithmetic3A_1706 : i32 to vector<16xi32>
    %shift_right_arithmetic3A_1708 = arith.shrsi %get3A_1686, %shift_right_arithmetic3A_1707 : vector<16xi32>
    %shift_left3A_1709 = arith.constant 8 : i32
    %shift_left3A_1710 = vector.broadcast %shift_left3A_1709 : i32 to vector<16xi32>
    %shift_left3A_1711 = arith.shli %and3A_1697, %shift_left3A_1710 : vector<16xi32>
    %add3A_1712 = arith.addi %shift_right_arithmetic3A_1708, %shift_left3A_1711 : vector<16xi32>
    %add3A_1713 = arith.constant 49152 : i32
    %add3A_1714 = vector.broadcast %add3A_1713 : i32 to vector<16xi32>
    %add3A_1715 = arith.addi %add3A_1714, %shift_left3A_2 : vector<16xi32>
    %add3A_1716 = arith.addi %add3A_1715, %add3A_1712 : vector<16xi32>
    %gather3A_1717 = tpu.vector_load_idx %arg6[%add3A_1716] : memref<65536xi32, #tpu.memory_space<vmem>>[vector<16xi32>], vector<16xi32>,
    %shift_right_arithmetic3A_1718 = arith.constant 28 : i32
    %shift_right_arithmetic3A_1719 = vector.broadcast %shift_right_arithmetic3A_1718 : i32 to vector<16xi32>
    %shift_right_arithmetic3A_1720 = arith.shrsi %gather3A_1717, %shift_right_arithmetic3A_1719 : vector<16xi32>
    %and3A_1721 = arith.constant 3 : i32
    %and3A_1722 = vector.broadcast %and3A_1721 : i32 to vector<16xi32>
    %and3A_1723 = arith.andi %shift_right_arithmetic3A_1720, %and3A_1722 : vector<16xi32>
    %shift_left3A_1724 = arith.constant 10 : i32
    %shift_left3A_1725 = vector.broadcast %shift_left3A_1724 : i32 to vector<16xi32>
    %shift_left3A_1726 = arith.shli %and3A_1723, %shift_left3A_1725 : vector<16xi32>
    %add3A_1727 = arith.addi %add3A_1712, %shift_left3A_1726 : vector<16xi32>
    %gather3A_1728 = tpu.vector_load_idx %arg8[%add3A_1727] : memref<4096xf32, #tpu.memory_space<vmem>>[vector<16xi32>], vector<16xf32>,
    %add3A_1729 = arith.constant 62 : i32
    %add3A_1730 = vector.broadcast %add3A_1729 : i32 to vector<16xi32>
    %add3A_1731 = arith.addi %mul3A_5, %add3A_1730 : vector<16xi32>
    tpu.vector_store_idx %arg9[%add3A_1731], %gather3A_1728 : memref<1024xf32, #tpu.memory_space<vmem>>[vector<16xi32>], vector<16xf32>,
    %shift_right_arithmetic3A_1732 = arith.constant 2 : i32
    %shift_right_arithmetic3A_1733 = vector.broadcast %shift_right_arithmetic3A_1732 : i32 to vector<16xi32>
    %shift_right_arithmetic3A_1734 = arith.shrsi %add3A_1712, %shift_right_arithmetic3A_1733 : vector<16xi32>
    %shift_left3A_1735 = arith.constant 8 : i32
    %shift_left3A_1736 = vector.broadcast %shift_left3A_1735 : i32 to vector<16xi32>
    %shift_left3A_1737 = arith.shli %and3A_1723, %shift_left3A_1736 : vector<16xi32>
    %add3A_1738 = arith.addi %shift_right_arithmetic3A_1734, %shift_left3A_1737 : vector<16xi32>
    %add3A_1739 = arith.constant 49152 : i32
    %add3A_1740 = vector.broadcast %add3A_1739 : i32 to vector<16xi32>
    %add3A_1741 = arith.addi %add3A_1740, %shift_left3A_2 : vector<16xi32>
    %add3A_1742 = arith.addi %add3A_1741, %add3A_1738 : vector<16xi32>
    %gather3A_1743 = tpu.vector_load_idx %arg6[%add3A_1742] : memref<65536xi32, #tpu.memory_space<vmem>>[vector<16xi32>], vector<16xi32>,
    %shift_right_arithmetic3A_1744 = arith.constant 26 : i32
    %shift_right_arithmetic3A_1745 = vector.broadcast %shift_right_arithmetic3A_1744 : i32 to vector<16xi32>
    %shift_right_arithmetic3A_1746 = arith.shrsi %gather3A_1743, %shift_right_arithmetic3A_1745 : vector<16xi32>
    %and3A_1747 = arith.constant 3 : i32
    %and3A_1748 = vector.broadcast %and3A_1747 : i32 to vector<16xi32>
    %and3A_1749 = arith.andi %shift_right_arithmetic3A_1746, %and3A_1748 : vector<16xi32>
    %shift_left3A_1750 = arith.constant 10 : i32
    %shift_left3A_1751 = vector.broadcast %shift_left3A_1750 : i32 to vector<16xi32>
    %shift_left3A_1752 = arith.shli %and3A_1749, %shift_left3A_1751 : vector<16xi32>
    %add3A_1753 = arith.addi %add3A_1738, %shift_left3A_1752 : vector<16xi32>
    %gather3A_1754 = tpu.vector_load_idx %arg8[%add3A_1753] : memref<4096xf32, #tpu.memory_space<vmem>>[vector<16xi32>], vector<16xf32>,
    %add3A_1755 = arith.constant 61 : i32
    %add3A_1756 = vector.broadcast %add3A_1755 : i32 to vector<16xi32>
    %add3A_1757 = arith.addi %mul3A_5, %add3A_1756 : vector<16xi32>
    tpu.vector_store_idx %arg9[%add3A_1757], %gather3A_1754 : memref<1024xf32, #tpu.memory_space<vmem>>[vector<16xi32>], vector<16xf32>,
    %shift_right_arithmetic3A_1758 = arith.constant 2 : i32
    %shift_right_arithmetic3A_1759 = vector.broadcast %shift_right_arithmetic3A_1758 : i32 to vector<16xi32>
    %shift_right_arithmetic3A_1760 = arith.shrsi %add3A_1738, %shift_right_arithmetic3A_1759 : vector<16xi32>
    %shift_left3A_1761 = arith.constant 8 : i32
    %shift_left3A_1762 = vector.broadcast %shift_left3A_1761 : i32 to vector<16xi32>
    %shift_left3A_1763 = arith.shli %and3A_1749, %shift_left3A_1762 : vector<16xi32>
    %add3A_1764 = arith.addi %shift_right_arithmetic3A_1760, %shift_left3A_1763 : vector<16xi32>
    %add3A_1765 = arith.constant 49152 : i32
    %add3A_1766 = vector.broadcast %add3A_1765 : i32 to vector<16xi32>
    %add3A_1767 = arith.addi %add3A_1766, %shift_left3A_2 : vector<16xi32>
    %add3A_1768 = arith.addi %add3A_1767, %add3A_1764 : vector<16xi32>
    %gather3A_1769 = tpu.vector_load_idx %arg6[%add3A_1768] : memref<65536xi32, #tpu.memory_space<vmem>>[vector<16xi32>], vector<16xi32>,
    %shift_right_arithmetic3A_1770 = arith.constant 24 : i32
    %shift_right_arithmetic3A_1771 = vector.broadcast %shift_right_arithmetic3A_1770 : i32 to vector<16xi32>
    %shift_right_arithmetic3A_1772 = arith.shrsi %gather3A_1769, %shift_right_arithmetic3A_1771 : vector<16xi32>
    %and3A_1773 = arith.constant 3 : i32
    %and3A_1774 = vector.broadcast %and3A_1773 : i32 to vector<16xi32>
    %and3A_1775 = arith.andi %shift_right_arithmetic3A_1772, %and3A_1774 : vector<16xi32>
    %shift_left3A_1776 = arith.constant 10 : i32
    %shift_left3A_1777 = vector.broadcast %shift_left3A_1776 : i32 to vector<16xi32>
    %shift_left3A_1778 = arith.shli %and3A_1775, %shift_left3A_1777 : vector<16xi32>
    %add3A_1779 = arith.addi %add3A_1764, %shift_left3A_1778 : vector<16xi32>
    %gather3A_1780 = tpu.vector_load_idx %arg8[%add3A_1779] : memref<4096xf32, #tpu.memory_space<vmem>>[vector<16xi32>], vector<16xf32>,
    %add3A_1781 = arith.constant 60 : i32
    %add3A_1782 = vector.broadcast %add3A_1781 : i32 to vector<16xi32>
    %add3A_1783 = arith.addi %mul3A_5, %add3A_1782 : vector<16xi32>
    tpu.vector_store_idx %arg9[%add3A_1783], %gather3A_1780 : memref<1024xf32, #tpu.memory_space<vmem>>[vector<16xi32>], vector<16xf32>,
    %shift_right_arithmetic3A_1784 = arith.constant 2 : i32
    %shift_right_arithmetic3A_1785 = vector.broadcast %shift_right_arithmetic3A_1784 : i32 to vector<16xi32>
    %shift_right_arithmetic3A_1786 = arith.shrsi %add3A_1764, %shift_right_arithmetic3A_1785 : vector<16xi32>
    %shift_left3A_1787 = arith.constant 8 : i32
    %shift_left3A_1788 = vector.broadcast %shift_left3A_1787 : i32 to vector<16xi32>
    %shift_left3A_1789 = arith.shli %and3A_1775, %shift_left3A_1788 : vector<16xi32>
    %add3A_1790 = arith.addi %shift_right_arithmetic3A_1786, %shift_left3A_1789 : vector<16xi32>
    %add3A_1791 = arith.constant 49152 : i32
    %add3A_1792 = vector.broadcast %add3A_1791 : i32 to vector<16xi32>
    %add3A_1793 = arith.addi %add3A_1792, %shift_left3A_2 : vector<16xi32>
    %add3A_1794 = arith.addi %add3A_1793, %add3A_1790 : vector<16xi32>
    %gather3A_1795 = tpu.vector_load_idx %arg6[%add3A_1794] : memref<65536xi32, #tpu.memory_space<vmem>>[vector<16xi32>], vector<16xi32>,
    %shift_right_arithmetic3A_1796 = arith.constant 22 : i32
    %shift_right_arithmetic3A_1797 = vector.broadcast %shift_right_arithmetic3A_1796 : i32 to vector<16xi32>
    %shift_right_arithmetic3A_1798 = arith.shrsi %gather3A_1795, %shift_right_arithmetic3A_1797 : vector<16xi32>
    %and3A_1799 = arith.constant 3 : i32
    %and3A_1800 = vector.broadcast %and3A_1799 : i32 to vector<16xi32>
    %and3A_1801 = arith.andi %shift_right_arithmetic3A_1798, %and3A_1800 : vector<16xi32>
    %shift_left3A_1802 = arith.constant 10 : i32
    %shift_left3A_1803 = vector.broadcast %shift_left3A_1802 : i32 to vector<16xi32>
    %shift_left3A_1804 = arith.shli %and3A_1801, %shift_left3A_1803 : vector<16xi32>
    %add3A_1805 = arith.addi %add3A_1790, %shift_left3A_1804 : vector<16xi32>
    %gather3A_1806 = tpu.vector_load_idx %arg8[%add3A_1805] : memref<4096xf32, #tpu.memory_space<vmem>>[vector<16xi32>], vector<16xf32>,
    %add3A_1807 = arith.constant 59 : i32
    %add3A_1808 = vector.broadcast %add3A_1807 : i32 to vector<16xi32>
    %add3A_1809 = arith.addi %mul3A_5, %add3A_1808 : vector<16xi32>
    tpu.vector_store_idx %arg9[%add3A_1809], %gather3A_1806 : memref<1024xf32, #tpu.memory_space<vmem>>[vector<16xi32>], vector<16xf32>,
    %shift_right_arithmetic3A_1810 = arith.constant 2 : i32
    %shift_right_arithmetic3A_1811 = vector.broadcast %shift_right_arithmetic3A_1810 : i32 to vector<16xi32>
    %shift_right_arithmetic3A_1812 = arith.shrsi %add3A_1790, %shift_right_arithmetic3A_1811 : vector<16xi32>
    %shift_left3A_1813 = arith.constant 8 : i32
    %shift_left3A_1814 = vector.broadcast %shift_left3A_1813 : i32 to vector<16xi32>
    %shift_left3A_1815 = arith.shli %and3A_1801, %shift_left3A_1814 : vector<16xi32>
    %add3A_1816 = arith.addi %shift_right_arithmetic3A_1812, %shift_left3A_1815 : vector<16xi32>
    %add3A_1817 = arith.constant 49152 : i32
    %add3A_1818 = vector.broadcast %add3A_1817 : i32 to vector<16xi32>
    %add3A_1819 = arith.addi %add3A_1818, %shift_left3A_2 : vector<16xi32>
    %add3A_1820 = arith.addi %add3A_1819, %add3A_1816 : vector<16xi32>
    %gather3A_1821 = tpu.vector_load_idx %arg6[%add3A_1820] : memref<65536xi32, #tpu.memory_space<vmem>>[vector<16xi32>], vector<16xi32>,
    %shift_right_arithmetic3A_1822 = arith.constant 20 : i32
    %shift_right_arithmetic3A_1823 = vector.broadcast %shift_right_arithmetic3A_1822 : i32 to vector<16xi32>
    %shift_right_arithmetic3A_1824 = arith.shrsi %gather3A_1821, %shift_right_arithmetic3A_1823 : vector<16xi32>
    %and3A_1825 = arith.constant 3 : i32
    %and3A_1826 = vector.broadcast %and3A_1825 : i32 to vector<16xi32>
    %and3A_1827 = arith.andi %shift_right_arithmetic3A_1824, %and3A_1826 : vector<16xi32>
    %shift_left3A_1828 = arith.constant 10 : i32
    %shift_left3A_1829 = vector.broadcast %shift_left3A_1828 : i32 to vector<16xi32>
    %shift_left3A_1830 = arith.shli %and3A_1827, %shift_left3A_1829 : vector<16xi32>
    %add3A_1831 = arith.addi %add3A_1816, %shift_left3A_1830 : vector<16xi32>
    %gather3A_1832 = tpu.vector_load_idx %arg8[%add3A_1831] : memref<4096xf32, #tpu.memory_space<vmem>>[vector<16xi32>], vector<16xf32>,
    %add3A_1833 = arith.constant 58 : i32
    %add3A_1834 = vector.broadcast %add3A_1833 : i32 to vector<16xi32>
    %add3A_1835 = arith.addi %mul3A_5, %add3A_1834 : vector<16xi32>
    tpu.vector_store_idx %arg9[%add3A_1835], %gather3A_1832 : memref<1024xf32, #tpu.memory_space<vmem>>[vector<16xi32>], vector<16xf32>,
    %shift_right_arithmetic3A_1836 = arith.constant 2 : i32
    %shift_right_arithmetic3A_1837 = vector.broadcast %shift_right_arithmetic3A_1836 : i32 to vector<16xi32>
    %shift_right_arithmetic3A_1838 = arith.shrsi %add3A_1816, %shift_right_arithmetic3A_1837 : vector<16xi32>
    %shift_left3A_1839 = arith.constant 8 : i32
    %shift_left3A_1840 = vector.broadcast %shift_left3A_1839 : i32 to vector<16xi32>
    %shift_left3A_1841 = arith.shli %and3A_1827, %shift_left3A_1840 : vector<16xi32>
    %add3A_1842 = arith.addi %shift_right_arithmetic3A_1838, %shift_left3A_1841 : vector<16xi32>
    %add3A_1843 = arith.constant 49152 : i32
    %add3A_1844 = vector.broadcast %add3A_1843 : i32 to vector<16xi32>
    %add3A_1845 = arith.addi %add3A_1844, %shift_left3A_2 : vector<16xi32>
    %add3A_1846 = arith.addi %add3A_1845, %add3A_1842 : vector<16xi32>
    %gather3A_1847 = tpu.vector_load_idx %arg6[%add3A_1846] : memref<65536xi32, #tpu.memory_space<vmem>>[vector<16xi32>], vector<16xi32>,
    %shift_right_arithmetic3A_1848 = arith.constant 18 : i32
    %shift_right_arithmetic3A_1849 = vector.broadcast %shift_right_arithmetic3A_1848 : i32 to vector<16xi32>
    %shift_right_arithmetic3A_1850 = arith.shrsi %gather3A_1847, %shift_right_arithmetic3A_1849 : vector<16xi32>
    %and3A_1851 = arith.constant 3 : i32
    %and3A_1852 = vector.broadcast %and3A_1851 : i32 to vector<16xi32>
    %and3A_1853 = arith.andi %shift_right_arithmetic3A_1850, %and3A_1852 : vector<16xi32>
    %shift_left3A_1854 = arith.constant 10 : i32
    %shift_left3A_1855 = vector.broadcast %shift_left3A_1854 : i32 to vector<16xi32>
    %shift_left3A_1856 = arith.shli %and3A_1853, %shift_left3A_1855 : vector<16xi32>
    %add3A_1857 = arith.addi %add3A_1842, %shift_left3A_1856 : vector<16xi32>
    %gather3A_1858 = tpu.vector_load_idx %arg8[%add3A_1857] : memref<4096xf32, #tpu.memory_space<vmem>>[vector<16xi32>], vector<16xf32>,
    %add3A_1859 = arith.constant 57 : i32
    %add3A_1860 = vector.broadcast %add3A_1859 : i32 to vector<16xi32>
    %add3A_1861 = arith.addi %mul3A_5, %add3A_1860 : vector<16xi32>
    tpu.vector_store_idx %arg9[%add3A_1861], %gather3A_1858 : memref<1024xf32, #tpu.memory_space<vmem>>[vector<16xi32>], vector<16xf32>,
    %shift_right_arithmetic3A_1862 = arith.constant 2 : i32
    %shift_right_arithmetic3A_1863 = vector.broadcast %shift_right_arithmetic3A_1862 : i32 to vector<16xi32>
    %shift_right_arithmetic3A_1864 = arith.shrsi %add3A_1842, %shift_right_arithmetic3A_1863 : vector<16xi32>
    %shift_left3A_1865 = arith.constant 8 : i32
    %shift_left3A_1866 = vector.broadcast %shift_left3A_1865 : i32 to vector<16xi32>
    %shift_left3A_1867 = arith.shli %and3A_1853, %shift_left3A_1866 : vector<16xi32>
    %add3A_1868 = arith.addi %shift_right_arithmetic3A_1864, %shift_left3A_1867 : vector<16xi32>
    %add3A_1869 = arith.constant 49152 : i32
    %add3A_1870 = vector.broadcast %add3A_1869 : i32 to vector<16xi32>
    %add3A_1871 = arith.addi %add3A_1870, %shift_left3A_2 : vector<16xi32>
    %add3A_1872 = arith.addi %add3A_1871, %add3A_1868 : vector<16xi32>
    %gather3A_1873 = tpu.vector_load_idx %arg6[%add3A_1872] : memref<65536xi32, #tpu.memory_space<vmem>>[vector<16xi32>], vector<16xi32>,
    %shift_right_arithmetic3A_1874 = arith.constant 16 : i32
    %shift_right_arithmetic3A_1875 = vector.broadcast %shift_right_arithmetic3A_1874 : i32 to vector<16xi32>
    %shift_right_arithmetic3A_1876 = arith.shrsi %gather3A_1873, %shift_right_arithmetic3A_1875 : vector<16xi32>
    %and3A_1877 = arith.constant 3 : i32
    %and3A_1878 = vector.broadcast %and3A_1877 : i32 to vector<16xi32>
    %and3A_1879 = arith.andi %shift_right_arithmetic3A_1876, %and3A_1878 : vector<16xi32>
    %shift_left3A_1880 = arith.constant 10 : i32
    %shift_left3A_1881 = vector.broadcast %shift_left3A_1880 : i32 to vector<16xi32>
    %shift_left3A_1882 = arith.shli %and3A_1879, %shift_left3A_1881 : vector<16xi32>
    %add3A_1883 = arith.addi %add3A_1868, %shift_left3A_1882 : vector<16xi32>
    %gather3A_1884 = tpu.vector_load_idx %arg8[%add3A_1883] : memref<4096xf32, #tpu.memory_space<vmem>>[vector<16xi32>], vector<16xf32>,
    %add3A_1885 = arith.constant 56 : i32
    %add3A_1886 = vector.broadcast %add3A_1885 : i32 to vector<16xi32>
    %add3A_1887 = arith.addi %mul3A_5, %add3A_1886 : vector<16xi32>
    tpu.vector_store_idx %arg9[%add3A_1887], %gather3A_1884 : memref<1024xf32, #tpu.memory_space<vmem>>[vector<16xi32>], vector<16xf32>,
    %shift_right_arithmetic3A_1888 = arith.constant 2 : i32
    %shift_right_arithmetic3A_1889 = vector.broadcast %shift_right_arithmetic3A_1888 : i32 to vector<16xi32>
    %shift_right_arithmetic3A_1890 = arith.shrsi %add3A_1868, %shift_right_arithmetic3A_1889 : vector<16xi32>
    %shift_left3A_1891 = arith.constant 8 : i32
    %shift_left3A_1892 = vector.broadcast %shift_left3A_1891 : i32 to vector<16xi32>
    %shift_left3A_1893 = arith.shli %and3A_1879, %shift_left3A_1892 : vector<16xi32>
    %add3A_1894 = arith.addi %shift_right_arithmetic3A_1890, %shift_left3A_1893 : vector<16xi32>
    %add3A_1895 = arith.constant 49152 : i32
    %add3A_1896 = vector.broadcast %add3A_1895 : i32 to vector<16xi32>
    %add3A_1897 = arith.addi %add3A_1896, %shift_left3A_2 : vector<16xi32>
    %add3A_1898 = arith.addi %add3A_1897, %add3A_1894 : vector<16xi32>
    %gather3A_1899 = tpu.vector_load_idx %arg6[%add3A_1898] : memref<65536xi32, #tpu.memory_space<vmem>>[vector<16xi32>], vector<16xi32>,
    %shift_right_arithmetic3A_1900 = arith.constant 14 : i32
    %shift_right_arithmetic3A_1901 = vector.broadcast %shift_right_arithmetic3A_1900 : i32 to vector<16xi32>
    %shift_right_arithmetic3A_1902 = arith.shrsi %gather3A_1899, %shift_right_arithmetic3A_1901 : vector<16xi32>
    %and3A_1903 = arith.constant 3 : i32
    %and3A_1904 = vector.broadcast %and3A_1903 : i32 to vector<16xi32>
    %and3A_1905 = arith.andi %shift_right_arithmetic3A_1902, %and3A_1904 : vector<16xi32>
    %shift_left3A_1906 = arith.constant 10 : i32
    %shift_left3A_1907 = vector.broadcast %shift_left3A_1906 : i32 to vector<16xi32>
    %shift_left3A_1908 = arith.shli %and3A_1905, %shift_left3A_1907 : vector<16xi32>
    %add3A_1909 = arith.addi %add3A_1894, %shift_left3A_1908 : vector<16xi32>
    %gather3A_1910 = tpu.vector_load_idx %arg8[%add3A_1909] : memref<4096xf32, #tpu.memory_space<vmem>>[vector<16xi32>], vector<16xf32>,
    %add3A_1911 = arith.constant 55 : i32
    %add3A_1912 = vector.broadcast %add3A_1911 : i32 to vector<16xi32>
    %add3A_1913 = arith.addi %mul3A_5, %add3A_1912 : vector<16xi32>
    tpu.vector_store_idx %arg9[%add3A_1913], %gather3A_1910 : memref<1024xf32, #tpu.memory_space<vmem>>[vector<16xi32>], vector<16xf32>,
    %shift_right_arithmetic3A_1914 = arith.constant 2 : i32
    %shift_right_arithmetic3A_1915 = vector.broadcast %shift_right_arithmetic3A_1914 : i32 to vector<16xi32>
    %shift_right_arithmetic3A_1916 = arith.shrsi %add3A_1894, %shift_right_arithmetic3A_1915 : vector<16xi32>
    %shift_left3A_1917 = arith.constant 8 : i32
    %shift_left3A_1918 = vector.broadcast %shift_left3A_1917 : i32 to vector<16xi32>
    %shift_left3A_1919 = arith.shli %and3A_1905, %shift_left3A_1918 : vector<16xi32>
    %add3A_1920 = arith.addi %shift_right_arithmetic3A_1916, %shift_left3A_1919 : vector<16xi32>
    %add3A_1921 = arith.constant 49152 : i32
    %add3A_1922 = vector.broadcast %add3A_1921 : i32 to vector<16xi32>
    %add3A_1923 = arith.addi %add3A_1922, %shift_left3A_2 : vector<16xi32>
    %add3A_1924 = arith.addi %add3A_1923, %add3A_1920 : vector<16xi32>
    %gather3A_1925 = tpu.vector_load_idx %arg6[%add3A_1924] : memref<65536xi32, #tpu.memory_space<vmem>>[vector<16xi32>], vector<16xi32>,
    %shift_right_arithmetic3A_1926 = arith.constant 12 : i32
    %shift_right_arithmetic3A_1927 = vector.broadcast %shift_right_arithmetic3A_1926 : i32 to vector<16xi32>
    %shift_right_arithmetic3A_1928 = arith.shrsi %gather3A_1925, %shift_right_arithmetic3A_1927 : vector<16xi32>
    %and3A_1929 = arith.constant 3 : i32
    %and3A_1930 = vector.broadcast %and3A_1929 : i32 to vector<16xi32>
    %and3A_1931 = arith.andi %shift_right_arithmetic3A_1928, %and3A_1930 : vector<16xi32>
    %shift_left3A_1932 = arith.constant 10 : i32
    %shift_left3A_1933 = vector.broadcast %shift_left3A_1932 : i32 to vector<16xi32>
    %shift_left3A_1934 = arith.shli %and3A_1931, %shift_left3A_1933 : vector<16xi32>
    %add3A_1935 = arith.addi %add3A_1920, %shift_left3A_1934 : vector<16xi32>
    %gather3A_1936 = tpu.vector_load_idx %arg8[%add3A_1935] : memref<4096xf32, #tpu.memory_space<vmem>>[vector<16xi32>], vector<16xf32>,
    %add3A_1937 = arith.constant 54 : i32
    %add3A_1938 = vector.broadcast %add3A_1937 : i32 to vector<16xi32>
    %add3A_1939 = arith.addi %mul3A_5, %add3A_1938 : vector<16xi32>
    tpu.vector_store_idx %arg9[%add3A_1939], %gather3A_1936 : memref<1024xf32, #tpu.memory_space<vmem>>[vector<16xi32>], vector<16xf32>,
    %shift_right_arithmetic3A_1940 = arith.constant 2 : i32
    %shift_right_arithmetic3A_1941 = vector.broadcast %shift_right_arithmetic3A_1940 : i32 to vector<16xi32>
    %shift_right_arithmetic3A_1942 = arith.shrsi %add3A_1920, %shift_right_arithmetic3A_1941 : vector<16xi32>
    %shift_left3A_1943 = arith.constant 8 : i32
    %shift_left3A_1944 = vector.broadcast %shift_left3A_1943 : i32 to vector<16xi32>
    %shift_left3A_1945 = arith.shli %and3A_1931, %shift_left3A_1944 : vector<16xi32>
    %add3A_1946 = arith.addi %shift_right_arithmetic3A_1942, %shift_left3A_1945 : vector<16xi32>
    %add3A_1947 = arith.constant 49152 : i32
    %add3A_1948 = vector.broadcast %add3A_1947 : i32 to vector<16xi32>
    %add3A_1949 = arith.addi %add3A_1948, %shift_left3A_2 : vector<16xi32>
    %add3A_1950 = arith.addi %add3A_1949, %add3A_1946 : vector<16xi32>
    %gather3A_1951 = tpu.vector_load_idx %arg6[%add3A_1950] : memref<65536xi32, #tpu.memory_space<vmem>>[vector<16xi32>], vector<16xi32>,
    %shift_right_arithmetic3A_1952 = arith.constant 10 : i32
    %shift_right_arithmetic3A_1953 = vector.broadcast %shift_right_arithmetic3A_1952 : i32 to vector<16xi32>
    %shift_right_arithmetic3A_1954 = arith.shrsi %gather3A_1951, %shift_right_arithmetic3A_1953 : vector<16xi32>
    %and3A_1955 = arith.constant 3 : i32
    %and3A_1956 = vector.broadcast %and3A_1955 : i32 to vector<16xi32>
    %and3A_1957 = arith.andi %shift_right_arithmetic3A_1954, %and3A_1956 : vector<16xi32>
    %shift_left3A_1958 = arith.constant 10 : i32
    %shift_left3A_1959 = vector.broadcast %shift_left3A_1958 : i32 to vector<16xi32>
    %shift_left3A_1960 = arith.shli %and3A_1957, %shift_left3A_1959 : vector<16xi32>
    %add3A_1961 = arith.addi %add3A_1946, %shift_left3A_1960 : vector<16xi32>
    %gather3A_1962 = tpu.vector_load_idx %arg8[%add3A_1961] : memref<4096xf32, #tpu.memory_space<vmem>>[vector<16xi32>], vector<16xf32>,
    %add3A_1963 = arith.constant 53 : i32
    %add3A_1964 = vector.broadcast %add3A_1963 : i32 to vector<16xi32>
    %add3A_1965 = arith.addi %mul3A_5, %add3A_1964 : vector<16xi32>
    tpu.vector_store_idx %arg9[%add3A_1965], %gather3A_1962 : memref<1024xf32, #tpu.memory_space<vmem>>[vector<16xi32>], vector<16xf32>,
    %shift_right_arithmetic3A_1966 = arith.constant 2 : i32
    %shift_right_arithmetic3A_1967 = vector.broadcast %shift_right_arithmetic3A_1966 : i32 to vector<16xi32>
    %shift_right_arithmetic3A_1968 = arith.shrsi %add3A_1946, %shift_right_arithmetic3A_1967 : vector<16xi32>
    %shift_left3A_1969 = arith.constant 8 : i32
    %shift_left3A_1970 = vector.broadcast %shift_left3A_1969 : i32 to vector<16xi32>
    %shift_left3A_1971 = arith.shli %and3A_1957, %shift_left3A_1970 : vector<16xi32>
    %add3A_1972 = arith.addi %shift_right_arithmetic3A_1968, %shift_left3A_1971 : vector<16xi32>
    %add3A_1973 = arith.constant 49152 : i32
    %add3A_1974 = vector.broadcast %add3A_1973 : i32 to vector<16xi32>
    %add3A_1975 = arith.addi %add3A_1974, %shift_left3A_2 : vector<16xi32>
    %add3A_1976 = arith.addi %add3A_1975, %add3A_1972 : vector<16xi32>
    %gather3A_1977 = tpu.vector_load_idx %arg6[%add3A_1976] : memref<65536xi32, #tpu.memory_space<vmem>>[vector<16xi32>], vector<16xi32>,
    %shift_right_arithmetic3A_1978 = arith.constant 8 : i32
    %shift_right_arithmetic3A_1979 = vector.broadcast %shift_right_arithmetic3A_1978 : i32 to vector<16xi32>
    %shift_right_arithmetic3A_1980 = arith.shrsi %gather3A_1977, %shift_right_arithmetic3A_1979 : vector<16xi32>
    %and3A_1981 = arith.constant 3 : i32
    %and3A_1982 = vector.broadcast %and3A_1981 : i32 to vector<16xi32>
    %and3A_1983 = arith.andi %shift_right_arithmetic3A_1980, %and3A_1982 : vector<16xi32>
    %shift_left3A_1984 = arith.constant 10 : i32
    %shift_left3A_1985 = vector.broadcast %shift_left3A_1984 : i32 to vector<16xi32>
    %shift_left3A_1986 = arith.shli %and3A_1983, %shift_left3A_1985 : vector<16xi32>
    %add3A_1987 = arith.addi %add3A_1972, %shift_left3A_1986 : vector<16xi32>
    %gather3A_1988 = tpu.vector_load_idx %arg8[%add3A_1987] : memref<4096xf32, #tpu.memory_space<vmem>>[vector<16xi32>], vector<16xf32>,
    %add3A_1989 = arith.constant 52 : i32
    %add3A_1990 = vector.broadcast %add3A_1989 : i32 to vector<16xi32>
    %add3A_1991 = arith.addi %mul3A_5, %add3A_1990 : vector<16xi32>
    tpu.vector_store_idx %arg9[%add3A_1991], %gather3A_1988 : memref<1024xf32, #tpu.memory_space<vmem>>[vector<16xi32>], vector<16xf32>,
    %shift_right_arithmetic3A_1992 = arith.constant 2 : i32
    %shift_right_arithmetic3A_1993 = vector.broadcast %shift_right_arithmetic3A_1992 : i32 to vector<16xi32>
    %shift_right_arithmetic3A_1994 = arith.shrsi %add3A_1972, %shift_right_arithmetic3A_1993 : vector<16xi32>
    %shift_left3A_1995 = arith.constant 8 : i32
    %shift_left3A_1996 = vector.broadcast %shift_left3A_1995 : i32 to vector<16xi32>
    %shift_left3A_1997 = arith.shli %and3A_1983, %shift_left3A_1996 : vector<16xi32>
    %add3A_1998 = arith.addi %shift_right_arithmetic3A_1994, %shift_left3A_1997 : vector<16xi32>
    %add3A_1999 = arith.constant 49152 : i32
    %add3A_2000 = vector.broadcast %add3A_1999 : i32 to vector<16xi32>
    %add3A_2001 = arith.addi %add3A_2000, %shift_left3A_2 : vector<16xi32>
    %add3A_2002 = arith.addi %add3A_2001, %add3A_1998 : vector<16xi32>
    %gather3A_2003 = tpu.vector_load_idx %arg6[%add3A_2002] : memref<65536xi32, #tpu.memory_space<vmem>>[vector<16xi32>], vector<16xi32>,
    %shift_right_arithmetic3A_2004 = arith.constant 6 : i32
    %shift_right_arithmetic3A_2005 = vector.broadcast %shift_right_arithmetic3A_2004 : i32 to vector<16xi32>
    %shift_right_arithmetic3A_2006 = arith.shrsi %gather3A_2003, %shift_right_arithmetic3A_2005 : vector<16xi32>
    %and3A_2007 = arith.constant 3 : i32
    %and3A_2008 = vector.broadcast %and3A_2007 : i32 to vector<16xi32>
    %and3A_2009 = arith.andi %shift_right_arithmetic3A_2006, %and3A_2008 : vector<16xi32>
    %shift_left3A_2010 = arith.constant 10 : i32
    %shift_left3A_2011 = vector.broadcast %shift_left3A_2010 : i32 to vector<16xi32>
    %shift_left3A_2012 = arith.shli %and3A_2009, %shift_left3A_2011 : vector<16xi32>
    %add3A_2013 = arith.addi %add3A_1998, %shift_left3A_2012 : vector<16xi32>
    %gather3A_2014 = tpu.vector_load_idx %arg8[%add3A_2013] : memref<4096xf32, #tpu.memory_space<vmem>>[vector<16xi32>], vector<16xf32>,
    %add3A_2015 = arith.constant 51 : i32
    %add3A_2016 = vector.broadcast %add3A_2015 : i32 to vector<16xi32>
    %add3A_2017 = arith.addi %mul3A_5, %add3A_2016 : vector<16xi32>
    tpu.vector_store_idx %arg9[%add3A_2017], %gather3A_2014 : memref<1024xf32, #tpu.memory_space<vmem>>[vector<16xi32>], vector<16xf32>,
    %shift_right_arithmetic3A_2018 = arith.constant 2 : i32
    %shift_right_arithmetic3A_2019 = vector.broadcast %shift_right_arithmetic3A_2018 : i32 to vector<16xi32>
    %shift_right_arithmetic3A_2020 = arith.shrsi %add3A_1998, %shift_right_arithmetic3A_2019 : vector<16xi32>
    %shift_left3A_2021 = arith.constant 8 : i32
    %shift_left3A_2022 = vector.broadcast %shift_left3A_2021 : i32 to vector<16xi32>
    %shift_left3A_2023 = arith.shli %and3A_2009, %shift_left3A_2022 : vector<16xi32>
    %add3A_2024 = arith.addi %shift_right_arithmetic3A_2020, %shift_left3A_2023 : vector<16xi32>
    %add3A_2025 = arith.constant 49152 : i32
    %add3A_2026 = vector.broadcast %add3A_2025 : i32 to vector<16xi32>
    %add3A_2027 = arith.addi %add3A_2026, %shift_left3A_2 : vector<16xi32>
    %add3A_2028 = arith.addi %add3A_2027, %add3A_2024 : vector<16xi32>
    %gather3A_2029 = tpu.vector_load_idx %arg6[%add3A_2028] : memref<65536xi32, #tpu.memory_space<vmem>>[vector<16xi32>], vector<16xi32>,
    %shift_right_arithmetic3A_2030 = arith.constant 4 : i32
    %shift_right_arithmetic3A_2031 = vector.broadcast %shift_right_arithmetic3A_2030 : i32 to vector<16xi32>
    %shift_right_arithmetic3A_2032 = arith.shrsi %gather3A_2029, %shift_right_arithmetic3A_2031 : vector<16xi32>
    %and3A_2033 = arith.constant 3 : i32
    %and3A_2034 = vector.broadcast %and3A_2033 : i32 to vector<16xi32>
    %and3A_2035 = arith.andi %shift_right_arithmetic3A_2032, %and3A_2034 : vector<16xi32>
    %shift_left3A_2036 = arith.constant 10 : i32
    %shift_left3A_2037 = vector.broadcast %shift_left3A_2036 : i32 to vector<16xi32>
    %shift_left3A_2038 = arith.shli %and3A_2035, %shift_left3A_2037 : vector<16xi32>
    %add3A_2039 = arith.addi %add3A_2024, %shift_left3A_2038 : vector<16xi32>
    %gather3A_2040 = tpu.vector_load_idx %arg8[%add3A_2039] : memref<4096xf32, #tpu.memory_space<vmem>>[vector<16xi32>], vector<16xf32>,
    %add3A_2041 = arith.constant 50 : i32
    %add3A_2042 = vector.broadcast %add3A_2041 : i32 to vector<16xi32>
    %add3A_2043 = arith.addi %mul3A_5, %add3A_2042 : vector<16xi32>
    tpu.vector_store_idx %arg9[%add3A_2043], %gather3A_2040 : memref<1024xf32, #tpu.memory_space<vmem>>[vector<16xi32>], vector<16xf32>,
    %shift_right_arithmetic3A_2044 = arith.constant 2 : i32
    %shift_right_arithmetic3A_2045 = vector.broadcast %shift_right_arithmetic3A_2044 : i32 to vector<16xi32>
    %shift_right_arithmetic3A_2046 = arith.shrsi %add3A_2024, %shift_right_arithmetic3A_2045 : vector<16xi32>
    %shift_left3A_2047 = arith.constant 8 : i32
    %shift_left3A_2048 = vector.broadcast %shift_left3A_2047 : i32 to vector<16xi32>
    %shift_left3A_2049 = arith.shli %and3A_2035, %shift_left3A_2048 : vector<16xi32>
    %add3A_2050 = arith.addi %shift_right_arithmetic3A_2046, %shift_left3A_2049 : vector<16xi32>
    %add3A_2051 = arith.constant 49152 : i32
    %add3A_2052 = vector.broadcast %add3A_2051 : i32 to vector<16xi32>
    %add3A_2053 = arith.addi %add3A_2052, %shift_left3A_2 : vector<16xi32>
    %add3A_2054 = arith.addi %add3A_2053, %add3A_2050 : vector<16xi32>
    %gather3A_2055 = tpu.vector_load_idx %arg6[%add3A_2054] : memref<65536xi32, #tpu.memory_space<vmem>>[vector<16xi32>], vector<16xi32>,
    %shift_right_arithmetic3A_2056 = arith.constant 2 : i32
    %shift_right_arithmetic3A_2057 = vector.broadcast %shift_right_arithmetic3A_2056 : i32 to vector<16xi32>
    %shift_right_arithmetic3A_2058 = arith.shrsi %gather3A_2055, %shift_right_arithmetic3A_2057 : vector<16xi32>
    %and3A_2059 = arith.constant 3 : i32
    %and3A_2060 = vector.broadcast %and3A_2059 : i32 to vector<16xi32>
    %and3A_2061 = arith.andi %shift_right_arithmetic3A_2058, %and3A_2060 : vector<16xi32>
    %shift_left3A_2062 = arith.constant 10 : i32
    %shift_left3A_2063 = vector.broadcast %shift_left3A_2062 : i32 to vector<16xi32>
    %shift_left3A_2064 = arith.shli %and3A_2061, %shift_left3A_2063 : vector<16xi32>
    %add3A_2065 = arith.addi %add3A_2050, %shift_left3A_2064 : vector<16xi32>
    %gather3A_2066 = tpu.vector_load_idx %arg8[%add3A_2065] : memref<4096xf32, #tpu.memory_space<vmem>>[vector<16xi32>], vector<16xf32>,
    %add3A_2067 = arith.constant 49 : i32
    %add3A_2068 = vector.broadcast %add3A_2067 : i32 to vector<16xi32>
    %add3A_2069 = arith.addi %mul3A_5, %add3A_2068 : vector<16xi32>
    tpu.vector_store_idx %arg9[%add3A_2069], %gather3A_2066 : memref<1024xf32, #tpu.memory_space<vmem>>[vector<16xi32>], vector<16xf32>,
    %shift_right_arithmetic3A_2070 = arith.constant 2 : i32
    %shift_right_arithmetic3A_2071 = vector.broadcast %shift_right_arithmetic3A_2070 : i32 to vector<16xi32>
    %shift_right_arithmetic3A_2072 = arith.shrsi %add3A_2050, %shift_right_arithmetic3A_2071 : vector<16xi32>
    %shift_left3A_2073 = arith.constant 8 : i32
    %shift_left3A_2074 = vector.broadcast %shift_left3A_2073 : i32 to vector<16xi32>
    %shift_left3A_2075 = arith.shli %and3A_2061, %shift_left3A_2074 : vector<16xi32>
    %add3A_2076 = arith.addi %shift_right_arithmetic3A_2072, %shift_left3A_2075 : vector<16xi32>
    %add3A_2077 = arith.constant 49152 : i32
    %add3A_2078 = vector.broadcast %add3A_2077 : i32 to vector<16xi32>
    %add3A_2079 = arith.addi %add3A_2078, %shift_left3A_2 : vector<16xi32>
    %add3A_2080 = arith.addi %add3A_2079, %add3A_2076 : vector<16xi32>
    %gather3A_2081 = tpu.vector_load_idx %arg6[%add3A_2080] : memref<65536xi32, #tpu.memory_space<vmem>>[vector<16xi32>], vector<16xi32>,
    %shift_right_arithmetic3A_2082 = arith.constant 0 : i32
    %shift_right_arithmetic3A_2083 = vector.broadcast %shift_right_arithmetic3A_2082 : i32 to vector<16xi32>
    %shift_right_arithmetic3A_2084 = arith.shrsi %gather3A_2081, %shift_right_arithmetic3A_2083 : vector<16xi32>
    %and3A_2085 = arith.constant 3 : i32
    %and3A_2086 = vector.broadcast %and3A_2085 : i32 to vector<16xi32>
    %and3A_2087 = arith.andi %shift_right_arithmetic3A_2084, %and3A_2086 : vector<16xi32>
    %shift_left3A_2088 = arith.constant 10 : i32
    %shift_left3A_2089 = vector.broadcast %shift_left3A_2088 : i32 to vector<16xi32>
    %shift_left3A_2090 = arith.shli %and3A_2087, %shift_left3A_2089 : vector<16xi32>
    %add3A_2091 = arith.addi %add3A_2076, %shift_left3A_2090 : vector<16xi32>
    %gather3A_2092 = tpu.vector_load_idx %arg8[%add3A_2091] : memref<4096xf32, #tpu.memory_space<vmem>>[vector<16xi32>], vector<16xf32>,
    %add3A_2093 = arith.constant 48 : i32
    %add3A_2094 = vector.broadcast %add3A_2093 : i32 to vector<16xi32>
    %add3A_2095 = arith.addi %mul3A_5, %add3A_2094 : vector<16xi32>
    tpu.vector_store_idx %arg9[%add3A_2095], %gather3A_2092 : memref<1024xf32, #tpu.memory_space<vmem>>[vector<16xi32>], vector<16xf32>,
    %shift_right_arithmetic3A_2096 = arith.constant 2 : i32
    %shift_right_arithmetic3A_2097 = vector.broadcast %shift_right_arithmetic3A_2096 : i32 to vector<16xi32>
    %shift_right_arithmetic3A_2098 = arith.shrsi %add3A_2076, %shift_right_arithmetic3A_2097 : vector<16xi32>
    %shift_left3A_2099 = arith.constant 8 : i32
    %shift_left3A_2100 = vector.broadcast %shift_left3A_2099 : i32 to vector<16xi32>
    %shift_left3A_2101 = arith.shli %and3A_2087, %shift_left3A_2100 : vector<16xi32>
    %add3A_2102 = arith.addi %shift_right_arithmetic3A_2098, %shift_left3A_2101 : vector<16xi32>
    %add3A_2103 = arith.constant 32768 : i32
    %add3A_2104 = vector.broadcast %add3A_2103 : i32 to vector<16xi32>
    %add3A_2105 = arith.addi %add3A_2104, %shift_left3A_2 : vector<16xi32>
    %add3A_2106 = arith.addi %add3A_2105, %add3A_2102 : vector<16xi32>
    %gather3A_2107 = tpu.vector_load_idx %arg6[%add3A_2106] : memref<65536xi32, #tpu.memory_space<vmem>>[vector<16xi32>], vector<16xi32>,
    %shift_right_arithmetic3A_2108 = arith.constant 30 : i32
    %shift_right_arithmetic3A_2109 = vector.broadcast %shift_right_arithmetic3A_2108 : i32 to vector<16xi32>
    %shift_right_arithmetic3A_2110 = arith.shrsi %gather3A_2107, %shift_right_arithmetic3A_2109 : vector<16xi32>
    %and3A_2111 = arith.constant 3 : i32
    %and3A_2112 = vector.broadcast %and3A_2111 : i32 to vector<16xi32>
    %and3A_2113 = arith.andi %shift_right_arithmetic3A_2110, %and3A_2112 : vector<16xi32>
    %shift_left3A_2114 = arith.constant 10 : i32
    %shift_left3A_2115 = vector.broadcast %shift_left3A_2114 : i32 to vector<16xi32>
    %shift_left3A_2116 = arith.shli %and3A_2113, %shift_left3A_2115 : vector<16xi32>
    %add3A_2117 = arith.addi %add3A_2102, %shift_left3A_2116 : vector<16xi32>
    %gather3A_2118 = tpu.vector_load_idx %arg8[%add3A_2117] : memref<4096xf32, #tpu.memory_space<vmem>>[vector<16xi32>], vector<16xf32>,
    %add3A_2119 = arith.constant 47 : i32
    %add3A_2120 = vector.broadcast %add3A_2119 : i32 to vector<16xi32>
    %add3A_2121 = arith.addi %mul3A_5, %add3A_2120 : vector<16xi32>
    tpu.vector_store_idx %arg9[%add3A_2121], %gather3A_2118 : memref<1024xf32, #tpu.memory_space<vmem>>[vector<16xi32>], vector<16xf32>,
    %shift_right_arithmetic3A_2122 = arith.constant 2 : i32
    %shift_right_arithmetic3A_2123 = vector.broadcast %shift_right_arithmetic3A_2122 : i32 to vector<16xi32>
    %shift_right_arithmetic3A_2124 = arith.shrsi %add3A_2102, %shift_right_arithmetic3A_2123 : vector<16xi32>
    %shift_left3A_2125 = arith.constant 8 : i32
    %shift_left3A_2126 = vector.broadcast %shift_left3A_2125 : i32 to vector<16xi32>
    %shift_left3A_2127 = arith.shli %and3A_2113, %shift_left3A_2126 : vector<16xi32>
    %add3A_2128 = arith.addi %shift_right_arithmetic3A_2124, %shift_left3A_2127 : vector<16xi32>
    %add3A_2129 = arith.constant 32768 : i32
    %add3A_2130 = vector.broadcast %add3A_2129 : i32 to vector<16xi32>
    %add3A_2131 = arith.addi %add3A_2130, %shift_left3A_2 : vector<16xi32>
    %add3A_2132 = arith.addi %add3A_2131, %add3A_2128 : vector<16xi32>
    %gather3A_2133 = tpu.vector_load_idx %arg6[%add3A_2132] : memref<65536xi32, #tpu.memory_space<vmem>>[vector<16xi32>], vector<16xi32>,
    %shift_right_arithmetic3A_2134 = arith.constant 28 : i32
    %shift_right_arithmetic3A_2135 = vector.broadcast %shift_right_arithmetic3A_2134 : i32 to vector<16xi32>
    %shift_right_arithmetic3A_2136 = arith.shrsi %gather3A_2133, %shift_right_arithmetic3A_2135 : vector<16xi32>
    %and3A_2137 = arith.constant 3 : i32
    %and3A_2138 = vector.broadcast %and3A_2137 : i32 to vector<16xi32>
    %and3A_2139 = arith.andi %shift_right_arithmetic3A_2136, %and3A_2138 : vector<16xi32>
    %shift_left3A_2140 = arith.constant 10 : i32
    %shift_left3A_2141 = vector.broadcast %shift_left3A_2140 : i32 to vector<16xi32>
    %shift_left3A_2142 = arith.shli %and3A_2139, %shift_left3A_2141 : vector<16xi32>
    %add3A_2143 = arith.addi %add3A_2128, %shift_left3A_2142 : vector<16xi32>
    %gather3A_2144 = tpu.vector_load_idx %arg8[%add3A_2143] : memref<4096xf32, #tpu.memory_space<vmem>>[vector<16xi32>], vector<16xf32>,
    %add3A_2145 = arith.constant 46 : i32
    %add3A_2146 = vector.broadcast %add3A_2145 : i32 to vector<16xi32>
    %add3A_2147 = arith.addi %mul3A_5, %add3A_2146 : vector<16xi32>
    tpu.vector_store_idx %arg9[%add3A_2147], %gather3A_2144 : memref<1024xf32, #tpu.memory_space<vmem>>[vector<16xi32>], vector<16xf32>,
    %shift_right_arithmetic3A_2148 = arith.constant 2 : i32
    %shift_right_arithmetic3A_2149 = vector.broadcast %shift_right_arithmetic3A_2148 : i32 to vector<16xi32>
    %shift_right_arithmetic3A_2150 = arith.shrsi %add3A_2128, %shift_right_arithmetic3A_2149 : vector<16xi32>
    %shift_left3A_2151 = arith.constant 8 : i32
    %shift_left3A_2152 = vector.broadcast %shift_left3A_2151 : i32 to vector<16xi32>
    %shift_left3A_2153 = arith.shli %and3A_2139, %shift_left3A_2152 : vector<16xi32>
    %add3A_2154 = arith.addi %shift_right_arithmetic3A_2150, %shift_left3A_2153 : vector<16xi32>
    %add3A_2155 = arith.constant 32768 : i32
    %add3A_2156 = vector.broadcast %add3A_2155 : i32 to vector<16xi32>
    %add3A_2157 = arith.addi %add3A_2156, %shift_left3A_2 : vector<16xi32>
    %add3A_2158 = arith.addi %add3A_2157, %add3A_2154 : vector<16xi32>
    %gather3A_2159 = tpu.vector_load_idx %arg6[%add3A_2158] : memref<65536xi32, #tpu.memory_space<vmem>>[vector<16xi32>], vector<16xi32>,
    %shift_right_arithmetic3A_2160 = arith.constant 26 : i32
    %shift_right_arithmetic3A_2161 = vector.broadcast %shift_right_arithmetic3A_2160 : i32 to vector<16xi32>
    %shift_right_arithmetic3A_2162 = arith.shrsi %gather3A_2159, %shift_right_arithmetic3A_2161 : vector<16xi32>
    %and3A_2163 = arith.constant 3 : i32
    %and3A_2164 = vector.broadcast %and3A_2163 : i32 to vector<16xi32>
    %and3A_2165 = arith.andi %shift_right_arithmetic3A_2162, %and3A_2164 : vector<16xi32>
    %shift_left3A_2166 = arith.constant 10 : i32
    %shift_left3A_2167 = vector.broadcast %shift_left3A_2166 : i32 to vector<16xi32>
    %shift_left3A_2168 = arith.shli %and3A_2165, %shift_left3A_2167 : vector<16xi32>
    %add3A_2169 = arith.addi %add3A_2154, %shift_left3A_2168 : vector<16xi32>
    %gather3A_2170 = tpu.vector_load_idx %arg8[%add3A_2169] : memref<4096xf32, #tpu.memory_space<vmem>>[vector<16xi32>], vector<16xf32>,
    %add3A_2171 = arith.constant 45 : i32
    %add3A_2172 = vector.broadcast %add3A_2171 : i32 to vector<16xi32>
    %add3A_2173 = arith.addi %mul3A_5, %add3A_2172 : vector<16xi32>
    tpu.vector_store_idx %arg9[%add3A_2173], %gather3A_2170 : memref<1024xf32, #tpu.memory_space<vmem>>[vector<16xi32>], vector<16xf32>,
    %shift_right_arithmetic3A_2174 = arith.constant 2 : i32
    %shift_right_arithmetic3A_2175 = vector.broadcast %shift_right_arithmetic3A_2174 : i32 to vector<16xi32>
    %shift_right_arithmetic3A_2176 = arith.shrsi %add3A_2154, %shift_right_arithmetic3A_2175 : vector<16xi32>
    %shift_left3A_2177 = arith.constant 8 : i32
    %shift_left3A_2178 = vector.broadcast %shift_left3A_2177 : i32 to vector<16xi32>
    %shift_left3A_2179 = arith.shli %and3A_2165, %shift_left3A_2178 : vector<16xi32>
    %add3A_2180 = arith.addi %shift_right_arithmetic3A_2176, %shift_left3A_2179 : vector<16xi32>
    %add3A_2181 = arith.constant 32768 : i32
    %add3A_2182 = vector.broadcast %add3A_2181 : i32 to vector<16xi32>
    %add3A_2183 = arith.addi %add3A_2182, %shift_left3A_2 : vector<16xi32>
    %add3A_2184 = arith.addi %add3A_2183, %add3A_2180 : vector<16xi32>
    %gather3A_2185 = tpu.vector_load_idx %arg6[%add3A_2184] : memref<65536xi32, #tpu.memory_space<vmem>>[vector<16xi32>], vector<16xi32>,
    %shift_right_arithmetic3A_2186 = arith.constant 24 : i32
    %shift_right_arithmetic3A_2187 = vector.broadcast %shift_right_arithmetic3A_2186 : i32 to vector<16xi32>
    %shift_right_arithmetic3A_2188 = arith.shrsi %gather3A_2185, %shift_right_arithmetic3A_2187 : vector<16xi32>
    %and3A_2189 = arith.constant 3 : i32
    %and3A_2190 = vector.broadcast %and3A_2189 : i32 to vector<16xi32>
    %and3A_2191 = arith.andi %shift_right_arithmetic3A_2188, %and3A_2190 : vector<16xi32>
    %shift_left3A_2192 = arith.constant 10 : i32
    %shift_left3A_2193 = vector.broadcast %shift_left3A_2192 : i32 to vector<16xi32>
    %shift_left3A_2194 = arith.shli %and3A_2191, %shift_left3A_2193 : vector<16xi32>
    %add3A_2195 = arith.addi %add3A_2180, %shift_left3A_2194 : vector<16xi32>
    %gather3A_2196 = tpu.vector_load_idx %arg8[%add3A_2195] : memref<4096xf32, #tpu.memory_space<vmem>>[vector<16xi32>], vector<16xf32>,
    %add3A_2197 = arith.constant 44 : i32
    %add3A_2198 = vector.broadcast %add3A_2197 : i32 to vector<16xi32>
    %add3A_2199 = arith.addi %mul3A_5, %add3A_2198 : vector<16xi32>
    tpu.vector_store_idx %arg9[%add3A_2199], %gather3A_2196 : memref<1024xf32, #tpu.memory_space<vmem>>[vector<16xi32>], vector<16xf32>,
    %shift_right_arithmetic3A_2200 = arith.constant 2 : i32
    %shift_right_arithmetic3A_2201 = vector.broadcast %shift_right_arithmetic3A_2200 : i32 to vector<16xi32>
    %shift_right_arithmetic3A_2202 = arith.shrsi %add3A_2180, %shift_right_arithmetic3A_2201 : vector<16xi32>
    %shift_left3A_2203 = arith.constant 8 : i32
    %shift_left3A_2204 = vector.broadcast %shift_left3A_2203 : i32 to vector<16xi32>
    %shift_left3A_2205 = arith.shli %and3A_2191, %shift_left3A_2204 : vector<16xi32>
    %add3A_2206 = arith.addi %shift_right_arithmetic3A_2202, %shift_left3A_2205 : vector<16xi32>
    %add3A_2207 = arith.constant 32768 : i32
    %add3A_2208 = vector.broadcast %add3A_2207 : i32 to vector<16xi32>
    %add3A_2209 = arith.addi %add3A_2208, %shift_left3A_2 : vector<16xi32>
    %add3A_2210 = arith.addi %add3A_2209, %add3A_2206 : vector<16xi32>
    %gather3A_2211 = tpu.vector_load_idx %arg6[%add3A_2210] : memref<65536xi32, #tpu.memory_space<vmem>>[vector<16xi32>], vector<16xi32>,
    %shift_right_arithmetic3A_2212 = arith.constant 22 : i32
    %shift_right_arithmetic3A_2213 = vector.broadcast %shift_right_arithmetic3A_2212 : i32 to vector<16xi32>
    %shift_right_arithmetic3A_2214 = arith.shrsi %gather3A_2211, %shift_right_arithmetic3A_2213 : vector<16xi32>
    %and3A_2215 = arith.constant 3 : i32
    %and3A_2216 = vector.broadcast %and3A_2215 : i32 to vector<16xi32>
    %and3A_2217 = arith.andi %shift_right_arithmetic3A_2214, %and3A_2216 : vector<16xi32>
    %shift_left3A_2218 = arith.constant 10 : i32
    %shift_left3A_2219 = vector.broadcast %shift_left3A_2218 : i32 to vector<16xi32>
    %shift_left3A_2220 = arith.shli %and3A_2217, %shift_left3A_2219 : vector<16xi32>
    %add3A_2221 = arith.addi %add3A_2206, %shift_left3A_2220 : vector<16xi32>
    %gather3A_2222 = tpu.vector_load_idx %arg8[%add3A_2221] : memref<4096xf32, #tpu.memory_space<vmem>>[vector<16xi32>], vector<16xf32>,
    %add3A_2223 = arith.constant 43 : i32
    %add3A_2224 = vector.broadcast %add3A_2223 : i32 to vector<16xi32>
    %add3A_2225 = arith.addi %mul3A_5, %add3A_2224 : vector<16xi32>
    tpu.vector_store_idx %arg9[%add3A_2225], %gather3A_2222 : memref<1024xf32, #tpu.memory_space<vmem>>[vector<16xi32>], vector<16xf32>,
    %shift_right_arithmetic3A_2226 = arith.constant 2 : i32
    %shift_right_arithmetic3A_2227 = vector.broadcast %shift_right_arithmetic3A_2226 : i32 to vector<16xi32>
    %shift_right_arithmetic3A_2228 = arith.shrsi %add3A_2206, %shift_right_arithmetic3A_2227 : vector<16xi32>
    %shift_left3A_2229 = arith.constant 8 : i32
    %shift_left3A_2230 = vector.broadcast %shift_left3A_2229 : i32 to vector<16xi32>
    %shift_left3A_2231 = arith.shli %and3A_2217, %shift_left3A_2230 : vector<16xi32>
    %add3A_2232 = arith.addi %shift_right_arithmetic3A_2228, %shift_left3A_2231 : vector<16xi32>
    %add3A_2233 = arith.constant 32768 : i32
    %add3A_2234 = vector.broadcast %add3A_2233 : i32 to vector<16xi32>
    %add3A_2235 = arith.addi %add3A_2234, %shift_left3A_2 : vector<16xi32>
    %add3A_2236 = arith.addi %add3A_2235, %add3A_2232 : vector<16xi32>
    %gather3A_2237 = tpu.vector_load_idx %arg6[%add3A_2236] : memref<65536xi32, #tpu.memory_space<vmem>>[vector<16xi32>], vector<16xi32>,
    %shift_right_arithmetic3A_2238 = arith.constant 20 : i32
    %shift_right_arithmetic3A_2239 = vector.broadcast %shift_right_arithmetic3A_2238 : i32 to vector<16xi32>
    %shift_right_arithmetic3A_2240 = arith.shrsi %gather3A_2237, %shift_right_arithmetic3A_2239 : vector<16xi32>
    %and3A_2241 = arith.constant 3 : i32
    %and3A_2242 = vector.broadcast %and3A_2241 : i32 to vector<16xi32>
    %and3A_2243 = arith.andi %shift_right_arithmetic3A_2240, %and3A_2242 : vector<16xi32>
    %shift_left3A_2244 = arith.constant 10 : i32
    %shift_left3A_2245 = vector.broadcast %shift_left3A_2244 : i32 to vector<16xi32>
    %shift_left3A_2246 = arith.shli %and3A_2243, %shift_left3A_2245 : vector<16xi32>
    %add3A_2247 = arith.addi %add3A_2232, %shift_left3A_2246 : vector<16xi32>
    %gather3A_2248 = tpu.vector_load_idx %arg8[%add3A_2247] : memref<4096xf32, #tpu.memory_space<vmem>>[vector<16xi32>], vector<16xf32>,
    %add3A_2249 = arith.constant 42 : i32
    %add3A_2250 = vector.broadcast %add3A_2249 : i32 to vector<16xi32>
    %add3A_2251 = arith.addi %mul3A_5, %add3A_2250 : vector<16xi32>
    tpu.vector_store_idx %arg9[%add3A_2251], %gather3A_2248 : memref<1024xf32, #tpu.memory_space<vmem>>[vector<16xi32>], vector<16xf32>,
    %shift_right_arithmetic3A_2252 = arith.constant 2 : i32
    %shift_right_arithmetic3A_2253 = vector.broadcast %shift_right_arithmetic3A_2252 : i32 to vector<16xi32>
    %shift_right_arithmetic3A_2254 = arith.shrsi %add3A_2232, %shift_right_arithmetic3A_2253 : vector<16xi32>
    %shift_left3A_2255 = arith.constant 8 : i32
    %shift_left3A_2256 = vector.broadcast %shift_left3A_2255 : i32 to vector<16xi32>
    %shift_left3A_2257 = arith.shli %and3A_2243, %shift_left3A_2256 : vector<16xi32>
    %add3A_2258 = arith.addi %shift_right_arithmetic3A_2254, %shift_left3A_2257 : vector<16xi32>
    %add3A_2259 = arith.constant 32768 : i32
    %add3A_2260 = vector.broadcast %add3A_2259 : i32 to vector<16xi32>
    %add3A_2261 = arith.addi %add3A_2260, %shift_left3A_2 : vector<16xi32>
    %add3A_2262 = arith.addi %add3A_2261, %add3A_2258 : vector<16xi32>
    %gather3A_2263 = tpu.vector_load_idx %arg6[%add3A_2262] : memref<65536xi32, #tpu.memory_space<vmem>>[vector<16xi32>], vector<16xi32>,
    %shift_right_arithmetic3A_2264 = arith.constant 18 : i32
    %shift_right_arithmetic3A_2265 = vector.broadcast %shift_right_arithmetic3A_2264 : i32 to vector<16xi32>
    %shift_right_arithmetic3A_2266 = arith.shrsi %gather3A_2263, %shift_right_arithmetic3A_2265 : vector<16xi32>
    %and3A_2267 = arith.constant 3 : i32
    %and3A_2268 = vector.broadcast %and3A_2267 : i32 to vector<16xi32>
    %and3A_2269 = arith.andi %shift_right_arithmetic3A_2266, %and3A_2268 : vector<16xi32>
    %shift_left3A_2270 = arith.constant 10 : i32
    %shift_left3A_2271 = vector.broadcast %shift_left3A_2270 : i32 to vector<16xi32>
    %shift_left3A_2272 = arith.shli %and3A_2269, %shift_left3A_2271 : vector<16xi32>
    %add3A_2273 = arith.addi %add3A_2258, %shift_left3A_2272 : vector<16xi32>
    %gather3A_2274 = tpu.vector_load_idx %arg8[%add3A_2273] : memref<4096xf32, #tpu.memory_space<vmem>>[vector<16xi32>], vector<16xf32>,
    %add3A_2275 = arith.constant 41 : i32
    %add3A_2276 = vector.broadcast %add3A_2275 : i32 to vector<16xi32>
    %add3A_2277 = arith.addi %mul3A_5, %add3A_2276 : vector<16xi32>
    tpu.vector_store_idx %arg9[%add3A_2277], %gather3A_2274 : memref<1024xf32, #tpu.memory_space<vmem>>[vector<16xi32>], vector<16xf32>,
    %shift_right_arithmetic3A_2278 = arith.constant 2 : i32
    %shift_right_arithmetic3A_2279 = vector.broadcast %shift_right_arithmetic3A_2278 : i32 to vector<16xi32>
    %shift_right_arithmetic3A_2280 = arith.shrsi %add3A_2258, %shift_right_arithmetic3A_2279 : vector<16xi32>
    %shift_left3A_2281 = arith.constant 8 : i32
    %shift_left3A_2282 = vector.broadcast %shift_left3A_2281 : i32 to vector<16xi32>
    %shift_left3A_2283 = arith.shli %and3A_2269, %shift_left3A_2282 : vector<16xi32>
    %add3A_2284 = arith.addi %shift_right_arithmetic3A_2280, %shift_left3A_2283 : vector<16xi32>
    %add3A_2285 = arith.constant 32768 : i32
    %add3A_2286 = vector.broadcast %add3A_2285 : i32 to vector<16xi32>
    %add3A_2287 = arith.addi %add3A_2286, %shift_left3A_2 : vector<16xi32>
    %add3A_2288 = arith.addi %add3A_2287, %add3A_2284 : vector<16xi32>
    %gather3A_2289 = tpu.vector_load_idx %arg6[%add3A_2288] : memref<65536xi32, #tpu.memory_space<vmem>>[vector<16xi32>], vector<16xi32>,
    %shift_right_arithmetic3A_2290 = arith.constant 16 : i32
    %shift_right_arithmetic3A_2291 = vector.broadcast %shift_right_arithmetic3A_2290 : i32 to vector<16xi32>
    %shift_right_arithmetic3A_2292 = arith.shrsi %gather3A_2289, %shift_right_arithmetic3A_2291 : vector<16xi32>
    %and3A_2293 = arith.constant 3 : i32
    %and3A_2294 = vector.broadcast %and3A_2293 : i32 to vector<16xi32>
    %and3A_2295 = arith.andi %shift_right_arithmetic3A_2292, %and3A_2294 : vector<16xi32>
    %shift_left3A_2296 = arith.constant 10 : i32
    %shift_left3A_2297 = vector.broadcast %shift_left3A_2296 : i32 to vector<16xi32>
    %shift_left3A_2298 = arith.shli %and3A_2295, %shift_left3A_2297 : vector<16xi32>
    %add3A_2299 = arith.addi %add3A_2284, %shift_left3A_2298 : vector<16xi32>
    %gather3A_2300 = tpu.vector_load_idx %arg8[%add3A_2299] : memref<4096xf32, #tpu.memory_space<vmem>>[vector<16xi32>], vector<16xf32>,
    %add3A_2301 = arith.constant 40 : i32
    %add3A_2302 = vector.broadcast %add3A_2301 : i32 to vector<16xi32>
    %add3A_2303 = arith.addi %mul3A_5, %add3A_2302 : vector<16xi32>
    tpu.vector_store_idx %arg9[%add3A_2303], %gather3A_2300 : memref<1024xf32, #tpu.memory_space<vmem>>[vector<16xi32>], vector<16xf32>,
    %shift_right_arithmetic3A_2304 = arith.constant 2 : i32
    %shift_right_arithmetic3A_2305 = vector.broadcast %shift_right_arithmetic3A_2304 : i32 to vector<16xi32>
    %shift_right_arithmetic3A_2306 = arith.shrsi %add3A_2284, %shift_right_arithmetic3A_2305 : vector<16xi32>
    %shift_left3A_2307 = arith.constant 8 : i32
    %shift_left3A_2308 = vector.broadcast %shift_left3A_2307 : i32 to vector<16xi32>
    %shift_left3A_2309 = arith.shli %and3A_2295, %shift_left3A_2308 : vector<16xi32>
    %add3A_2310 = arith.addi %shift_right_arithmetic3A_2306, %shift_left3A_2309 : vector<16xi32>
    %add3A_2311 = arith.constant 32768 : i32
    %add3A_2312 = vector.broadcast %add3A_2311 : i32 to vector<16xi32>
    %add3A_2313 = arith.addi %add3A_2312, %shift_left3A_2 : vector<16xi32>
    %add3A_2314 = arith.addi %add3A_2313, %add3A_2310 : vector<16xi32>
    %gather3A_2315 = tpu.vector_load_idx %arg6[%add3A_2314] : memref<65536xi32, #tpu.memory_space<vmem>>[vector<16xi32>], vector<16xi32>,
    %shift_right_arithmetic3A_2316 = arith.constant 14 : i32
    %shift_right_arithmetic3A_2317 = vector.broadcast %shift_right_arithmetic3A_2316 : i32 to vector<16xi32>
    %shift_right_arithmetic3A_2318 = arith.shrsi %gather3A_2315, %shift_right_arithmetic3A_2317 : vector<16xi32>
    %and3A_2319 = arith.constant 3 : i32
    %and3A_2320 = vector.broadcast %and3A_2319 : i32 to vector<16xi32>
    %and3A_2321 = arith.andi %shift_right_arithmetic3A_2318, %and3A_2320 : vector<16xi32>
    %shift_left3A_2322 = arith.constant 10 : i32
    %shift_left3A_2323 = vector.broadcast %shift_left3A_2322 : i32 to vector<16xi32>
    %shift_left3A_2324 = arith.shli %and3A_2321, %shift_left3A_2323 : vector<16xi32>
    %add3A_2325 = arith.addi %add3A_2310, %shift_left3A_2324 : vector<16xi32>
    %gather3A_2326 = tpu.vector_load_idx %arg8[%add3A_2325] : memref<4096xf32, #tpu.memory_space<vmem>>[vector<16xi32>], vector<16xf32>,
    %add3A_2327 = arith.constant 39 : i32
    %add3A_2328 = vector.broadcast %add3A_2327 : i32 to vector<16xi32>
    %add3A_2329 = arith.addi %mul3A_5, %add3A_2328 : vector<16xi32>
    tpu.vector_store_idx %arg9[%add3A_2329], %gather3A_2326 : memref<1024xf32, #tpu.memory_space<vmem>>[vector<16xi32>], vector<16xf32>,
    %shift_right_arithmetic3A_2330 = arith.constant 2 : i32
    %shift_right_arithmetic3A_2331 = vector.broadcast %shift_right_arithmetic3A_2330 : i32 to vector<16xi32>
    %shift_right_arithmetic3A_2332 = arith.shrsi %add3A_2310, %shift_right_arithmetic3A_2331 : vector<16xi32>
    %shift_left3A_2333 = arith.constant 8 : i32
    %shift_left3A_2334 = vector.broadcast %shift_left3A_2333 : i32 to vector<16xi32>
    %shift_left3A_2335 = arith.shli %and3A_2321, %shift_left3A_2334 : vector<16xi32>
    %add3A_2336 = arith.addi %shift_right_arithmetic3A_2332, %shift_left3A_2335 : vector<16xi32>
    %add3A_2337 = arith.constant 32768 : i32
    %add3A_2338 = vector.broadcast %add3A_2337 : i32 to vector<16xi32>
    %add3A_2339 = arith.addi %add3A_2338, %shift_left3A_2 : vector<16xi32>
    %add3A_2340 = arith.addi %add3A_2339, %add3A_2336 : vector<16xi32>
    %gather3A_2341 = tpu.vector_load_idx %arg6[%add3A_2340] : memref<65536xi32, #tpu.memory_space<vmem>>[vector<16xi32>], vector<16xi32>,
    %shift_right_arithmetic3A_2342 = arith.constant 12 : i32
    %shift_right_arithmetic3A_2343 = vector.broadcast %shift_right_arithmetic3A_2342 : i32 to vector<16xi32>
    %shift_right_arithmetic3A_2344 = arith.shrsi %gather3A_2341, %shift_right_arithmetic3A_2343 : vector<16xi32>
    %and3A_2345 = arith.constant 3 : i32
    %and3A_2346 = vector.broadcast %and3A_2345 : i32 to vector<16xi32>
    %and3A_2347 = arith.andi %shift_right_arithmetic3A_2344, %and3A_2346 : vector<16xi32>
    %shift_left3A_2348 = arith.constant 10 : i32
    %shift_left3A_2349 = vector.broadcast %shift_left3A_2348 : i32 to vector<16xi32>
    %shift_left3A_2350 = arith.shli %and3A_2347, %shift_left3A_2349 : vector<16xi32>
    %add3A_2351 = arith.addi %add3A_2336, %shift_left3A_2350 : vector<16xi32>
    %gather3A_2352 = tpu.vector_load_idx %arg8[%add3A_2351] : memref<4096xf32, #tpu.memory_space<vmem>>[vector<16xi32>], vector<16xf32>,
    %add3A_2353 = arith.constant 38 : i32
    %add3A_2354 = vector.broadcast %add3A_2353 : i32 to vector<16xi32>
    %add3A_2355 = arith.addi %mul3A_5, %add3A_2354 : vector<16xi32>
    tpu.vector_store_idx %arg9[%add3A_2355], %gather3A_2352 : memref<1024xf32, #tpu.memory_space<vmem>>[vector<16xi32>], vector<16xf32>,
    %shift_right_arithmetic3A_2356 = arith.constant 2 : i32
    %shift_right_arithmetic3A_2357 = vector.broadcast %shift_right_arithmetic3A_2356 : i32 to vector<16xi32>
    %shift_right_arithmetic3A_2358 = arith.shrsi %add3A_2336, %shift_right_arithmetic3A_2357 : vector<16xi32>
    %shift_left3A_2359 = arith.constant 8 : i32
    %shift_left3A_2360 = vector.broadcast %shift_left3A_2359 : i32 to vector<16xi32>
    %shift_left3A_2361 = arith.shli %and3A_2347, %shift_left3A_2360 : vector<16xi32>
    %add3A_2362 = arith.addi %shift_right_arithmetic3A_2358, %shift_left3A_2361 : vector<16xi32>
    %add3A_2363 = arith.constant 32768 : i32
    %add3A_2364 = vector.broadcast %add3A_2363 : i32 to vector<16xi32>
    %add3A_2365 = arith.addi %add3A_2364, %shift_left3A_2 : vector<16xi32>
    %add3A_2366 = arith.addi %add3A_2365, %add3A_2362 : vector<16xi32>
    %gather3A_2367 = tpu.vector_load_idx %arg6[%add3A_2366] : memref<65536xi32, #tpu.memory_space<vmem>>[vector<16xi32>], vector<16xi32>,
    %shift_right_arithmetic3A_2368 = arith.constant 10 : i32
    %shift_right_arithmetic3A_2369 = vector.broadcast %shift_right_arithmetic3A_2368 : i32 to vector<16xi32>
    %shift_right_arithmetic3A_2370 = arith.shrsi %gather3A_2367, %shift_right_arithmetic3A_2369 : vector<16xi32>
    %and3A_2371 = arith.constant 3 : i32
    %and3A_2372 = vector.broadcast %and3A_2371 : i32 to vector<16xi32>
    %and3A_2373 = arith.andi %shift_right_arithmetic3A_2370, %and3A_2372 : vector<16xi32>
    %shift_left3A_2374 = arith.constant 10 : i32
    %shift_left3A_2375 = vector.broadcast %shift_left3A_2374 : i32 to vector<16xi32>
    %shift_left3A_2376 = arith.shli %and3A_2373, %shift_left3A_2375 : vector<16xi32>
    %add3A_2377 = arith.addi %add3A_2362, %shift_left3A_2376 : vector<16xi32>
    %gather3A_2378 = tpu.vector_load_idx %arg8[%add3A_2377] : memref<4096xf32, #tpu.memory_space<vmem>>[vector<16xi32>], vector<16xf32>,
    %add3A_2379 = arith.constant 37 : i32
    %add3A_2380 = vector.broadcast %add3A_2379 : i32 to vector<16xi32>
    %add3A_2381 = arith.addi %mul3A_5, %add3A_2380 : vector<16xi32>
    tpu.vector_store_idx %arg9[%add3A_2381], %gather3A_2378 : memref<1024xf32, #tpu.memory_space<vmem>>[vector<16xi32>], vector<16xf32>,
    %shift_right_arithmetic3A_2382 = arith.constant 2 : i32
    %shift_right_arithmetic3A_2383 = vector.broadcast %shift_right_arithmetic3A_2382 : i32 to vector<16xi32>
    %shift_right_arithmetic3A_2384 = arith.shrsi %add3A_2362, %shift_right_arithmetic3A_2383 : vector<16xi32>
    %shift_left3A_2385 = arith.constant 8 : i32
    %shift_left3A_2386 = vector.broadcast %shift_left3A_2385 : i32 to vector<16xi32>
    %shift_left3A_2387 = arith.shli %and3A_2373, %shift_left3A_2386 : vector<16xi32>
    %add3A_2388 = arith.addi %shift_right_arithmetic3A_2384, %shift_left3A_2387 : vector<16xi32>
    %add3A_2389 = arith.constant 32768 : i32
    %add3A_2390 = vector.broadcast %add3A_2389 : i32 to vector<16xi32>
    %add3A_2391 = arith.addi %add3A_2390, %shift_left3A_2 : vector<16xi32>
    %add3A_2392 = arith.addi %add3A_2391, %add3A_2388 : vector<16xi32>
    %gather3A_2393 = tpu.vector_load_idx %arg6[%add3A_2392] : memref<65536xi32, #tpu.memory_space<vmem>>[vector<16xi32>], vector<16xi32>,
    %shift_right_arithmetic3A_2394 = arith.constant 8 : i32
    %shift_right_arithmetic3A_2395 = vector.broadcast %shift_right_arithmetic3A_2394 : i32 to vector<16xi32>
    %shift_right_arithmetic3A_2396 = arith.shrsi %gather3A_2393, %shift_right_arithmetic3A_2395 : vector<16xi32>
    %and3A_2397 = arith.constant 3 : i32
    %and3A_2398 = vector.broadcast %and3A_2397 : i32 to vector<16xi32>
    %and3A_2399 = arith.andi %shift_right_arithmetic3A_2396, %and3A_2398 : vector<16xi32>
    %shift_left3A_2400 = arith.constant 10 : i32
    %shift_left3A_2401 = vector.broadcast %shift_left3A_2400 : i32 to vector<16xi32>
    %shift_left3A_2402 = arith.shli %and3A_2399, %shift_left3A_2401 : vector<16xi32>
    %add3A_2403 = arith.addi %add3A_2388, %shift_left3A_2402 : vector<16xi32>
    %gather3A_2404 = tpu.vector_load_idx %arg8[%add3A_2403] : memref<4096xf32, #tpu.memory_space<vmem>>[vector<16xi32>], vector<16xf32>,
    %add3A_2405 = arith.constant 36 : i32
    %add3A_2406 = vector.broadcast %add3A_2405 : i32 to vector<16xi32>
    %add3A_2407 = arith.addi %mul3A_5, %add3A_2406 : vector<16xi32>
    tpu.vector_store_idx %arg9[%add3A_2407], %gather3A_2404 : memref<1024xf32, #tpu.memory_space<vmem>>[vector<16xi32>], vector<16xf32>,
    %shift_right_arithmetic3A_2408 = arith.constant 2 : i32
    %shift_right_arithmetic3A_2409 = vector.broadcast %shift_right_arithmetic3A_2408 : i32 to vector<16xi32>
    %shift_right_arithmetic3A_2410 = arith.shrsi %add3A_2388, %shift_right_arithmetic3A_2409 : vector<16xi32>
    %shift_left3A_2411 = arith.constant 8 : i32
    %shift_left3A_2412 = vector.broadcast %shift_left3A_2411 : i32 to vector<16xi32>
    %shift_left3A_2413 = arith.shli %and3A_2399, %shift_left3A_2412 : vector<16xi32>
    %add3A_2414 = arith.addi %shift_right_arithmetic3A_2410, %shift_left3A_2413 : vector<16xi32>
    %add3A_2415 = arith.constant 32768 : i32
    %add3A_2416 = vector.broadcast %add3A_2415 : i32 to vector<16xi32>
    %add3A_2417 = arith.addi %add3A_2416, %shift_left3A_2 : vector<16xi32>
    %add3A_2418 = arith.addi %add3A_2417, %add3A_2414 : vector<16xi32>
    %gather3A_2419 = tpu.vector_load_idx %arg6[%add3A_2418] : memref<65536xi32, #tpu.memory_space<vmem>>[vector<16xi32>], vector<16xi32>,
    %shift_right_arithmetic3A_2420 = arith.constant 6 : i32
    %shift_right_arithmetic3A_2421 = vector.broadcast %shift_right_arithmetic3A_2420 : i32 to vector<16xi32>
    %shift_right_arithmetic3A_2422 = arith.shrsi %gather3A_2419, %shift_right_arithmetic3A_2421 : vector<16xi32>
    %and3A_2423 = arith.constant 3 : i32
    %and3A_2424 = vector.broadcast %and3A_2423 : i32 to vector<16xi32>
    %and3A_2425 = arith.andi %shift_right_arithmetic3A_2422, %and3A_2424 : vector<16xi32>
    %shift_left3A_2426 = arith.constant 10 : i32
    %shift_left3A_2427 = vector.broadcast %shift_left3A_2426 : i32 to vector<16xi32>
    %shift_left3A_2428 = arith.shli %and3A_2425, %shift_left3A_2427 : vector<16xi32>
    %add3A_2429 = arith.addi %add3A_2414, %shift_left3A_2428 : vector<16xi32>
    %gather3A_2430 = tpu.vector_load_idx %arg8[%add3A_2429] : memref<4096xf32, #tpu.memory_space<vmem>>[vector<16xi32>], vector<16xf32>,
    %add3A_2431 = arith.constant 35 : i32
    %add3A_2432 = vector.broadcast %add3A_2431 : i32 to vector<16xi32>
    %add3A_2433 = arith.addi %mul3A_5, %add3A_2432 : vector<16xi32>
    tpu.vector_store_idx %arg9[%add3A_2433], %gather3A_2430 : memref<1024xf32, #tpu.memory_space<vmem>>[vector<16xi32>], vector<16xf32>,
    %shift_right_arithmetic3A_2434 = arith.constant 2 : i32
    %shift_right_arithmetic3A_2435 = vector.broadcast %shift_right_arithmetic3A_2434 : i32 to vector<16xi32>
    %shift_right_arithmetic3A_2436 = arith.shrsi %add3A_2414, %shift_right_arithmetic3A_2435 : vector<16xi32>
    %shift_left3A_2437 = arith.constant 8 : i32
    %shift_left3A_2438 = vector.broadcast %shift_left3A_2437 : i32 to vector<16xi32>
    %shift_left3A_2439 = arith.shli %and3A_2425, %shift_left3A_2438 : vector<16xi32>
    %add3A_2440 = arith.addi %shift_right_arithmetic3A_2436, %shift_left3A_2439 : vector<16xi32>
    %add3A_2441 = arith.constant 32768 : i32
    %add3A_2442 = vector.broadcast %add3A_2441 : i32 to vector<16xi32>
    %add3A_2443 = arith.addi %add3A_2442, %shift_left3A_2 : vector<16xi32>
    %add3A_2444 = arith.addi %add3A_2443, %add3A_2440 : vector<16xi32>
    %gather3A_2445 = tpu.vector_load_idx %arg6[%add3A_2444] : memref<65536xi32, #tpu.memory_space<vmem>>[vector<16xi32>], vector<16xi32>,
    %shift_right_arithmetic3A_2446 = arith.constant 4 : i32
    %shift_right_arithmetic3A_2447 = vector.broadcast %shift_right_arithmetic3A_2446 : i32 to vector<16xi32>
    %shift_right_arithmetic3A_2448 = arith.shrsi %gather3A_2445, %shift_right_arithmetic3A_2447 : vector<16xi32>
    %and3A_2449 = arith.constant 3 : i32
    %and3A_2450 = vector.broadcast %and3A_2449 : i32 to vector<16xi32>
    %and3A_2451 = arith.andi %shift_right_arithmetic3A_2448, %and3A_2450 : vector<16xi32>
    %shift_left3A_2452 = arith.constant 10 : i32
    %shift_left3A_2453 = vector.broadcast %shift_left3A_2452 : i32 to vector<16xi32>
    %shift_left3A_2454 = arith.shli %and3A_2451, %shift_left3A_2453 : vector<16xi32>
    %add3A_2455 = arith.addi %add3A_2440, %shift_left3A_2454 : vector<16xi32>
    %gather3A_2456 = tpu.vector_load_idx %arg8[%add3A_2455] : memref<4096xf32, #tpu.memory_space<vmem>>[vector<16xi32>], vector<16xf32>,
    %add3A_2457 = arith.constant 34 : i32
    %add3A_2458 = vector.broadcast %add3A_2457 : i32 to vector<16xi32>
    %add3A_2459 = arith.addi %mul3A_5, %add3A_2458 : vector<16xi32>
    tpu.vector_store_idx %arg9[%add3A_2459], %gather3A_2456 : memref<1024xf32, #tpu.memory_space<vmem>>[vector<16xi32>], vector<16xf32>,
    %shift_right_arithmetic3A_2460 = arith.constant 2 : i32
    %shift_right_arithmetic3A_2461 = vector.broadcast %shift_right_arithmetic3A_2460 : i32 to vector<16xi32>
    %shift_right_arithmetic3A_2462 = arith.shrsi %add3A_2440, %shift_right_arithmetic3A_2461 : vector<16xi32>
    %shift_left3A_2463 = arith.constant 8 : i32
    %shift_left3A_2464 = vector.broadcast %shift_left3A_2463 : i32 to vector<16xi32>
    %shift_left3A_2465 = arith.shli %and3A_2451, %shift_left3A_2464 : vector<16xi32>
    %add3A_2466 = arith.addi %shift_right_arithmetic3A_2462, %shift_left3A_2465 : vector<16xi32>
    %add3A_2467 = arith.constant 32768 : i32
    %add3A_2468 = vector.broadcast %add3A_2467 : i32 to vector<16xi32>
    %add3A_2469 = arith.addi %add3A_2468, %shift_left3A_2 : vector<16xi32>
    %add3A_2470 = arith.addi %add3A_2469, %add3A_2466 : vector<16xi32>
    %gather3A_2471 = tpu.vector_load_idx %arg6[%add3A_2470] : memref<65536xi32, #tpu.memory_space<vmem>>[vector<16xi32>], vector<16xi32>,
    %shift_right_arithmetic3A_2472 = arith.constant 2 : i32
    %shift_right_arithmetic3A_2473 = vector.broadcast %shift_right_arithmetic3A_2472 : i32 to vector<16xi32>
    %shift_right_arithmetic3A_2474 = arith.shrsi %gather3A_2471, %shift_right_arithmetic3A_2473 : vector<16xi32>
    %and3A_2475 = arith.constant 3 : i32
    %and3A_2476 = vector.broadcast %and3A_2475 : i32 to vector<16xi32>
    %and3A_2477 = arith.andi %shift_right_arithmetic3A_2474, %and3A_2476 : vector<16xi32>
    %shift_left3A_2478 = arith.constant 10 : i32
    %shift_left3A_2479 = vector.broadcast %shift_left3A_2478 : i32 to vector<16xi32>
    %shift_left3A_2480 = arith.shli %and3A_2477, %shift_left3A_2479 : vector<16xi32>
    %add3A_2481 = arith.addi %add3A_2466, %shift_left3A_2480 : vector<16xi32>
    %gather3A_2482 = tpu.vector_load_idx %arg8[%add3A_2481] : memref<4096xf32, #tpu.memory_space<vmem>>[vector<16xi32>], vector<16xf32>,
    %add3A_2483 = arith.constant 33 : i32
    %add3A_2484 = vector.broadcast %add3A_2483 : i32 to vector<16xi32>
    %add3A_2485 = arith.addi %mul3A_5, %add3A_2484 : vector<16xi32>
    tpu.vector_store_idx %arg9[%add3A_2485], %gather3A_2482 : memref<1024xf32, #tpu.memory_space<vmem>>[vector<16xi32>], vector<16xf32>,
    %shift_right_arithmetic3A_2486 = arith.constant 2 : i32
    %shift_right_arithmetic3A_2487 = vector.broadcast %shift_right_arithmetic3A_2486 : i32 to vector<16xi32>
    %shift_right_arithmetic3A_2488 = arith.shrsi %add3A_2466, %shift_right_arithmetic3A_2487 : vector<16xi32>
    %shift_left3A_2489 = arith.constant 8 : i32
    %shift_left3A_2490 = vector.broadcast %shift_left3A_2489 : i32 to vector<16xi32>
    %shift_left3A_2491 = arith.shli %and3A_2477, %shift_left3A_2490 : vector<16xi32>
    %add3A_2492 = arith.addi %shift_right_arithmetic3A_2488, %shift_left3A_2491 : vector<16xi32>
    %add3A_2493 = arith.constant 32768 : i32
    %add3A_2494 = vector.broadcast %add3A_2493 : i32 to vector<16xi32>
    %add3A_2495 = arith.addi %add3A_2494, %shift_left3A_2 : vector<16xi32>
    %add3A_2496 = arith.addi %add3A_2495, %add3A_2492 : vector<16xi32>
    %gather3A_2497 = tpu.vector_load_idx %arg6[%add3A_2496] : memref<65536xi32, #tpu.memory_space<vmem>>[vector<16xi32>], vector<16xi32>,
    %shift_right_arithmetic3A_2498 = arith.constant 0 : i32
    %shift_right_arithmetic3A_2499 = vector.broadcast %shift_right_arithmetic3A_2498 : i32 to vector<16xi32>
    %shift_right_arithmetic3A_2500 = arith.shrsi %gather3A_2497, %shift_right_arithmetic3A_2499 : vector<16xi32>
    %and3A_2501 = arith.constant 3 : i32
    %and3A_2502 = vector.broadcast %and3A_2501 : i32 to vector<16xi32>
    %and3A_2503 = arith.andi %shift_right_arithmetic3A_2500, %and3A_2502 : vector<16xi32>
    %shift_left3A_2504 = arith.constant 10 : i32
    %shift_left3A_2505 = vector.broadcast %shift_left3A_2504 : i32 to vector<16xi32>
    %shift_left3A_2506 = arith.shli %and3A_2503, %shift_left3A_2505 : vector<16xi32>
    %add3A_2507 = arith.addi %add3A_2492, %shift_left3A_2506 : vector<16xi32>
    %gather3A_2508 = tpu.vector_load_idx %arg8[%add3A_2507] : memref<4096xf32, #tpu.memory_space<vmem>>[vector<16xi32>], vector<16xf32>,
    %add3A_2509 = arith.constant 32 : i32
    %add3A_2510 = vector.broadcast %add3A_2509 : i32 to vector<16xi32>
    %add3A_2511 = arith.addi %mul3A_5, %add3A_2510 : vector<16xi32>
    tpu.vector_store_idx %arg9[%add3A_2511], %gather3A_2508 : memref<1024xf32, #tpu.memory_space<vmem>>[vector<16xi32>], vector<16xf32>,
    %shift_right_arithmetic3A_2512 = arith.constant 2 : i32
    %shift_right_arithmetic3A_2513 = vector.broadcast %shift_right_arithmetic3A_2512 : i32 to vector<16xi32>
    %shift_right_arithmetic3A_2514 = arith.shrsi %add3A_2492, %shift_right_arithmetic3A_2513 : vector<16xi32>
    %shift_left3A_2515 = arith.constant 8 : i32
    %shift_left3A_2516 = vector.broadcast %shift_left3A_2515 : i32 to vector<16xi32>
    %shift_left3A_2517 = arith.shli %and3A_2503, %shift_left3A_2516 : vector<16xi32>
    %add3A_2518 = arith.addi %shift_right_arithmetic3A_2514, %shift_left3A_2517 : vector<16xi32>
    %add3A_2519 = arith.constant 16384 : i32
    %add3A_2520 = vector.broadcast %add3A_2519 : i32 to vector<16xi32>
    %add3A_2521 = arith.addi %add3A_2520, %shift_left3A_2 : vector<16xi32>
    %add3A_2522 = arith.addi %add3A_2521, %add3A_2518 : vector<16xi32>
    %gather3A_2523 = tpu.vector_load_idx %arg6[%add3A_2522] : memref<65536xi32, #tpu.memory_space<vmem>>[vector<16xi32>], vector<16xi32>,
    %shift_right_arithmetic3A_2524 = arith.constant 30 : i32
    %shift_right_arithmetic3A_2525 = vector.broadcast %shift_right_arithmetic3A_2524 : i32 to vector<16xi32>
    %shift_right_arithmetic3A_2526 = arith.shrsi %gather3A_2523, %shift_right_arithmetic3A_2525 : vector<16xi32>
    %and3A_2527 = arith.constant 3 : i32
    %and3A_2528 = vector.broadcast %and3A_2527 : i32 to vector<16xi32>
    %and3A_2529 = arith.andi %shift_right_arithmetic3A_2526, %and3A_2528 : vector<16xi32>
    %shift_left3A_2530 = arith.constant 10 : i32
    %shift_left3A_2531 = vector.broadcast %shift_left3A_2530 : i32 to vector<16xi32>
    %shift_left3A_2532 = arith.shli %and3A_2529, %shift_left3A_2531 : vector<16xi32>
    %add3A_2533 = arith.addi %add3A_2518, %shift_left3A_2532 : vector<16xi32>
    %gather3A_2534 = tpu.vector_load_idx %arg8[%add3A_2533] : memref<4096xf32, #tpu.memory_space<vmem>>[vector<16xi32>], vector<16xf32>,
    %add3A_2535 = arith.constant 31 : i32
    %add3A_2536 = vector.broadcast %add3A_2535 : i32 to vector<16xi32>
    %add3A_2537 = arith.addi %mul3A_5, %add3A_2536 : vector<16xi32>
    tpu.vector_store_idx %arg9[%add3A_2537], %gather3A_2534 : memref<1024xf32, #tpu.memory_space<vmem>>[vector<16xi32>], vector<16xf32>,
    %shift_right_arithmetic3A_2538 = arith.constant 2 : i32
    %shift_right_arithmetic3A_2539 = vector.broadcast %shift_right_arithmetic3A_2538 : i32 to vector<16xi32>
    %shift_right_arithmetic3A_2540 = arith.shrsi %add3A_2518, %shift_right_arithmetic3A_2539 : vector<16xi32>
    %shift_left3A_2541 = arith.constant 8 : i32
    %shift_left3A_2542 = vector.broadcast %shift_left3A_2541 : i32 to vector<16xi32>
    %shift_left3A_2543 = arith.shli %and3A_2529, %shift_left3A_2542 : vector<16xi32>
    %add3A_2544 = arith.addi %shift_right_arithmetic3A_2540, %shift_left3A_2543 : vector<16xi32>
    %add3A_2545 = arith.constant 16384 : i32
    %add3A_2546 = vector.broadcast %add3A_2545 : i32 to vector<16xi32>
    %add3A_2547 = arith.addi %add3A_2546, %shift_left3A_2 : vector<16xi32>
    %add3A_2548 = arith.addi %add3A_2547, %add3A_2544 : vector<16xi32>
    %gather3A_2549 = tpu.vector_load_idx %arg6[%add3A_2548] : memref<65536xi32, #tpu.memory_space<vmem>>[vector<16xi32>], vector<16xi32>,
    %shift_right_arithmetic3A_2550 = arith.constant 28 : i32
    %shift_right_arithmetic3A_2551 = vector.broadcast %shift_right_arithmetic3A_2550 : i32 to vector<16xi32>
    %shift_right_arithmetic3A_2552 = arith.shrsi %gather3A_2549, %shift_right_arithmetic3A_2551 : vector<16xi32>
    %and3A_2553 = arith.constant 3 : i32
    %and3A_2554 = vector.broadcast %and3A_2553 : i32 to vector<16xi32>
    %and3A_2555 = arith.andi %shift_right_arithmetic3A_2552, %and3A_2554 : vector<16xi32>
    %shift_left3A_2556 = arith.constant 10 : i32
    %shift_left3A_2557 = vector.broadcast %shift_left3A_2556 : i32 to vector<16xi32>
    %shift_left3A_2558 = arith.shli %and3A_2555, %shift_left3A_2557 : vector<16xi32>
    %add3A_2559 = arith.addi %add3A_2544, %shift_left3A_2558 : vector<16xi32>
    %gather3A_2560 = tpu.vector_load_idx %arg8[%add3A_2559] : memref<4096xf32, #tpu.memory_space<vmem>>[vector<16xi32>], vector<16xf32>,
    %add3A_2561 = arith.constant 30 : i32
    %add3A_2562 = vector.broadcast %add3A_2561 : i32 to vector<16xi32>
    %add3A_2563 = arith.addi %mul3A_5, %add3A_2562 : vector<16xi32>
    tpu.vector_store_idx %arg9[%add3A_2563], %gather3A_2560 : memref<1024xf32, #tpu.memory_space<vmem>>[vector<16xi32>], vector<16xf32>,
    %shift_right_arithmetic3A_2564 = arith.constant 2 : i32
    %shift_right_arithmetic3A_2565 = vector.broadcast %shift_right_arithmetic3A_2564 : i32 to vector<16xi32>
    %shift_right_arithmetic3A_2566 = arith.shrsi %add3A_2544, %shift_right_arithmetic3A_2565 : vector<16xi32>
    %shift_left3A_2567 = arith.constant 8 : i32
    %shift_left3A_2568 = vector.broadcast %shift_left3A_2567 : i32 to vector<16xi32>
    %shift_left3A_2569 = arith.shli %and3A_2555, %shift_left3A_2568 : vector<16xi32>
    %add3A_2570 = arith.addi %shift_right_arithmetic3A_2566, %shift_left3A_2569 : vector<16xi32>
    %add3A_2571 = arith.constant 16384 : i32
    %add3A_2572 = vector.broadcast %add3A_2571 : i32 to vector<16xi32>
    %add3A_2573 = arith.addi %add3A_2572, %shift_left3A_2 : vector<16xi32>
    %add3A_2574 = arith.addi %add3A_2573, %add3A_2570 : vector<16xi32>
    %gather3A_2575 = tpu.vector_load_idx %arg6[%add3A_2574] : memref<65536xi32, #tpu.memory_space<vmem>>[vector<16xi32>], vector<16xi32>,
    %shift_right_arithmetic3A_2576 = arith.constant 26 : i32
    %shift_right_arithmetic3A_2577 = vector.broadcast %shift_right_arithmetic3A_2576 : i32 to vector<16xi32>
    %shift_right_arithmetic3A_2578 = arith.shrsi %gather3A_2575, %shift_right_arithmetic3A_2577 : vector<16xi32>
    %and3A_2579 = arith.constant 3 : i32
    %and3A_2580 = vector.broadcast %and3A_2579 : i32 to vector<16xi32>
    %and3A_2581 = arith.andi %shift_right_arithmetic3A_2578, %and3A_2580 : vector<16xi32>
    %shift_left3A_2582 = arith.constant 10 : i32
    %shift_left3A_2583 = vector.broadcast %shift_left3A_2582 : i32 to vector<16xi32>
    %shift_left3A_2584 = arith.shli %and3A_2581, %shift_left3A_2583 : vector<16xi32>
    %add3A_2585 = arith.addi %add3A_2570, %shift_left3A_2584 : vector<16xi32>
    %gather3A_2586 = tpu.vector_load_idx %arg8[%add3A_2585] : memref<4096xf32, #tpu.memory_space<vmem>>[vector<16xi32>], vector<16xf32>,
    %add3A_2587 = arith.constant 29 : i32
    %add3A_2588 = vector.broadcast %add3A_2587 : i32 to vector<16xi32>
    %add3A_2589 = arith.addi %mul3A_5, %add3A_2588 : vector<16xi32>
    tpu.vector_store_idx %arg9[%add3A_2589], %gather3A_2586 : memref<1024xf32, #tpu.memory_space<vmem>>[vector<16xi32>], vector<16xf32>,
    %shift_right_arithmetic3A_2590 = arith.constant 2 : i32
    %shift_right_arithmetic3A_2591 = vector.broadcast %shift_right_arithmetic3A_2590 : i32 to vector<16xi32>
    %shift_right_arithmetic3A_2592 = arith.shrsi %add3A_2570, %shift_right_arithmetic3A_2591 : vector<16xi32>
    %shift_left3A_2593 = arith.constant 8 : i32
    %shift_left3A_2594 = vector.broadcast %shift_left3A_2593 : i32 to vector<16xi32>
    %shift_left3A_2595 = arith.shli %and3A_2581, %shift_left3A_2594 : vector<16xi32>
    %add3A_2596 = arith.addi %shift_right_arithmetic3A_2592, %shift_left3A_2595 : vector<16xi32>
    %add3A_2597 = arith.constant 16384 : i32
    %add3A_2598 = vector.broadcast %add3A_2597 : i32 to vector<16xi32>
    %add3A_2599 = arith.addi %add3A_2598, %shift_left3A_2 : vector<16xi32>
    %add3A_2600 = arith.addi %add3A_2599, %add3A_2596 : vector<16xi32>
    %gather3A_2601 = tpu.vector_load_idx %arg6[%add3A_2600] : memref<65536xi32, #tpu.memory_space<vmem>>[vector<16xi32>], vector<16xi32>,
    %shift_right_arithmetic3A_2602 = arith.constant 24 : i32
    %shift_right_arithmetic3A_2603 = vector.broadcast %shift_right_arithmetic3A_2602 : i32 to vector<16xi32>
    %shift_right_arithmetic3A_2604 = arith.shrsi %gather3A_2601, %shift_right_arithmetic3A_2603 : vector<16xi32>
    %and3A_2605 = arith.constant 3 : i32
    %and3A_2606 = vector.broadcast %and3A_2605 : i32 to vector<16xi32>
    %and3A_2607 = arith.andi %shift_right_arithmetic3A_2604, %and3A_2606 : vector<16xi32>
    %shift_left3A_2608 = arith.constant 10 : i32
    %shift_left3A_2609 = vector.broadcast %shift_left3A_2608 : i32 to vector<16xi32>
    %shift_left3A_2610 = arith.shli %and3A_2607, %shift_left3A_2609 : vector<16xi32>
    %add3A_2611 = arith.addi %add3A_2596, %shift_left3A_2610 : vector<16xi32>
    %gather3A_2612 = tpu.vector_load_idx %arg8[%add3A_2611] : memref<4096xf32, #tpu.memory_space<vmem>>[vector<16xi32>], vector<16xf32>,
    %add3A_2613 = arith.constant 28 : i32
    %add3A_2614 = vector.broadcast %add3A_2613 : i32 to vector<16xi32>
    %add3A_2615 = arith.addi %mul3A_5, %add3A_2614 : vector<16xi32>
    tpu.vector_store_idx %arg9[%add3A_2615], %gather3A_2612 : memref<1024xf32, #tpu.memory_space<vmem>>[vector<16xi32>], vector<16xf32>,
    %shift_right_arithmetic3A_2616 = arith.constant 2 : i32
    %shift_right_arithmetic3A_2617 = vector.broadcast %shift_right_arithmetic3A_2616 : i32 to vector<16xi32>
    %shift_right_arithmetic3A_2618 = arith.shrsi %add3A_2596, %shift_right_arithmetic3A_2617 : vector<16xi32>
    %shift_left3A_2619 = arith.constant 8 : i32
    %shift_left3A_2620 = vector.broadcast %shift_left3A_2619 : i32 to vector<16xi32>
    %shift_left3A_2621 = arith.shli %and3A_2607, %shift_left3A_2620 : vector<16xi32>
    %add3A_2622 = arith.addi %shift_right_arithmetic3A_2618, %shift_left3A_2621 : vector<16xi32>
    %add3A_2623 = arith.constant 16384 : i32
    %add3A_2624 = vector.broadcast %add3A_2623 : i32 to vector<16xi32>
    %add3A_2625 = arith.addi %add3A_2624, %shift_left3A_2 : vector<16xi32>
    %add3A_2626 = arith.addi %add3A_2625, %add3A_2622 : vector<16xi32>
    %gather3A_2627 = tpu.vector_load_idx %arg6[%add3A_2626] : memref<65536xi32, #tpu.memory_space<vmem>>[vector<16xi32>], vector<16xi32>,
    %shift_right_arithmetic3A_2628 = arith.constant 22 : i32
    %shift_right_arithmetic3A_2629 = vector.broadcast %shift_right_arithmetic3A_2628 : i32 to vector<16xi32>
    %shift_right_arithmetic3A_2630 = arith.shrsi %gather3A_2627, %shift_right_arithmetic3A_2629 : vector<16xi32>
    %and3A_2631 = arith.constant 3 : i32
    %and3A_2632 = vector.broadcast %and3A_2631 : i32 to vector<16xi32>
    %and3A_2633 = arith.andi %shift_right_arithmetic3A_2630, %and3A_2632 : vector<16xi32>
    %shift_left3A_2634 = arith.constant 10 : i32
    %shift_left3A_2635 = vector.broadcast %shift_left3A_2634 : i32 to vector<16xi32>
    %shift_left3A_2636 = arith.shli %and3A_2633, %shift_left3A_2635 : vector<16xi32>
    %add3A_2637 = arith.addi %add3A_2622, %shift_left3A_2636 : vector<16xi32>
    %gather3A_2638 = tpu.vector_load_idx %arg8[%add3A_2637] : memref<4096xf32, #tpu.memory_space<vmem>>[vector<16xi32>], vector<16xf32>,
    %add3A_2639 = arith.constant 27 : i32
    %add3A_2640 = vector.broadcast %add3A_2639 : i32 to vector<16xi32>
    %add3A_2641 = arith.addi %mul3A_5, %add3A_2640 : vector<16xi32>
    tpu.vector_store_idx %arg9[%add3A_2641], %gather3A_2638 : memref<1024xf32, #tpu.memory_space<vmem>>[vector<16xi32>], vector<16xf32>,
    %shift_right_arithmetic3A_2642 = arith.constant 2 : i32
    %shift_right_arithmetic3A_2643 = vector.broadcast %shift_right_arithmetic3A_2642 : i32 to vector<16xi32>
    %shift_right_arithmetic3A_2644 = arith.shrsi %add3A_2622, %shift_right_arithmetic3A_2643 : vector<16xi32>
    %shift_left3A_2645 = arith.constant 8 : i32
    %shift_left3A_2646 = vector.broadcast %shift_left3A_2645 : i32 to vector<16xi32>
    %shift_left3A_2647 = arith.shli %and3A_2633, %shift_left3A_2646 : vector<16xi32>
    %add3A_2648 = arith.addi %shift_right_arithmetic3A_2644, %shift_left3A_2647 : vector<16xi32>
    %add3A_2649 = arith.constant 16384 : i32
    %add3A_2650 = vector.broadcast %add3A_2649 : i32 to vector<16xi32>
    %add3A_2651 = arith.addi %add3A_2650, %shift_left3A_2 : vector<16xi32>
    %add3A_2652 = arith.addi %add3A_2651, %add3A_2648 : vector<16xi32>
    %gather3A_2653 = tpu.vector_load_idx %arg6[%add3A_2652] : memref<65536xi32, #tpu.memory_space<vmem>>[vector<16xi32>], vector<16xi32>,
    %shift_right_arithmetic3A_2654 = arith.constant 20 : i32
    %shift_right_arithmetic3A_2655 = vector.broadcast %shift_right_arithmetic3A_2654 : i32 to vector<16xi32>
    %shift_right_arithmetic3A_2656 = arith.shrsi %gather3A_2653, %shift_right_arithmetic3A_2655 : vector<16xi32>
    %and3A_2657 = arith.constant 3 : i32
    %and3A_2658 = vector.broadcast %and3A_2657 : i32 to vector<16xi32>
    %and3A_2659 = arith.andi %shift_right_arithmetic3A_2656, %and3A_2658 : vector<16xi32>
    %shift_left3A_2660 = arith.constant 10 : i32
    %shift_left3A_2661 = vector.broadcast %shift_left3A_2660 : i32 to vector<16xi32>
    %shift_left3A_2662 = arith.shli %and3A_2659, %shift_left3A_2661 : vector<16xi32>
    %add3A_2663 = arith.addi %add3A_2648, %shift_left3A_2662 : vector<16xi32>
    %gather3A_2664 = tpu.vector_load_idx %arg8[%add3A_2663] : memref<4096xf32, #tpu.memory_space<vmem>>[vector<16xi32>], vector<16xf32>,
    %add3A_2665 = arith.constant 26 : i32
    %add3A_2666 = vector.broadcast %add3A_2665 : i32 to vector<16xi32>
    %add3A_2667 = arith.addi %mul3A_5, %add3A_2666 : vector<16xi32>
    tpu.vector_store_idx %arg9[%add3A_2667], %gather3A_2664 : memref<1024xf32, #tpu.memory_space<vmem>>[vector<16xi32>], vector<16xf32>,
    %shift_right_arithmetic3A_2668 = arith.constant 2 : i32
    %shift_right_arithmetic3A_2669 = vector.broadcast %shift_right_arithmetic3A_2668 : i32 to vector<16xi32>
    %shift_right_arithmetic3A_2670 = arith.shrsi %add3A_2648, %shift_right_arithmetic3A_2669 : vector<16xi32>
    %shift_left3A_2671 = arith.constant 8 : i32
    %shift_left3A_2672 = vector.broadcast %shift_left3A_2671 : i32 to vector<16xi32>
    %shift_left3A_2673 = arith.shli %and3A_2659, %shift_left3A_2672 : vector<16xi32>
    %add3A_2674 = arith.addi %shift_right_arithmetic3A_2670, %shift_left3A_2673 : vector<16xi32>
    %add3A_2675 = arith.constant 16384 : i32
    %add3A_2676 = vector.broadcast %add3A_2675 : i32 to vector<16xi32>
    %add3A_2677 = arith.addi %add3A_2676, %shift_left3A_2 : vector<16xi32>
    %add3A_2678 = arith.addi %add3A_2677, %add3A_2674 : vector<16xi32>
    %gather3A_2679 = tpu.vector_load_idx %arg6[%add3A_2678] : memref<65536xi32, #tpu.memory_space<vmem>>[vector<16xi32>], vector<16xi32>,
    %shift_right_arithmetic3A_2680 = arith.constant 18 : i32
    %shift_right_arithmetic3A_2681 = vector.broadcast %shift_right_arithmetic3A_2680 : i32 to vector<16xi32>
    %shift_right_arithmetic3A_2682 = arith.shrsi %gather3A_2679, %shift_right_arithmetic3A_2681 : vector<16xi32>
    %and3A_2683 = arith.constant 3 : i32
    %and3A_2684 = vector.broadcast %and3A_2683 : i32 to vector<16xi32>
    %and3A_2685 = arith.andi %shift_right_arithmetic3A_2682, %and3A_2684 : vector<16xi32>
    %shift_left3A_2686 = arith.constant 10 : i32
    %shift_left3A_2687 = vector.broadcast %shift_left3A_2686 : i32 to vector<16xi32>
    %shift_left3A_2688 = arith.shli %and3A_2685, %shift_left3A_2687 : vector<16xi32>
    %add3A_2689 = arith.addi %add3A_2674, %shift_left3A_2688 : vector<16xi32>
    %gather3A_2690 = tpu.vector_load_idx %arg8[%add3A_2689] : memref<4096xf32, #tpu.memory_space<vmem>>[vector<16xi32>], vector<16xf32>,
    %add3A_2691 = arith.constant 25 : i32
    %add3A_2692 = vector.broadcast %add3A_2691 : i32 to vector<16xi32>
    %add3A_2693 = arith.addi %mul3A_5, %add3A_2692 : vector<16xi32>
    tpu.vector_store_idx %arg9[%add3A_2693], %gather3A_2690 : memref<1024xf32, #tpu.memory_space<vmem>>[vector<16xi32>], vector<16xf32>,
    %shift_right_arithmetic3A_2694 = arith.constant 2 : i32
    %shift_right_arithmetic3A_2695 = vector.broadcast %shift_right_arithmetic3A_2694 : i32 to vector<16xi32>
    %shift_right_arithmetic3A_2696 = arith.shrsi %add3A_2674, %shift_right_arithmetic3A_2695 : vector<16xi32>
    %shift_left3A_2697 = arith.constant 8 : i32
    %shift_left3A_2698 = vector.broadcast %shift_left3A_2697 : i32 to vector<16xi32>
    %shift_left3A_2699 = arith.shli %and3A_2685, %shift_left3A_2698 : vector<16xi32>
    %add3A_2700 = arith.addi %shift_right_arithmetic3A_2696, %shift_left3A_2699 : vector<16xi32>
    %add3A_2701 = arith.constant 16384 : i32
    %add3A_2702 = vector.broadcast %add3A_2701 : i32 to vector<16xi32>
    %add3A_2703 = arith.addi %add3A_2702, %shift_left3A_2 : vector<16xi32>
    %add3A_2704 = arith.addi %add3A_2703, %add3A_2700 : vector<16xi32>
    %gather3A_2705 = tpu.vector_load_idx %arg6[%add3A_2704] : memref<65536xi32, #tpu.memory_space<vmem>>[vector<16xi32>], vector<16xi32>,
    %shift_right_arithmetic3A_2706 = arith.constant 16 : i32
    %shift_right_arithmetic3A_2707 = vector.broadcast %shift_right_arithmetic3A_2706 : i32 to vector<16xi32>
    %shift_right_arithmetic3A_2708 = arith.shrsi %gather3A_2705, %shift_right_arithmetic3A_2707 : vector<16xi32>
    %and3A_2709 = arith.constant 3 : i32
    %and3A_2710 = vector.broadcast %and3A_2709 : i32 to vector<16xi32>
    %and3A_2711 = arith.andi %shift_right_arithmetic3A_2708, %and3A_2710 : vector<16xi32>
    %shift_left3A_2712 = arith.constant 10 : i32
    %shift_left3A_2713 = vector.broadcast %shift_left3A_2712 : i32 to vector<16xi32>
    %shift_left3A_2714 = arith.shli %and3A_2711, %shift_left3A_2713 : vector<16xi32>
    %add3A_2715 = arith.addi %add3A_2700, %shift_left3A_2714 : vector<16xi32>
    %gather3A_2716 = tpu.vector_load_idx %arg8[%add3A_2715] : memref<4096xf32, #tpu.memory_space<vmem>>[vector<16xi32>], vector<16xf32>,
    %add3A_2717 = arith.constant 24 : i32
    %add3A_2718 = vector.broadcast %add3A_2717 : i32 to vector<16xi32>
    %add3A_2719 = arith.addi %mul3A_5, %add3A_2718 : vector<16xi32>
    tpu.vector_store_idx %arg9[%add3A_2719], %gather3A_2716 : memref<1024xf32, #tpu.memory_space<vmem>>[vector<16xi32>], vector<16xf32>,
    %shift_right_arithmetic3A_2720 = arith.constant 2 : i32
    %shift_right_arithmetic3A_2721 = vector.broadcast %shift_right_arithmetic3A_2720 : i32 to vector<16xi32>
    %shift_right_arithmetic3A_2722 = arith.shrsi %add3A_2700, %shift_right_arithmetic3A_2721 : vector<16xi32>
    %shift_left3A_2723 = arith.constant 8 : i32
    %shift_left3A_2724 = vector.broadcast %shift_left3A_2723 : i32 to vector<16xi32>
    %shift_left3A_2725 = arith.shli %and3A_2711, %shift_left3A_2724 : vector<16xi32>
    %add3A_2726 = arith.addi %shift_right_arithmetic3A_2722, %shift_left3A_2725 : vector<16xi32>
    %add3A_2727 = arith.constant 16384 : i32
    %add3A_2728 = vector.broadcast %add3A_2727 : i32 to vector<16xi32>
    %add3A_2729 = arith.addi %add3A_2728, %shift_left3A_2 : vector<16xi32>
    %add3A_2730 = arith.addi %add3A_2729, %add3A_2726 : vector<16xi32>
    %gather3A_2731 = tpu.vector_load_idx %arg6[%add3A_2730] : memref<65536xi32, #tpu.memory_space<vmem>>[vector<16xi32>], vector<16xi32>,
    %shift_right_arithmetic3A_2732 = arith.constant 14 : i32
    %shift_right_arithmetic3A_2733 = vector.broadcast %shift_right_arithmetic3A_2732 : i32 to vector<16xi32>
    %shift_right_arithmetic3A_2734 = arith.shrsi %gather3A_2731, %shift_right_arithmetic3A_2733 : vector<16xi32>
    %and3A_2735 = arith.constant 3 : i32
    %and3A_2736 = vector.broadcast %and3A_2735 : i32 to vector<16xi32>
    %and3A_2737 = arith.andi %shift_right_arithmetic3A_2734, %and3A_2736 : vector<16xi32>
    %shift_left3A_2738 = arith.constant 10 : i32
    %shift_left3A_2739 = vector.broadcast %shift_left3A_2738 : i32 to vector<16xi32>
    %shift_left3A_2740 = arith.shli %and3A_2737, %shift_left3A_2739 : vector<16xi32>
    %add3A_2741 = arith.addi %add3A_2726, %shift_left3A_2740 : vector<16xi32>
    %gather3A_2742 = tpu.vector_load_idx %arg8[%add3A_2741] : memref<4096xf32, #tpu.memory_space<vmem>>[vector<16xi32>], vector<16xf32>,
    %add3A_2743 = arith.constant 23 : i32
    %add3A_2744 = vector.broadcast %add3A_2743 : i32 to vector<16xi32>
    %add3A_2745 = arith.addi %mul3A_5, %add3A_2744 : vector<16xi32>
    tpu.vector_store_idx %arg9[%add3A_2745], %gather3A_2742 : memref<1024xf32, #tpu.memory_space<vmem>>[vector<16xi32>], vector<16xf32>,
    %shift_right_arithmetic3A_2746 = arith.constant 2 : i32
    %shift_right_arithmetic3A_2747 = vector.broadcast %shift_right_arithmetic3A_2746 : i32 to vector<16xi32>
    %shift_right_arithmetic3A_2748 = arith.shrsi %add3A_2726, %shift_right_arithmetic3A_2747 : vector<16xi32>
    %shift_left3A_2749 = arith.constant 8 : i32
    %shift_left3A_2750 = vector.broadcast %shift_left3A_2749 : i32 to vector<16xi32>
    %shift_left3A_2751 = arith.shli %and3A_2737, %shift_left3A_2750 : vector<16xi32>
    %add3A_2752 = arith.addi %shift_right_arithmetic3A_2748, %shift_left3A_2751 : vector<16xi32>
    %add3A_2753 = arith.constant 16384 : i32
    %add3A_2754 = vector.broadcast %add3A_2753 : i32 to vector<16xi32>
    %add3A_2755 = arith.addi %add3A_2754, %shift_left3A_2 : vector<16xi32>
    %add3A_2756 = arith.addi %add3A_2755, %add3A_2752 : vector<16xi32>
    %gather3A_2757 = tpu.vector_load_idx %arg6[%add3A_2756] : memref<65536xi32, #tpu.memory_space<vmem>>[vector<16xi32>], vector<16xi32>,
    %shift_right_arithmetic3A_2758 = arith.constant 12 : i32
    %shift_right_arithmetic3A_2759 = vector.broadcast %shift_right_arithmetic3A_2758 : i32 to vector<16xi32>
    %shift_right_arithmetic3A_2760 = arith.shrsi %gather3A_2757, %shift_right_arithmetic3A_2759 : vector<16xi32>
    %and3A_2761 = arith.constant 3 : i32
    %and3A_2762 = vector.broadcast %and3A_2761 : i32 to vector<16xi32>
    %and3A_2763 = arith.andi %shift_right_arithmetic3A_2760, %and3A_2762 : vector<16xi32>
    %shift_left3A_2764 = arith.constant 10 : i32
    %shift_left3A_2765 = vector.broadcast %shift_left3A_2764 : i32 to vector<16xi32>
    %shift_left3A_2766 = arith.shli %and3A_2763, %shift_left3A_2765 : vector<16xi32>
    %add3A_2767 = arith.addi %add3A_2752, %shift_left3A_2766 : vector<16xi32>
    %gather3A_2768 = tpu.vector_load_idx %arg8[%add3A_2767] : memref<4096xf32, #tpu.memory_space<vmem>>[vector<16xi32>], vector<16xf32>,
    %add3A_2769 = arith.constant 22 : i32
    %add3A_2770 = vector.broadcast %add3A_2769 : i32 to vector<16xi32>
    %add3A_2771 = arith.addi %mul3A_5, %add3A_2770 : vector<16xi32>
    tpu.vector_store_idx %arg9[%add3A_2771], %gather3A_2768 : memref<1024xf32, #tpu.memory_space<vmem>>[vector<16xi32>], vector<16xf32>,
    %shift_right_arithmetic3A_2772 = arith.constant 2 : i32
    %shift_right_arithmetic3A_2773 = vector.broadcast %shift_right_arithmetic3A_2772 : i32 to vector<16xi32>
    %shift_right_arithmetic3A_2774 = arith.shrsi %add3A_2752, %shift_right_arithmetic3A_2773 : vector<16xi32>
    %shift_left3A_2775 = arith.constant 8 : i32
    %shift_left3A_2776 = vector.broadcast %shift_left3A_2775 : i32 to vector<16xi32>
    %shift_left3A_2777 = arith.shli %and3A_2763, %shift_left3A_2776 : vector<16xi32>
    %add3A_2778 = arith.addi %shift_right_arithmetic3A_2774, %shift_left3A_2777 : vector<16xi32>
    %add3A_2779 = arith.constant 16384 : i32
    %add3A_2780 = vector.broadcast %add3A_2779 : i32 to vector<16xi32>
    %add3A_2781 = arith.addi %add3A_2780, %shift_left3A_2 : vector<16xi32>
    %add3A_2782 = arith.addi %add3A_2781, %add3A_2778 : vector<16xi32>
    %gather3A_2783 = tpu.vector_load_idx %arg6[%add3A_2782] : memref<65536xi32, #tpu.memory_space<vmem>>[vector<16xi32>], vector<16xi32>,
    %shift_right_arithmetic3A_2784 = arith.constant 10 : i32
    %shift_right_arithmetic3A_2785 = vector.broadcast %shift_right_arithmetic3A_2784 : i32 to vector<16xi32>
    %shift_right_arithmetic3A_2786 = arith.shrsi %gather3A_2783, %shift_right_arithmetic3A_2785 : vector<16xi32>
    %and3A_2787 = arith.constant 3 : i32
    %and3A_2788 = vector.broadcast %and3A_2787 : i32 to vector<16xi32>
    %and3A_2789 = arith.andi %shift_right_arithmetic3A_2786, %and3A_2788 : vector<16xi32>
    %shift_left3A_2790 = arith.constant 10 : i32
    %shift_left3A_2791 = vector.broadcast %shift_left3A_2790 : i32 to vector<16xi32>
    %shift_left3A_2792 = arith.shli %and3A_2789, %shift_left3A_2791 : vector<16xi32>
    %add3A_2793 = arith.addi %add3A_2778, %shift_left3A_2792 : vector<16xi32>
    %gather3A_2794 = tpu.vector_load_idx %arg8[%add3A_2793] : memref<4096xf32, #tpu.memory_space<vmem>>[vector<16xi32>], vector<16xf32>,
    %add3A_2795 = arith.constant 21 : i32
    %add3A_2796 = vector.broadcast %add3A_2795 : i32 to vector<16xi32>
    %add3A_2797 = arith.addi %mul3A_5, %add3A_2796 : vector<16xi32>
    tpu.vector_store_idx %arg9[%add3A_2797], %gather3A_2794 : memref<1024xf32, #tpu.memory_space<vmem>>[vector<16xi32>], vector<16xf32>,
    %shift_right_arithmetic3A_2798 = arith.constant 2 : i32
    %shift_right_arithmetic3A_2799 = vector.broadcast %shift_right_arithmetic3A_2798 : i32 to vector<16xi32>
    %shift_right_arithmetic3A_2800 = arith.shrsi %add3A_2778, %shift_right_arithmetic3A_2799 : vector<16xi32>
    %shift_left3A_2801 = arith.constant 8 : i32
    %shift_left3A_2802 = vector.broadcast %shift_left3A_2801 : i32 to vector<16xi32>
    %shift_left3A_2803 = arith.shli %and3A_2789, %shift_left3A_2802 : vector<16xi32>
    %add3A_2804 = arith.addi %shift_right_arithmetic3A_2800, %shift_left3A_2803 : vector<16xi32>
    %add3A_2805 = arith.constant 16384 : i32
    %add3A_2806 = vector.broadcast %add3A_2805 : i32 to vector<16xi32>
    %add3A_2807 = arith.addi %add3A_2806, %shift_left3A_2 : vector<16xi32>
    %add3A_2808 = arith.addi %add3A_2807, %add3A_2804 : vector<16xi32>
    %gather3A_2809 = tpu.vector_load_idx %arg6[%add3A_2808] : memref<65536xi32, #tpu.memory_space<vmem>>[vector<16xi32>], vector<16xi32>,
    %shift_right_arithmetic3A_2810 = arith.constant 8 : i32
    %shift_right_arithmetic3A_2811 = vector.broadcast %shift_right_arithmetic3A_2810 : i32 to vector<16xi32>
    %shift_right_arithmetic3A_2812 = arith.shrsi %gather3A_2809, %shift_right_arithmetic3A_2811 : vector<16xi32>
    %and3A_2813 = arith.constant 3 : i32
    %and3A_2814 = vector.broadcast %and3A_2813 : i32 to vector<16xi32>
    %and3A_2815 = arith.andi %shift_right_arithmetic3A_2812, %and3A_2814 : vector<16xi32>
    %shift_left3A_2816 = arith.constant 10 : i32
    %shift_left3A_2817 = vector.broadcast %shift_left3A_2816 : i32 to vector<16xi32>
    %shift_left3A_2818 = arith.shli %and3A_2815, %shift_left3A_2817 : vector<16xi32>
    %add3A_2819 = arith.addi %add3A_2804, %shift_left3A_2818 : vector<16xi32>
    %gather3A_2820 = tpu.vector_load_idx %arg8[%add3A_2819] : memref<4096xf32, #tpu.memory_space<vmem>>[vector<16xi32>], vector<16xf32>,
    %add3A_2821 = arith.constant 20 : i32
    %add3A_2822 = vector.broadcast %add3A_2821 : i32 to vector<16xi32>
    %add3A_2823 = arith.addi %mul3A_5, %add3A_2822 : vector<16xi32>
    tpu.vector_store_idx %arg9[%add3A_2823], %gather3A_2820 : memref<1024xf32, #tpu.memory_space<vmem>>[vector<16xi32>], vector<16xf32>,
    %shift_right_arithmetic3A_2824 = arith.constant 2 : i32
    %shift_right_arithmetic3A_2825 = vector.broadcast %shift_right_arithmetic3A_2824 : i32 to vector<16xi32>
    %shift_right_arithmetic3A_2826 = arith.shrsi %add3A_2804, %shift_right_arithmetic3A_2825 : vector<16xi32>
    %shift_left3A_2827 = arith.constant 8 : i32
    %shift_left3A_2828 = vector.broadcast %shift_left3A_2827 : i32 to vector<16xi32>
    %shift_left3A_2829 = arith.shli %and3A_2815, %shift_left3A_2828 : vector<16xi32>
    %add3A_2830 = arith.addi %shift_right_arithmetic3A_2826, %shift_left3A_2829 : vector<16xi32>
    %add3A_2831 = arith.constant 16384 : i32
    %add3A_2832 = vector.broadcast %add3A_2831 : i32 to vector<16xi32>
    %add3A_2833 = arith.addi %add3A_2832, %shift_left3A_2 : vector<16xi32>
    %add3A_2834 = arith.addi %add3A_2833, %add3A_2830 : vector<16xi32>
    %gather3A_2835 = tpu.vector_load_idx %arg6[%add3A_2834] : memref<65536xi32, #tpu.memory_space<vmem>>[vector<16xi32>], vector<16xi32>,
    %shift_right_arithmetic3A_2836 = arith.constant 6 : i32
    %shift_right_arithmetic3A_2837 = vector.broadcast %shift_right_arithmetic3A_2836 : i32 to vector<16xi32>
    %shift_right_arithmetic3A_2838 = arith.shrsi %gather3A_2835, %shift_right_arithmetic3A_2837 : vector<16xi32>
    %and3A_2839 = arith.constant 3 : i32
    %and3A_2840 = vector.broadcast %and3A_2839 : i32 to vector<16xi32>
    %and3A_2841 = arith.andi %shift_right_arithmetic3A_2838, %and3A_2840 : vector<16xi32>
    %shift_left3A_2842 = arith.constant 10 : i32
    %shift_left3A_2843 = vector.broadcast %shift_left3A_2842 : i32 to vector<16xi32>
    %shift_left3A_2844 = arith.shli %and3A_2841, %shift_left3A_2843 : vector<16xi32>
    %add3A_2845 = arith.addi %add3A_2830, %shift_left3A_2844 : vector<16xi32>
    %gather3A_2846 = tpu.vector_load_idx %arg8[%add3A_2845] : memref<4096xf32, #tpu.memory_space<vmem>>[vector<16xi32>], vector<16xf32>,
    %add3A_2847 = arith.constant 19 : i32
    %add3A_2848 = vector.broadcast %add3A_2847 : i32 to vector<16xi32>
    %add3A_2849 = arith.addi %mul3A_5, %add3A_2848 : vector<16xi32>
    tpu.vector_store_idx %arg9[%add3A_2849], %gather3A_2846 : memref<1024xf32, #tpu.memory_space<vmem>>[vector<16xi32>], vector<16xf32>,
    %shift_right_arithmetic3A_2850 = arith.constant 2 : i32
    %shift_right_arithmetic3A_2851 = vector.broadcast %shift_right_arithmetic3A_2850 : i32 to vector<16xi32>
    %shift_right_arithmetic3A_2852 = arith.shrsi %add3A_2830, %shift_right_arithmetic3A_2851 : vector<16xi32>
    %shift_left3A_2853 = arith.constant 8 : i32
    %shift_left3A_2854 = vector.broadcast %shift_left3A_2853 : i32 to vector<16xi32>
    %shift_left3A_2855 = arith.shli %and3A_2841, %shift_left3A_2854 : vector<16xi32>
    %add3A_2856 = arith.addi %shift_right_arithmetic3A_2852, %shift_left3A_2855 : vector<16xi32>
    %add3A_2857 = arith.constant 16384 : i32
    %add3A_2858 = vector.broadcast %add3A_2857 : i32 to vector<16xi32>
    %add3A_2859 = arith.addi %add3A_2858, %shift_left3A_2 : vector<16xi32>
    %add3A_2860 = arith.addi %add3A_2859, %add3A_2856 : vector<16xi32>
    %gather3A_2861 = tpu.vector_load_idx %arg6[%add3A_2860] : memref<65536xi32, #tpu.memory_space<vmem>>[vector<16xi32>], vector<16xi32>,
    %shift_right_arithmetic3A_2862 = arith.constant 4 : i32
    %shift_right_arithmetic3A_2863 = vector.broadcast %shift_right_arithmetic3A_2862 : i32 to vector<16xi32>
    %shift_right_arithmetic3A_2864 = arith.shrsi %gather3A_2861, %shift_right_arithmetic3A_2863 : vector<16xi32>
    %and3A_2865 = arith.constant 3 : i32
    %and3A_2866 = vector.broadcast %and3A_2865 : i32 to vector<16xi32>
    %and3A_2867 = arith.andi %shift_right_arithmetic3A_2864, %and3A_2866 : vector<16xi32>
    %shift_left3A_2868 = arith.constant 10 : i32
    %shift_left3A_2869 = vector.broadcast %shift_left3A_2868 : i32 to vector<16xi32>
    %shift_left3A_2870 = arith.shli %and3A_2867, %shift_left3A_2869 : vector<16xi32>
    %add3A_2871 = arith.addi %add3A_2856, %shift_left3A_2870 : vector<16xi32>
    %gather3A_2872 = tpu.vector_load_idx %arg8[%add3A_2871] : memref<4096xf32, #tpu.memory_space<vmem>>[vector<16xi32>], vector<16xf32>,
    %add3A_2873 = arith.constant 18 : i32
    %add3A_2874 = vector.broadcast %add3A_2873 : i32 to vector<16xi32>
    %add3A_2875 = arith.addi %mul3A_5, %add3A_2874 : vector<16xi32>
    tpu.vector_store_idx %arg9[%add3A_2875], %gather3A_2872 : memref<1024xf32, #tpu.memory_space<vmem>>[vector<16xi32>], vector<16xf32>,
    %shift_right_arithmetic3A_2876 = arith.constant 2 : i32
    %shift_right_arithmetic3A_2877 = vector.broadcast %shift_right_arithmetic3A_2876 : i32 to vector<16xi32>
    %shift_right_arithmetic3A_2878 = arith.shrsi %add3A_2856, %shift_right_arithmetic3A_2877 : vector<16xi32>
    %shift_left3A_2879 = arith.constant 8 : i32
    %shift_left3A_2880 = vector.broadcast %shift_left3A_2879 : i32 to vector<16xi32>
    %shift_left3A_2881 = arith.shli %and3A_2867, %shift_left3A_2880 : vector<16xi32>
    %add3A_2882 = arith.addi %shift_right_arithmetic3A_2878, %shift_left3A_2881 : vector<16xi32>
    %add3A_2883 = arith.constant 16384 : i32
    %add3A_2884 = vector.broadcast %add3A_2883 : i32 to vector<16xi32>
    %add3A_2885 = arith.addi %add3A_2884, %shift_left3A_2 : vector<16xi32>
    %add3A_2886 = arith.addi %add3A_2885, %add3A_2882 : vector<16xi32>
    %gather3A_2887 = tpu.vector_load_idx %arg6[%add3A_2886] : memref<65536xi32, #tpu.memory_space<vmem>>[vector<16xi32>], vector<16xi32>,
    %shift_right_arithmetic3A_2888 = arith.constant 2 : i32
    %shift_right_arithmetic3A_2889 = vector.broadcast %shift_right_arithmetic3A_2888 : i32 to vector<16xi32>
    %shift_right_arithmetic3A_2890 = arith.shrsi %gather3A_2887, %shift_right_arithmetic3A_2889 : vector<16xi32>
    %and3A_2891 = arith.constant 3 : i32
    %and3A_2892 = vector.broadcast %and3A_2891 : i32 to vector<16xi32>
    %and3A_2893 = arith.andi %shift_right_arithmetic3A_2890, %and3A_2892 : vector<16xi32>
    %shift_left3A_2894 = arith.constant 10 : i32
    %shift_left3A_2895 = vector.broadcast %shift_left3A_2894 : i32 to vector<16xi32>
    %shift_left3A_2896 = arith.shli %and3A_2893, %shift_left3A_2895 : vector<16xi32>
    %add3A_2897 = arith.addi %add3A_2882, %shift_left3A_2896 : vector<16xi32>
    %gather3A_2898 = tpu.vector_load_idx %arg8[%add3A_2897] : memref<4096xf32, #tpu.memory_space<vmem>>[vector<16xi32>], vector<16xf32>,
    %add3A_2899 = arith.constant 17 : i32
    %add3A_2900 = vector.broadcast %add3A_2899 : i32 to vector<16xi32>
    %add3A_2901 = arith.addi %mul3A_5, %add3A_2900 : vector<16xi32>
    tpu.vector_store_idx %arg9[%add3A_2901], %gather3A_2898 : memref<1024xf32, #tpu.memory_space<vmem>>[vector<16xi32>], vector<16xf32>,
    %shift_right_arithmetic3A_2902 = arith.constant 2 : i32
    %shift_right_arithmetic3A_2903 = vector.broadcast %shift_right_arithmetic3A_2902 : i32 to vector<16xi32>
    %shift_right_arithmetic3A_2904 = arith.shrsi %add3A_2882, %shift_right_arithmetic3A_2903 : vector<16xi32>
    %shift_left3A_2905 = arith.constant 8 : i32
    %shift_left3A_2906 = vector.broadcast %shift_left3A_2905 : i32 to vector<16xi32>
    %shift_left3A_2907 = arith.shli %and3A_2893, %shift_left3A_2906 : vector<16xi32>
    %add3A_2908 = arith.addi %shift_right_arithmetic3A_2904, %shift_left3A_2907 : vector<16xi32>
    %add3A_2909 = arith.constant 16384 : i32
    %add3A_2910 = vector.broadcast %add3A_2909 : i32 to vector<16xi32>
    %add3A_2911 = arith.addi %add3A_2910, %shift_left3A_2 : vector<16xi32>
    %add3A_2912 = arith.addi %add3A_2911, %add3A_2908 : vector<16xi32>
    %gather3A_2913 = tpu.vector_load_idx %arg6[%add3A_2912] : memref<65536xi32, #tpu.memory_space<vmem>>[vector<16xi32>], vector<16xi32>,
    %shift_right_arithmetic3A_2914 = arith.constant 0 : i32
    %shift_right_arithmetic3A_2915 = vector.broadcast %shift_right_arithmetic3A_2914 : i32 to vector<16xi32>
    %shift_right_arithmetic3A_2916 = arith.shrsi %gather3A_2913, %shift_right_arithmetic3A_2915 : vector<16xi32>
    %and3A_2917 = arith.constant 3 : i32
    %and3A_2918 = vector.broadcast %and3A_2917 : i32 to vector<16xi32>
    %and3A_2919 = arith.andi %shift_right_arithmetic3A_2916, %and3A_2918 : vector<16xi32>
    %shift_left3A_2920 = arith.constant 10 : i32
    %shift_left3A_2921 = vector.broadcast %shift_left3A_2920 : i32 to vector<16xi32>
    %shift_left3A_2922 = arith.shli %and3A_2919, %shift_left3A_2921 : vector<16xi32>
    %add3A_2923 = arith.addi %add3A_2908, %shift_left3A_2922 : vector<16xi32>
    %gather3A_2924 = tpu.vector_load_idx %arg8[%add3A_2923] : memref<4096xf32, #tpu.memory_space<vmem>>[vector<16xi32>], vector<16xf32>,
    %add3A_2925 = arith.constant 16 : i32
    %add3A_2926 = vector.broadcast %add3A_2925 : i32 to vector<16xi32>
    %add3A_2927 = arith.addi %mul3A_5, %add3A_2926 : vector<16xi32>
    tpu.vector_store_idx %arg9[%add3A_2927], %gather3A_2924 : memref<1024xf32, #tpu.memory_space<vmem>>[vector<16xi32>], vector<16xf32>,
    %shift_right_arithmetic3A_2928 = arith.constant 2 : i32
    %shift_right_arithmetic3A_2929 = vector.broadcast %shift_right_arithmetic3A_2928 : i32 to vector<16xi32>
    %shift_right_arithmetic3A_2930 = arith.shrsi %add3A_2908, %shift_right_arithmetic3A_2929 : vector<16xi32>
    %shift_left3A_2931 = arith.constant 8 : i32
    %shift_left3A_2932 = vector.broadcast %shift_left3A_2931 : i32 to vector<16xi32>
    %shift_left3A_2933 = arith.shli %and3A_2919, %shift_left3A_2932 : vector<16xi32>
    %add3A_2934 = arith.addi %shift_right_arithmetic3A_2930, %shift_left3A_2933 : vector<16xi32>
    %add3A_2935 = arith.constant 0 : i32
    %add3A_2936 = vector.broadcast %add3A_2935 : i32 to vector<16xi32>
    %add3A_2937 = arith.addi %add3A_2936, %shift_left3A_2 : vector<16xi32>
    %add3A_2938 = arith.addi %add3A_2937, %add3A_2934 : vector<16xi32>
    %gather3A_2939 = tpu.vector_load_idx %arg6[%add3A_2938] : memref<65536xi32, #tpu.memory_space<vmem>>[vector<16xi32>], vector<16xi32>,
    %shift_right_arithmetic3A_2940 = arith.constant 30 : i32
    %shift_right_arithmetic3A_2941 = vector.broadcast %shift_right_arithmetic3A_2940 : i32 to vector<16xi32>
    %shift_right_arithmetic3A_2942 = arith.shrsi %gather3A_2939, %shift_right_arithmetic3A_2941 : vector<16xi32>
    %and3A_2943 = arith.constant 3 : i32
    %and3A_2944 = vector.broadcast %and3A_2943 : i32 to vector<16xi32>
    %and3A_2945 = arith.andi %shift_right_arithmetic3A_2942, %and3A_2944 : vector<16xi32>
    %shift_left3A_2946 = arith.constant 10 : i32
    %shift_left3A_2947 = vector.broadcast %shift_left3A_2946 : i32 to vector<16xi32>
    %shift_left3A_2948 = arith.shli %and3A_2945, %shift_left3A_2947 : vector<16xi32>
    %add3A_2949 = arith.addi %add3A_2934, %shift_left3A_2948 : vector<16xi32>
    %gather3A_2950 = tpu.vector_load_idx %arg8[%add3A_2949] : memref<4096xf32, #tpu.memory_space<vmem>>[vector<16xi32>], vector<16xf32>,
    %add3A_2951 = arith.constant 15 : i32
    %add3A_2952 = vector.broadcast %add3A_2951 : i32 to vector<16xi32>
    %add3A_2953 = arith.addi %mul3A_5, %add3A_2952 : vector<16xi32>
    tpu.vector_store_idx %arg9[%add3A_2953], %gather3A_2950 : memref<1024xf32, #tpu.memory_space<vmem>>[vector<16xi32>], vector<16xf32>,
    %shift_right_arithmetic3A_2954 = arith.constant 2 : i32
    %shift_right_arithmetic3A_2955 = vector.broadcast %shift_right_arithmetic3A_2954 : i32 to vector<16xi32>
    %shift_right_arithmetic3A_2956 = arith.shrsi %add3A_2934, %shift_right_arithmetic3A_2955 : vector<16xi32>
    %shift_left3A_2957 = arith.constant 8 : i32
    %shift_left3A_2958 = vector.broadcast %shift_left3A_2957 : i32 to vector<16xi32>
    %shift_left3A_2959 = arith.shli %and3A_2945, %shift_left3A_2958 : vector<16xi32>
    %add3A_2960 = arith.addi %shift_right_arithmetic3A_2956, %shift_left3A_2959 : vector<16xi32>
    %add3A_2961 = arith.constant 0 : i32
    %add3A_2962 = vector.broadcast %add3A_2961 : i32 to vector<16xi32>
    %add3A_2963 = arith.addi %add3A_2962, %shift_left3A_2 : vector<16xi32>
    %add3A_2964 = arith.addi %add3A_2963, %add3A_2960 : vector<16xi32>
    %gather3A_2965 = tpu.vector_load_idx %arg6[%add3A_2964] : memref<65536xi32, #tpu.memory_space<vmem>>[vector<16xi32>], vector<16xi32>,
    %shift_right_arithmetic3A_2966 = arith.constant 28 : i32
    %shift_right_arithmetic3A_2967 = vector.broadcast %shift_right_arithmetic3A_2966 : i32 to vector<16xi32>
    %shift_right_arithmetic3A_2968 = arith.shrsi %gather3A_2965, %shift_right_arithmetic3A_2967 : vector<16xi32>
    %and3A_2969 = arith.constant 3 : i32
    %and3A_2970 = vector.broadcast %and3A_2969 : i32 to vector<16xi32>
    %and3A_2971 = arith.andi %shift_right_arithmetic3A_2968, %and3A_2970 : vector<16xi32>
    %shift_left3A_2972 = arith.constant 10 : i32
    %shift_left3A_2973 = vector.broadcast %shift_left3A_2972 : i32 to vector<16xi32>
    %shift_left3A_2974 = arith.shli %and3A_2971, %shift_left3A_2973 : vector<16xi32>
    %add3A_2975 = arith.addi %add3A_2960, %shift_left3A_2974 : vector<16xi32>
    %gather3A_2976 = tpu.vector_load_idx %arg8[%add3A_2975] : memref<4096xf32, #tpu.memory_space<vmem>>[vector<16xi32>], vector<16xf32>,
    %add3A_2977 = arith.constant 14 : i32
    %add3A_2978 = vector.broadcast %add3A_2977 : i32 to vector<16xi32>
    %add3A_2979 = arith.addi %mul3A_5, %add3A_2978 : vector<16xi32>
    tpu.vector_store_idx %arg9[%add3A_2979], %gather3A_2976 : memref<1024xf32, #tpu.memory_space<vmem>>[vector<16xi32>], vector<16xf32>,
    %shift_right_arithmetic3A_2980 = arith.constant 2 : i32
    %shift_right_arithmetic3A_2981 = vector.broadcast %shift_right_arithmetic3A_2980 : i32 to vector<16xi32>
    %shift_right_arithmetic3A_2982 = arith.shrsi %add3A_2960, %shift_right_arithmetic3A_2981 : vector<16xi32>
    %shift_left3A_2983 = arith.constant 8 : i32
    %shift_left3A_2984 = vector.broadcast %shift_left3A_2983 : i32 to vector<16xi32>
    %shift_left3A_2985 = arith.shli %and3A_2971, %shift_left3A_2984 : vector<16xi32>
    %add3A_2986 = arith.addi %shift_right_arithmetic3A_2982, %shift_left3A_2985 : vector<16xi32>
    %add3A_2987 = arith.constant 0 : i32
    %add3A_2988 = vector.broadcast %add3A_2987 : i32 to vector<16xi32>
    %add3A_2989 = arith.addi %add3A_2988, %shift_left3A_2 : vector<16xi32>
    %add3A_2990 = arith.addi %add3A_2989, %add3A_2986 : vector<16xi32>
    %gather3A_2991 = tpu.vector_load_idx %arg6[%add3A_2990] : memref<65536xi32, #tpu.memory_space<vmem>>[vector<16xi32>], vector<16xi32>,
    %shift_right_arithmetic3A_2992 = arith.constant 26 : i32
    %shift_right_arithmetic3A_2993 = vector.broadcast %shift_right_arithmetic3A_2992 : i32 to vector<16xi32>
    %shift_right_arithmetic3A_2994 = arith.shrsi %gather3A_2991, %shift_right_arithmetic3A_2993 : vector<16xi32>
    %and3A_2995 = arith.constant 3 : i32
    %and3A_2996 = vector.broadcast %and3A_2995 : i32 to vector<16xi32>
    %and3A_2997 = arith.andi %shift_right_arithmetic3A_2994, %and3A_2996 : vector<16xi32>
    %shift_left3A_2998 = arith.constant 10 : i32
    %shift_left3A_2999 = vector.broadcast %shift_left3A_2998 : i32 to vector<16xi32>
    %shift_left3A_3000 = arith.shli %and3A_2997, %shift_left3A_2999 : vector<16xi32>
    %add3A_3001 = arith.addi %add3A_2986, %shift_left3A_3000 : vector<16xi32>
    %gather3A_3002 = tpu.vector_load_idx %arg8[%add3A_3001] : memref<4096xf32, #tpu.memory_space<vmem>>[vector<16xi32>], vector<16xf32>,
    %add3A_3003 = arith.constant 13 : i32
    %add3A_3004 = vector.broadcast %add3A_3003 : i32 to vector<16xi32>
    %add3A_3005 = arith.addi %mul3A_5, %add3A_3004 : vector<16xi32>
    tpu.vector_store_idx %arg9[%add3A_3005], %gather3A_3002 : memref<1024xf32, #tpu.memory_space<vmem>>[vector<16xi32>], vector<16xf32>,
    %shift_right_arithmetic3A_3006 = arith.constant 2 : i32
    %shift_right_arithmetic3A_3007 = vector.broadcast %shift_right_arithmetic3A_3006 : i32 to vector<16xi32>
    %shift_right_arithmetic3A_3008 = arith.shrsi %add3A_2986, %shift_right_arithmetic3A_3007 : vector<16xi32>
    %shift_left3A_3009 = arith.constant 8 : i32
    %shift_left3A_3010 = vector.broadcast %shift_left3A_3009 : i32 to vector<16xi32>
    %shift_left3A_3011 = arith.shli %and3A_2997, %shift_left3A_3010 : vector<16xi32>
    %add3A_3012 = arith.addi %shift_right_arithmetic3A_3008, %shift_left3A_3011 : vector<16xi32>
    %add3A_3013 = arith.constant 0 : i32
    %add3A_3014 = vector.broadcast %add3A_3013 : i32 to vector<16xi32>
    %add3A_3015 = arith.addi %add3A_3014, %shift_left3A_2 : vector<16xi32>
    %add3A_3016 = arith.addi %add3A_3015, %add3A_3012 : vector<16xi32>
    %gather3A_3017 = tpu.vector_load_idx %arg6[%add3A_3016] : memref<65536xi32, #tpu.memory_space<vmem>>[vector<16xi32>], vector<16xi32>,
    %shift_right_arithmetic3A_3018 = arith.constant 24 : i32
    %shift_right_arithmetic3A_3019 = vector.broadcast %shift_right_arithmetic3A_3018 : i32 to vector<16xi32>
    %shift_right_arithmetic3A_3020 = arith.shrsi %gather3A_3017, %shift_right_arithmetic3A_3019 : vector<16xi32>
    %and3A_3021 = arith.constant 3 : i32
    %and3A_3022 = vector.broadcast %and3A_3021 : i32 to vector<16xi32>
    %and3A_3023 = arith.andi %shift_right_arithmetic3A_3020, %and3A_3022 : vector<16xi32>
    %shift_left3A_3024 = arith.constant 10 : i32
    %shift_left3A_3025 = vector.broadcast %shift_left3A_3024 : i32 to vector<16xi32>
    %shift_left3A_3026 = arith.shli %and3A_3023, %shift_left3A_3025 : vector<16xi32>
    %add3A_3027 = arith.addi %add3A_3012, %shift_left3A_3026 : vector<16xi32>
    %gather3A_3028 = tpu.vector_load_idx %arg8[%add3A_3027] : memref<4096xf32, #tpu.memory_space<vmem>>[vector<16xi32>], vector<16xf32>,
    %add3A_3029 = arith.constant 12 : i32
    %add3A_3030 = vector.broadcast %add3A_3029 : i32 to vector<16xi32>
    %add3A_3031 = arith.addi %mul3A_5, %add3A_3030 : vector<16xi32>
    tpu.vector_store_idx %arg9[%add3A_3031], %gather3A_3028 : memref<1024xf32, #tpu.memory_space<vmem>>[vector<16xi32>], vector<16xf32>,
    %shift_right_arithmetic3A_3032 = arith.constant 2 : i32
    %shift_right_arithmetic3A_3033 = vector.broadcast %shift_right_arithmetic3A_3032 : i32 to vector<16xi32>
    %shift_right_arithmetic3A_3034 = arith.shrsi %add3A_3012, %shift_right_arithmetic3A_3033 : vector<16xi32>
    %shift_left3A_3035 = arith.constant 8 : i32
    %shift_left3A_3036 = vector.broadcast %shift_left3A_3035 : i32 to vector<16xi32>
    %shift_left3A_3037 = arith.shli %and3A_3023, %shift_left3A_3036 : vector<16xi32>
    %add3A_3038 = arith.addi %shift_right_arithmetic3A_3034, %shift_left3A_3037 : vector<16xi32>
    %add3A_3039 = arith.constant 0 : i32
    %add3A_3040 = vector.broadcast %add3A_3039 : i32 to vector<16xi32>
    %add3A_3041 = arith.addi %add3A_3040, %shift_left3A_2 : vector<16xi32>
    %add3A_3042 = arith.addi %add3A_3041, %add3A_3038 : vector<16xi32>
    %gather3A_3043 = tpu.vector_load_idx %arg6[%add3A_3042] : memref<65536xi32, #tpu.memory_space<vmem>>[vector<16xi32>], vector<16xi32>,
    %shift_right_arithmetic3A_3044 = arith.constant 22 : i32
    %shift_right_arithmetic3A_3045 = vector.broadcast %shift_right_arithmetic3A_3044 : i32 to vector<16xi32>
    %shift_right_arithmetic3A_3046 = arith.shrsi %gather3A_3043, %shift_right_arithmetic3A_3045 : vector<16xi32>
    %and3A_3047 = arith.constant 3 : i32
    %and3A_3048 = vector.broadcast %and3A_3047 : i32 to vector<16xi32>
    %and3A_3049 = arith.andi %shift_right_arithmetic3A_3046, %and3A_3048 : vector<16xi32>
    %shift_left3A_3050 = arith.constant 10 : i32
    %shift_left3A_3051 = vector.broadcast %shift_left3A_3050 : i32 to vector<16xi32>
    %shift_left3A_3052 = arith.shli %and3A_3049, %shift_left3A_3051 : vector<16xi32>
    %add3A_3053 = arith.addi %add3A_3038, %shift_left3A_3052 : vector<16xi32>
    %gather3A_3054 = tpu.vector_load_idx %arg8[%add3A_3053] : memref<4096xf32, #tpu.memory_space<vmem>>[vector<16xi32>], vector<16xf32>,
    %add3A_3055 = arith.constant 11 : i32
    %add3A_3056 = vector.broadcast %add3A_3055 : i32 to vector<16xi32>
    %add3A_3057 = arith.addi %mul3A_5, %add3A_3056 : vector<16xi32>
    tpu.vector_store_idx %arg9[%add3A_3057], %gather3A_3054 : memref<1024xf32, #tpu.memory_space<vmem>>[vector<16xi32>], vector<16xf32>,
    %shift_right_arithmetic3A_3058 = arith.constant 2 : i32
    %shift_right_arithmetic3A_3059 = vector.broadcast %shift_right_arithmetic3A_3058 : i32 to vector<16xi32>
    %shift_right_arithmetic3A_3060 = arith.shrsi %add3A_3038, %shift_right_arithmetic3A_3059 : vector<16xi32>
    %shift_left3A_3061 = arith.constant 8 : i32
    %shift_left3A_3062 = vector.broadcast %shift_left3A_3061 : i32 to vector<16xi32>
    %shift_left3A_3063 = arith.shli %and3A_3049, %shift_left3A_3062 : vector<16xi32>
    %add3A_3064 = arith.addi %shift_right_arithmetic3A_3060, %shift_left3A_3063 : vector<16xi32>
    %add3A_3065 = arith.constant 0 : i32
    %add3A_3066 = vector.broadcast %add3A_3065 : i32 to vector<16xi32>
    %add3A_3067 = arith.addi %add3A_3066, %shift_left3A_2 : vector<16xi32>
    %add3A_3068 = arith.addi %add3A_3067, %add3A_3064 : vector<16xi32>
    %gather3A_3069 = tpu.vector_load_idx %arg6[%add3A_3068] : memref<65536xi32, #tpu.memory_space<vmem>>[vector<16xi32>], vector<16xi32>,
    %shift_right_arithmetic3A_3070 = arith.constant 20 : i32
    %shift_right_arithmetic3A_3071 = vector.broadcast %shift_right_arithmetic3A_3070 : i32 to vector<16xi32>
    %shift_right_arithmetic3A_3072 = arith.shrsi %gather3A_3069, %shift_right_arithmetic3A_3071 : vector<16xi32>
    %and3A_3073 = arith.constant 3 : i32
    %and3A_3074 = vector.broadcast %and3A_3073 : i32 to vector<16xi32>
    %and3A_3075 = arith.andi %shift_right_arithmetic3A_3072, %and3A_3074 : vector<16xi32>
    %shift_left3A_3076 = arith.constant 10 : i32
    %shift_left3A_3077 = vector.broadcast %shift_left3A_3076 : i32 to vector<16xi32>
    %shift_left3A_3078 = arith.shli %and3A_3075, %shift_left3A_3077 : vector<16xi32>
    %add3A_3079 = arith.addi %add3A_3064, %shift_left3A_3078 : vector<16xi32>
    %gather3A_3080 = tpu.vector_load_idx %arg8[%add3A_3079] : memref<4096xf32, #tpu.memory_space<vmem>>[vector<16xi32>], vector<16xf32>,
    %add3A_3081 = arith.constant 10 : i32
    %add3A_3082 = vector.broadcast %add3A_3081 : i32 to vector<16xi32>
    %add3A_3083 = arith.addi %mul3A_5, %add3A_3082 : vector<16xi32>
    tpu.vector_store_idx %arg9[%add3A_3083], %gather3A_3080 : memref<1024xf32, #tpu.memory_space<vmem>>[vector<16xi32>], vector<16xf32>,
    %shift_right_arithmetic3A_3084 = arith.constant 2 : i32
    %shift_right_arithmetic3A_3085 = vector.broadcast %shift_right_arithmetic3A_3084 : i32 to vector<16xi32>
    %shift_right_arithmetic3A_3086 = arith.shrsi %add3A_3064, %shift_right_arithmetic3A_3085 : vector<16xi32>
    %shift_left3A_3087 = arith.constant 8 : i32
    %shift_left3A_3088 = vector.broadcast %shift_left3A_3087 : i32 to vector<16xi32>
    %shift_left3A_3089 = arith.shli %and3A_3075, %shift_left3A_3088 : vector<16xi32>
    %add3A_3090 = arith.addi %shift_right_arithmetic3A_3086, %shift_left3A_3089 : vector<16xi32>
    %add3A_3091 = arith.constant 0 : i32
    %add3A_3092 = vector.broadcast %add3A_3091 : i32 to vector<16xi32>
    %add3A_3093 = arith.addi %add3A_3092, %shift_left3A_2 : vector<16xi32>
    %add3A_3094 = arith.addi %add3A_3093, %add3A_3090 : vector<16xi32>
    %gather3A_3095 = tpu.vector_load_idx %arg6[%add3A_3094] : memref<65536xi32, #tpu.memory_space<vmem>>[vector<16xi32>], vector<16xi32>,
    %shift_right_arithmetic3A_3096 = arith.constant 18 : i32
    %shift_right_arithmetic3A_3097 = vector.broadcast %shift_right_arithmetic3A_3096 : i32 to vector<16xi32>
    %shift_right_arithmetic3A_3098 = arith.shrsi %gather3A_3095, %shift_right_arithmetic3A_3097 : vector<16xi32>
    %and3A_3099 = arith.constant 3 : i32
    %and3A_3100 = vector.broadcast %and3A_3099 : i32 to vector<16xi32>
    %and3A_3101 = arith.andi %shift_right_arithmetic3A_3098, %and3A_3100 : vector<16xi32>
    %shift_left3A_3102 = arith.constant 10 : i32
    %shift_left3A_3103 = vector.broadcast %shift_left3A_3102 : i32 to vector<16xi32>
    %shift_left3A_3104 = arith.shli %and3A_3101, %shift_left3A_3103 : vector<16xi32>
    %add3A_3105 = arith.addi %add3A_3090, %shift_left3A_3104 : vector<16xi32>
    %gather3A_3106 = tpu.vector_load_idx %arg8[%add3A_3105] : memref<4096xf32, #tpu.memory_space<vmem>>[vector<16xi32>], vector<16xf32>,
    %add3A_3107 = arith.constant 9 : i32
    %add3A_3108 = vector.broadcast %add3A_3107 : i32 to vector<16xi32>
    %add3A_3109 = arith.addi %mul3A_5, %add3A_3108 : vector<16xi32>
    tpu.vector_store_idx %arg9[%add3A_3109], %gather3A_3106 : memref<1024xf32, #tpu.memory_space<vmem>>[vector<16xi32>], vector<16xf32>,
    %shift_right_arithmetic3A_3110 = arith.constant 2 : i32
    %shift_right_arithmetic3A_3111 = vector.broadcast %shift_right_arithmetic3A_3110 : i32 to vector<16xi32>
    %shift_right_arithmetic3A_3112 = arith.shrsi %add3A_3090, %shift_right_arithmetic3A_3111 : vector<16xi32>
    %shift_left3A_3113 = arith.constant 8 : i32
    %shift_left3A_3114 = vector.broadcast %shift_left3A_3113 : i32 to vector<16xi32>
    %shift_left3A_3115 = arith.shli %and3A_3101, %shift_left3A_3114 : vector<16xi32>
    %add3A_3116 = arith.addi %shift_right_arithmetic3A_3112, %shift_left3A_3115 : vector<16xi32>
    %add3A_3117 = arith.constant 0 : i32
    %add3A_3118 = vector.broadcast %add3A_3117 : i32 to vector<16xi32>
    %add3A_3119 = arith.addi %add3A_3118, %shift_left3A_2 : vector<16xi32>
    %add3A_3120 = arith.addi %add3A_3119, %add3A_3116 : vector<16xi32>
    %gather3A_3121 = tpu.vector_load_idx %arg6[%add3A_3120] : memref<65536xi32, #tpu.memory_space<vmem>>[vector<16xi32>], vector<16xi32>,
    %shift_right_arithmetic3A_3122 = arith.constant 16 : i32
    %shift_right_arithmetic3A_3123 = vector.broadcast %shift_right_arithmetic3A_3122 : i32 to vector<16xi32>
    %shift_right_arithmetic3A_3124 = arith.shrsi %gather3A_3121, %shift_right_arithmetic3A_3123 : vector<16xi32>
    %and3A_3125 = arith.constant 3 : i32
    %and3A_3126 = vector.broadcast %and3A_3125 : i32 to vector<16xi32>
    %and3A_3127 = arith.andi %shift_right_arithmetic3A_3124, %and3A_3126 : vector<16xi32>
    %shift_left3A_3128 = arith.constant 10 : i32
    %shift_left3A_3129 = vector.broadcast %shift_left3A_3128 : i32 to vector<16xi32>
    %shift_left3A_3130 = arith.shli %and3A_3127, %shift_left3A_3129 : vector<16xi32>
    %add3A_3131 = arith.addi %add3A_3116, %shift_left3A_3130 : vector<16xi32>
    %gather3A_3132 = tpu.vector_load_idx %arg8[%add3A_3131] : memref<4096xf32, #tpu.memory_space<vmem>>[vector<16xi32>], vector<16xf32>,
    %add3A_3133 = arith.constant 8 : i32
    %add3A_3134 = vector.broadcast %add3A_3133 : i32 to vector<16xi32>
    %add3A_3135 = arith.addi %mul3A_5, %add3A_3134 : vector<16xi32>
    tpu.vector_store_idx %arg9[%add3A_3135], %gather3A_3132 : memref<1024xf32, #tpu.memory_space<vmem>>[vector<16xi32>], vector<16xf32>,
    %shift_right_arithmetic3A_3136 = arith.constant 2 : i32
    %shift_right_arithmetic3A_3137 = vector.broadcast %shift_right_arithmetic3A_3136 : i32 to vector<16xi32>
    %shift_right_arithmetic3A_3138 = arith.shrsi %add3A_3116, %shift_right_arithmetic3A_3137 : vector<16xi32>
    %shift_left3A_3139 = arith.constant 8 : i32
    %shift_left3A_3140 = vector.broadcast %shift_left3A_3139 : i32 to vector<16xi32>
    %shift_left3A_3141 = arith.shli %and3A_3127, %shift_left3A_3140 : vector<16xi32>
    %add3A_3142 = arith.addi %shift_right_arithmetic3A_3138, %shift_left3A_3141 : vector<16xi32>
    %add3A_3143 = arith.constant 0 : i32
    %add3A_3144 = vector.broadcast %add3A_3143 : i32 to vector<16xi32>
    %add3A_3145 = arith.addi %add3A_3144, %shift_left3A_2 : vector<16xi32>
    %add3A_3146 = arith.addi %add3A_3145, %add3A_3142 : vector<16xi32>
    %gather3A_3147 = tpu.vector_load_idx %arg6[%add3A_3146] : memref<65536xi32, #tpu.memory_space<vmem>>[vector<16xi32>], vector<16xi32>,
    %shift_right_arithmetic3A_3148 = arith.constant 14 : i32
    %shift_right_arithmetic3A_3149 = vector.broadcast %shift_right_arithmetic3A_3148 : i32 to vector<16xi32>
    %shift_right_arithmetic3A_3150 = arith.shrsi %gather3A_3147, %shift_right_arithmetic3A_3149 : vector<16xi32>
    %and3A_3151 = arith.constant 3 : i32
    %and3A_3152 = vector.broadcast %and3A_3151 : i32 to vector<16xi32>
    %and3A_3153 = arith.andi %shift_right_arithmetic3A_3150, %and3A_3152 : vector<16xi32>
    %shift_left3A_3154 = arith.constant 10 : i32
    %shift_left3A_3155 = vector.broadcast %shift_left3A_3154 : i32 to vector<16xi32>
    %shift_left3A_3156 = arith.shli %and3A_3153, %shift_left3A_3155 : vector<16xi32>
    %add3A_3157 = arith.addi %add3A_3142, %shift_left3A_3156 : vector<16xi32>
    %gather3A_3158 = tpu.vector_load_idx %arg8[%add3A_3157] : memref<4096xf32, #tpu.memory_space<vmem>>[vector<16xi32>], vector<16xf32>,
    %add3A_3159 = arith.constant 7 : i32
    %add3A_3160 = vector.broadcast %add3A_3159 : i32 to vector<16xi32>
    %add3A_3161 = arith.addi %mul3A_5, %add3A_3160 : vector<16xi32>
    tpu.vector_store_idx %arg9[%add3A_3161], %gather3A_3158 : memref<1024xf32, #tpu.memory_space<vmem>>[vector<16xi32>], vector<16xf32>,
    %shift_right_arithmetic3A_3162 = arith.constant 2 : i32
    %shift_right_arithmetic3A_3163 = vector.broadcast %shift_right_arithmetic3A_3162 : i32 to vector<16xi32>
    %shift_right_arithmetic3A_3164 = arith.shrsi %add3A_3142, %shift_right_arithmetic3A_3163 : vector<16xi32>
    %shift_left3A_3165 = arith.constant 8 : i32
    %shift_left3A_3166 = vector.broadcast %shift_left3A_3165 : i32 to vector<16xi32>
    %shift_left3A_3167 = arith.shli %and3A_3153, %shift_left3A_3166 : vector<16xi32>
    %add3A_3168 = arith.addi %shift_right_arithmetic3A_3164, %shift_left3A_3167 : vector<16xi32>
    %add3A_3169 = arith.constant 0 : i32
    %add3A_3170 = vector.broadcast %add3A_3169 : i32 to vector<16xi32>
    %add3A_3171 = arith.addi %add3A_3170, %shift_left3A_2 : vector<16xi32>
    %add3A_3172 = arith.addi %add3A_3171, %add3A_3168 : vector<16xi32>
    %gather3A_3173 = tpu.vector_load_idx %arg6[%add3A_3172] : memref<65536xi32, #tpu.memory_space<vmem>>[vector<16xi32>], vector<16xi32>,
    %shift_right_arithmetic3A_3174 = arith.constant 12 : i32
    %shift_right_arithmetic3A_3175 = vector.broadcast %shift_right_arithmetic3A_3174 : i32 to vector<16xi32>
    %shift_right_arithmetic3A_3176 = arith.shrsi %gather3A_3173, %shift_right_arithmetic3A_3175 : vector<16xi32>
    %and3A_3177 = arith.constant 3 : i32
    %and3A_3178 = vector.broadcast %and3A_3177 : i32 to vector<16xi32>
    %and3A_3179 = arith.andi %shift_right_arithmetic3A_3176, %and3A_3178 : vector<16xi32>
    %shift_left3A_3180 = arith.constant 10 : i32
    %shift_left3A_3181 = vector.broadcast %shift_left3A_3180 : i32 to vector<16xi32>
    %shift_left3A_3182 = arith.shli %and3A_3179, %shift_left3A_3181 : vector<16xi32>
    %add3A_3183 = arith.addi %add3A_3168, %shift_left3A_3182 : vector<16xi32>
    %gather3A_3184 = tpu.vector_load_idx %arg8[%add3A_3183] : memref<4096xf32, #tpu.memory_space<vmem>>[vector<16xi32>], vector<16xf32>,
    %add3A_3185 = arith.constant 6 : i32
    %add3A_3186 = vector.broadcast %add3A_3185 : i32 to vector<16xi32>
    %add3A_3187 = arith.addi %mul3A_5, %add3A_3186 : vector<16xi32>
    tpu.vector_store_idx %arg9[%add3A_3187], %gather3A_3184 : memref<1024xf32, #tpu.memory_space<vmem>>[vector<16xi32>], vector<16xf32>,
    %shift_right_arithmetic3A_3188 = arith.constant 2 : i32
    %shift_right_arithmetic3A_3189 = vector.broadcast %shift_right_arithmetic3A_3188 : i32 to vector<16xi32>
    %shift_right_arithmetic3A_3190 = arith.shrsi %add3A_3168, %shift_right_arithmetic3A_3189 : vector<16xi32>
    %shift_left3A_3191 = arith.constant 8 : i32
    %shift_left3A_3192 = vector.broadcast %shift_left3A_3191 : i32 to vector<16xi32>
    %shift_left3A_3193 = arith.shli %and3A_3179, %shift_left3A_3192 : vector<16xi32>
    %add3A_3194 = arith.addi %shift_right_arithmetic3A_3190, %shift_left3A_3193 : vector<16xi32>
    %add3A_3195 = arith.constant 0 : i32
    %add3A_3196 = vector.broadcast %add3A_3195 : i32 to vector<16xi32>
    %add3A_3197 = arith.addi %add3A_3196, %shift_left3A_2 : vector<16xi32>
    %add3A_3198 = arith.addi %add3A_3197, %add3A_3194 : vector<16xi32>
    %gather3A_3199 = tpu.vector_load_idx %arg6[%add3A_3198] : memref<65536xi32, #tpu.memory_space<vmem>>[vector<16xi32>], vector<16xi32>,
    %shift_right_arithmetic3A_3200 = arith.constant 10 : i32
    %shift_right_arithmetic3A_3201 = vector.broadcast %shift_right_arithmetic3A_3200 : i32 to vector<16xi32>
    %shift_right_arithmetic3A_3202 = arith.shrsi %gather3A_3199, %shift_right_arithmetic3A_3201 : vector<16xi32>
    %and3A_3203 = arith.constant 3 : i32
    %and3A_3204 = vector.broadcast %and3A_3203 : i32 to vector<16xi32>
    %and3A_3205 = arith.andi %shift_right_arithmetic3A_3202, %and3A_3204 : vector<16xi32>
    %shift_left3A_3206 = arith.constant 10 : i32
    %shift_left3A_3207 = vector.broadcast %shift_left3A_3206 : i32 to vector<16xi32>
    %shift_left3A_3208 = arith.shli %and3A_3205, %shift_left3A_3207 : vector<16xi32>
    %add3A_3209 = arith.addi %add3A_3194, %shift_left3A_3208 : vector<16xi32>
    %gather3A_3210 = tpu.vector_load_idx %arg8[%add3A_3209] : memref<4096xf32, #tpu.memory_space<vmem>>[vector<16xi32>], vector<16xf32>,
    %add3A_3211 = arith.constant 5 : i32
    %add3A_3212 = vector.broadcast %add3A_3211 : i32 to vector<16xi32>
    %add3A_3213 = arith.addi %mul3A_5, %add3A_3212 : vector<16xi32>
    tpu.vector_store_idx %arg9[%add3A_3213], %gather3A_3210 : memref<1024xf32, #tpu.memory_space<vmem>>[vector<16xi32>], vector<16xf32>,
    %shift_right_arithmetic3A_3214 = arith.constant 2 : i32
    %shift_right_arithmetic3A_3215 = vector.broadcast %shift_right_arithmetic3A_3214 : i32 to vector<16xi32>
    %shift_right_arithmetic3A_3216 = arith.shrsi %add3A_3194, %shift_right_arithmetic3A_3215 : vector<16xi32>
    %shift_left3A_3217 = arith.constant 8 : i32
    %shift_left3A_3218 = vector.broadcast %shift_left3A_3217 : i32 to vector<16xi32>
    %shift_left3A_3219 = arith.shli %and3A_3205, %shift_left3A_3218 : vector<16xi32>
    %add3A_3220 = arith.addi %shift_right_arithmetic3A_3216, %shift_left3A_3219 : vector<16xi32>
    %add3A_3221 = arith.constant 0 : i32
    %add3A_3222 = vector.broadcast %add3A_3221 : i32 to vector<16xi32>
    %add3A_3223 = arith.addi %add3A_3222, %shift_left3A_2 : vector<16xi32>
    %add3A_3224 = arith.addi %add3A_3223, %add3A_3220 : vector<16xi32>
    %gather3A_3225 = tpu.vector_load_idx %arg6[%add3A_3224] : memref<65536xi32, #tpu.memory_space<vmem>>[vector<16xi32>], vector<16xi32>,
    %shift_right_arithmetic3A_3226 = arith.constant 8 : i32
    %shift_right_arithmetic3A_3227 = vector.broadcast %shift_right_arithmetic3A_3226 : i32 to vector<16xi32>
    %shift_right_arithmetic3A_3228 = arith.shrsi %gather3A_3225, %shift_right_arithmetic3A_3227 : vector<16xi32>
    %and3A_3229 = arith.constant 3 : i32
    %and3A_3230 = vector.broadcast %and3A_3229 : i32 to vector<16xi32>
    %and3A_3231 = arith.andi %shift_right_arithmetic3A_3228, %and3A_3230 : vector<16xi32>
    %shift_left3A_3232 = arith.constant 10 : i32
    %shift_left3A_3233 = vector.broadcast %shift_left3A_3232 : i32 to vector<16xi32>
    %shift_left3A_3234 = arith.shli %and3A_3231, %shift_left3A_3233 : vector<16xi32>
    %add3A_3235 = arith.addi %add3A_3220, %shift_left3A_3234 : vector<16xi32>
    %gather3A_3236 = tpu.vector_load_idx %arg8[%add3A_3235] : memref<4096xf32, #tpu.memory_space<vmem>>[vector<16xi32>], vector<16xf32>,
    %add3A_3237 = arith.constant 4 : i32
    %add3A_3238 = vector.broadcast %add3A_3237 : i32 to vector<16xi32>
    %add3A_3239 = arith.addi %mul3A_5, %add3A_3238 : vector<16xi32>
    tpu.vector_store_idx %arg9[%add3A_3239], %gather3A_3236 : memref<1024xf32, #tpu.memory_space<vmem>>[vector<16xi32>], vector<16xf32>,
    %shift_right_arithmetic3A_3240 = arith.constant 2 : i32
    %shift_right_arithmetic3A_3241 = vector.broadcast %shift_right_arithmetic3A_3240 : i32 to vector<16xi32>
    %shift_right_arithmetic3A_3242 = arith.shrsi %add3A_3220, %shift_right_arithmetic3A_3241 : vector<16xi32>
    %shift_left3A_3243 = arith.constant 8 : i32
    %shift_left3A_3244 = vector.broadcast %shift_left3A_3243 : i32 to vector<16xi32>
    %shift_left3A_3245 = arith.shli %and3A_3231, %shift_left3A_3244 : vector<16xi32>
    %add3A_3246 = arith.addi %shift_right_arithmetic3A_3242, %shift_left3A_3245 : vector<16xi32>
    %add3A_3247 = arith.constant 0 : i32
    %add3A_3248 = vector.broadcast %add3A_3247 : i32 to vector<16xi32>
    %add3A_3249 = arith.addi %add3A_3248, %shift_left3A_2 : vector<16xi32>
    %add3A_3250 = arith.addi %add3A_3249, %add3A_3246 : vector<16xi32>
    %gather3A_3251 = tpu.vector_load_idx %arg6[%add3A_3250] : memref<65536xi32, #tpu.memory_space<vmem>>[vector<16xi32>], vector<16xi32>,
    %shift_right_arithmetic3A_3252 = arith.constant 6 : i32
    %shift_right_arithmetic3A_3253 = vector.broadcast %shift_right_arithmetic3A_3252 : i32 to vector<16xi32>
    %shift_right_arithmetic3A_3254 = arith.shrsi %gather3A_3251, %shift_right_arithmetic3A_3253 : vector<16xi32>
    %and3A_3255 = arith.constant 3 : i32
    %and3A_3256 = vector.broadcast %and3A_3255 : i32 to vector<16xi32>
    %and3A_3257 = arith.andi %shift_right_arithmetic3A_3254, %and3A_3256 : vector<16xi32>
    %shift_left3A_3258 = arith.constant 10 : i32
    %shift_left3A_3259 = vector.broadcast %shift_left3A_3258 : i32 to vector<16xi32>
    %shift_left3A_3260 = arith.shli %and3A_3257, %shift_left3A_3259 : vector<16xi32>
    %add3A_3261 = arith.addi %add3A_3246, %shift_left3A_3260 : vector<16xi32>
    %gather3A_3262 = tpu.vector_load_idx %arg8[%add3A_3261] : memref<4096xf32, #tpu.memory_space<vmem>>[vector<16xi32>], vector<16xf32>,
    %add3A_3263 = arith.constant 3 : i32
    %add3A_3264 = vector.broadcast %add3A_3263 : i32 to vector<16xi32>
    %add3A_3265 = arith.addi %mul3A_5, %add3A_3264 : vector<16xi32>
    tpu.vector_store_idx %arg9[%add3A_3265], %gather3A_3262 : memref<1024xf32, #tpu.memory_space<vmem>>[vector<16xi32>], vector<16xf32>,
    %shift_right_arithmetic3A_3266 = arith.constant 2 : i32
    %shift_right_arithmetic3A_3267 = vector.broadcast %shift_right_arithmetic3A_3266 : i32 to vector<16xi32>
    %shift_right_arithmetic3A_3268 = arith.shrsi %add3A_3246, %shift_right_arithmetic3A_3267 : vector<16xi32>
    %shift_left3A_3269 = arith.constant 8 : i32
    %shift_left3A_3270 = vector.broadcast %shift_left3A_3269 : i32 to vector<16xi32>
    %shift_left3A_3271 = arith.shli %and3A_3257, %shift_left3A_3270 : vector<16xi32>
    %add3A_3272 = arith.addi %shift_right_arithmetic3A_3268, %shift_left3A_3271 : vector<16xi32>
    %add3A_3273 = arith.constant 0 : i32
    %add3A_3274 = vector.broadcast %add3A_3273 : i32 to vector<16xi32>
    %add3A_3275 = arith.addi %add3A_3274, %shift_left3A_2 : vector<16xi32>
    %add3A_3276 = arith.addi %add3A_3275, %add3A_3272 : vector<16xi32>
    %gather3A_3277 = tpu.vector_load_idx %arg6[%add3A_3276] : memref<65536xi32, #tpu.memory_space<vmem>>[vector<16xi32>], vector<16xi32>,
    %shift_right_arithmetic3A_3278 = arith.constant 4 : i32
    %shift_right_arithmetic3A_3279 = vector.broadcast %shift_right_arithmetic3A_3278 : i32 to vector<16xi32>
    %shift_right_arithmetic3A_3280 = arith.shrsi %gather3A_3277, %shift_right_arithmetic3A_3279 : vector<16xi32>
    %and3A_3281 = arith.constant 3 : i32
    %and3A_3282 = vector.broadcast %and3A_3281 : i32 to vector<16xi32>
    %and3A_3283 = arith.andi %shift_right_arithmetic3A_3280, %and3A_3282 : vector<16xi32>
    %shift_left3A_3284 = arith.constant 10 : i32
    %shift_left3A_3285 = vector.broadcast %shift_left3A_3284 : i32 to vector<16xi32>
    %shift_left3A_3286 = arith.shli %and3A_3283, %shift_left3A_3285 : vector<16xi32>
    %add3A_3287 = arith.addi %add3A_3272, %shift_left3A_3286 : vector<16xi32>
    %gather3A_3288 = tpu.vector_load_idx %arg8[%add3A_3287] : memref<4096xf32, #tpu.memory_space<vmem>>[vector<16xi32>], vector<16xf32>,
    %add3A_3289 = arith.constant 2 : i32
    %add3A_3290 = vector.broadcast %add3A_3289 : i32 to vector<16xi32>
    %add3A_3291 = arith.addi %mul3A_5, %add3A_3290 : vector<16xi32>
    tpu.vector_store_idx %arg9[%add3A_3291], %gather3A_3288 : memref<1024xf32, #tpu.memory_space<vmem>>[vector<16xi32>], vector<16xf32>,
    %shift_right_arithmetic3A_3292 = arith.constant 2 : i32
    %shift_right_arithmetic3A_3293 = vector.broadcast %shift_right_arithmetic3A_3292 : i32 to vector<16xi32>
    %shift_right_arithmetic3A_3294 = arith.shrsi %add3A_3272, %shift_right_arithmetic3A_3293 : vector<16xi32>
    %shift_left3A_3295 = arith.constant 8 : i32
    %shift_left3A_3296 = vector.broadcast %shift_left3A_3295 : i32 to vector<16xi32>
    %shift_left3A_3297 = arith.shli %and3A_3283, %shift_left3A_3296 : vector<16xi32>
    %add3A_3298 = arith.addi %shift_right_arithmetic3A_3294, %shift_left3A_3297 : vector<16xi32>
    %add3A_3299 = arith.constant 0 : i32
    %add3A_3300 = vector.broadcast %add3A_3299 : i32 to vector<16xi32>
    %add3A_3301 = arith.addi %add3A_3300, %shift_left3A_2 : vector<16xi32>
    %add3A_3302 = arith.addi %add3A_3301, %add3A_3298 : vector<16xi32>
    %gather3A_3303 = tpu.vector_load_idx %arg6[%add3A_3302] : memref<65536xi32, #tpu.memory_space<vmem>>[vector<16xi32>], vector<16xi32>,
    %shift_right_arithmetic3A_3304 = arith.constant 2 : i32
    %shift_right_arithmetic3A_3305 = vector.broadcast %shift_right_arithmetic3A_3304 : i32 to vector<16xi32>
    %shift_right_arithmetic3A_3306 = arith.shrsi %gather3A_3303, %shift_right_arithmetic3A_3305 : vector<16xi32>
    %and3A_3307 = arith.constant 3 : i32
    %and3A_3308 = vector.broadcast %and3A_3307 : i32 to vector<16xi32>
    %and3A_3309 = arith.andi %shift_right_arithmetic3A_3306, %and3A_3308 : vector<16xi32>
    %shift_left3A_3310 = arith.constant 10 : i32
    %shift_left3A_3311 = vector.broadcast %shift_left3A_3310 : i32 to vector<16xi32>
    %shift_left3A_3312 = arith.shli %and3A_3309, %shift_left3A_3311 : vector<16xi32>
    %add3A_3313 = arith.addi %add3A_3298, %shift_left3A_3312 : vector<16xi32>
    %gather3A_3314 = tpu.vector_load_idx %arg8[%add3A_3313] : memref<4096xf32, #tpu.memory_space<vmem>>[vector<16xi32>], vector<16xf32>,
    %add3A_3315 = arith.constant 1 : i32
    %add3A_3316 = vector.broadcast %add3A_3315 : i32 to vector<16xi32>
    %add3A_3317 = arith.addi %mul3A_5, %add3A_3316 : vector<16xi32>
    tpu.vector_store_idx %arg9[%add3A_3317], %gather3A_3314 : memref<1024xf32, #tpu.memory_space<vmem>>[vector<16xi32>], vector<16xf32>,
    %shift_right_arithmetic3A_3318 = arith.constant 2 : i32
    %shift_right_arithmetic3A_3319 = vector.broadcast %shift_right_arithmetic3A_3318 : i32 to vector<16xi32>
    %shift_right_arithmetic3A_3320 = arith.shrsi %add3A_3298, %shift_right_arithmetic3A_3319 : vector<16xi32>
    %shift_left3A_3321 = arith.constant 8 : i32
    %shift_left3A_3322 = vector.broadcast %shift_left3A_3321 : i32 to vector<16xi32>
    %shift_left3A_3323 = arith.shli %and3A_3309, %shift_left3A_3322 : vector<16xi32>
    %add3A_3324 = arith.addi %shift_right_arithmetic3A_3320, %shift_left3A_3323 : vector<16xi32>
    %add3A_3325 = arith.addi %shift_left3A_2, %add3A_3324 : vector<16xi32>
    %gather3A_3326 = tpu.vector_load_idx %arg6[%add3A_3325] : memref<65536xi32, #tpu.memory_space<vmem>>[vector<16xi32>], vector<16xi32>,
    %and3A_3327 = arith.constant 3 : i32
    %and3A_3328 = vector.broadcast %and3A_3327 : i32 to vector<16xi32>
    %and3A_3329 = arith.andi %gather3A_3326, %and3A_3328 : vector<16xi32>
    %shift_left3A_3330 = arith.constant 2 : i32
    %shift_left3A_3331 = vector.broadcast %shift_left3A_3330 : i32 to vector<16xi32>
    %shift_left3A_3332 = arith.shli %add3A_3324, %shift_left3A_3331 : vector<16xi32>
    %add3A_3333 = arith.addi %shift_left3A_3332, %and3A_3329 : vector<16xi32>
    %gather3A_3334 = tpu.vector_load_idx %arg8[%add3A_3333] : memref<4096xf32, #tpu.memory_space<vmem>>[vector<16xi32>], vector<16xf32>,
    tpu.vector_store_idx %arg9[%mul3A_5], %gather3A_3334 : memref<1024xf32, #tpu.memory_space<vmem>>[vector<16xi32>], vector<16xf32>,
    %mul3A_3335 = arith.constant 64 : i32
    %mul3A_3336 = arith.muli %add3A_1672, %mul3A_3335 : i32
    "tpu.region"() ({
      %run_scoped3A_3337 = tpu.sem_alloc : memref<!tpu.dma_semaphore, #tpu.memory_space<semaphore_mem>>
      %dma_start3A = tpu.memref_slice %arg5[%mul3A_3336] : memref<65536xf32, #tpu.memory_space<hbm>> -> memref<1024xf32, #tpu.memory_space<hbm>>
      %dma_start3A_3338 = tpu.memref_slice %arg5[%mul3A_3336] : memref<65536xf32, #tpu.memory_space<hbm>> -> memref<1024xf32, #tpu.memory_space<hbm>>
      tpu.enqueue_dma source(%arg9 : memref<1024xf32, #tpu.memory_space<vmem>>) target(%dma_start3A_3338 : memref<1024xf32, #tpu.memory_space<hbm>>) target_semaphore(%run_scoped3A_3337 : memref<!tpu.dma_semaphore, #tpu.memory_space<semaphore_mem>>)
      %dma_wait3A = tpu.memref_slice %arg5[%mul3A_3336] : memref<65536xf32, #tpu.memory_space<hbm>> -> memref<1024xf32, #tpu.memory_space<hbm>>
      %dma_wait3A_3339 = tpu.memref_slice %arg5[%mul3A_3336] : memref<65536xf32, #tpu.memory_space<hbm>> -> memref<1024xf32, #tpu.memory_space<hbm>>
      tpu.wait_dma2 semaphore(%run_scoped3A_3337 : memref<!tpu.dma_semaphore, #tpu.memory_space<semaphore_mem>>) src(%arg9 : memref<1024xf32, #tpu.memory_space<vmem>>) dst(%dma_wait3A_3339 : memref<1024xf32, #tpu.memory_space<hbm>>)
      tpu.yield
    }) : () -> ()
    return
  }
}

module attributes {stable_mosaic.version = 14 : i64} {
  func.func @_fwd_kernel(%arg0: i32, %arg1: i32, %arg2: memref<512x64xf32, #tpu.memory_space<vmem>>, %arg3: memref<4x1024xf32, #tpu.memory_space<vmem>>, %arg4: memref<4x1024xf32, #tpu.memory_space<vmem>>, %arg5: memref<768x1024xbf16, #tpu.memory_space<vmem>>, %arg6: memref<4x512x1024xi32, #tpu.memory_space<vmem>>, %arg7: memref<512x1xi32, #tpu.memory_space<vmem>>, %arg8: memref<512x1024xf32, #tpu.memory_space<vmem>>) attributes {dimension_semantics = [#tpu.dimension_semantics<arbitrary>, #tpu.dimension_semantics<arbitrary>], iteration_bounds = array<i64: 2, 64>, scalar_prefetch = 0 : i64, scratch_operands = 1 : i64, tpu.core_type = #tpu.core_type<tc>, window_params = [{transform_indices = @transform_0, window_bounds = array<i64: 512, 64>}, {pipeline_mode = #tpu.pipeline_mode<synchronous>, transform_indices = @transform_1, window_bounds = array<i64: 4, 1024>}, {pipeline_mode = #tpu.pipeline_mode<synchronous>, transform_indices = @transform_2, window_bounds = array<i64: 4, 1024>}, {pipeline_mode = #tpu.pipeline_mode<synchronous>, transform_indices = @transform_3, window_bounds = array<i64: 768, 1024>}, {transform_indices = @transform_4, window_bounds = array<i64: 4, 512, 1024>}, {transform_indices = @transform_5, window_bounds = array<i64: 512, 1>}]} {
    %iota3A = tpu.iota {dimensions = array<i32: 1>} : vector<512x64xi32>
    %eq3A = vector.broadcast %arg1 : i32 to vector<512x64xi32>
    %eq3A_0 = arith.cmpi eq, %iota3A, %eq3A : vector<512x64xi32>
    %get3A = arith.constant 0 : index
    %get3A_1 = arith.constant 0 : index
    %get3A_2 = vector.load %arg2[%get3A, %get3A_1] : memref<512x64xf32, #tpu.memory_space<vmem>>, vector<512x64xf32>
    %jit3A = arith.constant 0.000000e+00 : f32
    %broadcast_in_dim3A = vector.broadcast %jit3A : f32 to vector<512x64xf32>
    %select_n3A = arith.select %eq3A_0, %get3A_2, %broadcast_in_dim3A : vector<512x64xi1>, vector<512x64xf32>
    %reduce_sum3A = arith.constant dense<0.000000e+00> : vector<512xf32>
    %reduce_sum3A_3 = vector.multi_reduction <add>, %select_n3A, %reduce_sum3A [1] : vector<512x64xf32> to vector<512xf32>
    %broadcast_in_dim3A_4 = vector.shape_cast %reduce_sum3A_3 : vector<512xf32> to vector<512x1xf32>
    %eq3A_5 = arith.constant 0 : i32
    %eq3A_6 = arith.cmpi eq, %arg1, %eq3A_5 : i32
    %convert_element_type3A = arith.extui %eq3A_6 : i1 to i32
    %cond3A = arith.constant 0 : i32
    %cond3A_7 = arith.cmpi ne, %convert_element_type3A, %cond3A : i32
    scf.if %cond3A_7 {
      %get3A_12 = arith.constant 0 : index
      %get3A_13 = arith.constant 0 : index
      %get3A_14 = vector.load %arg3[%get3A_12, %get3A_13] : memref<4x1024xf32, #tpu.memory_space<vmem>>, vector<1x1024xf32>
      %get3A_15 = vector.shape_cast %get3A_14 : vector<1x1024xf32> to vector<1024xf32>
      %broadcast_in_dim3A_16 = vector.shape_cast %get3A_15 : vector<1024xf32> to vector<1x1024xf32>
      %sub3A = vector.broadcast %broadcast_in_dim3A_16 : vector<1x1024xf32> to vector<512x1024xf32>
      %sub3A_17 = vector.broadcast %broadcast_in_dim3A_4 : vector<512x1xf32> to vector<512x1024xf32>
      %sub3A_18 = arith.subf %sub3A, %sub3A_17 : vector<512x1024xf32>
      %integer_pow3A = arith.mulf %sub3A_18, %sub3A_18 : vector<512x1024xf32>
      %get3A_19 = arith.constant 1 : index
      %get3A_20 = arith.constant 0 : index
      %get3A_21 = vector.load %arg3[%get3A_19, %get3A_20] : memref<4x1024xf32, #tpu.memory_space<vmem>>, vector<1x1024xf32>
      %get3A_22 = vector.shape_cast %get3A_21 : vector<1x1024xf32> to vector<1024xf32>
      %broadcast_in_dim3A_23 = vector.shape_cast %get3A_22 : vector<1024xf32> to vector<1x1024xf32>
      %sub3A_24 = vector.broadcast %broadcast_in_dim3A_23 : vector<1x1024xf32> to vector<512x1024xf32>
      %sub3A_25 = vector.broadcast %broadcast_in_dim3A_4 : vector<512x1xf32> to vector<512x1024xf32>
      %sub3A_26 = arith.subf %sub3A_24, %sub3A_25 : vector<512x1024xf32>
      %integer_pow3A_27 = arith.mulf %sub3A_26, %sub3A_26 : vector<512x1024xf32>
      %get3A_28 = arith.constant 2 : index
      %get3A_29 = arith.constant 0 : index
      %get3A_30 = vector.load %arg3[%get3A_28, %get3A_29] : memref<4x1024xf32, #tpu.memory_space<vmem>>, vector<1x1024xf32>
      %get3A_31 = vector.shape_cast %get3A_30 : vector<1x1024xf32> to vector<1024xf32>
      %broadcast_in_dim3A_32 = vector.shape_cast %get3A_31 : vector<1024xf32> to vector<1x1024xf32>
      %sub3A_33 = vector.broadcast %broadcast_in_dim3A_32 : vector<1x1024xf32> to vector<512x1024xf32>
      %sub3A_34 = vector.broadcast %broadcast_in_dim3A_4 : vector<512x1xf32> to vector<512x1024xf32>
      %sub3A_35 = arith.subf %sub3A_33, %sub3A_34 : vector<512x1024xf32>
      %integer_pow3A_36 = arith.mulf %sub3A_35, %sub3A_35 : vector<512x1024xf32>
      %get3A_37 = arith.constant 3 : index
      %get3A_38 = arith.constant 0 : index
      %get3A_39 = vector.load %arg3[%get3A_37, %get3A_38] : memref<4x1024xf32, #tpu.memory_space<vmem>>, vector<1x1024xf32>
      %get3A_40 = vector.shape_cast %get3A_39 : vector<1x1024xf32> to vector<1024xf32>
      %broadcast_in_dim3A_41 = vector.shape_cast %get3A_40 : vector<1024xf32> to vector<1x1024xf32>
      %sub3A_42 = vector.broadcast %broadcast_in_dim3A_41 : vector<1x1024xf32> to vector<512x1024xf32>
      %sub3A_43 = vector.broadcast %broadcast_in_dim3A_4 : vector<512x1xf32> to vector<512x1024xf32>
      %sub3A_44 = arith.subf %sub3A_42, %sub3A_43 : vector<512x1024xf32>
      %integer_pow3A_45 = arith.mulf %sub3A_44, %sub3A_44 : vector<512x1024xf32>
      %min3A = arith.minimumf %integer_pow3A, %integer_pow3A_27 : vector<512x1024xf32>
      %lt3A = arith.cmpf olt, %integer_pow3A_27, %integer_pow3A : vector<512x1024xf32>
      %jit3A_46 = arith.constant 1 : i32
      %jit3A_47 = arith.constant 0 : i32
      %broadcast_in_dim3A_48 = vector.broadcast %jit3A_46 : i32 to vector<512x1024xi32>
      %broadcast_in_dim3A_49 = vector.broadcast %jit3A_47 : i32 to vector<512x1024xi32>
      %select_n3A_50 = arith.select %lt3A, %broadcast_in_dim3A_48, %broadcast_in_dim3A_49 : vector<512x1024xi1>, vector<512x1024xi32>
      %min3A_51 = arith.minimumf %integer_pow3A_36, %integer_pow3A_45 : vector<512x1024xf32>
      %lt3A_52 = arith.cmpf olt, %integer_pow3A_45, %integer_pow3A_36 : vector<512x1024xf32>
      %jit3A_53 = arith.constant 3 : i32
      %jit3A_54 = arith.constant 2 : i32
      %broadcast_in_dim3A_55 = vector.broadcast %jit3A_53 : i32 to vector<512x1024xi32>
      %broadcast_in_dim3A_56 = vector.broadcast %jit3A_54 : i32 to vector<512x1024xi32>
      %select_n3A_57 = arith.select %lt3A_52, %broadcast_in_dim3A_55, %broadcast_in_dim3A_56 : vector<512x1024xi1>, vector<512x1024xi32>
      %min3A_58 = arith.minimumf %min3A, %min3A_51 : vector<512x1024xf32>
      %lt3A_59 = arith.cmpf olt, %min3A_51, %min3A : vector<512x1024xf32>
      %select_n3A_60 = arith.select %lt3A_59, %select_n3A_57, %select_n3A_50 : vector<512x1024xi1>, vector<512x1024xi32>
      %swap3A = arith.constant 0 : index
      %swap3A_61 = arith.constant 0 : index
      %swap3A_62 = vector.load %arg8[%swap3A, %swap3A_61] : memref<512x1024xf32, #tpu.memory_space<vmem>>, vector<512x1024xf32>
      tpu.vector_store %arg8[%swap3A, %swap3A_61], %min3A_58 {strides = array<i32>} : memref<512x1024xf32, #tpu.memory_space<vmem>>, vector<512x1024xf32>,
      %swap3A_63 = arith.constant 0 : index
      %swap3A_64 = arith.constant 0 : index
      %swap3A_65 = arith.constant 0 : index
      %swap3A_66 = vector.load %arg6[%swap3A_63, %swap3A_64, %swap3A_65] : memref<4x512x1024xi32, #tpu.memory_space<vmem>>, vector<1x512x1024xi32>
      %swap3A_67 = vector.shape_cast %swap3A_66 : vector<1x512x1024xi32> to vector<512x1024xi32>
      %swap3A_68 = vector.shape_cast %select_n3A_60 : vector<512x1024xi32> to vector<1x512x1024xi32>
      tpu.vector_store %arg6[%swap3A_63, %swap3A_64, %swap3A_65], %swap3A_68 {strides = array<i32>} : memref<4x512x1024xi32, #tpu.memory_space<vmem>>, vector<1x512x1024xi32>,
    } else {
    }
    %gt3A = arith.constant 0 : i32
    %gt3A_8 = arith.cmpi sgt, %arg1, %gt3A : i32
    %convert_element_type3A_9 = arith.extui %gt3A_8 : i1 to i32
    %cond3A_10 = arith.constant 0 : i32
    %cond3A_11 = arith.cmpi ne, %convert_element_type3A_9, %cond3A_10 : i32
    scf.if %cond3A_11 {
      %get3A_12 = arith.constant 0 : index
      %get3A_13 = arith.constant 0 : index
      %get3A_14 = vector.load %arg8[%get3A_12, %get3A_13] : memref<512x1024xf32, #tpu.memory_space<vmem>>, vector<512x1024xf32>
      %get3A_15 = arith.constant 0 : index
      %get3A_16 = arith.constant 0 : index
      %get3A_17 = vector.load %arg5[%get3A_15, %get3A_16] : memref<768x1024xbf16, #tpu.memory_space<vmem>>, vector<768x1024xbf16>
      %convert_element_type3A_18 = arith.truncf %get3A_14 : vector<512x1024xf32> to vector<512x1024xbf16>
      %convert_element_type3A_19 = arith.extf %convert_element_type3A_18 : vector<512x1024xbf16> to vector<512x1024xf32>
      %sub3A = arith.subf %get3A_14, %convert_element_type3A_19 : vector<512x1024xf32>
      %convert_element_type3A_20 = arith.truncf %sub3A : vector<512x1024xf32> to vector<512x1024xbf16>
      %convert_element_type3A_21 = arith.extf %convert_element_type3A_20 : vector<512x1024xbf16> to vector<512x1024xf32>
      %sub3A_22 = arith.subf %sub3A, %convert_element_type3A_21 : vector<512x1024xf32>
      %convert_element_type3A_23 = arith.truncf %sub3A_22 : vector<512x1024xf32> to vector<512x1024xbf16>
      %slice3A = vector.extract_strided_slice %convert_element_type3A_18 {offsets = [0, 0], sizes = [512, 256], strides = [1, 1]} : vector<512x1024xbf16> to vector<512x256xbf16>
      %slice3A_24 = vector.extract_strided_slice %convert_element_type3A_20 {offsets = [0, 0], sizes = [512, 256], strides = [1, 1]} : vector<512x1024xbf16> to vector<512x256xbf16>
      %slice3A_25 = vector.extract_strided_slice %convert_element_type3A_23 {offsets = [0, 0], sizes = [512, 256], strides = [1, 1]} : vector<512x1024xbf16> to vector<512x256xbf16>
      %concatenate3A = tpu.concatenate %slice3A, %slice3A_24, %slice3A_25 in 1 : vector<512x256xbf16>, vector<512x256xbf16>, vector<512x256xbf16> -> vector<512x768xbf16>
      %dot_general3A = arith.constant dense<0.000000e+00> : vector<512x1024xf32>
      %dot_general3A_26 = tpu.matmul %concatenate3A, %get3A_17, %dot_general3A {dimension_numbers = #tpu.dot_dimension_numbers<[1], [0], [0], [1], [0, 0, 1, 1], [], []>, transpose_lhs_hint = false} : vector<512x768xbf16>, vector<768x1024xbf16>, vector<512x1024xf32> -> vector<512x1024xf32>
      %get3A_27 = arith.constant 0 : index
      %get3A_28 = arith.constant 0 : index
      %get3A_29 = vector.load %arg4[%get3A_27, %get3A_28] : memref<4x1024xf32, #tpu.memory_space<vmem>>, vector<1x1024xf32>
      %get3A_30 = vector.shape_cast %get3A_29 : vector<1x1024xf32> to vector<1024xf32>
      %broadcast_in_dim3A_31 = vector.shape_cast %get3A_30 : vector<1024xf32> to vector<1x1024xf32>
      %sub3A_32 = vector.broadcast %broadcast_in_dim3A_31 : vector<1x1024xf32> to vector<512x1024xf32>
      %sub3A_33 = vector.broadcast %broadcast_in_dim3A_4 : vector<512x1xf32> to vector<512x1024xf32>
      %sub3A_34 = arith.subf %sub3A_32, %sub3A_33 : vector<512x1024xf32>
      %integer_pow3A = arith.mulf %sub3A_34, %sub3A_34 : vector<512x1024xf32>
      %add3A = arith.addf %dot_general3A_26, %integer_pow3A : vector<512x1024xf32>
      %broadcast_in_dim3A_35 = arith.constant 0 : i32
      %broadcast_in_dim3A_36 = vector.broadcast %broadcast_in_dim3A_35 : i32 to vector<512x1024xi32>
      %slice3A_37 = vector.extract_strided_slice %convert_element_type3A_18 {offsets = [0, 256], sizes = [512, 256], strides = [1, 1]} : vector<512x1024xbf16> to vector<512x256xbf16>
      %slice3A_38 = vector.extract_strided_slice %convert_element_type3A_20 {offsets = [0, 256], sizes = [512, 256], strides = [1, 1]} : vector<512x1024xbf16> to vector<512x256xbf16>
      %slice3A_39 = vector.extract_strided_slice %convert_element_type3A_23 {offsets = [0, 256], sizes = [512, 256], strides = [1, 1]} : vector<512x1024xbf16> to vector<512x256xbf16>
      %concatenate3A_40 = tpu.concatenate %slice3A_37, %slice3A_38, %slice3A_39 in 1 : vector<512x256xbf16>, vector<512x256xbf16>, vector<512x256xbf16> -> vector<512x768xbf16>
      %dot_general3A_41 = arith.constant dense<0.000000e+00> : vector<512x1024xf32>
      %dot_general3A_42 = tpu.matmul %concatenate3A_40, %get3A_17, %dot_general3A_41 {dimension_numbers = #tpu.dot_dimension_numbers<[1], [0], [0], [1], [0, 0, 1, 1], [], []>, transpose_lhs_hint = false} : vector<512x768xbf16>, vector<768x1024xbf16>, vector<512x1024xf32> -> vector<512x1024xf32>
      %get3A_43 = arith.constant 1 : index
      %get3A_44 = arith.constant 0 : index
      %get3A_45 = vector.load %arg4[%get3A_43, %get3A_44] : memref<4x1024xf32, #tpu.memory_space<vmem>>, vector<1x1024xf32>
      %get3A_46 = vector.shape_cast %get3A_45 : vector<1x1024xf32> to vector<1024xf32>
      %broadcast_in_dim3A_47 = vector.shape_cast %get3A_46 : vector<1024xf32> to vector<1x1024xf32>
      %sub3A_48 = vector.broadcast %broadcast_in_dim3A_47 : vector<1x1024xf32> to vector<512x1024xf32>
      %sub3A_49 = vector.broadcast %broadcast_in_dim3A_4 : vector<512x1xf32> to vector<512x1024xf32>
      %sub3A_50 = arith.subf %sub3A_48, %sub3A_49 : vector<512x1024xf32>
      %integer_pow3A_51 = arith.mulf %sub3A_50, %sub3A_50 : vector<512x1024xf32>
      %add3A_52 = arith.addf %dot_general3A_42, %integer_pow3A_51 : vector<512x1024xf32>
      %lt3A = arith.cmpf olt, %add3A_52, %add3A : vector<512x1024xf32>
      %jit3A_53 = arith.constant 1 : i32
      %broadcast_in_dim3A_54 = vector.broadcast %jit3A_53 : i32 to vector<512x1024xi32>
      %select_n3A_55 = arith.select %lt3A, %broadcast_in_dim3A_54, %broadcast_in_dim3A_36 : vector<512x1024xi1>, vector<512x1024xi32>
      %min3A = arith.minimumf %add3A, %add3A_52 : vector<512x1024xf32>
      %slice3A_56 = vector.extract_strided_slice %convert_element_type3A_18 {offsets = [0, 512], sizes = [512, 256], strides = [1, 1]} : vector<512x1024xbf16> to vector<512x256xbf16>
      %slice3A_57 = vector.extract_strided_slice %convert_element_type3A_20 {offsets = [0, 512], sizes = [512, 256], strides = [1, 1]} : vector<512x1024xbf16> to vector<512x256xbf16>
      %slice3A_58 = vector.extract_strided_slice %convert_element_type3A_23 {offsets = [0, 512], sizes = [512, 256], strides = [1, 1]} : vector<512x1024xbf16> to vector<512x256xbf16>
      %concatenate3A_59 = tpu.concatenate %slice3A_56, %slice3A_57, %slice3A_58 in 1 : vector<512x256xbf16>, vector<512x256xbf16>, vector<512x256xbf16> -> vector<512x768xbf16>
      %dot_general3A_60 = arith.constant dense<0.000000e+00> : vector<512x1024xf32>
      %dot_general3A_61 = tpu.matmul %concatenate3A_59, %get3A_17, %dot_general3A_60 {dimension_numbers = #tpu.dot_dimension_numbers<[1], [0], [0], [1], [0, 0, 1, 1], [], []>, transpose_lhs_hint = false} : vector<512x768xbf16>, vector<768x1024xbf16>, vector<512x1024xf32> -> vector<512x1024xf32>
      %get3A_62 = arith.constant 2 : index
      %get3A_63 = arith.constant 0 : index
      %get3A_64 = vector.load %arg4[%get3A_62, %get3A_63] : memref<4x1024xf32, #tpu.memory_space<vmem>>, vector<1x1024xf32>
      %get3A_65 = vector.shape_cast %get3A_64 : vector<1x1024xf32> to vector<1024xf32>
      %broadcast_in_dim3A_66 = vector.shape_cast %get3A_65 : vector<1024xf32> to vector<1x1024xf32>
      %sub3A_67 = vector.broadcast %broadcast_in_dim3A_66 : vector<1x1024xf32> to vector<512x1024xf32>
      %sub3A_68 = vector.broadcast %broadcast_in_dim3A_4 : vector<512x1xf32> to vector<512x1024xf32>
      %sub3A_69 = arith.subf %sub3A_67, %sub3A_68 : vector<512x1024xf32>
      %integer_pow3A_70 = arith.mulf %sub3A_69, %sub3A_69 : vector<512x1024xf32>
      %add3A_71 = arith.addf %dot_general3A_61, %integer_pow3A_70 : vector<512x1024xf32>
      %lt3A_72 = arith.cmpf olt, %add3A_71, %min3A : vector<512x1024xf32>
      %jit3A_73 = arith.constant 2 : i32
      %broadcast_in_dim3A_74 = vector.broadcast %jit3A_73 : i32 to vector<512x1024xi32>
      %select_n3A_75 = arith.select %lt3A_72, %broadcast_in_dim3A_74, %select_n3A_55 : vector<512x1024xi1>, vector<512x1024xi32>
      %min3A_76 = arith.minimumf %min3A, %add3A_71 : vector<512x1024xf32>
      %slice3A_77 = vector.extract_strided_slice %convert_element_type3A_18 {offsets = [0, 768], sizes = [512, 256], strides = [1, 1]} : vector<512x1024xbf16> to vector<512x256xbf16>
      %slice3A_78 = vector.extract_strided_slice %convert_element_type3A_20 {offsets = [0, 768], sizes = [512, 256], strides = [1, 1]} : vector<512x1024xbf16> to vector<512x256xbf16>
      %slice3A_79 = vector.extract_strided_slice %convert_element_type3A_23 {offsets = [0, 768], sizes = [512, 256], strides = [1, 1]} : vector<512x1024xbf16> to vector<512x256xbf16>
      %concatenate3A_80 = tpu.concatenate %slice3A_77, %slice3A_78, %slice3A_79 in 1 : vector<512x256xbf16>, vector<512x256xbf16>, vector<512x256xbf16> -> vector<512x768xbf16>
      %dot_general3A_81 = arith.constant dense<0.000000e+00> : vector<512x1024xf32>
      %dot_general3A_82 = tpu.matmul %concatenate3A_80, %get3A_17, %dot_general3A_81 {dimension_numbers = #tpu.dot_dimension_numbers<[1], [0], [0], [1], [0, 0, 1, 1], [], []>, transpose_lhs_hint = false} : vector<512x768xbf16>, vector<768x1024xbf16>, vector<512x1024xf32> -> vector<512x1024xf32>
      %get3A_83 = arith.constant 3 : index
      %get3A_84 = arith.constant 0 : index
      %get3A_85 = vector.load %arg4[%get3A_83, %get3A_84] : memref<4x1024xf32, #tpu.memory_space<vmem>>, vector<1x1024xf32>
      %get3A_86 = vector.shape_cast %get3A_85 : vector<1x1024xf32> to vector<1024xf32>
      %broadcast_in_dim3A_87 = vector.shape_cast %get3A_86 : vector<1024xf32> to vector<1x1024xf32>
      %sub3A_88 = vector.broadcast %broadcast_in_dim3A_87 : vector<1x1024xf32> to vector<512x1024xf32>
      %sub3A_89 = vector.broadcast %broadcast_in_dim3A_4 : vector<512x1xf32> to vector<512x1024xf32>
      %sub3A_90 = arith.subf %sub3A_88, %sub3A_89 : vector<512x1024xf32>
      %integer_pow3A_91 = arith.mulf %sub3A_90, %sub3A_90 : vector<512x1024xf32>
      %add3A_92 = arith.addf %dot_general3A_82, %integer_pow3A_91 : vector<512x1024xf32>
      %lt3A_93 = arith.cmpf olt, %add3A_92, %min3A_76 : vector<512x1024xf32>
      %jit3A_94 = arith.constant 3 : i32
      %broadcast_in_dim3A_95 = vector.broadcast %jit3A_94 : i32 to vector<512x1024xi32>
      %select_n3A_96 = arith.select %lt3A_93, %broadcast_in_dim3A_95, %select_n3A_75 : vector<512x1024xi1>, vector<512x1024xi32>
      %min3A_97 = arith.minimumf %min3A_76, %add3A_92 : vector<512x1024xf32>
      %shift_right_arithmetic3A = arith.constant 4 : i32
      %shift_right_arithmetic3A_98 = arith.shrsi %arg1, %shift_right_arithmetic3A : i32
      %and3A = arith.constant 15 : i32
      %and3A_99 = arith.andi %arg1, %and3A : i32
      %mul3A = arith.constant 2 : i32
      %mul3A_100 = arith.muli %mul3A, %and3A_99 : i32
      %eq3A_101 = arith.constant 0 : i32
      %eq3A_102 = arith.cmpi eq, %mul3A_100, %eq3A_101 : i32
      %get3A_103 = arith.index_cast %shift_right_arithmetic3A_98 : i32 to index
      %get3A_104 = arith.constant 0 : index
      %get3A_105 = arith.constant 0 : index
      %get3A_106 = vector.load %arg6[%get3A_103, %get3A_104, %get3A_105] : memref<4x512x1024xi32, #tpu.memory_space<vmem>>, vector<1x512x1024xi32>
      %get3A_107 = vector.shape_cast %get3A_106 : vector<1x512x1024xi32> to vector<512x1024xi32>
      %jit3A_108 = arith.constant 0 : i32
      %broadcast_in_dim3A_109 = vector.broadcast %jit3A_108 : i32 to vector<512x1024xi32>
      %select_n3A_110 = arith.select %eq3A_102, %broadcast_in_dim3A_109, %get3A_107 : vector<512x1024xi32>
      %shift_left3A = vector.broadcast %mul3A_100 : i32 to vector<512x1024xi32>
      %shift_left3A_111 = arith.shli %select_n3A_96, %shift_left3A : vector<512x1024xi32>
      %or3A = arith.ori %select_n3A_110, %shift_left3A_111 : vector<512x1024xi32>
      %swap3A = arith.index_cast %shift_right_arithmetic3A_98 : i32 to index
      %swap3A_112 = arith.constant 0 : index
      %swap3A_113 = arith.constant 0 : index
      %swap3A_114 = vector.load %arg6[%swap3A, %swap3A_112, %swap3A_113] : memref<4x512x1024xi32, #tpu.memory_space<vmem>>, vector<1x512x1024xi32>
      %swap3A_115 = vector.shape_cast %swap3A_114 : vector<1x512x1024xi32> to vector<512x1024xi32>
      %swap3A_116 = vector.shape_cast %or3A : vector<512x1024xi32> to vector<1x512x1024xi32>
      tpu.vector_store %arg6[%swap3A, %swap3A_112, %swap3A_113], %swap3A_116 {strides = array<i32>} : memref<4x512x1024xi32, #tpu.memory_space<vmem>>, vector<1x512x1024xi32>,
      %swap3A_117 = arith.constant 0 : index
      %swap3A_118 = arith.constant 0 : index
      %swap3A_119 = vector.load %arg8[%swap3A_117, %swap3A_118] : memref<512x1024xf32, #tpu.memory_space<vmem>>, vector<512x1024xf32>
      tpu.vector_store %arg8[%swap3A_117, %swap3A_118], %min3A_97 {strides = array<i32>} : memref<512x1024xf32, #tpu.memory_space<vmem>>, vector<512x1024xf32>,
      %eq3A_120 = arith.constant 63 : i32
      %eq3A_121 = arith.cmpi eq, %arg1, %eq3A_120 : i32
      %convert_element_type3A_122 = arith.extui %eq3A_121 : i1 to i32
      %cond3A_123 = arith.constant 0 : i32
      %cond3A_124 = arith.cmpi ne, %convert_element_type3A_122, %cond3A_123 : i32
      scf.if %cond3A_124 {
        %reduce_min3A = arith.constant dense<0x7F800000> : vector<512xf32>
        %reduce_min3A_125 = vector.multi_reduction <minimumf>, %min3A_97, %reduce_min3A [1] : vector<512x1024xf32> to vector<512xf32>
        %broadcast_in_dim3A_126 = vector.shape_cast %reduce_min3A_125 : vector<512xf32> to vector<512x1xf32>
        %iota3A_127 = tpu.iota {dimensions = array<i32: 1>} : vector<512x1024xi32>
        %eq3A_128 = vector.broadcast %broadcast_in_dim3A_126 : vector<512x1xf32> to vector<512x1024xf32>
        %eq3A_129 = arith.cmpf oeq, %min3A_97, %eq3A_128 : vector<512x1024xf32>
        %jit3A_130 = arith.constant 1024 : i32
        %broadcast_in_dim3A_131 = vector.broadcast %jit3A_130 : i32 to vector<512x1024xi32>
        %select_n3A_132 = arith.select %eq3A_129, %iota3A_127, %broadcast_in_dim3A_131 : vector<512x1024xi1>, vector<512x1024xi32>
        %reduce_min3A_133 = arith.constant dense<2147483647> : vector<512xi32>
        %reduce_min3A_134 = vector.multi_reduction <minsi>, %select_n3A_132, %reduce_min3A_133 [1] : vector<512x1024xi32> to vector<512xi32>
        %broadcast_in_dim3A_135 = vector.shape_cast %reduce_min3A_134 : vector<512xi32> to vector<512x1xi32>
        %swap3A_136 = arith.constant 0 : index
        %swap3A_137 = arith.constant 0 : index
        %swap3A_138 = vector.load %arg7[%swap3A_136, %swap3A_137] : memref<512x1xi32, #tpu.memory_space<vmem>>, vector<512x1xi32>
        tpu.vector_store %arg7[%swap3A_136, %swap3A_137], %broadcast_in_dim3A_135 {strides = array<i32>} : memref<512x1xi32, #tpu.memory_space<vmem>>, vector<512x1xi32>,
      } else {
      }
    } else {
    }
    return
  }
  func.func @transform_0(%arg0: i32, %arg1: i32) -> (i32, i32) {
    %c0_i32 = arith.constant 0 : i32
    %c0_i32_0 = arith.constant 0 : i32
    return %arg0, %c0_i32 : i32, i32
  }
  func.func @transform_1(%arg0: i32, %arg1: i32) -> (i32, i32) {
    %c0_i32 = arith.constant 0 : i32
    %c0_i32_0 = arith.constant 0 : i32
    %c0_i32_1 = arith.constant 0 : i32
    return %c0_i32, %c0_i32_0 : i32, i32
  }
  func.func @transform_2(%arg0: i32, %arg1: i32) -> (i32, i32) {
    %c0_i32 = arith.constant 0 : i32
    %c0_i32_0 = arith.constant 0 : i32
    %c0_i32_1 = arith.constant 0 : i32
    return %c0_i32, %c0_i32_0 : i32, i32
  }
  func.func @transform_3(%arg0: i32, %arg1: i32) -> (i32, i32) {
    %c0_i32 = arith.constant 0 : i32
    %c0_i32_0 = arith.constant 0 : i32
    %c0_i32_1 = arith.constant 0 : i32
    return %c0_i32, %c0_i32_0 : i32, i32
  }
  func.func @transform_4(%arg0: i32, %arg1: i32) -> (i32, i32, i32) {
    %c0_i32 = arith.constant 0 : i32
    %c0_i32_0 = arith.constant 0 : i32
    %c0_i32_1 = arith.constant 0 : i32
    return %c0_i32, %arg0, %c0_i32_0 : i32, i32, i32
  }
  func.func @transform_5(%arg0: i32, %arg1: i32) -> (i32, i32) {
    %c0_i32 = arith.constant 0 : i32
    %c0_i32_0 = arith.constant 0 : i32
    return %arg0, %c0_i32 : i32, i32
  }
}

</mosaic_0001>

<sc_bundles>
// kernel: kernel.4.cloned.1.call-start
scs
__scs_entry_jumppad:
0x0: {  	(pc) =	sbr.rel $0x88, $3  }
0x1: {  	(tag) =	ssettag $0x0;
	lr =	simm.s32 $0x1  }
0x2: {  	[smem:$0x3F9F] =	sst lr;
	_ =	strace $0xD0000000  }
0x3: {  	_ = 	snop  }
0x4: {  	_ = 	snop  }
0x5: {  	_ = 	snop  }
0x6: {  	_ = 	snop  }
0x7: {  	_ = 	snop  }
__scs_overlays_trampoline_lowered:
0x8: {  	[smem:$0x3FAE] =	sst s0  }
0x9: {  	[smem:$0x3FAF] =	sst s1  }
0xa: {  	[smem:$0x3FB0] =	sst s2  }
0xb: {  	[smem:$0x3FB1] =	sst s3  }
0xc: {  	[smem:$0x3FB2] =	sst s4  }
0xd: {  	[smem:$0x3FB3] =	sst s5  }
0xe: {  	[smem:$0x3FB4] =	sst s6  }
0xf: {  	[smem:$0x3FB5] =	sst s7  }
0x10: {  	[smem:$0x3FB6] =	sst s8  }
0x11: {  	[smem:$0x3FB7] =	sst s9;
	s0 =	simm.s32 @!p0 $0x0  }
0x12: {  	s1 =	sld [smem:$0x3F9D];
	s0 =	simm.s32 @p0 $0x1  }
0x13: {  	[smem:$0x3FB8] =	sst s0;
	s0 =	simm.s32 @!p1 $0x0  }
0x14: {  	s2 =	sld [smem:$0x3F9C];
	s0 =	simm.s32 @p1 $0x1  }
0x15: {  	[smem:$0x3FB9] =	sst s0;
	s0 =	simm.s32 @!p2 $0x0  }
0x16: {  	s3 =	sld [smem:$0x3FDB];
	s0 =	simm.s32 @p2 $0x1  }
0x17: {  	s4 =	simm.s32 $0x1BF5;
	[smem:$0x3FBB] =	sst s0  }
0x18: {  	s0 =	sld [smem:$0x3F9E];
	_ =	swait.ge [sflag:s4], $0x0  }
0x19: {  	s7 =	sld [smem:$0x3F9F]  }
0x1a: {  	s8 =	sadd.s32 $0xFFFFE003, lr  }
0x1b: {  	s9 =	sadd.s32 $0xFFFFFEF7, lr;
	s5 =	simm.s32 $0xFFFFFFFF;
	p2 =	slt.u32 s8, $0xFFFFF086  }
0x1c: {  	p1 =	slt.u32 s9, $0xF7A;
	s5 =	simm.s32 @!p2 $0x0  }
0x1d: {  	s5 =	simm.s32 @p1 $0x1;
	p0 =	seq.s32 s7, s2  }
0x1e: {  	s7 =	smul.u32 @!p0 $0xF7A, s2;
	p2 =	seq.s32 @!p0 s5, $0x0  }
0x1f: {  	s9 =	smul.u32 $0xF7A, s1;
	s8 =	simm.s32 @!p0 $0x1BF5;
	p2 =	por !p2, p0  }
0x20: {  	[sflag:s8] =	ssyncset.s32 @!p0 $0xFFFFF086;
	s6 =	sadd.s32 @!p0 s3, s7;
	s7 =	simm.s32 @!p0 $0x108  }
0x21: {  	s3 =	sadd.s32 s3, s9;
	s6 =	sadd.s32 @!p0 $0x88, s6;
	s7 =	simm.s32 @p2 $0x1082  }
0x22: {  	[simem:s7], [sflag:s8] =	dma.local @!p0 [hbm:s6], $0xF7A  }
0x23: {  	s9 =	sor.u32 $0xD0000000, s2;
	s6 =	simm.s32 $0x108;
	_ =	swait.ge @!p0 [sflag:s8], $0x0  }
0x24: {  	s3 =	sadd.s32 $0x88, s3;
	s6 =	simm.s32 @!p1 $0x1082;
	[sflag:s4] =	ssyncset.s32 $0xFFFFF086  }
0x25: {  	[simem:s6], [sflag:s4] =	dma.local [hbm:s3], $0xF7A  }
0x26: {  	[smem:$0x3F9F] =	sst s1;
	(tag) =	ssettag s2;
	_ =	strace s9  }
0x27: {  	s1 =	sld [smem:$0x3FAF]  }
0x28: {  	s2 =	sld [smem:$0x3FB0]  }
0x29: {  	s4 =	sld [smem:$0x3FB2]  }
0x2a: {  	p0 =	seq.s32 s5, $0x0;
	s5 =	sld [smem:$0x3FB3]  }
0x2b: {  	s6 =	sld [smem:$0x3FB4]  }
0x2c: {  	s7 =	sld [smem:$0x3FB5]  }
0x2d: {  	s3 =	simm.s32 $0x108;
	s8 =	sld [smem:$0x3FB6]  }
0x2e: {  	s3 =	simm.s32 @!p0 $0x1082;
	s9 =	sld [smem:$0x3FB7]  }
0x2f: {  	lr =	sadd.s32 s0, s3;
	s0 =	sld [smem:$0x3FAE]  }
0x30: {  	s3 =	sld [smem:$0x3FB1]  }
0x31: {  	[smem:$0x3FBA] =	sst s10  }
0x32: {  	s10 =	sld [smem:$0x3FB8];
	_ =	sdelay $0x3  }
0x33: {  	p0 =	seq.s32 s10, $0x1;
	s10 =	sld [smem:$0x3FBA];
	_ =	sdelay $0x3  }
0x34: {  	[smem:$0x3FBA] =	sst s10  }
0x35: {  	s10 =	sld [smem:$0x3FB9];
	_ =	sdelay $0x3  }
0x36: {  	p1 =	seq.s32 s10, $0x1;
	s10 =	sld [smem:$0x3FBA];
	_ =	sdelay $0x3  }
0x37: {  	[smem:$0x3FBA] =	sst s10  }
0x38: {  	s10 =	sld [smem:$0x3FBB]  }
0x39: {  	_ = 	snop;
	(pc) =	sbr.ind lr, $3  }
0x3a: {  	_ = 	snop  }
0x3b: {  	_ = 	snop  }
0x3c: {  	p2 =	seq.s32 s10, $0x1;
	s10 =	sld [smem:$0x3FBA]  }
0x3d: {  	_ =	shalt  }
0x3e: {  	_ =	shalt  }
0x3f: {  	_ =	shalt  }
0x40: {  	_ =	shalt  }
0x41: {  	_ =	shalt  }
0x42: {  	_ =	shalt  }
0x43: {  	_ =	shalt  }
0x44: {  	_ =	shalt  }
0x45: {  	_ =	shalt  }
0x46: {  	_ =	shalt  }
0x47: {  	_ =	shalt  }
0x48: {  	_ =	shalt  }
0x49: {  	_ =	shalt  }
0x4a: {  	_ =	shalt  }
0x4b: {  	_ =	shalt  }
0x4c: {  	_ =	shalt  }
0x4d: {  	_ =	shalt  }
0x4e: {  	_ =	shalt  }
0x4f: {  	_ =	shalt  }
0x50: {  	_ =	shalt  }
0x51: {  	_ =	shalt  }
0x52: {  	_ =	shalt  }
0x53: {  	_ =	shalt  }
0x54: {  	_ =	shalt  }
0x55: {  	_ =	shalt  }
0x56: {  	_ =	shalt  }
0x57: {  	_ =	shalt  }
0x58: {  	_ =	shalt  }
0x59: {  	_ =	shalt  }
0x5a: {  	_ =	shalt  }
0x5b: {  	_ =	shalt  }
0x5c: {  	_ =	shalt  }
0x5d: {  	_ =	shalt  }
0x5e: {  	_ =	shalt  }
0x5f: {  	_ =	shalt  }
0x60: {  	_ =	shalt  }
0x61: {  	_ =	shalt  }
0x62: {  	_ =	shalt  }
0x63: {  	_ =	shalt  }
0x64: {  	_ =	shalt  }
0x65: {  	_ =	shalt  }
0x66: {  	_ =	shalt  }
0x67: {  	_ =	shalt  }
0x68: {  	_ =	shalt  }
0x69: {  	_ =	shalt  }
0x6a: {  	_ =	shalt  }
0x6b: {  	_ =	shalt  }
0x6c: {  	_ =	shalt  }
0x6d: {  	_ =	shalt  }
0x6e: {  	_ =	shalt  }
0x6f: {  	_ =	shalt  }
0x70: {  	_ =	shalt  }
0x71: {  	_ =	shalt  }
0x72: {  	_ =	shalt  }
0x73: {  	_ =	shalt  }
0x74: {  	_ =	shalt  }
0x75: {  	_ =	shalt  }
0x76: {  	_ =	shalt  }
0x77: {  	_ =	shalt  }
0x78: {  	_ =	shalt  }
0x79: {  	_ =	shalt  }
0x7a: {  	_ =	shalt  }
0x7b: {  	_ =	shalt  }
0x7c: {  	_ =	shalt  }
0x7d: {  	_ =	shalt  }
0x7e: {  	_ =	shalt  }
0x7f: {  	_ =	shalt  }
0x80: {  	_ =	shalt  }
0x81: {  	_ =	shalt  }
0x82: {  	_ =	shalt  }
0x83: {  	_ =	shalt  }
0x84: {  	_ =	shalt  }
0x85: {  	_ =	shalt  }
0x86: {  	_ =	shalt  }
0x87: {  	_ =	shalt  }
.Lfunc_end0:
.L_simem_size_0:
called_computation_lowered:
.L_overlay_start_0:
0x88: {  	s2 =	sld [smem:$0x3FD9]  }
0x89: {  	s3 =	sld [smem:$0x3FFE];
	_ =	sdelay $0x1  }
0x8a: {  	s1 =	srdreg.scid  }
0x8b: {  	s0 =	sand.u32 $0x1, s1  }
0x8c: {  	s17 =	sshll.u32 s0, $0xA;
	s2 =	sadd.s32 s3, s2  }
0x8d: {  	s2 =	sadd.s32 s2, s17  }
0x8e: {  	[smem:$0x3FC6] =	sst s2  }
0x8f: {  	_ = 	snop  }
0x90: {  	s2 =	sld [smem:$0x3FC8]  }
0x91: {  	s18 =	sld [smem:$0x3FD0];
	(tm) =	ssettm $0x1  }
0x92: {  	s4 =	sld [smem:$0x3FFB];
	_ =	sdelay $0x3  }
0x93: {  	_ =	strace s4  }
0x94: {  	s4 =	sld [smem:$0x3FFC];
	_ =	sdelay $0x3  }
0x95: {  	_ =	strace s4  }
0x96: {  	s4 =	sld [smem:$0x3FFD];
	_ =	sdelay $0x3  }
0x97: {  	_ =	strace s4  }
0x98: {  	_ =	strace $0x8FFFFFFF  }
0x99: {  	s19 =	sld [smem:$0x3FDB];
	_ =	sdelay $0x1  }
0x9a: {  	s5 =	simm.s32 $_scs_section_size  }
0x9b: {  	s6 =	simm.s32 $_size__tile_overlayer_lowered;
	s7 =	simm.s32 $_tile_overlayer_lowered  }
0x9c: {  	s22 =	simm.s32 $0x1BFF;
	s21 =	sshll.u32 s7, $0x1;
	s4 =	sadd.s32 s5, s19  }
0x9d: {  	s8 =	simm.s32 $0x0;
	s20 =	sshll.u32 s6, $0x1;
	s6 =	sadd.s32 s21, s4  }
0x9e: {  	[timem:s8], [sflag:s22] =	dma.local [hbm:s6], s20  }
0x9f: {  	_ =	swait.ge [sflag:s22], s20  }
0xa0: {  	s5 =	ssub.s32 $0x0, s20;
	[sflag:s22] =	ssyncset.done $0x0  }
0xa1: {  	[sflag:s22] =	ssyncadd.s32 s5;
	_ =	sdelay $0x1  }
0xa2: {  	s23 =	simm.s32 $0x1B8B  }
0xa3: {  	_ =	swait.ge [sflag:s23], $0x1  }
0xa4: {  	[sflag:s23] =	ssyncset.done $0x0  }
0xa5: {  	s25 =	simm.s32 $0x1B8E;
	s24 =	sld [smem:$0x3FFE];
	[sflag:s23] =	ssyncadd.s32 $0xFFFFFFFF  }
0xa6: {  	s26 =	simm.s32 $execute0_lowered;
	[smem:$0x3FD2] =	sst s25  }
0xa7: {  	s6 =	sshll.u32 s26, $0x1;
	_ =	strace $0x80000046;
	[dreg:$0x1] =	wrdreg $0xFFFFFFFF  }
0xa8: {  	s28 =	simm.s32 $_size_execute0_lowered;
	s4 =	sadd.s32 s4, s6;
	[dreg:$0x0] =	wrdreg $0x0  }
0xa9: {  	s6 =	sshll.u32 s28, $0x1;
	[dreg:$0x2] =	wrdreg s4  }
0xaa: {  	[dreg:$0x3] =	wrdreg s6  }
0xab: {  	[dreg:$0x4] =	wrdreg $0xC0  }
0xac: {  	_ =	task [dreg:s8], $0x5FFFF  }
0xad: {  	[dreg:$0x1] =	wrdreg $0xFFFFFFFF  }
0xae: {  	[dreg:$0x0] =	wrdreg $0x60  }
0xaf: {  	[dreg:$0x2] =	wrdreg s24  }
0xb0: {  	[dreg:$0x3] =	wrdreg s2  }
0xb1: {  	[dreg:$0x4] =	wrdreg s18  }
0xb2: {  	[dreg:$0x5] =	wrdreg $0x9  }
0xb3: {  	_ =	task.clear_ibuf [dreg:s8], $0x6FFFF;
	_ =	strace $0x90000046  }
0xb4: {  	s29 =	simm.s32 $0x9;
	_ =	strace $0x80000048  }
0xb5: {  	_ =	swait.ge [sflag:s29], $0x1  }
0xb6: {  	[sflag:s29] =	ssyncadd.s32 $0xFFFFFFFF  }
0xb7: {  	_ =	strace $0x90000048  }
0xb8: {  	_ =	sfence  }
0xb9: {  	s30 =	sld [smem:$0x0];
	_ =	sdelay $0x2  }
0xba: {  	s31 =	sshll.u32 s1, $0xD;
	s1 =	sshrl.u32 s1, $0x2  }
0xbb: {  	s3 =	sand.u32 $0x4000, s31;
	s1 =	sadd.s32 s1, s30  }
0xbc: {  	s0 =	sor.u32 s3, s0;
	s1 =	sshll.u32 s1, $0x11  }
0xbd: {  	s0 =	sor.u32 s1, s0  }
0xbe: {  	s0 =	sadd.s32 $0x8F2B, s0  }
0xbf: {  	[sflag:s0] =	ssyncadd.remote.s32 $0x1  }
0xc0: {  	_ =	sfence.sel $0xFFFF  }
0xc1: {  	[dreg:$0x0] =	wrdreg $0xFFFFFFFF;
	(pc) =	sbr.abs _section_cstart, $3  }
0xc2: {  	[dreg:$0x1] =	wrdreg $0xFFFFFFFF  }
0xc3: {  	_ =	task.clear_ibuf [dreg:s8], $0x2FFFF;
	_ =	strace $0x9FFFFFFF  }
0xc4: {  	(tm) =	ssettm $0x7FFFFFFF  }
0xc5: {  	_ =	shalt  }
tec
execute0_lowered:
.L_overlay_start_1:
0x0: {  	(tag) =	ssettag $0x1  }
0x1: {  	v1 =	vlaneseq.u32  }
0x2: {  	v0 =	vmul.u32 $0x400, v1;
	v1 =	vmul.u32 $0x40, v1;
	_ =	sdelay $0x1  }
0x3: {  	v3 =	vor.u32 $0x3F, v1  }
0x4: {  	[tilespmem:$0x1FC60] =	vst v3;
	v3 =	vor.u32 $0x3E, v1  }
0x5: {  	[tilespmem:$0x1FC70] =	vst v3;
	v3 =	vor.u32 $0x3D, v1  }
0x6: {  	[tilespmem:$0x1FC80] =	vst v3;
	v3 =	vor.u32 $0x3C, v1  }
0x7: {  	[tilespmem:$0x1FC90] =	vst v3;
	v3 =	vor.u32 $0x3B, v1  }
0x8: {  	[tilespmem:$0x1FCA0] =	vst v3;
	v3 =	vor.u32 $0x3A, v1  }
0x9: {  	[tilespmem:$0x1FCB0] =	vst v3;
	v3 =	vor.u32 $0x39, v1  }
0xa: {  	[tilespmem:$0x1FCC0] =	vst v3;
	v3 =	vor.u32 $0x38, v1  }
0xb: {  	[tilespmem:$0x1FCD0] =	vst v3;
	v3 =	vor.u32 $0x37, v1  }
0xc: {  	[tilespmem:$0x1FCE0] =	vst v3;
	v3 =	vor.u32 $0x36, v1  }
0xd: {  	[tilespmem:$0x1FCF0] =	vst v3;
	v3 =	vor.u32 $0x35, v1  }
0xe: {  	[tilespmem:$0x1FD00] =	vst v3;
	v3 =	vor.u32 $0x34, v1  }
0xf: {  	[tilespmem:$0x1FD10] =	vst v3;
	v3 =	vor.u32 $0x33, v1  }
0x10: {  	[tilespmem:$0x1FD20] =	vst v3;
	v3 =	vor.u32 $0x32, v1  }
0x11: {  	[tilespmem:$0x1FD30] =	vst v3;
	v3 =	vor.u32 $0x31, v1  }
0x12: {  	[tilespmem:$0x1FD40] =	vst v3;
	v3 =	vor.u32 $0x30, v1  }
0x13: {  	[tilespmem:$0x1FD50] =	vst v3;
	v3 =	vor.u32 $0x2F, v1  }
0x14: {  	s10 =	rddreg [dreg:$0x0];
	[tilespmem:$0x1FD60] =	vst v3;
	v3 =	vor.u32 $0x2E, v1  }
0x15: {  	s0 =	rddreg [dreg:$0x1];
	[tilespmem:$0x1FD70] =	vst v3;
	v3 =	vor.u32 $0x2D, v1  }
0x16: {  	s15 =	rddreg [dreg:$0x2];
	s3 =	simm.s32 $0x0;
	[tilespmem:$0x1FD80] =	vst v3;
	v3 =	vor.u32 $0x2C, v1  }
0x17: {  	[smem:$0x7FF] =	sst s3;
	[tilespmem:$0x1FD90] =	vst v3;
	v3 =	vor.u32 $0x2B, v1  }
0x18: {  	s1 =	rddreg [dreg:$0x3];
	_ =	strace $0x80000047;
	[tilespmem:$0x1FDA0] =	vst v3;
	v3 =	vor.u32 $0x2A, v1  }
0x19: {  	[tilespmem:$0x1FDB0] =	vst v3;
	v3 =	vor.u32 $0x29, v1  }
0x1a: {  	[tilespmem:$0x1FDC0] =	vst v3;
	v3 =	vor.u32 $0x28, v1  }
0x1b: {  	[tilespmem:$0x1FDD0] =	vst v3;
	v3 =	vor.u32 $0x27, v1  }
0x1c: {  	[tilespmem:$0x1FDE0] =	vst v3;
	v3 =	vor.u32 $0x26, v1  }
0x1d: {  	[tilespmem:$0x1FDF0] =	vst v3;
	v3 =	vor.u32 $0x25, v1  }
0x1e: {  	[tilespmem:$0x1FE00] =	vst v3;
	v3 =	vor.u32 $0x24, v1  }
0x1f: {  	[tilespmem:$0x1FE10] =	vst v3;
	v3 =	vor.u32 $0x23, v1  }
0x20: {  	[tilespmem:$0x1FE20] =	vst v3;
	v3 =	vor.u32 $0x22, v1  }
0x21: {  	[tilespmem:$0x1FE30] =	vst v3;
	v3 =	vor.u32 $0x21, v1  }
0x22: {  	[tilespmem:$0x1FE40] =	vst v3;
	v3 =	vor.u32 $0x20, v1  }
0x23: {  	[tilespmem:$0x1FE50] =	vst v3;
	v3 =	vor.u32 $0x1F, v1  }
0x24: {  	[tilespmem:$0x1FE60] =	vst v3;
	v3 =	vor.u32 $0x1E, v1  }
0x25: {  	[tilespmem:$0x1FE70] =	vst v3;
	v3 =	vor.u32 $0x1D, v1  }
0x26: {  	[tilespmem:$0x1FE80] =	vst v3;
	v3 =	vor.u32 $0x1C, v1  }
0x27: {  	[tilespmem:$0x1FE90] =	vst v3;
	v3 =	vor.u32 $0x1B, v1  }
0x28: {  	[tilespmem:$0x1FEA0] =	vst v3;
	v3 =	vor.u32 $0x1A, v1  }
0x29: {  	[tilespmem:$0x1FEB0] =	vst v3;
	v3 =	vor.u32 $0x19, v1  }
0x2a: {  	[tilespmem:$0x1FEC0] =	vst v3;
	v3 =	vor.u32 $0x18, v1  }
0x2b: {  	[tilespmem:$0x1FED0] =	vst v3;
	v3 =	vor.u32 $0x17, v1  }
0x2c: {  	[tilespmem:$0x1FEE0] =	vst v3;
	v3 =	vor.u32 $0x16, v1  }
0x2d: {  	[tilespmem:$0x1FEF0] =	vst v3;
	v3 =	vor.u32 $0x15, v1  }
0x2e: {  	[tilespmem:$0x1FF00] =	vst v3;
	v3 =	vor.u32 $0x14, v1  }
0x2f: {  	[tilespmem:$0x1FF10] =	vst v3;
	v3 =	vor.u32 $0x13, v1  }
0x30: {  	s4 =	srdreg.scid;
	s2 =	stileid.u32;
	s20 =	simm.s32 $0x200;
	[tilespmem:$0x1FF20] =	vst v3;
	v3 =	vor.u32 $0x12, v1  }
0x31: {  	s21 =	simm.s32 $0x4000;
	s22 =	simm.s32 $0x8000;
	s23 =	simm.s32 $0xC000;
	[tilespmem:$0x1FF30] =	vst v3;
	v3 =	vor.u32 $0x11, v1  }
0x32: {  	s24 =	simm.s32 $0x10000;
	s25 =	simm.s32 $0x11080;
	s4 =	sand.u32 $0x1, s4;
	[tilespmem:$0x1FF40] =	vst v3;
	v3 =	vor.u32 $0x10, v1  }
0x33: {  	s5 =	sshll.u32 s2, $0x1;
	s14 =	sadd.s32 $0x80000, s10;
	s11 =	sadd.s32 $0x10, s10;
	[tilespmem:$0x1FF50] =	vst v3;
	v3 =	vor.u32 $0xF, v1  }
0x34: {  	s12 =	sadd.s32 $0x20, s10;
	s6 =	ssub.s32 $0x2, s4;
	s8 =	sor.u32 s4, s5;
	[tilespmem:$0x1FF60] =	vst v3;
	v3 =	vor.u32 $0xE, v1  }
0x35: {  	s13 =	sadd.s32 $0x30, s10;
	s28 =	sshrl.u32 s6, $0x1;
	s7 =	sshll.u32 s8, $0xE;
	[tilespmem:$0x1FF70] =	vst v3;
	v3 =	vor.u32 $0xD, v1  }
0x36: {  	s9 =	sshll.u32 s8, $0x5;
	s17 =	sshll.u32 s8, $0x2;
	s18 =	sshll.u32 s8, $0x8;
	[tilespmem:$0x1FF80] =	vst v3;
	v3 =	vor.u32 $0xC, v1  }
0x37: {  	s16 =	ssub.s32 s6, s28;
	s4 =	sadd.s32 s10, s7;
	s5 =	sadd.s32 s7, s11;
	[tilespmem:$0x1FF90] =	vst v3;
	v3 =	vor.u32 $0xB, v1  }
0x38: {  	s6 =	sadd.s32 s7, s12;
	s7 =	sadd.s32 s7, s13;
	s19 =	sor.u32 $0x10, s9;
	[tilespmem:$0x1FFA0] =	vst v3;
	v3 =	vor.u32 $0xA, v1  }
0x39: {  	s8 =	sadd.s32 s14, s17;
	s9 =	sadd.s32 s15, s18;
	s17 =	simm.s32 $0x10080;
	[tilespmem:$0x1FFB0] =	vst v3;
	v3 =	vor.u32 $0x9, v1  }
0x3a: {  	s18 =	simm.s32 $0x1;
	s29 =	sshll.u32 s19, $0x9;
	s30 =	sshrl.u32 s19, $0x3;
	[tilespmem:$0x1FFC0] =	vst v3;
	v3 =	vor.u32 $0x8, v1  }
0x3b: {  	s31 =	sshll.u32 s19, $0x3;
	s16 =	smax.u32 s16, $0x1;
	s19 =	simm.s32 $0x80;
	[tilespmem:$0x1FFD0] =	vst v3;
	v3 =	vor.u32 $0x7, v1  }
0x3c: {  	s10 =	sadd.s32 s10, s29;
	s11 =	sadd.s32 s29, s11;
	s12 =	sadd.s32 s29, s12;
	[tilespmem:$0x1FFE0] =	vst v3;
	v3 =	vor.u32 $0x6, v1  }
0x3d: {  	v2 =	vor.u32 $0xC000, v0;
	v19 =	vor.u32 $0x8000, v0;
	v36 =	vor.u32 $0x4000, v0;
	s13 =	sadd.s32 s29, s13;
	s14 =	sadd.s32 s14, s30;
	s15 =	sadd.s32 s15, s31;
	[tilespmem:$0x1FFF0] =	vst v3  }
.LBB2_1:
0x3e: {  	[tilespmem:s17], [sflag:$0x1] =	stream.linear.gather [hbm4b:s0+s3], $0x1000, $0x38;
	[tilespmem:$0x11480] =	vst v63  }
0x3f: {  	_ =	swait.ge [sflag:s18], $0x1000  }
0x40: {  	[sflag:s18] =	ssyncset.done $0x0  }
0x41: {  	[sflag:s18] =	ssyncadd.s32 $0xFFFFF000  }
0x42: {  	[tilespmem:s3], [sflag:$0x1] =	stream.strided.gather [hbm4b:s4+s19], $0x4000, s20, s19, $0x38;
	[tilespmem:$0x11480] =	vst v63  }
0x43: {  	_ =	swait.ge [sflag:s18], $0x4000  }
0x44: {  	[sflag:s18] =	ssyncset.done $0x0  }
0x45: {  	[sflag:s18] =	ssyncadd.s32 $0xFFFFC000  }
0x46: {  	[tilespmem:s21], [sflag:$0x1] =	stream.strided.gather [hbm4b:s5+s19], $0x4000, s20, s19, $0x38;
	[tilespmem:$0x11480] =	vst v63  }
0x47: {  	_ =	swait.ge [sflag:s18], $0x4000  }
0x48: {  	[sflag:s18] =	ssyncset.done $0x0  }
0x49: {  	[sflag:s18] =	ssyncadd.s32 $0xFFFFC000  }
0x4a: {  	[tilespmem:s22], [sflag:$0x1] =	stream.strided.gather [hbm4b:s6+s19], $0x4000, s20, s19, $0x38;
	[tilespmem:$0x11480] =	vst v63  }
0x4b: {  	_ =	swait.ge [sflag:s18], $0x4000  }
0x4c: {  	[sflag:s18] =	ssyncset.done $0x0  }
0x4d: {  	[sflag:s18] =	ssyncadd.s32 $0xFFFFC000  }
0x4e: {  	[tilespmem:s23], [sflag:$0x1] =	stream.strided.gather [hbm4b:s7+s19], $0x4000, s20, s19, $0x38;
	[tilespmem:$0x11480] =	vst v63  }
0x4f: {  	_ =	swait.ge [sflag:s18], $0x4000  }
0x50: {  	[sflag:s18] =	ssyncset.done $0x0  }
0x51: {  	[sflag:s18] =	ssyncadd.s32 $0xFFFFC000  }
0x52: {  	[tilespmem:s24], [sflag:$0x1] =	stream.linear.gather [hbm4b:s8+s3], $0x10, $0x38;
	[tilespmem:$0x11480] =	vst v63  }
0x53: {  	_ =	swait.ge [sflag:s18], $0x10  }
0x54: {  	[sflag:s18] =	ssyncset.done $0x0  }
0x55: {  	[sflag:s18] =	ssyncadd.s32 $0xFFFFFFF0  }
0x56: {  	v3 =	vld [tilespmem:$0x10000];
	_ =	sdelay $0x4  }
0x57: {  	v4 =	vadd.s32 v2, v3;
	_ =	sdelay $0x4  }
0x58: {  	v4 =	vld.idx.msk [tilespmem:v4+s3+$0x0], $0xffff;
	_ =	sdelay $0x4  }
0x59: {  	v4 =	vshrl.u32 v4, $0x1E  }
0x5a: {  	v5 =	vshll.u32 v4, $0xA  }
0x5b: {  	v5 =	vadd.s32 v3, v5;
	_ =	sdelay $0x1  }
0x5c: {  	v11 =	vld [tilespmem:$0x1FC60];
	v4 =	vshll.u32 v4, $0x8;
	v3 =	vshra.s32 v3, $0x2  }
0x5d: {  	v4 =	vadd.s32 v3, v4  }
0x5e: {  	v6 =	vadd.s32 v2, v4  }
0x5f: {  	v3 =	vand.u32 $0x7F, v3;
	v6 =	vand.u32 $0xFFFFFF80, v6;
	v5 =	vld.idx.msk [tilespmem:v5+s17+$0x0], $0xffff  }
0x60: {  	v6 =	vor.u32 v3, v6;
	_ =	sdelay $0x3  }
0x61: {  	[tilespmem:v11+s25+$0x0] =	vst.idx.msk $0xffff, v5  }
0x62: {  	v5 =	vld.idx.msk [tilespmem:v6+s3+$0x0], $0xffff;
	_ =	sdelay $0x4  }
0x63: {  	v5 =	vshrl.u32 v5, $0x1C  }
0x64: {  	v5 =	vand.u32 $0x3, v5  }
0x65: {  	v53 =	vshll.u32 v5, $0xA  }
0x66: {  	v6 =	vadd.s32 v4, v53  }
0x67: {  	v6 =	vand.u32 $0xFFFFFF80, v6  }
0x68: {  	v3 =	vor.u32 v3, v6;
	_ =	sdelay $0x1  }
0x69: {  	v12 =	vld [tilespmem:$0x1FC70];
	v5 =	vshll.u32 v5, $0x8;
	v4 =	vshra.s32 v4, $0x2  }
0x6a: {  	v5 =	vadd.s32 v4, v5  }
0x6b: {  	v54 =	vadd.s32 v2, v5  }
0x6c: {  	v4 =	vand.u32 $0x7F, v4;
	v6 =	vand.u32 $0xFFFFFF80, v54;
	v3 =	vld.idx.msk [tilespmem:v3+s17+$0x0], $0xffff  }
0x6d: {  	v6 =	vor.u32 v4, v6;
	_ =	sdelay $0x3  }
0x6e: {  	[tilespmem:v12+s25+$0x0] =	vst.idx.msk $0xffff, v3  }
0x6f: {  	v3 =	vld.idx.msk [tilespmem:v6+s3+$0x0], $0xffff;
	_ =	sdelay $0x4  }
0x70: {  	v3 =	vshrl.u32 v3, $0x1A  }
0x71: {  	v3 =	vand.u32 $0x3, v3  }
0x72: {  	v55 =	vshll.u32 v3, $0xA  }
0x73: {  	v6 =	vadd.s32 v5, v55  }
0x74: {  	v6 =	vand.u32 $0xFFFFFF80, v6  }
0x75: {  	v4 =	vor.u32 v4, v6;
	_ =	sdelay $0x1  }
0x76: {  	v13 =	vld [tilespmem:$0x1FC80];
	v3 =	vshll.u32 v3, $0x8;
	v5 =	vshra.s32 v5, $0x2  }
0x77: {  	v3 =	vadd.s32 v5, v3  }
0x78: {  	v56 =	vadd.s32 v2, v3  }
0x79: {  	v5 =	vand.u32 $0x7F, v5;
	v6 =	vand.u32 $0xFFFFFF80, v56;
	v4 =	vld.idx.msk [tilespmem:v4+s17+$0x0], $0xffff  }
0x7a: {  	v6 =	vor.u32 v5, v6;
	_ =	sdelay $0x3  }
0x7b: {  	[tilespmem:v13+s25+$0x0] =	vst.idx.msk $0xffff, v4  }
0x7c: {  	v4 =	vld.idx.msk [tilespmem:v6+s3+$0x0], $0xffff;
	_ =	sdelay $0x4  }
0x7d: {  	v4 =	vshrl.u32 v4, $0x18  }
0x7e: {  	v4 =	vand.u32 $0x3, v4  }
0x7f: {  	v57 =	vshll.u32 v4, $0xA  }
0x80: {  	v6 =	vadd.s32 v3, v57  }
0x81: {  	v6 =	vand.u32 $0xFFFFFF80, v6  }
0x82: {  	v5 =	vor.u32 v5, v6;
	_ =	sdelay $0x1  }
0x83: {  	v14 =	vld [tilespmem:$0x1FC90];
	v4 =	vshll.u32 v4, $0x8;
	v3 =	vshra.s32 v3, $0x2  }
0x84: {  	v4 =	vadd.s32 v3, v4  }
0x85: {  	v58 =	vadd.s32 v2, v4  }
0x86: {  	v3 =	vand.u32 $0x7F, v3;
	v6 =	vand.u32 $0xFFFFFF80, v58;
	v5 =	vld.idx.msk [tilespmem:v5+s17+$0x0], $0xffff  }
0x87: {  	v6 =	vor.u32 v3, v6;
	_ =	sdelay $0x3  }
0x88: {  	[tilespmem:v14+s25+$0x0] =	vst.idx.msk $0xffff, v5  }
0x89: {  	v5 =	vld.idx.msk [tilespmem:v6+s3+$0x0], $0xffff;
	_ =	sdelay $0x4  }
0x8a: {  	v5 =	vshrl.u32 v5, $0x16  }
0x8b: {  	v5 =	vand.u32 $0x3, v5  }
0x8c: {  	v59 =	vshll.u32 v5, $0xA  }
0x8d: {  	v6 =	vadd.s32 v4, v59  }
0x8e: {  	v6 =	vand.u32 $0xFFFFFF80, v6  }
0x8f: {  	v3 =	vor.u32 v3, v6;
	_ =	sdelay $0x1  }
0x90: {  	v15 =	vld [tilespmem:$0x1FCA0];
	v5 =	vshll.u32 v5, $0x8;
	v4 =	vshra.s32 v4, $0x2  }
0x91: {  	v5 =	vadd.s32 v4, v5  }
0x92: {  	v60 =	vadd.s32 v2, v5  }
0x93: {  	v4 =	vand.u32 $0x7F, v4;
	v6 =	vand.u32 $0xFFFFFF80, v60;
	v3 =	vld.idx.msk [tilespmem:v3+s17+$0x0], $0xffff  }
0x94: {  	v6 =	vor.u32 v4, v6;
	_ =	sdelay $0x3  }
0x95: {  	[tilespmem:v15+s25+$0x0] =	vst.idx.msk $0xffff, v3  }
0x96: {  	v3 =	vld.idx.msk [tilespmem:v6+s3+$0x0], $0xffff;
	_ =	sdelay $0x4  }
0x97: {  	v3 =	vshrl.u32 v3, $0x14  }
0x98: {  	v3 =	vand.u32 $0x3, v3  }
0x99: {  	v61 =	vshll.u32 v3, $0xA  }
0x9a: {  	v6 =	vadd.s32 v5, v61  }
0x9b: {  	v6 =	vand.u32 $0xFFFFFF80, v6  }
0x9c: {  	v4 =	vor.u32 v4, v6;
	_ =	sdelay $0x1  }
0x9d: {  	v16 =	vld [tilespmem:$0x1FCB0];
	v3 =	vshll.u32 v3, $0x8;
	v5 =	vshra.s32 v5, $0x2  }
0x9e: {  	v3 =	vadd.s32 v5, v3  }
0x9f: {  	v62 =	vadd.s32 v2, v3  }
0xa0: {  	v5 =	vand.u32 $0x7F, v5;
	v6 =	vand.u32 $0xFFFFFF80, v62;
	v4 =	vld.idx.msk [tilespmem:v4+s17+$0x0], $0xffff  }
0xa1: {  	v6 =	vor.u32 v5, v6;
	_ =	sdelay $0x3  }
0xa2: {  	[tilespmem:v16+s25+$0x0] =	vst.idx.msk $0xffff, v4  }
0xa3: {  	v4 =	vld.idx.msk [tilespmem:v6+s3+$0x0], $0xffff;
	_ =	sdelay $0x4  }
0xa4: {  	v4 =	vshrl.u32 v4, $0x12  }
0xa5: {  	v4 =	vand.u32 $0x3, v4  }
0xa6: {  	v63 =	vshll.u32 v4, $0xA  }
0xa7: {  	v6 =	vadd.s32 v3, v63  }
0xa8: {  	v6 =	vand.u32 $0xFFFFFF80, v6  }
0xa9: {  	v5 =	vor.u32 v5, v6;
	_ =	sdelay $0x1  }
0xaa: {  	v17 =	vld [tilespmem:$0x1FCC0];
	v4 =	vshll.u32 v4, $0x8;
	v3 =	vshra.s32 v3, $0x2  }
0xab: {  	v4 =	vadd.s32 v3, v4  }
0xac: {  	v9 =	vadd.s32 v2, v4  }
0xad: {  	v3 =	vand.u32 $0x7F, v3;
	v6 =	vand.u32 $0xFFFFFF80, v9;
	v5 =	vld.idx.msk [tilespmem:v5+s17+$0x0], $0xffff  }
0xae: {  	v6 =	vor.u32 v3, v6;
	_ =	sdelay $0x3  }
0xaf: {  	[tilespmem:v17+s25+$0x0] =	vst.idx.msk $0xffff, v5  }
0xb0: {  	v5 =	vld.idx.msk [tilespmem:v6+s3+$0x0], $0xffff;
	_ =	sdelay $0x4  }
0xb1: {  	v5 =	vshrl.u32 v5, $0x10  }
0xb2: {  	v5 =	vand.u32 $0x3, v5  }
0xb3: {  	v10 =	vshll.u32 v5, $0xA  }
0xb4: {  	v6 =	vadd.s32 v4, v10  }
0xb5: {  	v6 =	vand.u32 $0xFFFFFF80, v6  }
0xb6: {  	v3 =	vor.u32 v3, v6;
	_ =	sdelay $0x1  }
0xb7: {  	v18 =	vld [tilespmem:$0x1FCD0];
	v5 =	vshll.u32 v5, $0x8;
	v4 =	vshra.s32 v4, $0x2  }
0xb8: {  	v5 =	vadd.s32 v4, v5  }
0xb9: {  	v21 =	vadd.s32 v2, v5  }
0xba: {  	v4 =	vand.u32 $0x7F, v4;
	v6 =	vand.u32 $0xFFFFFF80, v21;
	v3 =	vld.idx.msk [tilespmem:v3+s17+$0x0], $0xffff  }
0xbb: {  	v6 =	vor.u32 v4, v6;
	_ =	sdelay $0x3  }
0xbc: {  	[tilespmem:v18+s25+$0x0] =	vst.idx.msk $0xffff, v3  }
0xbd: {  	v3 =	vld.idx.msk [tilespmem:v6+s3+$0x0], $0xffff;
	_ =	sdelay $0x4  }
0xbe: {  	v3 =	vshrl.u32 v3, $0xE  }
0xbf: {  	v3 =	vand.u32 $0x3, v3  }
0xc0: {  	v22 =	vshll.u32 v3, $0xA  }
0xc1: {  	v6 =	vadd.s32 v5, v22  }
0xc2: {  	v6 =	vand.u32 $0xFFFFFF80, v6  }
0xc3: {  	v4 =	vor.u32 v4, v6;
	_ =	sdelay $0x1  }
0xc4: {  	v20 =	vld [tilespmem:$0x1FCE0];
	v3 =	vshll.u32 v3, $0x8;
	v5 =	vshra.s32 v5, $0x2  }
0xc5: {  	v3 =	vadd.s32 v5, v3  }
0xc6: {  	v23 =	vadd.s32 v2, v3  }
0xc7: {  	v5 =	vand.u32 $0x7F, v5;
	v6 =	vand.u32 $0xFFFFFF80, v23;
	v4 =	vld.idx.msk [tilespmem:v4+s17+$0x0], $0xffff  }
0xc8: {  	v6 =	vor.u32 v5, v6;
	_ =	sdelay $0x3  }
0xc9: {  	[tilespmem:v20+s25+$0x0] =	vst.idx.msk $0xffff, v4  }
0xca: {  	v4 =	vld.idx.msk [tilespmem:v6+s3+$0x0], $0xffff;
	_ =	sdelay $0x4  }
0xcb: {  	v4 =	vshrl.u32 v4, $0xC  }
0xcc: {  	v4 =	vand.u32 $0x3, v4  }
0xcd: {  	v24 =	vshll.u32 v4, $0xA  }
0xce: {  	v6 =	vadd.s32 v3, v24  }
0xcf: {  	v6 =	vand.u32 $0xFFFFFF80, v6  }
0xd0: {  	v5 =	vor.u32 v5, v6;
	_ =	sdelay $0x1  }
0xd1: {  	v21 =	vld [tilespmem:$0x1FCF0];
	v4 =	vshll.u32 v4, $0x8;
	v3 =	vshra.s32 v3, $0x2  }
0xd2: {  	v4 =	vadd.s32 v3, v4  }
0xd3: {  	v25 =	vadd.s32 v2, v4  }
0xd4: {  	v3 =	vand.u32 $0x7F, v3;
	v6 =	vand.u32 $0xFFFFFF80, v25;
	v5 =	vld.idx.msk [tilespmem:v5+s17+$0x0], $0xffff  }
0xd5: {  	v6 =	vor.u32 v3, v6;
	_ =	sdelay $0x3  }
0xd6: {  	[tilespmem:v21+s25+$0x0] =	vst.idx.msk $0xffff, v5  }
0xd7: {  	v5 =	vld.idx.msk [tilespmem:v6+s3+$0x0], $0xffff;
	_ =	sdelay $0x4  }
0xd8: {  	v5 =	vshrl.u32 v5, $0xA  }
0xd9: {  	v5 =	vand.u32 $0x3, v5  }
0xda: {  	v26 =	vshll.u32 v5, $0xA  }
0xdb: {  	v6 =	vadd.s32 v4, v26  }
0xdc: {  	v6 =	vand.u32 $0xFFFFFF80, v6  }
0xdd: {  	v3 =	vor.u32 v3, v6;
	_ =	sdelay $0x1  }
0xde: {  	v22 =	vld [tilespmem:$0x1FD00];
	v5 =	vshll.u32 v5, $0x8;
	v4 =	vshra.s32 v4, $0x2  }
0xdf: {  	v5 =	vadd.s32 v4, v5  }
0xe0: {  	v27 =	vadd.s32 v2, v5  }
0xe1: {  	v4 =	vand.u32 $0x7F, v4;
	v6 =	vand.u32 $0xFFFFFF80, v27;
	v3 =	vld.idx.msk [tilespmem:v3+s17+$0x0], $0xffff  }
0xe2: {  	v6 =	vor.u32 v4, v6;
	_ =	sdelay $0x3  }
0xe3: {  	[tilespmem:v22+s25+$0x0] =	vst.idx.msk $0xffff, v3  }
0xe4: {  	v3 =	vld.idx.msk [tilespmem:v6+s3+$0x0], $0xffff;
	_ =	sdelay $0x4  }
0xe5: {  	v3 =	vshrl.u32 v3, $0x8  }
0xe6: {  	v3 =	vand.u32 $0x3, v3  }
0xe7: {  	v28 =	vshll.u32 v3, $0xA  }
0xe8: {  	v6 =	vadd.s32 v5, v28  }
0xe9: {  	v6 =	vand.u32 $0xFFFFFF80, v6  }
0xea: {  	v4 =	vor.u32 v4, v6;
	_ =	sdelay $0x1  }
0xeb: {  	v23 =	vld [tilespmem:$0x1FD10];
	v3 =	vshll.u32 v3, $0x8;
	v5 =	vshra.s32 v5, $0x2  }
0xec: {  	v3 =	vadd.s32 v5, v3  }
0xed: {  	v29 =	vadd.s32 v2, v3  }
0xee: {  	v5 =	vand.u32 $0x7F, v5;
	v6 =	vand.u32 $0xFFFFFF80, v29;
	v4 =	vld.idx.msk [tilespmem:v4+s17+$0x0], $0xffff  }
0xef: {  	v6 =	vor.u32 v5, v6;
	_ =	sdelay $0x3  }
0xf0: {  	[tilespmem:v23+s25+$0x0] =	vst.idx.msk $0xffff, v4  }
0xf1: {  	v4 =	vld.idx.msk [tilespmem:v6+s3+$0x0], $0xffff;
	_ =	sdelay $0x4  }
0xf2: {  	v4 =	vshrl.u32 v4, $0x6  }
0xf3: {  	v4 =	vand.u32 $0x3, v4  }
0xf4: {  	v30 =	vshll.u32 v4, $0xA  }
0xf5: {  	v6 =	vadd.s32 v3, v30  }
0xf6: {  	v6 =	vand.u32 $0xFFFFFF80, v6  }
0xf7: {  	v5 =	vor.u32 v5, v6;
	_ =	sdelay $0x1  }
0xf8: {  	v24 =	vld [tilespmem:$0x1FD20];
	v4 =	vshll.u32 v4, $0x8;
	v3 =	vshra.s32 v3, $0x2  }
0xf9: {  	v4 =	vadd.s32 v3, v4  }
0xfa: {  	v31 =	vadd.s32 v2, v4  }
0xfb: {  	v3 =	vand.u32 $0x7F, v3;
	v6 =	vand.u32 $0xFFFFFF80, v31;
	v5 =	vld.idx.msk [tilespmem:v5+s17+$0x0], $0xffff  }
0xfc: {  	v6 =	vor.u32 v3, v6;
	_ =	sdelay $0x3  }
0xfd: {  	[tilespmem:v24+s25+$0x0] =	vst.idx.msk $0xffff, v5  }
0xfe: {  	v5 =	vld.idx.msk [tilespmem:v6+s3+$0x0], $0xffff;
	_ =	sdelay $0x4  }
0xff: {  	v5 =	vshrl.u32 v5, $0x4  }
0x100: {  	v5 =	vand.u32 $0x3, v5  }
0x101: {  	v32 =	vshll.u32 v5, $0xA  }
0x102: {  	v6 =	vadd.s32 v4, v32  }
0x103: {  	v6 =	vand.u32 $0xFFFFFF80, v6  }
0x104: {  	v3 =	vor.u32 v3, v6;
	_ =	sdelay $0x1  }
0x105: {  	v25 =	vld [tilespmem:$0x1FD30];
	v5 =	vshll.u32 v5, $0x8;
	v4 =	vshra.s32 v4, $0x2  }
0x106: {  	v5 =	vadd.s32 v4, v5  }
0x107: {  	v33 =	vadd.s32 v2, v5  }
0x108: {  	v4 =	vand.u32 $0x7F, v4;
	v6 =	vand.u32 $0xFFFFFF80, v33;
	v3 =	vld.idx.msk [tilespmem:v3+s17+$0x0], $0xffff  }
0x109: {  	v6 =	vor.u32 v4, v6;
	_ =	sdelay $0x3  }
0x10a: {  	[tilespmem:v25+s25+$0x0] =	vst.idx.msk $0xffff, v3  }
0x10b: {  	v3 =	vld.idx.msk [tilespmem:v6+s3+$0x0], $0xffff;
	_ =	sdelay $0x4  }
0x10c: {  	v3 =	vshrl.u32 v3, $0x2  }
0x10d: {  	v3 =	vand.u32 $0x3, v3  }
0x10e: {  	v34 =	vshll.u32 v3, $0xA  }
0x10f: {  	v6 =	vadd.s32 v5, v34  }
0x110: {  	v6 =	vand.u32 $0xFFFFFF80, v6  }
0x111: {  	v4 =	vor.u32 v4, v6;
	_ =	sdelay $0x1  }
0x112: {  	v26 =	vld [tilespmem:$0x1FD40];
	v3 =	vshll.u32 v3, $0x8;
	v5 =	vshra.s32 v5, $0x2  }
0x113: {  	v3 =	vadd.s32 v5, v3  }
0x114: {  	v35 =	vadd.s32 v2, v3  }
0x115: {  	v5 =	vand.u32 $0x7F, v5;
	v6 =	vand.u32 $0xFFFFFF80, v35;
	v4 =	vld.idx.msk [tilespmem:v4+s17+$0x0], $0xffff  }
0x116: {  	v6 =	vor.u32 v5, v6;
	_ =	sdelay $0x3  }
0x117: {  	[tilespmem:v26+s25+$0x0] =	vst.idx.msk $0xffff, v4  }
0x118: {  	v4 =	vld.idx.msk [tilespmem:v6+s3+$0x0], $0xffff;
	_ =	sdelay $0x4  }
0x119: {  	v4 =	vand.u32 $0x3, v4  }
0x11a: {  	v37 =	vshll.u32 v4, $0xA  }
0x11b: {  	v6 =	vadd.s32 v3, v37  }
0x11c: {  	v6 =	vand.u32 $0xFFFFFF80, v6  }
0x11d: {  	v5 =	vor.u32 v5, v6;
	_ =	sdelay $0x1  }
0x11e: {  	v27 =	vld [tilespmem:$0x1FD50];
	v4 =	vshll.u32 v4, $0x8;
	v3 =	vshra.s32 v3, $0x2  }
0x11f: {  	v4 =	vadd.s32 v4, v3  }
0x120: {  	v38 =	vadd.s32 v19, v4  }
0x121: {  	v3 =	vand.u32 $0x7F, v3;
	v6 =	vand.u32 $0xFFFFFF80, v38;
	v5 =	vld.idx.msk [tilespmem:v5+s17+$0x0], $0xffff  }
0x122: {  	v6 =	vor.u32 v3, v6;
	_ =	sdelay $0x3  }
0x123: {  	[tilespmem:v27+s25+$0x0] =	vst.idx.msk $0xffff, v5  }
0x124: {  	v5 =	vld.idx.msk [tilespmem:v6+s3+$0x0], $0xffff;
	_ =	sdelay $0x4  }
0x125: {  	v5 =	vshrl.u32 v5, $0x1E  }
0x126: {  	v39 =	vshll.u32 v5, $0xA  }
0x127: {  	v6 =	vadd.s32 v4, v39  }
0x128: {  	v6 =	vand.u32 $0xFFFFFF80, v6  }
0x129: {  	v3 =	vor.u32 v3, v6;
	_ =	sdelay $0x1  }
0x12a: {  	v28 =	vld [tilespmem:$0x1FD60];
	v5 =	vshll.u32 v5, $0x8;
	v4 =	vshra.s32 v4, $0x2  }
0x12b: {  	v5 =	vadd.s32 v4, v5  }
0x12c: {  	v40 =	vadd.s32 v19, v5  }
0x12d: {  	v4 =	vand.u32 $0x7F, v4;
	v6 =	vand.u32 $0xFFFFFF80, v40;
	v3 =	vld.idx.msk [tilespmem:v3+s17+$0x0], $0xffff  }
0x12e: {  	v6 =	vor.u32 v4, v6;
	_ =	sdelay $0x3  }
0x12f: {  	[tilespmem:v28+s25+$0x0] =	vst.idx.msk $0xffff, v3  }
0x130: {  	v3 =	vld.idx.msk [tilespmem:v6+s3+$0x0], $0xffff;
	_ =	sdelay $0x4  }
0x131: {  	v3 =	vshrl.u32 v3, $0x1C  }
0x132: {  	v3 =	vand.u32 $0x3, v3  }
0x133: {  	v41 =	vshll.u32 v3, $0xA  }
0x134: {  	v6 =	vadd.s32 v5, v41  }
0x135: {  	v6 =	vand.u32 $0xFFFFFF80, v6  }
0x136: {  	v4 =	vor.u32 v4, v6;
	_ =	sdelay $0x1  }
0x137: {  	v29 =	vld [tilespmem:$0x1FD70];
	v3 =	vshll.u32 v3, $0x8;
	v5 =	vshra.s32 v5, $0x2  }
0x138: {  	v3 =	vadd.s32 v5, v3  }
0x139: {  	v42 =	vadd.s32 v19, v3  }
0x13a: {  	v5 =	vand.u32 $0x7F, v5;
	v6 =	vand.u32 $0xFFFFFF80, v42;
	v4 =	vld.idx.msk [tilespmem:v4+s17+$0x0], $0xffff  }
0x13b: {  	v6 =	vor.u32 v5, v6;
	_ =	sdelay $0x3  }
0x13c: {  	[tilespmem:v29+s25+$0x0] =	vst.idx.msk $0xffff, v4  }
0x13d: {  	v4 =	vld.idx.msk [tilespmem:v6+s3+$0x0], $0xffff;
	_ =	sdelay $0x4  }
0x13e: {  	v4 =	vshrl.u32 v4, $0x1A  }
0x13f: {  	v4 =	vand.u32 $0x3, v4  }
0x140: {  	v43 =	vshll.u32 v4, $0xA  }
0x141: {  	v6 =	vadd.s32 v3, v43  }
0x142: {  	v6 =	vand.u32 $0xFFFFFF80, v6  }
0x143: {  	v5 =	vor.u32 v5, v6;
	_ =	sdelay $0x1  }
0x144: {  	v30 =	vld [tilespmem:$0x1FD80];
	v4 =	vshll.u32 v4, $0x8;
	v3 =	vshra.s32 v3, $0x2  }
0x145: {  	v4 =	vadd.s32 v3, v4  }
0x146: {  	v44 =	vadd.s32 v19, v4  }
0x147: {  	v3 =	vand.u32 $0x7F, v3;
	v6 =	vand.u32 $0xFFFFFF80, v44;
	v5 =	vld.idx.msk [tilespmem:v5+s17+$0x0], $0xffff  }
0x148: {  	v6 =	vor.u32 v3, v6;
	_ =	sdelay $0x3  }
0x149: {  	[tilespmem:v30+s25+$0x0] =	vst.idx.msk $0xffff, v5  }
0x14a: {  	v5 =	vld.idx.msk [tilespmem:v6+s3+$0x0], $0xffff;
	_ =	sdelay $0x4  }
0x14b: {  	v5 =	vshrl.u32 v5, $0x18  }
0x14c: {  	v5 =	vand.u32 $0x3, v5  }
0x14d: {  	v45 =	vshll.u32 v5, $0xA  }
0x14e: {  	v6 =	vadd.s32 v4, v45  }
0x14f: {  	v6 =	vand.u32 $0xFFFFFF80, v6  }
0x150: {  	v3 =	vor.u32 v3, v6;
	_ =	sdelay $0x1  }
0x151: {  	v31 =	vld [tilespmem:$0x1FD90];
	v5 =	vshll.u32 v5, $0x8;
	v4 =	vshra.s32 v4, $0x2  }
0x152: {  	v5 =	vadd.s32 v4, v5  }
0x153: {  	v46 =	vadd.s32 v19, v5  }
0x154: {  	v4 =	vand.u32 $0x7F, v4;
	v6 =	vand.u32 $0xFFFFFF80, v46;
	v3 =	vld.idx.msk [tilespmem:v3+s17+$0x0], $0xffff  }
0x155: {  	v6 =	vor.u32 v4, v6;
	_ =	sdelay $0x3  }
0x156: {  	[tilespmem:v31+s25+$0x0] =	vst.idx.msk $0xffff, v3  }
0x157: {  	v3 =	vld.idx.msk [tilespmem:v6+s3+$0x0], $0xffff;
	_ =	sdelay $0x4  }
0x158: {  	v3 =	vshrl.u32 v3, $0x16  }
0x159: {  	v3 =	vand.u32 $0x3, v3  }
0x15a: {  	v47 =	vshll.u32 v3, $0xA  }
0x15b: {  	v6 =	vadd.s32 v5, v47  }
0x15c: {  	v6 =	vand.u32 $0xFFFFFF80, v6  }
0x15d: {  	v4 =	vor.u32 v4, v6;
	_ =	sdelay $0x1  }
0x15e: {  	v32 =	vld [tilespmem:$0x1FDA0];
	v3 =	vshll.u32 v3, $0x8;
	v5 =	vshra.s32 v5, $0x2  }
0x15f: {  	v3 =	vadd.s32 v5, v3  }
0x160: {  	v48 =	vadd.s32 v19, v3  }
0x161: {  	v5 =	vand.u32 $0x7F, v5;
	v6 =	vand.u32 $0xFFFFFF80, v48;
	v4 =	vld.idx.msk [tilespmem:v4+s17+$0x0], $0xffff  }
0x162: {  	v6 =	vor.u32 v5, v6;
	_ =	sdelay $0x3  }
0x163: {  	[tilespmem:v32+s25+$0x0] =	vst.idx.msk $0xffff, v4  }
0x164: {  	v4 =	vld.idx.msk [tilespmem:v6+s3+$0x0], $0xffff;
	_ =	sdelay $0x4  }
0x165: {  	v4 =	vshrl.u32 v4, $0x14  }
0x166: {  	v4 =	vand.u32 $0x3, v4  }
0x167: {  	v49 =	vshll.u32 v4, $0xA  }
0x168: {  	v6 =	vadd.s32 v3, v49  }
0x169: {  	v6 =	vand.u32 $0xFFFFFF80, v6  }
0x16a: {  	v5 =	vor.u32 v5, v6;
	_ =	sdelay $0x1  }
0x16b: {  	v33 =	vld [tilespmem:$0x1FDB0];
	v4 =	vshll.u32 v4, $0x8;
	v3 =	vshra.s32 v3, $0x2  }
0x16c: {  	v4 =	vadd.s32 v3, v4  }
0x16d: {  	v50 =	vadd.s32 v19, v4  }
0x16e: {  	v3 =	vand.u32 $0x7F, v3;
	v6 =	vand.u32 $0xFFFFFF80, v50;
	v5 =	vld.idx.msk [tilespmem:v5+s17+$0x0], $0xffff  }
0x16f: {  	v6 =	vor.u32 v3, v6;
	_ =	sdelay $0x3  }
0x170: {  	[tilespmem:v33+s25+$0x0] =	vst.idx.msk $0xffff, v5  }
0x171: {  	v5 =	vld.idx.msk [tilespmem:v6+s3+$0x0], $0xffff;
	_ =	sdelay $0x4  }
0x172: {  	v5 =	vshrl.u32 v5, $0x12  }
0x173: {  	v5 =	vand.u32 $0x3, v5  }
0x174: {  	v51 =	vshll.u32 v5, $0xA  }
0x175: {  	v6 =	vadd.s32 v4, v51  }
0x176: {  	v6 =	vand.u32 $0xFFFFFF80, v6  }
0x177: {  	v3 =	vor.u32 v3, v6;
	_ =	sdelay $0x1  }
0x178: {  	v34 =	vld [tilespmem:$0x1FDC0];
	v5 =	vshll.u32 v5, $0x8;
	v4 =	vshra.s32 v4, $0x2  }
0x179: {  	v5 =	vadd.s32 v4, v5  }
0x17a: {  	v52 =	vadd.s32 v19, v5  }
0x17b: {  	v4 =	vand.u32 $0x7F, v4;
	v6 =	vand.u32 $0xFFFFFF80, v52;
	v3 =	vld.idx.msk [tilespmem:v3+s17+$0x0], $0xffff  }
0x17c: {  	v6 =	vor.u32 v4, v6;
	_ =	sdelay $0x3  }
0x17d: {  	[tilespmem:v34+s25+$0x0] =	vst.idx.msk $0xffff, v3  }
0x17e: {  	v3 =	vld.idx.msk [tilespmem:v6+s3+$0x0], $0xffff;
	_ =	sdelay $0x4  }
0x17f: {  	v3 =	vshrl.u32 v3, $0x10  }
0x180: {  	v3 =	vand.u32 $0x3, v3  }
0x181: {  	v53 =	vshll.u32 v3, $0xA  }
0x182: {  	v6 =	vadd.s32 v5, v53  }
0x183: {  	v6 =	vand.u32 $0xFFFFFF80, v6  }
0x184: {  	v4 =	vor.u32 v4, v6;
	_ =	sdelay $0x1  }
0x185: {  	v35 =	vld [tilespmem:$0x1FDD0];
	v3 =	vshll.u32 v3, $0x8;
	v5 =	vshra.s32 v5, $0x2  }
0x186: {  	v3 =	vadd.s32 v5, v3  }
0x187: {  	v54 =	vadd.s32 v19, v3  }
0x188: {  	v5 =	vand.u32 $0x7F, v5;
	v6 =	vand.u32 $0xFFFFFF80, v54;
	v4 =	vld.idx.msk [tilespmem:v4+s17+$0x0], $0xffff  }
0x189: {  	v6 =	vor.u32 v5, v6;
	_ =	sdelay $0x3  }
0x18a: {  	[tilespmem:v35+s25+$0x0] =	vst.idx.msk $0xffff, v4  }
0x18b: {  	v4 =	vld.idx.msk [tilespmem:v6+s3+$0x0], $0xffff;
	_ =	sdelay $0x4  }
0x18c: {  	v4 =	vshrl.u32 v4, $0xE  }
0x18d: {  	v4 =	vand.u32 $0x3, v4  }
0x18e: {  	v55 =	vshll.u32 v4, $0xA  }
0x18f: {  	v6 =	vadd.s32 v3, v55  }
0x190: {  	v6 =	vand.u32 $0xFFFFFF80, v6  }
0x191: {  	v5 =	vor.u32 v5, v6;
	_ =	sdelay $0x1  }
0x192: {  	v37 =	vld [tilespmem:$0x1FDE0];
	v4 =	vshll.u32 v4, $0x8;
	v3 =	vshra.s32 v3, $0x2  }
0x193: {  	v4 =	vadd.s32 v3, v4  }
0x194: {  	v56 =	vadd.s32 v19, v4  }
0x195: {  	v3 =	vand.u32 $0x7F, v3;
	v6 =	vand.u32 $0xFFFFFF80, v56;
	v5 =	vld.idx.msk [tilespmem:v5+s17+$0x0], $0xffff  }
0x196: {  	v6 =	vor.u32 v3, v6;
	_ =	sdelay $0x3  }
0x197: {  	[tilespmem:v37+s25+$0x0] =	vst.idx.msk $0xffff, v5  }
0x198: {  	v5 =	vld.idx.msk [tilespmem:v6+s3+$0x0], $0xffff;
	_ =	sdelay $0x4  }
0x199: {  	v5 =	vshrl.u32 v5, $0xC  }
0x19a: {  	v5 =	vand.u32 $0x3, v5  }
0x19b: {  	v57 =	vshll.u32 v5, $0xA  }
0x19c: {  	v6 =	vadd.s32 v4, v57  }
0x19d: {  	v6 =	vand.u32 $0xFFFFFF80, v6  }
0x19e: {  	v3 =	vor.u32 v3, v6;
	_ =	sdelay $0x1  }
0x19f: {  	v38 =	vld [tilespmem:$0x1FDF0];
	v5 =	vshll.u32 v5, $0x8;
	v4 =	vshra.s32 v4, $0x2  }
0x1a0: {  	v5 =	vadd.s32 v4, v5  }
0x1a1: {  	v58 =	vadd.s32 v19, v5  }
0x1a2: {  	v4 =	vand.u32 $0x7F, v4;
	v6 =	vand.u32 $0xFFFFFF80, v58;
	v3 =	vld.idx.msk [tilespmem:v3+s17+$0x0], $0xffff  }
0x1a3: {  	v6 =	vor.u32 v4, v6;
	_ =	sdelay $0x3  }
0x1a4: {  	[tilespmem:v38+s25+$0x0] =	vst.idx.msk $0xffff, v3  }
0x1a5: {  	v3 =	vld.idx.msk [tilespmem:v6+s3+$0x0], $0xffff;
	_ =	sdelay $0x4  }
0x1a6: {  	v3 =	vshrl.u32 v3, $0xA  }
0x1a7: {  	v3 =	vand.u32 $0x3, v3  }
0x1a8: {  	v59 =	vshll.u32 v3, $0xA  }
0x1a9: {  	v6 =	vadd.s32 v5, v59  }
0x1aa: {  	v6 =	vand.u32 $0xFFFFFF80, v6  }
0x1ab: {  	v4 =	vor.u32 v4, v6;
	_ =	sdelay $0x1  }
0x1ac: {  	v39 =	vld [tilespmem:$0x1FE00];
	v3 =	vshll.u32 v3, $0x8;
	v5 =	vshra.s32 v5, $0x2  }
0x1ad: {  	v3 =	vadd.s32 v5, v3  }
0x1ae: {  	v60 =	vadd.s32 v19, v3  }
0x1af: {  	v5 =	vand.u32 $0x7F, v5;
	v6 =	vand.u32 $0xFFFFFF80, v60;
	v4 =	vld.idx.msk [tilespmem:v4+s17+$0x0], $0xffff  }
0x1b0: {  	v6 =	vor.u32 v5, v6;
	_ =	sdelay $0x3  }
0x1b1: {  	[tilespmem:v39+s25+$0x0] =	vst.idx.msk $0xffff, v4  }
0x1b2: {  	v4 =	vld.idx.msk [tilespmem:v6+s3+$0x0], $0xffff;
	_ =	sdelay $0x4  }
0x1b3: {  	v4 =	vshrl.u32 v4, $0x8  }
0x1b4: {  	v4 =	vand.u32 $0x3, v4  }
0x1b5: {  	v61 =	vshll.u32 v4, $0xA  }
0x1b6: {  	v6 =	vadd.s32 v3, v61  }
0x1b7: {  	v6 =	vand.u32 $0xFFFFFF80, v6  }
0x1b8: {  	v5 =	vor.u32 v5, v6;
	_ =	sdelay $0x1  }
0x1b9: {  	v40 =	vld [tilespmem:$0x1FE10];
	v4 =	vshll.u32 v4, $0x8;
	v3 =	vshra.s32 v3, $0x2  }
0x1ba: {  	v4 =	vadd.s32 v3, v4  }
0x1bb: {  	v62 =	vadd.s32 v19, v4  }
0x1bc: {  	v3 =	vand.u32 $0x7F, v3;
	v6 =	vand.u32 $0xFFFFFF80, v62;
	v5 =	vld.idx.msk [tilespmem:v5+s17+$0x0], $0xffff  }
0x1bd: {  	v6 =	vor.u32 v3, v6;
	_ =	sdelay $0x3  }
0x1be: {  	[tilespmem:v40+s25+$0x0] =	vst.idx.msk $0xffff, v5  }
0x1bf: {  	v5 =	vld.idx.msk [tilespmem:v6+s3+$0x0], $0xffff;
	_ =	sdelay $0x4  }
0x1c0: {  	v5 =	vshrl.u32 v5, $0x6  }
0x1c1: {  	v5 =	vand.u32 $0x3, v5  }
0x1c2: {  	v63 =	vshll.u32 v5, $0xA  }
0x1c3: {  	v6 =	vadd.s32 v4, v63  }
0x1c4: {  	v6 =	vand.u32 $0xFFFFFF80, v6  }
0x1c5: {  	v3 =	vor.u32 v3, v6;
	_ =	sdelay $0x1  }
0x1c6: {  	v41 =	vld [tilespmem:$0x1FE20];
	v5 =	vshll.u32 v5, $0x8;
	v4 =	vshra.s32 v4, $0x2  }
0x1c7: {  	v5 =	vadd.s32 v4, v5  }
0x1c8: {  	v9 =	vadd.s32 v19, v5  }
0x1c9: {  	v4 =	vand.u32 $0x7F, v4;
	v6 =	vand.u32 $0xFFFFFF80, v9;
	v3 =	vld.idx.msk [tilespmem:v3+s17+$0x0], $0xffff  }
0x1ca: {  	v6 =	vor.u32 v4, v6;
	_ =	sdelay $0x3  }
0x1cb: {  	[tilespmem:v41+s25+$0x0] =	vst.idx.msk $0xffff, v3  }
0x1cc: {  	v3 =	vld.idx.msk [tilespmem:v6+s3+$0x0], $0xffff;
	_ =	sdelay $0x4  }
0x1cd: {  	v3 =	vshrl.u32 v3, $0x4  }
0x1ce: {  	v3 =	vand.u32 $0x3, v3  }
0x1cf: {  	v10 =	vshll.u32 v3, $0xA  }
0x1d0: {  	v6 =	vadd.s32 v5, v10  }
0x1d1: {  	v3 =	vshll.u32 v3, $0x8;
	v5 =	vshra.s32 v5, $0x2;
	v6 =	vand.u32 $0xFFFFFF80, v6  }
0x1d2: {  	v3 =	vadd.s32 v5, v3;
	v4 =	vor.u32 v4, v6  }
0x1d3: {  	v42 =	vadd.s32 v19, v3  }
0x1d4: {  	v6 =	vand.u32 $0xFFFFFF80, v42;
	v42 =	vld [tilespmem:$0x1FE30];
	_ =	sdelay $0x2  }
0x1d5: {  	v5 =	vand.u32 $0x7F, v5;
	v4 =	vld.idx.msk [tilespmem:v4+s17+$0x0], $0xffff  }
0x1d6: {  	v6 =	vor.u32 v5, v6;
	_ =	sdelay $0x3  }
0x1d7: {  	[tilespmem:v42+s25+$0x0] =	vst.idx.msk $0xffff, v4  }
0x1d8: {  	v4 =	vld.idx.msk [tilespmem:v6+s3+$0x0], $0xffff;
	_ =	sdelay $0x4  }
0x1d9: {  	v4 =	vshrl.u32 v4, $0x2  }
0x1da: {  	v4 =	vand.u32 $0x3, v4  }
0x1db: {  	v43 =	vshll.u32 v4, $0xA  }
0x1dc: {  	v6 =	vadd.s32 v3, v43  }
0x1dd: {  	v6 =	vand.u32 $0xFFFFFF80, v6  }
0x1de: {  	v5 =	vor.u32 v5, v6;
	_ =	sdelay $0x1  }
0x1df: {  	v4 =	vshll.u32 v4, $0x8;
	v3 =	vshra.s32 v3, $0x2;
	v43 =	vld [tilespmem:$0x1FE40]  }
0x1e0: {  	v4 =	vadd.s32 v3, v4  }
0x1e1: {  	v44 =	vadd.s32 v19, v4  }
0x1e2: {  	v3 =	vand.u32 $0x7F, v3;
	v6 =	vand.u32 $0xFFFFFF80, v44;
	v5 =	vld.idx.msk [tilespmem:v5+s17+$0x0], $0xffff  }
0x1e3: {  	v6 =	vor.u32 v3, v6;
	_ =	sdelay $0x3  }
0x1e4: {  	[tilespmem:v43+s25+$0x0] =	vst.idx.msk $0xffff, v5  }
0x1e5: {  	v5 =	vld.idx.msk [tilespmem:v6+s3+$0x0], $0xffff;
	_ =	sdelay $0x4  }
0x1e6: {  	v5 =	vand.u32 $0x3, v5  }
0x1e7: {  	v45 =	vshll.u32 v5, $0xA  }
0x1e8: {  	v6 =	vadd.s32 v4, v45  }
0x1e9: {  	v6 =	vand.u32 $0xFFFFFF80, v6  }
0x1ea: {  	v3 =	vor.u32 v3, v6;
	_ =	sdelay $0x1  }
0x1eb: {  	v44 =	vld [tilespmem:$0x1FE50];
	v5 =	vshll.u32 v5, $0x8;
	v4 =	vshra.s32 v4, $0x2  }
0x1ec: {  	v5 =	vadd.s32 v5, v4  }
0x1ed: {  	v46 =	vadd.s32 v36, v5  }
0x1ee: {  	v4 =	vand.u32 $0x7F, v4;
	v6 =	vand.u32 $0xFFFFFF80, v46;
	v3 =	vld.idx.msk [tilespmem:v3+s17+$0x0], $0xffff  }
0x1ef: {  	v6 =	vor.u32 v4, v6;
	_ =	sdelay $0x3  }
0x1f0: {  	[tilespmem:v44+s25+$0x0] =	vst.idx.msk $0xffff, v3  }
0x1f1: {  	v3 =	vld.idx.msk [tilespmem:v6+s3+$0x0], $0xffff;
	_ =	sdelay $0x4  }
0x1f2: {  	v3 =	vshrl.u32 v3, $0x1E  }
0x1f3: {  	v47 =	vshll.u32 v3, $0xA  }
0x1f4: {  	v6 =	vadd.s32 v5, v47  }
0x1f5: {  	v6 =	vand.u32 $0xFFFFFF80, v6  }
0x1f6: {  	v4 =	vor.u32 v4, v6;
	_ =	sdelay $0x1  }
0x1f7: {  	v45 =	vld [tilespmem:$0x1FE60];
	v3 =	vshll.u32 v3, $0x8;
	v5 =	vshra.s32 v5, $0x2  }
0x1f8: {  	v3 =	vadd.s32 v5, v3  }
0x1f9: {  	v48 =	vadd.s32 v36, v3  }
0x1fa: {  	v5 =	vand.u32 $0x7F, v5;
	v6 =	vand.u32 $0xFFFFFF80, v48;
	v4 =	vld.idx.msk [tilespmem:v4+s17+$0x0], $0xffff  }
0x1fb: {  	v6 =	vor.u32 v5, v6;
	_ =	sdelay $0x3  }
0x1fc: {  	[tilespmem:v45+s25+$0x0] =	vst.idx.msk $0xffff, v4  }
0x1fd: {  	v4 =	vld.idx.msk [tilespmem:v6+s3+$0x0], $0xffff;
	_ =	sdelay $0x4  }
0x1fe: {  	v4 =	vshrl.u32 v4, $0x1C  }
0x1ff: {  	v4 =	vand.u32 $0x3, v4  }
0x200: {  	v49 =	vshll.u32 v4, $0xA  }
0x201: {  	v6 =	vadd.s32 v3, v49  }
0x202: {  	v6 =	vand.u32 $0xFFFFFF80, v6  }
0x203: {  	v5 =	vor.u32 v5, v6;
	_ =	sdelay $0x1  }
0x204: {  	v46 =	vld [tilespmem:$0x1FE70];
	v4 =	vshll.u32 v4, $0x8;
	v3 =	vshra.s32 v3, $0x2  }
0x205: {  	v4 =	vadd.s32 v3, v4  }
0x206: {  	v50 =	vadd.s32 v36, v4  }
0x207: {  	v3 =	vand.u32 $0x7F, v3;
	v6 =	vand.u32 $0xFFFFFF80, v50;
	v5 =	vld.idx.msk [tilespmem:v5+s17+$0x0], $0xffff  }
0x208: {  	v6 =	vor.u32 v3, v6;
	_ =	sdelay $0x3  }
0x209: {  	[tilespmem:v46+s25+$0x0] =	vst.idx.msk $0xffff, v5  }
0x20a: {  	v5 =	vld.idx.msk [tilespmem:v6+s3+$0x0], $0xffff;
	_ =	sdelay $0x4  }
0x20b: {  	v5 =	vshrl.u32 v5, $0x1A  }
0x20c: {  	v5 =	vand.u32 $0x3, v5  }
0x20d: {  	v51 =	vshll.u32 v5, $0xA  }
0x20e: {  	v6 =	vadd.s32 v4, v51  }
0x20f: {  	v6 =	vand.u32 $0xFFFFFF80, v6  }
0x210: {  	v3 =	vor.u32 v3, v6;
	_ =	sdelay $0x1  }
0x211: {  	v47 =	vld [tilespmem:$0x1FE80];
	v5 =	vshll.u32 v5, $0x8;
	v4 =	vshra.s32 v4, $0x2  }
0x212: {  	v5 =	vadd.s32 v4, v5  }
0x213: {  	v52 =	vadd.s32 v36, v5  }
0x214: {  	v4 =	vand.u32 $0x7F, v4;
	v6 =	vand.u32 $0xFFFFFF80, v52;
	v3 =	vld.idx.msk [tilespmem:v3+s17+$0x0], $0xffff  }
0x215: {  	v6 =	vor.u32 v4, v6;
	_ =	sdelay $0x3  }
0x216: {  	[tilespmem:v47+s25+$0x0] =	vst.idx.msk $0xffff, v3  }
0x217: {  	v3 =	vld.idx.msk [tilespmem:v6+s3+$0x0], $0xffff;
	_ =	sdelay $0x4  }
0x218: {  	v3 =	vshrl.u32 v3, $0x18  }
0x219: {  	v3 =	vand.u32 $0x3, v3  }
0x21a: {  	v53 =	vshll.u32 v3, $0xA  }
0x21b: {  	v6 =	vadd.s32 v5, v53  }
0x21c: {  	v6 =	vand.u32 $0xFFFFFF80, v6  }
0x21d: {  	v4 =	vor.u32 v4, v6;
	_ =	sdelay $0x1  }
0x21e: {  	v48 =	vld [tilespmem:$0x1FE90];
	v3 =	vshll.u32 v3, $0x8;
	v5 =	vshra.s32 v5, $0x2  }
0x21f: {  	v3 =	vadd.s32 v5, v3  }
0x220: {  	v54 =	vadd.s32 v36, v3  }
0x221: {  	v5 =	vand.u32 $0x7F, v5;
	v6 =	vand.u32 $0xFFFFFF80, v54;
	v4 =	vld.idx.msk [tilespmem:v4+s17+$0x0], $0xffff  }
0x222: {  	v6 =	vor.u32 v5, v6;
	_ =	sdelay $0x3  }
0x223: {  	[tilespmem:v48+s25+$0x0] =	vst.idx.msk $0xffff, v4  }
0x224: {  	v4 =	vld.idx.msk [tilespmem:v6+s3+$0x0], $0xffff;
	_ =	sdelay $0x4  }
0x225: {  	v4 =	vshrl.u32 v4, $0x16  }
0x226: {  	v4 =	vand.u32 $0x3, v4  }
0x227: {  	v55 =	vshll.u32 v4, $0xA  }
0x228: {  	v6 =	vadd.s32 v3, v55  }
0x229: {  	v6 =	vand.u32 $0xFFFFFF80, v6  }
0x22a: {  	v5 =	vor.u32 v5, v6;
	_ =	sdelay $0x1  }
0x22b: {  	v49 =	vld [tilespmem:$0x1FEA0];
	v4 =	vshll.u32 v4, $0x8;
	v3 =	vshra.s32 v3, $0x2  }
0x22c: {  	v4 =	vadd.s32 v3, v4  }
0x22d: {  	v56 =	vadd.s32 v36, v4  }
0x22e: {  	v3 =	vand.u32 $0x7F, v3;
	v6 =	vand.u32 $0xFFFFFF80, v56;
	v5 =	vld.idx.msk [tilespmem:v5+s17+$0x0], $0xffff  }
0x22f: {  	v6 =	vor.u32 v3, v6;
	_ =	sdelay $0x3  }
0x230: {  	[tilespmem:v49+s25+$0x0] =	vst.idx.msk $0xffff, v5  }
0x231: {  	v5 =	vld.idx.msk [tilespmem:v6+s3+$0x0], $0xffff;
	_ =	sdelay $0x4  }
0x232: {  	v5 =	vshrl.u32 v5, $0x14  }
0x233: {  	v5 =	vand.u32 $0x3, v5  }
0x234: {  	v57 =	vshll.u32 v5, $0xA  }
0x235: {  	v6 =	vadd.s32 v4, v57  }
0x236: {  	v6 =	vand.u32 $0xFFFFFF80, v6  }
0x237: {  	v3 =	vor.u32 v3, v6;
	_ =	sdelay $0x1  }
0x238: {  	v50 =	vld [tilespmem:$0x1FEB0];
	v5 =	vshll.u32 v5, $0x8;
	v4 =	vshra.s32 v4, $0x2  }
0x239: {  	v5 =	vadd.s32 v4, v5  }
0x23a: {  	v58 =	vadd.s32 v36, v5  }
0x23b: {  	v4 =	vand.u32 $0x7F, v4;
	v6 =	vand.u32 $0xFFFFFF80, v58;
	v3 =	vld.idx.msk [tilespmem:v3+s17+$0x0], $0xffff  }
0x23c: {  	v6 =	vor.u32 v4, v6;
	_ =	sdelay $0x3  }
0x23d: {  	[tilespmem:v50+s25+$0x0] =	vst.idx.msk $0xffff, v3  }
0x23e: {  	v3 =	vld.idx.msk [tilespmem:v6+s3+$0x0], $0xffff;
	_ =	sdelay $0x4  }
0x23f: {  	v3 =	vshrl.u32 v3, $0x12  }
0x240: {  	v3 =	vand.u32 $0x3, v3  }
0x241: {  	v59 =	vshll.u32 v3, $0xA  }
0x242: {  	v6 =	vadd.s32 v5, v59  }
0x243: {  	v6 =	vand.u32 $0xFFFFFF80, v6  }
0x244: {  	v4 =	vor.u32 v4, v6;
	_ =	sdelay $0x1  }
0x245: {  	v51 =	vld [tilespmem:$0x1FEC0];
	v3 =	vshll.u32 v3, $0x8;
	v5 =	vshra.s32 v5, $0x2  }
0x246: {  	v3 =	vadd.s32 v5, v3  }
0x247: {  	v60 =	vadd.s32 v36, v3  }
0x248: {  	v5 =	vand.u32 $0x7F, v5;
	v6 =	vand.u32 $0xFFFFFF80, v60;
	v4 =	vld.idx.msk [tilespmem:v4+s17+$0x0], $0xffff  }
0x249: {  	v6 =	vor.u32 v5, v6;
	_ =	sdelay $0x3  }
0x24a: {  	[tilespmem:v51+s25+$0x0] =	vst.idx.msk $0xffff, v4  }
0x24b: {  	v4 =	vld.idx.msk [tilespmem:v6+s3+$0x0], $0xffff;
	_ =	sdelay $0x4  }
0x24c: {  	v4 =	vshrl.u32 v4, $0x10  }
0x24d: {  	v4 =	vand.u32 $0x3, v4  }
0x24e: {  	v61 =	vshll.u32 v4, $0xA  }
0x24f: {  	v6 =	vadd.s32 v3, v61  }
0x250: {  	v6 =	vand.u32 $0xFFFFFF80, v6  }
0x251: {  	v5 =	vor.u32 v5, v6;
	_ =	sdelay $0x1  }
0x252: {  	v52 =	vld [tilespmem:$0x1FED0];
	v4 =	vshll.u32 v4, $0x8;
	v3 =	vshra.s32 v3, $0x2  }
0x253: {  	v4 =	vadd.s32 v3, v4  }
0x254: {  	v62 =	vadd.s32 v36, v4  }
0x255: {  	v3 =	vand.u32 $0x7F, v3;
	v6 =	vand.u32 $0xFFFFFF80, v62;
	v5 =	vld.idx.msk [tilespmem:v5+s17+$0x0], $0xffff  }
0x256: {  	v6 =	vor.u32 v3, v6;
	_ =	sdelay $0x3  }
0x257: {  	[tilespmem:v52+s25+$0x0] =	vst.idx.msk $0xffff, v5  }
0x258: {  	v5 =	vld.idx.msk [tilespmem:v6+s3+$0x0], $0xffff;
	_ =	sdelay $0x4  }
0x259: {  	v5 =	vshrl.u32 v5, $0xE  }
0x25a: {  	v5 =	vand.u32 $0x3, v5  }
0x25b: {  	v63 =	vshll.u32 v5, $0xA  }
0x25c: {  	v6 =	vadd.s32 v4, v63  }
0x25d: {  	v6 =	vand.u32 $0xFFFFFF80, v6  }
0x25e: {  	v3 =	vor.u32 v3, v6;
	_ =	sdelay $0x1  }
0x25f: {  	v53 =	vld [tilespmem:$0x1FEE0];
	v5 =	vshll.u32 v5, $0x8;
	v4 =	vshra.s32 v4, $0x2  }
0x260: {  	v5 =	vadd.s32 v4, v5  }
0x261: {  	v9 =	vadd.s32 v36, v5  }
0x262: {  	v4 =	vand.u32 $0x7F, v4;
	v6 =	vand.u32 $0xFFFFFF80, v9;
	v3 =	vld.idx.msk [tilespmem:v3+s17+$0x0], $0xffff  }
0x263: {  	v6 =	vor.u32 v4, v6;
	_ =	sdelay $0x3  }
0x264: {  	[tilespmem:v53+s25+$0x0] =	vst.idx.msk $0xffff, v3  }
0x265: {  	v3 =	vld.idx.msk [tilespmem:v6+s3+$0x0], $0xffff;
	_ =	sdelay $0x4  }
0x266: {  	v3 =	vshrl.u32 v3, $0xC  }
0x267: {  	v3 =	vand.u32 $0x3, v3  }
0x268: {  	v10 =	vshll.u32 v3, $0xA  }
0x269: {  	v6 =	vadd.s32 v5, v10  }
0x26a: {  	v3 =	vshll.u32 v3, $0x8;
	v5 =	vshra.s32 v5, $0x2;
	v6 =	vand.u32 $0xFFFFFF80, v6  }
0x26b: {  	v3 =	vadd.s32 v5, v3;
	v4 =	vor.u32 v4, v6  }
0x26c: {  	v54 =	vadd.s32 v36, v3  }
0x26d: {  	v6 =	vand.u32 $0xFFFFFF80, v54;
	v54 =	vld [tilespmem:$0x1FEF0];
	_ =	sdelay $0x2  }
0x26e: {  	v5 =	vand.u32 $0x7F, v5;
	v4 =	vld.idx.msk [tilespmem:v4+s17+$0x0], $0xffff  }
0x26f: {  	v6 =	vor.u32 v5, v6;
	_ =	sdelay $0x3  }
0x270: {  	[tilespmem:v54+s25+$0x0] =	vst.idx.msk $0xffff, v4  }
0x271: {  	v4 =	vld.idx.msk [tilespmem:v6+s3+$0x0], $0xffff;
	_ =	sdelay $0x4  }
0x272: {  	v4 =	vshrl.u32 v4, $0xA  }
0x273: {  	v4 =	vand.u32 $0x3, v4  }
0x274: {  	v55 =	vshll.u32 v4, $0xA  }
0x275: {  	v6 =	vadd.s32 v3, v55  }
0x276: {  	v6 =	vand.u32 $0xFFFFFF80, v6  }
0x277: {  	v5 =	vor.u32 v5, v6;
	_ =	sdelay $0x1  }
0x278: {  	v4 =	vshll.u32 v4, $0x8;
	v3 =	vshra.s32 v3, $0x2;
	v55 =	vld [tilespmem:$0x1FF00]  }
0x279: {  	v4 =	vadd.s32 v3, v4  }
0x27a: {  	v56 =	vadd.s32 v36, v4  }
0x27b: {  	v3 =	vand.u32 $0x7F, v3;
	v6 =	vand.u32 $0xFFFFFF80, v56;
	v5 =	vld.idx.msk [tilespmem:v5+s17+$0x0], $0xffff  }
0x27c: {  	v6 =	vor.u32 v3, v6;
	_ =	sdelay $0x3  }
0x27d: {  	[tilespmem:v55+s25+$0x0] =	vst.idx.msk $0xffff, v5  }
0x27e: {  	v5 =	vld.idx.msk [tilespmem:v6+s3+$0x0], $0xffff;
	_ =	sdelay $0x4  }
0x27f: {  	v5 =	vshrl.u32 v5, $0x8  }
0x280: {  	v5 =	vand.u32 $0x3, v5  }
0x281: {  	v57 =	vshll.u32 v5, $0xA  }
0x282: {  	v6 =	vadd.s32 v4, v57  }
0x283: {  	v6 =	vand.u32 $0xFFFFFF80, v6  }
0x284: {  	v3 =	vor.u32 v3, v6;
	_ =	sdelay $0x1  }
0x285: {  	v56 =	vld [tilespmem:$0x1FF10];
	v5 =	vshll.u32 v5, $0x8;
	v4 =	vshra.s32 v4, $0x2  }
0x286: {  	v5 =	vadd.s32 v4, v5  }
0x287: {  	v58 =	vadd.s32 v36, v5  }
0x288: {  	v4 =	vand.u32 $0x7F, v4;
	v6 =	vand.u32 $0xFFFFFF80, v58;
	v3 =	vld.idx.msk [tilespmem:v3+s17+$0x0], $0xffff  }
0x289: {  	v6 =	vor.u32 v4, v6;
	_ =	sdelay $0x3  }
0x28a: {  	[tilespmem:v56+s25+$0x0] =	vst.idx.msk $0xffff, v3  }
0x28b: {  	v3 =	vld.idx.msk [tilespmem:v6+s3+$0x0], $0xffff;
	_ =	sdelay $0x4  }
0x28c: {  	v3 =	vshrl.u32 v3, $0x6  }
0x28d: {  	v3 =	vand.u32 $0x3, v3  }
0x28e: {  	v59 =	vshll.u32 v3, $0xA  }
0x28f: {  	v6 =	vadd.s32 v5, v59  }
0x290: {  	v6 =	vand.u32 $0xFFFFFF80, v6  }
0x291: {  	v4 =	vor.u32 v4, v6;
	_ =	sdelay $0x1  }
0x292: {  	v57 =	vld [tilespmem:$0x1FF20];
	v3 =	vshll.u32 v3, $0x8;
	v5 =	vshra.s32 v5, $0x2  }
0x293: {  	v3 =	vadd.s32 v5, v3  }
0x294: {  	v60 =	vadd.s32 v36, v3  }
0x295: {  	v5 =	vand.u32 $0x7F, v5;
	v6 =	vand.u32 $0xFFFFFF80, v60;
	v4 =	vld.idx.msk [tilespmem:v4+s17+$0x0], $0xffff  }
0x296: {  	v6 =	vor.u32 v5, v6;
	_ =	sdelay $0x3  }
0x297: {  	[tilespmem:v57+s25+$0x0] =	vst.idx.msk $0xffff, v4  }
0x298: {  	v4 =	vld.idx.msk [tilespmem:v6+s3+$0x0], $0xffff;
	_ =	sdelay $0x4  }
0x299: {  	v4 =	vshrl.u32 v4, $0x4  }
0x29a: {  	v4 =	vand.u32 $0x3, v4  }
0x29b: {  	v61 =	vshll.u32 v4, $0xA  }
0x29c: {  	v6 =	vadd.s32 v3, v61  }
0x29d: {  	v6 =	vand.u32 $0xFFFFFF80, v6  }
0x29e: {  	v5 =	vor.u32 v5, v6;
	_ =	sdelay $0x1  }
0x29f: {  	v58 =	vld [tilespmem:$0x1FF30];
	v4 =	vshll.u32 v4, $0x8;
	v3 =	vshra.s32 v3, $0x2  }
0x2a0: {  	v4 =	vadd.s32 v3, v4  }
0x2a1: {  	v62 =	vadd.s32 v36, v4  }
0x2a2: {  	v3 =	vand.u32 $0x7F, v3;
	v6 =	vand.u32 $0xFFFFFF80, v62;
	v5 =	vld.idx.msk [tilespmem:v5+s17+$0x0], $0xffff  }
0x2a3: {  	v6 =	vor.u32 v3, v6;
	_ =	sdelay $0x3  }
0x2a4: {  	[tilespmem:v58+s25+$0x0] =	vst.idx.msk $0xffff, v5  }
0x2a5: {  	v5 =	vld.idx.msk [tilespmem:v6+s3+$0x0], $0xffff;
	_ =	sdelay $0x4  }
0x2a6: {  	v5 =	vshrl.u32 v5, $0x2  }
0x2a7: {  	v5 =	vand.u32 $0x3, v5  }
0x2a8: {  	v63 =	vshll.u32 v5, $0xA  }
0x2a9: {  	v6 =	vadd.s32 v4, v63  }
0x2aa: {  	v6 =	vand.u32 $0xFFFFFF80, v6  }
0x2ab: {  	v3 =	vor.u32 v3, v6;
	_ =	sdelay $0x1  }
0x2ac: {  	v59 =	vld [tilespmem:$0x1FF40];
	v5 =	vshll.u32 v5, $0x8;
	v4 =	vshra.s32 v4, $0x2  }
0x2ad: {  	v5 =	vadd.s32 v4, v5  }
0x2ae: {  	v9 =	vadd.s32 v36, v5  }
0x2af: {  	v4 =	vand.u32 $0x7F, v4;
	v6 =	vand.u32 $0xFFFFFF80, v9;
	v3 =	vld.idx.msk [tilespmem:v3+s17+$0x0], $0xffff  }
0x2b0: {  	v6 =	vor.u32 v4, v6;
	_ =	sdelay $0x3  }
0x2b1: {  	[tilespmem:v59+s25+$0x0] =	vst.idx.msk $0xffff, v3  }
0x2b2: {  	v3 =	vld.idx.msk [tilespmem:v6+s3+$0x0], $0xffff;
	_ =	sdelay $0x4  }
0x2b3: {  	v3 =	vand.u32 $0x3, v3  }
0x2b4: {  	v10 =	vshll.u32 v3, $0xA  }
0x2b5: {  	v6 =	vadd.s32 v5, v10  }
0x2b6: {  	v3 =	vshll.u32 v3, $0x8;
	v5 =	vshra.s32 v5, $0x2;
	v6 =	vand.u32 $0xFFFFFF80, v6  }
0x2b7: {  	v3 =	vadd.s32 v3, v5;
	v4 =	vor.u32 v4, v6  }
0x2b8: {  	v60 =	vadd.s32 v0, v3  }
0x2b9: {  	v6 =	vand.u32 $0xFFFFFF80, v60;
	v60 =	vld [tilespmem:$0x1FF50];
	_ =	sdelay $0x2  }
0x2ba: {  	v5 =	vand.u32 $0x7F, v5;
	v4 =	vld.idx.msk [tilespmem:v4+s17+$0x0], $0xffff  }
0x2bb: {  	v6 =	vor.u32 v5, v6;
	_ =	sdelay $0x3  }
0x2bc: {  	[tilespmem:v60+s25+$0x0] =	vst.idx.msk $0xffff, v4  }
0x2bd: {  	v4 =	vld.idx.msk [tilespmem:v6+s3+$0x0], $0xffff;
	_ =	sdelay $0x4  }
0x2be: {  	v4 =	vshrl.u32 v4, $0x1E  }
0x2bf: {  	v61 =	vshll.u32 v4, $0xA  }
0x2c0: {  	v6 =	vadd.s32 v3, v61  }
0x2c1: {  	v6 =	vand.u32 $0xFFFFFF80, v6  }
0x2c2: {  	v5 =	vor.u32 v5, v6;
	_ =	sdelay $0x1  }
0x2c3: {  	v4 =	vshll.u32 v4, $0x8;
	v3 =	vshra.s32 v3, $0x2;
	v61 =	vld [tilespmem:$0x1FF60]  }
0x2c4: {  	v4 =	vadd.s32 v3, v4  }
0x2c5: {  	v62 =	vadd.s32 v0, v4  }
0x2c6: {  	v3 =	vand.u32 $0x7F, v3;
	v6 =	vand.u32 $0xFFFFFF80, v62;
	v5 =	vld.idx.msk [tilespmem:v5+s17+$0x0], $0xffff  }
0x2c7: {  	v6 =	vor.u32 v3, v6;
	_ =	sdelay $0x3  }
0x2c8: {  	[tilespmem:v61+s25+$0x0] =	vst.idx.msk $0xffff, v5  }
0x2c9: {  	v5 =	vld.idx.msk [tilespmem:v6+s3+$0x0], $0xffff;
	_ =	sdelay $0x4  }
0x2ca: {  	v5 =	vshrl.u32 v5, $0x1C  }
0x2cb: {  	v5 =	vand.u32 $0x3, v5  }
0x2cc: {  	v63 =	vshll.u32 v5, $0xA  }
0x2cd: {  	v6 =	vadd.s32 v4, v63  }
0x2ce: {  	v6 =	vand.u32 $0xFFFFFF80, v6  }
0x2cf: {  	v3 =	vor.u32 v3, v6;
	_ =	sdelay $0x1  }
0x2d0: {  	v62 =	vld [tilespmem:$0x1FF70];
	v5 =	vshll.u32 v5, $0x8;
	v4 =	vshra.s32 v4, $0x2  }
0x2d1: {  	v5 =	vadd.s32 v4, v5  }
0x2d2: {  	v9 =	vadd.s32 v0, v5  }
0x2d3: {  	v4 =	vand.u32 $0x7F, v4;
	v6 =	vand.u32 $0xFFFFFF80, v9;
	v3 =	vld.idx.msk [tilespmem:v3+s17+$0x0], $0xffff  }
0x2d4: {  	v6 =	vor.u32 v4, v6;
	_ =	sdelay $0x3  }
0x2d5: {  	[tilespmem:v62+s25+$0x0] =	vst.idx.msk $0xffff, v3  }
0x2d6: {  	v3 =	vld.idx.msk [tilespmem:v6+s3+$0x0], $0xffff;
	_ =	sdelay $0x4  }
0x2d7: {  	v3 =	vshrl.u32 v3, $0x1A  }
0x2d8: {  	v3 =	vand.u32 $0x3, v3  }
0x2d9: {  	v10 =	vshll.u32 v3, $0xA  }
0x2da: {  	v6 =	vadd.s32 v5, v10  }
0x2db: {  	v3 =	vshll.u32 v3, $0x8;
	v5 =	vshra.s32 v5, $0x2;
	v6 =	vand.u32 $0xFFFFFF80, v6  }
0x2dc: {  	v3 =	vadd.s32 v5, v3;
	v4 =	vor.u32 v4, v6  }
0x2dd: {  	v63 =	vadd.s32 v0, v3  }
0x2de: {  	v6 =	vand.u32 $0xFFFFFF80, v63;
	v63 =	vld [tilespmem:$0x1FF80];
	_ =	sdelay $0x2  }
0x2df: {  	v5 =	vand.u32 $0x7F, v5;
	v4 =	vld.idx.msk [tilespmem:v4+s17+$0x0], $0xffff  }
0x2e0: {  	v6 =	vor.u32 v5, v6;
	_ =	sdelay $0x3  }
0x2e1: {  	[tilespmem:v63+s25+$0x0] =	vst.idx.msk $0xffff, v4  }
0x2e2: {  	v4 =	vld.idx.msk [tilespmem:v6+s3+$0x0], $0xffff;
	_ =	sdelay $0x4  }
0x2e3: {  	v4 =	vshrl.u32 v4, $0x18  }
0x2e4: {  	v4 =	vand.u32 $0x3, v4  }
0x2e5: {  	v9 =	vshll.u32 v4, $0xA  }
0x2e6: {  	v6 =	vadd.s32 v3, v9  }
0x2e7: {  	v6 =	vand.u32 $0xFFFFFF80, v6  }
0x2e8: {  	v5 =	vor.u32 v5, v6;
	_ =	sdelay $0x1  }
0x2e9: {  	v7 =	vld [tilespmem:$0x1FF90];
	v4 =	vshll.u32 v4, $0x8;
	v3 =	vshra.s32 v3, $0x2  }
0x2ea: {  	v4 =	vadd.s32 v3, v4  }
0x2eb: {  	v10 =	vadd.s32 v0, v4  }
0x2ec: {  	v3 =	vand.u32 $0x7F, v3;
	v6 =	vand.u32 $0xFFFFFF80, v10;
	v5 =	vld.idx.msk [tilespmem:v5+s17+$0x0], $0xffff  }
0x2ed: {  	v6 =	vor.u32 v3, v6;
	_ =	sdelay $0x3  }
0x2ee: {  	[tilespmem:v7+s25+$0x0] =	vst.idx.msk $0xffff, v5  }
0x2ef: {  	v5 =	vld.idx.msk [tilespmem:v6+s3+$0x0], $0xffff;
	_ =	sdelay $0x4  }
0x2f0: {  	v5 =	vshrl.u32 v5, $0x16  }
0x2f1: {  	v5 =	vand.u32 $0x3, v5  }
0x2f2: {  	v9 =	vshll.u32 v5, $0xA  }
0x2f3: {  	v6 =	vadd.s32 v4, v9  }
0x2f4: {  	v6 =	vand.u32 $0xFFFFFF80, v6  }
0x2f5: {  	v3 =	vor.u32 v3, v6;
	_ =	sdelay $0x1  }
0x2f6: {  	v5 =	vshll.u32 v5, $0x8;
	v4 =	vshra.s32 v4, $0x2;
	v9 =	vld [tilespmem:$0x1FFA0]  }
0x2f7: {  	v5 =	vadd.s32 v4, v5  }
0x2f8: {  	v10 =	vadd.s32 v0, v5  }
0x2f9: {  	v4 =	vand.u32 $0x7F, v4;
	v6 =	vand.u32 $0xFFFFFF80, v10;
	v3 =	vld.idx.msk [tilespmem:v3+s17+$0x0], $0xffff  }
0x2fa: {  	v6 =	vor.u32 v4, v6;
	_ =	sdelay $0x3  }
0x2fb: {  	[tilespmem:v9+s25+$0x0] =	vst.idx.msk $0xffff, v3  }
0x2fc: {  	v3 =	vld.idx.msk [tilespmem:v6+s3+$0x0], $0xffff;
	_ =	sdelay $0x4  }
0x2fd: {  	v3 =	vshrl.u32 v3, $0x14  }
0x2fe: {  	v3 =	vand.u32 $0x3, v3  }
0x2ff: {  	v10 =	vshll.u32 v3, $0xA  }
0x300: {  	v6 =	vadd.s32 v5, v10  }
0x301: {  	v6 =	vand.u32 $0xFFFFFF80, v6  }
0x302: {  	v4 =	vor.u32 v4, v6;
	_ =	sdelay $0x1  }
0x303: {  	v3 =	vshll.u32 v3, $0x8;
	v5 =	vshra.s32 v5, $0x2;
	v10 =	vld [tilespmem:$0x1FFB0]  }
0x304: {  	v3 =	vadd.s32 v5, v3  }
0x305: {  	v9 =	vadd.s32 v0, v3  }
0x306: {  	v5 =	vand.u32 $0x7F, v5;
	v6 =	vand.u32 $0xFFFFFF80, v9;
	v4 =	vld.idx.msk [tilespmem:v4+s17+$0x0], $0xffff  }
0x307: {  	v6 =	vor.u32 v5, v6;
	_ =	sdelay $0x3  }
0x308: {  	[tilespmem:v10+s25+$0x0] =	vst.idx.msk $0xffff, v4  }
0x309: {  	v4 =	vld.idx.msk [tilespmem:v6+s3+$0x0], $0xffff;
	_ =	sdelay $0x4  }
0x30a: {  	v4 =	vshrl.u32 v4, $0x12  }
0x30b: {  	v4 =	vand.u32 $0x3, v4  }
0x30c: {  	v9 =	vshll.u32 v4, $0xA  }
0x30d: {  	v6 =	vadd.s32 v3, v9  }
0x30e: {  	v6 =	vand.u32 $0xFFFFFF80, v6  }
0x30f: {  	v5 =	vor.u32 v5, v6;
	_ =	sdelay $0x1  }
0x310: {  	v4 =	vshll.u32 v4, $0x8;
	v3 =	vshra.s32 v3, $0x2;
	v9 =	vld [tilespmem:$0x1FFC0]  }
0x311: {  	v4 =	vadd.s32 v3, v4  }
0x312: {  	v10 =	vadd.s32 v0, v4  }
0x313: {  	v3 =	vand.u32 $0x7F, v3;
	v6 =	vand.u32 $0xFFFFFF80, v10;
	v5 =	vld.idx.msk [tilespmem:v5+s17+$0x0], $0xffff  }
0x314: {  	v6 =	vor.u32 v3, v6;
	_ =	sdelay $0x3  }
0x315: {  	[tilespmem:v9+s25+$0x0] =	vst.idx.msk $0xffff, v5  }
0x316: {  	v5 =	vld.idx.msk [tilespmem:v6+s3+$0x0], $0xffff;
	_ =	sdelay $0x4  }
0x317: {  	v5 =	vshrl.u32 v5, $0x10  }
0x318: {  	v5 =	vand.u32 $0x3, v5  }
0x319: {  	v10 =	vshll.u32 v5, $0xA  }
0x31a: {  	v6 =	vadd.s32 v4, v10  }
0x31b: {  	v6 =	vand.u32 $0xFFFFFF80, v6  }
0x31c: {  	v3 =	vor.u32 v3, v6;
	_ =	sdelay $0x1  }
0x31d: {  	v5 =	vshll.u32 v5, $0x8;
	v4 =	vshra.s32 v4, $0x2;
	v10 =	vld [tilespmem:$0x1FFD0]  }
0x31e: {  	v5 =	vadd.s32 v4, v5  }
0x31f: {  	v9 =	vadd.s32 v0, v5  }
0x320: {  	v4 =	vand.u32 $0x7F, v4;
	v6 =	vand.u32 $0xFFFFFF80, v9;
	v3 =	vld.idx.msk [tilespmem:v3+s17+$0x0], $0xffff  }
0x321: {  	v6 =	vor.u32 v4, v6;
	_ =	sdelay $0x3  }
0x322: {  	[tilespmem:v10+s25+$0x0] =	vst.idx.msk $0xffff, v3  }
0x323: {  	v3 =	vld.idx.msk [tilespmem:v6+s3+$0x0], $0xffff;
	_ =	sdelay $0x4  }
0x324: {  	v3 =	vshrl.u32 v3, $0xE  }
0x325: {  	v3 =	vand.u32 $0x3, v3  }
0x326: {  	v9 =	vshll.u32 v3, $0xA  }
0x327: {  	v6 =	vadd.s32 v5, v9  }
0x328: {  	v6 =	vand.u32 $0xFFFFFF80, v6  }
0x329: {  	v4 =	vor.u32 v4, v6;
	_ =	sdelay $0x1  }
0x32a: {  	v3 =	vshll.u32 v3, $0x8;
	v5 =	vshra.s32 v5, $0x2;
	v9 =	vld [tilespmem:$0x1FFE0]  }
0x32b: {  	v3 =	vadd.s32 v5, v3  }
0x32c: {  	v10 =	vadd.s32 v0, v3  }
0x32d: {  	v5 =	vand.u32 $0x7F, v5;
	v6 =	vand.u32 $0xFFFFFF80, v10;
	v4 =	vld.idx.msk [tilespmem:v4+s17+$0x0], $0xffff  }
0x32e: {  	v6 =	vor.u32 v5, v6;
	_ =	sdelay $0x3  }
0x32f: {  	[tilespmem:v9+s25+$0x0] =	vst.idx.msk $0xffff, v4  }
0x330: {  	v4 =	vld.idx.msk [tilespmem:v6+s3+$0x0], $0xffff;
	_ =	sdelay $0x4  }
0x331: {  	v4 =	vshrl.u32 v4, $0xC  }
0x332: {  	v4 =	vand.u32 $0x3, v4  }
0x333: {  	v10 =	vshll.u32 v4, $0xA  }
0x334: {  	v6 =	vadd.s32 v3, v10  }
0x335: {  	v6 =	vand.u32 $0xFFFFFF80, v6  }
0x336: {  	v5 =	vor.u32 v5, v6;
	_ =	sdelay $0x1  }
0x337: {  	v4 =	vshll.u32 v4, $0x8;
	v3 =	vshra.s32 v3, $0x2;
	v10 =	vld [tilespmem:$0x1FFF0]  }
0x338: {  	v4 =	vadd.s32 v3, v4  }
0x339: {  	v9 =	vadd.s32 v0, v4  }
0x33a: {  	v3 =	vand.u32 $0x7F, v3;
	v6 =	vand.u32 $0xFFFFFF80, v9;
	v5 =	vld.idx.msk [tilespmem:v5+s17+$0x0], $0xffff  }
0x33b: {  	v6 =	vor.u32 v3, v6;
	_ =	sdelay $0x3  }
0x33c: {  	[tilespmem:v10+s25+$0x0] =	vst.idx.msk $0xffff, v5  }
0x33d: {  	v5 =	vld.idx.msk [tilespmem:v6+s3+$0x0], $0xffff;
	_ =	sdelay $0x4  }
0x33e: {  	v5 =	vshrl.u32 v5, $0xA  }
0x33f: {  	v5 =	vand.u32 $0x3, v5  }
0x340: {  	v9 =	vshll.u32 v5, $0xA  }
0x341: {  	v6 =	vadd.s32 v4, v9  }
0x342: {  	v6 =	vand.u32 $0xFFFFFF80, v6  }
0x343: {  	v3 =	vor.u32 v3, v6;
	_ =	sdelay $0x1  }
0x344: {  	v5 =	vshll.u32 v5, $0x8;
	v4 =	vshra.s32 v4, $0x2  }
0x345: {  	v5 =	vadd.s32 v4, v5  }
0x346: {  	v10 =	vadd.s32 v0, v5  }
0x347: {  	v9 =	vor.u32 $0x5, v1;
	v4 =	vand.u32 $0x7F, v4;
	v6 =	vand.u32 $0xFFFFFF80, v10;
	v3 =	vld.idx.msk [tilespmem:v3+s17+$0x0], $0xffff  }
0x348: {  	v6 =	vor.u32 v4, v6;
	_ =	sdelay $0x3  }
0x349: {  	[tilespmem:v9+s25+$0x0] =	vst.idx.msk $0xffff, v3  }
0x34a: {  	v3 =	vld.idx.msk [tilespmem:v6+s3+$0x0], $0xffff;
	_ =	sdelay $0x4  }
0x34b: {  	v3 =	vshrl.u32 v3, $0x8  }
0x34c: {  	v3 =	vand.u32 $0x3, v3  }
0x34d: {  	v10 =	vshll.u32 v3, $0xA  }
0x34e: {  	v6 =	vadd.s32 v5, v10  }
0x34f: {  	v6 =	vand.u32 $0xFFFFFF80, v6  }
0x350: {  	v4 =	vor.u32 v4, v6;
	_ =	sdelay $0x1  }
0x351: {  	v3 =	vshll.u32 v3, $0x8;
	v5 =	vshra.s32 v5, $0x2  }
0x352: {  	v6 =	vadd.s32 v5, v3  }
0x353: {  	[tilespmem:$0x1FC50] =	vst v9;
	v9 =	vadd.s32 v0, v6  }
0x354: {  	v3 =	vor.u32 $0x4, v1;
	v5 =	vand.u32 $0x7F, v5;
	v7 =	vand.u32 $0xFFFFFF80, v9;
	v4 =	vld.idx.msk [tilespmem:v4+s17+$0x0], $0xffff  }
0x355: {  	v7 =	vor.u32 v5, v7;
	_ =	sdelay $0x3  }
0x356: {  	[tilespmem:v3+s25+$0x0] =	vst.idx.msk $0xffff, v4  }
0x357: {  	v4 =	vld.idx.msk [tilespmem:v7+s3+$0x0], $0xffff;
	_ =	sdelay $0x4  }
0x358: {  	v4 =	vshrl.u32 v4, $0x6  }
0x359: {  	v4 =	vand.u32 $0x3, v4  }
0x35a: {  	v10 =	vshll.u32 v4, $0xA  }
0x35b: {  	v7 =	vadd.s32 v6, v10  }
0x35c: {  	v7 =	vand.u32 $0xFFFFFF80, v7  }
0x35d: {  	v5 =	vor.u32 v5, v7;
	_ =	sdelay $0x1  }
0x35e: {  	v4 =	vshll.u32 v4, $0x8;
	v6 =	vshra.s32 v6, $0x2  }
0x35f: {  	v7 =	vadd.s32 v6, v4  }
0x360: {  	v8 =	vadd.s32 v0, v7  }
0x361: {  	v4 =	vor.u32 $0x3, v1;
	v6 =	vand.u32 $0x7F, v6;
	v8 =	vand.u32 $0xFFFFFF80, v8;
	v5 =	vld.idx.msk [tilespmem:v5+s17+$0x0], $0xffff  }
0x362: {  	v8 =	vor.u32 v6, v8;
	_ =	sdelay $0x3  }
0x363: {  	[tilespmem:v4+s25+$0x0] =	vst.idx.msk $0xffff, v5  }
0x364: {  	v5 =	vld.idx.msk [tilespmem:v8+s3+$0x0], $0xffff;
	_ =	sdelay $0x4  }
0x365: {  	v5 =	vshrl.u32 v5, $0x4  }
0x366: {  	v5 =	vand.u32 $0x3, v5  }
0x367: {  	v8 =	vshll.u32 v5, $0xA  }
0x368: {  	v8 =	vadd.s32 v7, v8  }
0x369: {  	v8 =	vand.u32 $0xFFFFFF80, v8  }
0x36a: {  	v6 =	vor.u32 v6, v8;
	_ =	sdelay $0x1  }
0x36b: {  	v5 =	vshll.u32 v5, $0x8;
	v7 =	vshra.s32 v7, $0x2  }
0x36c: {  	v8 =	vadd.s32 v7, v5  }
0x36d: {  	v9 =	vadd.s32 v0, v8  }
0x36e: {  	v5 =	vor.u32 $0x2, v1;
	v7 =	vand.u32 $0x7F, v7;
	v9 =	vand.u32 $0xFFFFFF80, v9;
	v6 =	vld.idx.msk [tilespmem:v6+s17+$0x0], $0xffff  }
0x36f: {  	v9 =	vor.u32 v7, v9;
	_ =	sdelay $0x3  }
0x370: {  	[tilespmem:v5+s25+$0x0] =	vst.idx.msk $0xffff, v6  }
0x371: {  	v6 =	vld.idx.msk [tilespmem:v9+s3+$0x0], $0xffff;
	_ =	sdelay $0x4  }
0x372: {  	v6 =	vshrl.u32 v6, $0x2  }
0x373: {  	v6 =	vand.u32 $0x3, v6  }
0x374: {  	v9 =	vshll.u32 v6, $0xA  }
0x375: {  	v9 =	vadd.s32 v8, v9  }
0x376: {  	v9 =	vand.u32 $0xFFFFFF80, v9  }
0x377: {  	v7 =	vor.u32 v7, v9;
	_ =	sdelay $0x1  }
0x378: {  	v6 =	vshll.u32 v6, $0x8;
	v8 =	vshra.s32 v8, $0x2  }
0x379: {  	v9 =	vadd.s32 v8, v6  }
0x37a: {  	v10 =	vadd.s32 v0, v9  }
0x37b: {  	v6 =	vor.u32 $0x1, v1;
	v8 =	vand.u32 $0x7F, v8;
	v10 =	vand.u32 $0xFFFFFF80, v10;
	v7 =	vld.idx.msk [tilespmem:v7+s17+$0x0], $0xffff  }
0x37c: {  	v8 =	vor.u32 v8, v10;
	_ =	sdelay $0x3  }
0x37d: {  	[tilespmem:v6+s25+$0x0] =	vst.idx.msk $0xffff, v7  }
0x37e: {  	v7 =	vld.idx.msk [tilespmem:v8+s3+$0x0], $0xffff;
	_ =	sdelay $0x4  }
0x37f: {  	v8 =	vshll.u32 v9, $0x2;
	v7 =	vand.u32 $0x3, v7  }
0x380: {  	v7 =	vor.u32 v7, v8;
	_ =	sdelay $0x4  }
0x381: {  	v7 =	vld.idx.msk [tilespmem:v7+s17+$0x0], $0xffff;
	_ =	sdelay $0x4  }
0x382: {  	[tilespmem:v1+s25+$0x0] =	vst.idx.msk $0xffff, v7  }
0x383: {  	[hbm4b:s9+s3] =	stream.linear.scatter [tilespmem:s25], [sflag:$0x1], $0x400, $0x38;
	[tilespmem:$0x11480] =	vst v63  }
0x384: {  	_ =	swait.ge [sflag:s18], $0x400  }
0x385: {  	[sflag:s18] =	ssyncset.done $0x0  }
0x386: {  	[sflag:s18] =	ssyncadd.s32 $0xFFFFFC00  }
0x387: {  	[tilespmem:s3], [sflag:$0x1] =	stream.strided.gather [hbm4b:s10+s19], $0x4000, s20, s19, $0x38;
	[tilespmem:$0x11480] =	vst v63  }
0x388: {  	_ =	swait.ge [sflag:s18], $0x4000  }
0x389: {  	[sflag:s18] =	ssyncset.done $0x0  }
0x38a: {  	[sflag:s18] =	ssyncadd.s32 $0xFFFFC000  }
0x38b: {  	[tilespmem:s21], [sflag:$0x1] =	stream.strided.gather [hbm4b:s11+s19], $0x4000, s20, s19, $0x38;
	[tilespmem:$0x11480] =	vst v63  }
0x38c: {  	_ =	swait.ge [sflag:s18], $0x4000  }
0x38d: {  	[sflag:s18] =	ssyncset.done $0x0  }
0x38e: {  	[sflag:s18] =	ssyncadd.s32 $0xFFFFC000  }
0x38f: {  	[tilespmem:s22], [sflag:$0x1] =	stream.strided.gather [hbm4b:s12+s19], $0x4000, s20, s19, $0x38;
	[tilespmem:$0x11480] =	vst v63  }
0x390: {  	_ =	swait.ge [sflag:s18], $0x4000  }
0x391: {  	[sflag:s18] =	ssyncset.done $0x0  }
0x392: {  	[sflag:s18] =	ssyncadd.s32 $0xFFFFC000  }
0x393: {  	[tilespmem:s23], [sflag:$0x1] =	stream.strided.gather [hbm4b:s13+s19], $0x4000, s20, s19, $0x38;
	[tilespmem:$0x11480] =	vst v63  }
0x394: {  	_ =	swait.ge [sflag:s18], $0x4000  }
0x395: {  	[sflag:s18] =	ssyncset.done $0x0  }
0x396: {  	[sflag:s18] =	ssyncadd.s32 $0xFFFFC000  }
0x397: {  	[tilespmem:s24], [sflag:$0x1] =	stream.linear.gather [hbm4b:s14+s3], $0x10, $0x38;
	[tilespmem:$0x11480] =	vst v63  }
0x398: {  	_ =	swait.ge [sflag:s18], $0x10  }
0x399: {  	[sflag:s18] =	ssyncset.done $0x0  }
0x39a: {  	[sflag:s18] =	ssyncadd.s32 $0xFFFFFFF0  }
0x39b: {  	v7 =	vld [tilespmem:$0x10000];
	_ =	sdelay $0x4  }
0x39c: {  	v8 =	vadd.s32 v2, v7;
	_ =	sdelay $0x4  }
0x39d: {  	v8 =	vld.idx.msk [tilespmem:v8+s3+$0x0], $0xffff;
	_ =	sdelay $0x4  }
0x39e: {  	v8 =	vshrl.u32 v8, $0x1E  }
0x39f: {  	v9 =	vshll.u32 v8, $0xA  }
0x3a0: {  	v9 =	vadd.s32 v7, v9;
	_ =	sdelay $0x1  }
0x3a1: {  	v8 =	vshll.u32 v8, $0x8;
	v7 =	vshra.s32 v7, $0x2  }
0x3a2: {  	v8 =	vadd.s32 v7, v8  }
0x3a3: {  	v10 =	vadd.s32 v2, v8  }
0x3a4: {  	v7 =	vand.u32 $0x7F, v7;
	v10 =	vand.u32 $0xFFFFFF80, v10;
	v9 =	vld.idx.msk [tilespmem:v9+s17+$0x0], $0xffff  }
0x3a5: {  	v10 =	vor.u32 v7, v10;
	_ =	sdelay $0x3  }
0x3a6: {  	[tilespmem:v11+s25+$0x0] =	vst.idx.msk $0xffff, v9  }
0x3a7: {  	v9 =	vld.idx.msk [tilespmem:v10+s3+$0x0], $0xffff;
	_ =	sdelay $0x4  }
0x3a8: {  	v9 =	vshrl.u32 v9, $0x1C  }
0x3a9: {  	v9 =	vand.u32 $0x3, v9  }
0x3aa: {  	v10 =	vshll.u32 v9, $0xA  }
0x3ab: {  	v10 =	vadd.s32 v8, v10  }
0x3ac: {  	v10 =	vand.u32 $0xFFFFFF80, v10  }
0x3ad: {  	v7 =	vor.u32 v7, v10;
	_ =	sdelay $0x1  }
0x3ae: {  	v9 =	vshll.u32 v9, $0x8;
	v8 =	vshra.s32 v8, $0x2  }
0x3af: {  	v9 =	vadd.s32 v8, v9  }
0x3b0: {  	v10 =	vadd.s32 v2, v9  }
0x3b1: {  	v8 =	vand.u32 $0x7F, v8;
	v10 =	vand.u32 $0xFFFFFF80, v10;
	v7 =	vld.idx.msk [tilespmem:v7+s17+$0x0], $0xffff  }
0x3b2: {  	v10 =	vor.u32 v8, v10;
	_ =	sdelay $0x3  }
0x3b3: {  	[tilespmem:v12+s25+$0x0] =	vst.idx.msk $0xffff, v7  }
0x3b4: {  	v7 =	vld.idx.msk [tilespmem:v10+s3+$0x0], $0xffff;
	_ =	sdelay $0x4  }
0x3b5: {  	v7 =	vshrl.u32 v7, $0x1A  }
0x3b6: {  	v7 =	vand.u32 $0x3, v7  }
0x3b7: {  	v12 =	vshll.u32 v7, $0xA  }
0x3b8: {  	v10 =	vadd.s32 v9, v12  }
0x3b9: {  	v10 =	vand.u32 $0xFFFFFF80, v10  }
0x3ba: {  	v8 =	vor.u32 v8, v10;
	_ =	sdelay $0x1  }
0x3bb: {  	v7 =	vshll.u32 v7, $0x8;
	v9 =	vshra.s32 v9, $0x2  }
0x3bc: {  	v7 =	vadd.s32 v9, v7  }
0x3bd: {  	v12 =	vadd.s32 v2, v7  }
0x3be: {  	v9 =	vand.u32 $0x7F, v9;
	v10 =	vand.u32 $0xFFFFFF80, v12;
	v8 =	vld.idx.msk [tilespmem:v8+s17+$0x0], $0xffff  }
0x3bf: {  	v10 =	vor.u32 v9, v10;
	_ =	sdelay $0x3  }
0x3c0: {  	[tilespmem:v13+s25+$0x0] =	vst.idx.msk $0xffff, v8  }
0x3c1: {  	v8 =	vld.idx.msk [tilespmem:v10+s3+$0x0], $0xffff;
	_ =	sdelay $0x4  }
0x3c2: {  	v8 =	vshrl.u32 v8, $0x18  }
0x3c3: {  	v8 =	vand.u32 $0x3, v8  }
0x3c4: {  	v12 =	vshll.u32 v8, $0xA  }
0x3c5: {  	v10 =	vadd.s32 v7, v12  }
0x3c6: {  	v10 =	vand.u32 $0xFFFFFF80, v10  }
0x3c7: {  	v9 =	vor.u32 v9, v10;
	_ =	sdelay $0x1  }
0x3c8: {  	v8 =	vshll.u32 v8, $0x8;
	v7 =	vshra.s32 v7, $0x2  }
0x3c9: {  	v8 =	vadd.s32 v7, v8  }
0x3ca: {  	v13 =	vadd.s32 v2, v8  }
0x3cb: {  	v7 =	vand.u32 $0x7F, v7;
	v10 =	vand.u32 $0xFFFFFF80, v13;
	v9 =	vld.idx.msk [tilespmem:v9+s17+$0x0], $0xffff  }
0x3cc: {  	v10 =	vor.u32 v7, v10;
	_ =	sdelay $0x3  }
0x3cd: {  	[tilespmem:v14+s25+$0x0] =	vst.idx.msk $0xffff, v9  }
0x3ce: {  	v9 =	vld.idx.msk [tilespmem:v10+s3+$0x0], $0xffff;
	_ =	sdelay $0x4  }
0x3cf: {  	v9 =	vshrl.u32 v9, $0x16  }
0x3d0: {  	v9 =	vand.u32 $0x3, v9  }
0x3d1: {  	v12 =	vshll.u32 v9, $0xA  }
0x3d2: {  	v10 =	vadd.s32 v8, v12  }
0x3d3: {  	v10 =	vand.u32 $0xFFFFFF80, v10  }
0x3d4: {  	v7 =	vor.u32 v7, v10;
	_ =	sdelay $0x1  }
0x3d5: {  	v9 =	vshll.u32 v9, $0x8;
	v8 =	vshra.s32 v8, $0x2  }
0x3d6: {  	v9 =	vadd.s32 v8, v9  }
0x3d7: {  	v13 =	vadd.s32 v2, v9  }
0x3d8: {  	v8 =	vand.u32 $0x7F, v8;
	v10 =	vand.u32 $0xFFFFFF80, v13;
	v7 =	vld.idx.msk [tilespmem:v7+s17+$0x0], $0xffff  }
0x3d9: {  	v10 =	vor.u32 v8, v10;
	_ =	sdelay $0x3  }
0x3da: {  	[tilespmem:v15+s25+$0x0] =	vst.idx.msk $0xffff, v7  }
0x3db: {  	v7 =	vld.idx.msk [tilespmem:v10+s3+$0x0], $0xffff;
	_ =	sdelay $0x4  }
0x3dc: {  	v7 =	vshrl.u32 v7, $0x14  }
0x3dd: {  	v7 =	vand.u32 $0x3, v7  }
0x3de: {  	v14 =	vshll.u32 v7, $0xA  }
0x3df: {  	v10 =	vadd.s32 v9, v14  }
0x3e0: {  	v10 =	vand.u32 $0xFFFFFF80, v10  }
0x3e1: {  	v8 =	vor.u32 v8, v10;
	_ =	sdelay $0x1  }
0x3e2: {  	v7 =	vshll.u32 v7, $0x8;
	v9 =	vshra.s32 v9, $0x2  }
0x3e3: {  	v7 =	vadd.s32 v9, v7  }
0x3e4: {  	v15 =	vadd.s32 v2, v7  }
0x3e5: {  	v9 =	vand.u32 $0x7F, v9;
	v10 =	vand.u32 $0xFFFFFF80, v15;
	v8 =	vld.idx.msk [tilespmem:v8+s17+$0x0], $0xffff  }
0x3e6: {  	v10 =	vor.u32 v9, v10;
	_ =	sdelay $0x3  }
0x3e7: {  	[tilespmem:v16+s25+$0x0] =	vst.idx.msk $0xffff, v8  }
0x3e8: {  	v8 =	vld.idx.msk [tilespmem:v10+s3+$0x0], $0xffff;
	_ =	sdelay $0x4  }
0x3e9: {  	v8 =	vshrl.u32 v8, $0x12  }
0x3ea: {  	v8 =	vand.u32 $0x3, v8  }
0x3eb: {  	v12 =	vshll.u32 v8, $0xA  }
0x3ec: {  	v10 =	vadd.s32 v7, v12  }
0x3ed: {  	v10 =	vand.u32 $0xFFFFFF80, v10  }
0x3ee: {  	v9 =	vor.u32 v9, v10;
	_ =	sdelay $0x1  }
0x3ef: {  	v8 =	vshll.u32 v8, $0x8;
	v7 =	vshra.s32 v7, $0x2  }
0x3f0: {  	v8 =	vadd.s32 v7, v8  }
0x3f1: {  	v13 =	vadd.s32 v2, v8  }
0x3f2: {  	v7 =	vand.u32 $0x7F, v7;
	v10 =	vand.u32 $0xFFFFFF80, v13;
	v9 =	vld.idx.msk [tilespmem:v9+s17+$0x0], $0xffff  }
0x3f3: {  	v10 =	vor.u32 v7, v10;
	_ =	sdelay $0x3  }
0x3f4: {  	[tilespmem:v17+s25+$0x0] =	vst.idx.msk $0xffff, v9  }
0x3f5: {  	v9 =	vld.idx.msk [tilespmem:v10+s3+$0x0], $0xffff;
	_ =	sdelay $0x4  }
0x3f6: {  	v9 =	vshrl.u32 v9, $0x10  }
0x3f7: {  	v9 =	vand.u32 $0x3, v9  }
0x3f8: {  	v14 =	vshll.u32 v9, $0xA  }
0x3f9: {  	v10 =	vadd.s32 v8, v14  }
0x3fa: {  	v10 =	vand.u32 $0xFFFFFF80, v10  }
0x3fb: {  	v7 =	vor.u32 v7, v10;
	_ =	sdelay $0x1  }
0x3fc: {  	v9 =	vshll.u32 v9, $0x8;
	v8 =	vshra.s32 v8, $0x2  }
0x3fd: {  	v9 =	vadd.s32 v8, v9  }
0x3fe: {  	v15 =	vadd.s32 v2, v9  }
0x3ff: {  	v8 =	vand.u32 $0x7F, v8;
	v10 =	vand.u32 $0xFFFFFF80, v15;
	v7 =	vld.idx.msk [tilespmem:v7+s17+$0x0], $0xffff  }
0x400: {  	v10 =	vor.u32 v8, v10;
	_ =	sdelay $0x3  }
0x401: {  	[tilespmem:v18+s25+$0x0] =	vst.idx.msk $0xffff, v7  }
0x402: {  	v7 =	vld.idx.msk [tilespmem:v10+s3+$0x0], $0xffff;
	_ =	sdelay $0x4  }
0x403: {  	v7 =	vshrl.u32 v7, $0xE  }
0x404: {  	v7 =	vand.u32 $0x3, v7  }
0x405: {  	v12 =	vshll.u32 v7, $0xA  }
0x406: {  	v10 =	vadd.s32 v9, v12  }
0x407: {  	v10 =	vand.u32 $0xFFFFFF80, v10  }
0x408: {  	v8 =	vor.u32 v8, v10;
	_ =	sdelay $0x1  }
0x409: {  	v7 =	vshll.u32 v7, $0x8;
	v9 =	vshra.s32 v9, $0x2  }
0x40a: {  	v7 =	vadd.s32 v9, v7  }
0x40b: {  	v13 =	vadd.s32 v2, v7  }
0x40c: {  	v9 =	vand.u32 $0x7F, v9;
	v10 =	vand.u32 $0xFFFFFF80, v13;
	v8 =	vld.idx.msk [tilespmem:v8+s17+$0x0], $0xffff  }
0x40d: {  	v10 =	vor.u32 v9, v10;
	_ =	sdelay $0x3  }
0x40e: {  	[tilespmem:v20+s25+$0x0] =	vst.idx.msk $0xffff, v8  }
0x40f: {  	v8 =	vld.idx.msk [tilespmem:v10+s3+$0x0], $0xffff;
	_ =	sdelay $0x4  }
0x410: {  	v8 =	vshrl.u32 v8, $0xC  }
0x411: {  	v8 =	vand.u32 $0x3, v8  }
0x412: {  	v14 =	vshll.u32 v8, $0xA  }
0x413: {  	v10 =	vadd.s32 v7, v14  }
0x414: {  	v10 =	vand.u32 $0xFFFFFF80, v10  }
0x415: {  	v9 =	vor.u32 v9, v10;
	_ =	sdelay $0x1  }
0x416: {  	v8 =	vshll.u32 v8, $0x8;
	v7 =	vshra.s32 v7, $0x2  }
0x417: {  	v8 =	vadd.s32 v7, v8  }
0x418: {  	v15 =	vadd.s32 v2, v8  }
0x419: {  	v7 =	vand.u32 $0x7F, v7;
	v10 =	vand.u32 $0xFFFFFF80, v15;
	v9 =	vld.idx.msk [tilespmem:v9+s17+$0x0], $0xffff  }
0x41a: {  	v10 =	vor.u32 v7, v10;
	_ =	sdelay $0x3  }
0x41b: {  	[tilespmem:v21+s25+$0x0] =	vst.idx.msk $0xffff, v9  }
0x41c: {  	v9 =	vld.idx.msk [tilespmem:v10+s3+$0x0], $0xffff;
	_ =	sdelay $0x4  }
0x41d: {  	v9 =	vshrl.u32 v9, $0xA  }
0x41e: {  	v9 =	vand.u32 $0x3, v9  }
0x41f: {  	v21 =	vshll.u32 v9, $0xA  }
0x420: {  	v10 =	vadd.s32 v8, v21  }
0x421: {  	v10 =	vand.u32 $0xFFFFFF80, v10  }
0x422: {  	v7 =	vor.u32 v7, v10;
	_ =	sdelay $0x1  }
0x423: {  	v9 =	vshll.u32 v9, $0x8;
	v8 =	vshra.s32 v8, $0x2  }
0x424: {  	v9 =	vadd.s32 v8, v9  }
0x425: {  	v12 =	vadd.s32 v2, v9  }
0x426: {  	v8 =	vand.u32 $0x7F, v8;
	v10 =	vand.u32 $0xFFFFFF80, v12;
	v7 =	vld.idx.msk [tilespmem:v7+s17+$0x0], $0xffff  }
0x427: {  	v10 =	vor.u32 v8, v10;
	_ =	sdelay $0x3  }
0x428: {  	[tilespmem:v22+s25+$0x0] =	vst.idx.msk $0xffff, v7  }
0x429: {  	v7 =	vld.idx.msk [tilespmem:v10+s3+$0x0], $0xffff;
	_ =	sdelay $0x4  }
0x42a: {  	v7 =	vshrl.u32 v7, $0x8  }
0x42b: {  	v7 =	vand.u32 $0x3, v7  }
0x42c: {  	v13 =	vshll.u32 v7, $0xA  }
0x42d: {  	v10 =	vadd.s32 v9, v13  }
0x42e: {  	v10 =	vand.u32 $0xFFFFFF80, v10  }
0x42f: {  	v8 =	vor.u32 v8, v10;
	_ =	sdelay $0x1  }
0x430: {  	v7 =	vshll.u32 v7, $0x8;
	v9 =	vshra.s32 v9, $0x2  }
0x431: {  	v7 =	vadd.s32 v9, v7  }
0x432: {  	v14 =	vadd.s32 v2, v7  }
0x433: {  	v9 =	vand.u32 $0x7F, v9;
	v10 =	vand.u32 $0xFFFFFF80, v14;
	v8 =	vld.idx.msk [tilespmem:v8+s17+$0x0], $0xffff  }
0x434: {  	v10 =	vor.u32 v9, v10;
	_ =	sdelay $0x3  }
0x435: {  	[tilespmem:v23+s25+$0x0] =	vst.idx.msk $0xffff, v8  }
0x436: {  	v8 =	vld.idx.msk [tilespmem:v10+s3+$0x0], $0xffff;
	_ =	sdelay $0x4  }
0x437: {  	v8 =	vshrl.u32 v8, $0x6  }
0x438: {  	v8 =	vand.u32 $0x3, v8  }
0x439: {  	v15 =	vshll.u32 v8, $0xA  }
0x43a: {  	v10 =	vadd.s32 v7, v15  }
0x43b: {  	v10 =	vand.u32 $0xFFFFFF80, v10  }
0x43c: {  	v9 =	vor.u32 v9, v10;
	_ =	sdelay $0x1  }
0x43d: {  	v8 =	vshll.u32 v8, $0x8;
	v7 =	vshra.s32 v7, $0x2  }
0x43e: {  	v8 =	vadd.s32 v7, v8  }
0x43f: {  	v21 =	vadd.s32 v2, v8  }
0x440: {  	v7 =	vand.u32 $0x7F, v7;
	v10 =	vand.u32 $0xFFFFFF80, v21;
	v9 =	vld.idx.msk [tilespmem:v9+s17+$0x0], $0xffff  }
0x441: {  	v10 =	vor.u32 v7, v10;
	_ =	sdelay $0x3  }
0x442: {  	[tilespmem:v24+s25+$0x0] =	vst.idx.msk $0xffff, v9  }
0x443: {  	v9 =	vld.idx.msk [tilespmem:v10+s3+$0x0], $0xffff;
	_ =	sdelay $0x4  }
0x444: {  	v9 =	vshrl.u32 v9, $0x4  }
0x445: {  	v9 =	vand.u32 $0x3, v9  }
0x446: {  	v22 =	vshll.u32 v9, $0xA  }
0x447: {  	v10 =	vadd.s32 v8, v22  }
0x448: {  	v10 =	vand.u32 $0xFFFFFF80, v10  }
0x449: {  	v7 =	vor.u32 v7, v10;
	_ =	sdelay $0x1  }
0x44a: {  	v9 =	vshll.u32 v9, $0x8;
	v8 =	vshra.s32 v8, $0x2  }
0x44b: {  	v9 =	vadd.s32 v8, v9  }
0x44c: {  	v23 =	vadd.s32 v2, v9  }
0x44d: {  	v8 =	vand.u32 $0x7F, v8;
	v10 =	vand.u32 $0xFFFFFF80, v23;
	v7 =	vld.idx.msk [tilespmem:v7+s17+$0x0], $0xffff  }
0x44e: {  	v10 =	vor.u32 v8, v10;
	_ =	sdelay $0x3  }
0x44f: {  	[tilespmem:v25+s25+$0x0] =	vst.idx.msk $0xffff, v7  }
0x450: {  	v7 =	vld.idx.msk [tilespmem:v10+s3+$0x0], $0xffff;
	_ =	sdelay $0x4  }
0x451: {  	v7 =	vshrl.u32 v7, $0x2  }
0x452: {  	v7 =	vand.u32 $0x3, v7  }
0x453: {  	v24 =	vshll.u32 v7, $0xA  }
0x454: {  	v10 =	vadd.s32 v9, v24  }
0x455: {  	v10 =	vand.u32 $0xFFFFFF80, v10  }
0x456: {  	v8 =	vor.u32 v8, v10;
	_ =	sdelay $0x1  }
0x457: {  	v7 =	vshll.u32 v7, $0x8;
	v9 =	vshra.s32 v9, $0x2  }
0x458: {  	v7 =	vadd.s32 v9, v7  }
0x459: {  	v25 =	vadd.s32 v2, v7  }
0x45a: {  	v9 =	vand.u32 $0x7F, v9;
	v10 =	vand.u32 $0xFFFFFF80, v25;
	v8 =	vld.idx.msk [tilespmem:v8+s17+$0x0], $0xffff  }
0x45b: {  	v10 =	vor.u32 v9, v10;
	_ =	sdelay $0x3  }
0x45c: {  	[tilespmem:v26+s25+$0x0] =	vst.idx.msk $0xffff, v8  }
0x45d: {  	v8 =	vld.idx.msk [tilespmem:v10+s3+$0x0], $0xffff;
	_ =	sdelay $0x4  }
0x45e: {  	v8 =	vand.u32 $0x3, v8  }
0x45f: {  	v26 =	vshll.u32 v8, $0xA  }
0x460: {  	v10 =	vadd.s32 v7, v26  }
0x461: {  	v10 =	vand.u32 $0xFFFFFF80, v10  }
0x462: {  	v9 =	vor.u32 v9, v10;
	_ =	sdelay $0x1  }
0x463: {  	v8 =	vshll.u32 v8, $0x8;
	v7 =	vshra.s32 v7, $0x2  }
0x464: {  	v8 =	vadd.s32 v8, v7  }
0x465: {  	v12 =	vadd.s32 v19, v8  }
0x466: {  	v7 =	vand.u32 $0x7F, v7;
	v10 =	vand.u32 $0xFFFFFF80, v12;
	v9 =	vld.idx.msk [tilespmem:v9+s17+$0x0], $0xffff  }
0x467: {  	v10 =	vor.u32 v7, v10;
	_ =	sdelay $0x3  }
0x468: {  	[tilespmem:v27+s25+$0x0] =	vst.idx.msk $0xffff, v9  }
0x469: {  	v9 =	vld.idx.msk [tilespmem:v10+s3+$0x0], $0xffff;
	_ =	sdelay $0x4  }
0x46a: {  	v9 =	vshrl.u32 v9, $0x1E  }
0x46b: {  	v13 =	vshll.u32 v9, $0xA  }
0x46c: {  	v10 =	vadd.s32 v8, v13  }
0x46d: {  	v10 =	vand.u32 $0xFFFFFF80, v10  }
0x46e: {  	v7 =	vor.u32 v7, v10;
	_ =	sdelay $0x1  }
0x46f: {  	v9 =	vshll.u32 v9, $0x8;
	v8 =	vshra.s32 v8, $0x2  }
0x470: {  	v9 =	vadd.s32 v8, v9  }
0x471: {  	v14 =	vadd.s32 v19, v9  }
0x472: {  	v8 =	vand.u32 $0x7F, v8;
	v10 =	vand.u32 $0xFFFFFF80, v14;
	v7 =	vld.idx.msk [tilespmem:v7+s17+$0x0], $0xffff  }
0x473: {  	v10 =	vor.u32 v8, v10;
	_ =	sdelay $0x3  }
0x474: {  	[tilespmem:v28+s25+$0x0] =	vst.idx.msk $0xffff, v7  }
0x475: {  	v7 =	vld.idx.msk [tilespmem:v10+s3+$0x0], $0xffff;
	_ =	sdelay $0x4  }
0x476: {  	v7 =	vshrl.u32 v7, $0x1C  }
0x477: {  	v7 =	vand.u32 $0x3, v7  }
0x478: {  	v15 =	vshll.u32 v7, $0xA  }
0x479: {  	v10 =	vadd.s32 v9, v15  }
0x47a: {  	v10 =	vand.u32 $0xFFFFFF80, v10  }
0x47b: {  	v8 =	vor.u32 v8, v10;
	_ =	sdelay $0x1  }
0x47c: {  	v7 =	vshll.u32 v7, $0x8;
	v9 =	vshra.s32 v9, $0x2  }
0x47d: {  	v7 =	vadd.s32 v9, v7  }
0x47e: {  	v21 =	vadd.s32 v19, v7  }
0x47f: {  	v9 =	vand.u32 $0x7F, v9;
	v10 =	vand.u32 $0xFFFFFF80, v21;
	v8 =	vld.idx.msk [tilespmem:v8+s17+$0x0], $0xffff  }
0x480: {  	v10 =	vor.u32 v9, v10;
	_ =	sdelay $0x3  }
0x481: {  	[tilespmem:v29+s25+$0x0] =	vst.idx.msk $0xffff, v8  }
0x482: {  	v8 =	vld.idx.msk [tilespmem:v10+s3+$0x0], $0xffff;
	_ =	sdelay $0x4  }
0x483: {  	v8 =	vshrl.u32 v8, $0x1A  }
0x484: {  	v8 =	vand.u32 $0x3, v8  }
0x485: {  	v22 =	vshll.u32 v8, $0xA  }
0x486: {  	v10 =	vadd.s32 v7, v22  }
0x487: {  	v10 =	vand.u32 $0xFFFFFF80, v10  }
0x488: {  	v9 =	vor.u32 v9, v10;
	_ =	sdelay $0x1  }
0x489: {  	v8 =	vshll.u32 v8, $0x8;
	v7 =	vshra.s32 v7, $0x2  }
0x48a: {  	v8 =	vadd.s32 v7, v8  }
0x48b: {  	v23 =	vadd.s32 v19, v8  }
0x48c: {  	v7 =	vand.u32 $0x7F, v7;
	v10 =	vand.u32 $0xFFFFFF80, v23;
	v9 =	vld.idx.msk [tilespmem:v9+s17+$0x0], $0xffff  }
0x48d: {  	v10 =	vor.u32 v7, v10;
	_ =	sdelay $0x3  }
0x48e: {  	[tilespmem:v30+s25+$0x0] =	vst.idx.msk $0xffff, v9  }
0x48f: {  	v9 =	vld.idx.msk [tilespmem:v10+s3+$0x0], $0xffff;
	_ =	sdelay $0x4  }
0x490: {  	v9 =	vshrl.u32 v9, $0x18  }
0x491: {  	v9 =	vand.u32 $0x3, v9  }
0x492: {  	v24 =	vshll.u32 v9, $0xA  }
0x493: {  	v10 =	vadd.s32 v8, v24  }
0x494: {  	v10 =	vand.u32 $0xFFFFFF80, v10  }
0x495: {  	v7 =	vor.u32 v7, v10;
	_ =	sdelay $0x1  }
0x496: {  	v9 =	vshll.u32 v9, $0x8;
	v8 =	vshra.s32 v8, $0x2  }
0x497: {  	v9 =	vadd.s32 v8, v9  }
0x498: {  	v25 =	vadd.s32 v19, v9  }
0x499: {  	v8 =	vand.u32 $0x7F, v8;
	v10 =	vand.u32 $0xFFFFFF80, v25;
	v7 =	vld.idx.msk [tilespmem:v7+s17+$0x0], $0xffff  }
0x49a: {  	v10 =	vor.u32 v8, v10;
	_ =	sdelay $0x3  }
0x49b: {  	[tilespmem:v31+s25+$0x0] =	vst.idx.msk $0xffff, v7  }
0x49c: {  	v7 =	vld.idx.msk [tilespmem:v10+s3+$0x0], $0xffff;
	_ =	sdelay $0x4  }
0x49d: {  	v7 =	vshrl.u32 v7, $0x16  }
0x49e: {  	v7 =	vand.u32 $0x3, v7  }
0x49f: {  	v26 =	vshll.u32 v7, $0xA  }
0x4a0: {  	v10 =	vadd.s32 v9, v26  }
0x4a1: {  	v10 =	vand.u32 $0xFFFFFF80, v10  }
0x4a2: {  	v8 =	vor.u32 v8, v10;
	_ =	sdelay $0x1  }
0x4a3: {  	v7 =	vshll.u32 v7, $0x8;
	v9 =	vshra.s32 v9, $0x2  }
0x4a4: {  	v7 =	vadd.s32 v9, v7  }
0x4a5: {  	v27 =	vadd.s32 v19, v7  }
0x4a6: {  	v9 =	vand.u32 $0x7F, v9;
	v10 =	vand.u32 $0xFFFFFF80, v27;
	v8 =	vld.idx.msk [tilespmem:v8+s17+$0x0], $0xffff  }
0x4a7: {  	v10 =	vor.u32 v9, v10;
	_ =	sdelay $0x3  }
0x4a8: {  	[tilespmem:v32+s25+$0x0] =	vst.idx.msk $0xffff, v8  }
0x4a9: {  	v8 =	vld.idx.msk [tilespmem:v10+s3+$0x0], $0xffff;
	_ =	sdelay $0x4  }
0x4aa: {  	v8 =	vshrl.u32 v8, $0x14  }
0x4ab: {  	v8 =	vand.u32 $0x3, v8  }
0x4ac: {  	v28 =	vshll.u32 v8, $0xA  }
0x4ad: {  	v10 =	vadd.s32 v7, v28  }
0x4ae: {  	v10 =	vand.u32 $0xFFFFFF80, v10  }
0x4af: {  	v9 =	vor.u32 v9, v10;
	_ =	sdelay $0x1  }
0x4b0: {  	v8 =	vshll.u32 v8, $0x8;
	v7 =	vshra.s32 v7, $0x2  }
0x4b1: {  	v8 =	vadd.s32 v7, v8  }
0x4b2: {  	v29 =	vadd.s32 v19, v8  }
0x4b3: {  	v7 =	vand.u32 $0x7F, v7;
	v10 =	vand.u32 $0xFFFFFF80, v29;
	v9 =	vld.idx.msk [tilespmem:v9+s17+$0x0], $0xffff  }
0x4b4: {  	v10 =	vor.u32 v7, v10;
	_ =	sdelay $0x3  }
0x4b5: {  	[tilespmem:v33+s25+$0x0] =	vst.idx.msk $0xffff, v9  }
0x4b6: {  	v9 =	vld.idx.msk [tilespmem:v10+s3+$0x0], $0xffff;
	_ =	sdelay $0x4  }
0x4b7: {  	v9 =	vshrl.u32 v9, $0x12  }
0x4b8: {  	v9 =	vand.u32 $0x3, v9  }
0x4b9: {  	v30 =	vshll.u32 v9, $0xA  }
0x4ba: {  	v10 =	vadd.s32 v8, v30  }
0x4bb: {  	v10 =	vand.u32 $0xFFFFFF80, v10  }
0x4bc: {  	v7 =	vor.u32 v7, v10;
	_ =	sdelay $0x1  }
0x4bd: {  	v9 =	vshll.u32 v9, $0x8;
	v8 =	vshra.s32 v8, $0x2  }
0x4be: {  	v9 =	vadd.s32 v8, v9  }
0x4bf: {  	v31 =	vadd.s32 v19, v9  }
0x4c0: {  	v8 =	vand.u32 $0x7F, v8;
	v10 =	vand.u32 $0xFFFFFF80, v31;
	v7 =	vld.idx.msk [tilespmem:v7+s17+$0x0], $0xffff  }
0x4c1: {  	v10 =	vor.u32 v8, v10;
	_ =	sdelay $0x3  }
0x4c2: {  	[tilespmem:v34+s25+$0x0] =	vst.idx.msk $0xffff, v7  }
0x4c3: {  	v7 =	vld.idx.msk [tilespmem:v10+s3+$0x0], $0xffff;
	_ =	sdelay $0x4  }
0x4c4: {  	v7 =	vshrl.u32 v7, $0x10  }
0x4c5: {  	v7 =	vand.u32 $0x3, v7  }
0x4c6: {  	v32 =	vshll.u32 v7, $0xA  }
0x4c7: {  	v10 =	vadd.s32 v9, v32  }
0x4c8: {  	v10 =	vand.u32 $0xFFFFFF80, v10  }
0x4c9: {  	v8 =	vor.u32 v8, v10;
	_ =	sdelay $0x1  }
0x4ca: {  	v7 =	vshll.u32 v7, $0x8;
	v9 =	vshra.s32 v9, $0x2  }
0x4cb: {  	v7 =	vadd.s32 v9, v7  }
0x4cc: {  	v33 =	vadd.s32 v19, v7  }
0x4cd: {  	v9 =	vand.u32 $0x7F, v9;
	v10 =	vand.u32 $0xFFFFFF80, v33;
	v8 =	vld.idx.msk [tilespmem:v8+s17+$0x0], $0xffff  }
0x4ce: {  	v10 =	vor.u32 v9, v10;
	_ =	sdelay $0x3  }
0x4cf: {  	[tilespmem:v35+s25+$0x0] =	vst.idx.msk $0xffff, v8  }
0x4d0: {  	v8 =	vld.idx.msk [tilespmem:v10+s3+$0x0], $0xffff;
	_ =	sdelay $0x4  }
0x4d1: {  	v8 =	vshrl.u32 v8, $0xE  }
0x4d2: {  	v8 =	vand.u32 $0x3, v8  }
0x4d3: {  	v34 =	vshll.u32 v8, $0xA  }
0x4d4: {  	v10 =	vadd.s32 v7, v34  }
0x4d5: {  	v10 =	vand.u32 $0xFFFFFF80, v10  }
0x4d6: {  	v9 =	vor.u32 v9, v10;
	_ =	sdelay $0x1  }
0x4d7: {  	v8 =	vshll.u32 v8, $0x8;
	v7 =	vshra.s32 v7, $0x2  }
0x4d8: {  	v8 =	vadd.s32 v7, v8  }
0x4d9: {  	v35 =	vadd.s32 v19, v8  }
0x4da: {  	v7 =	vand.u32 $0x7F, v7;
	v10 =	vand.u32 $0xFFFFFF80, v35;
	v9 =	vld.idx.msk [tilespmem:v9+s17+$0x0], $0xffff  }
0x4db: {  	v10 =	vor.u32 v7, v10;
	_ =	sdelay $0x3  }
0x4dc: {  	[tilespmem:v37+s25+$0x0] =	vst.idx.msk $0xffff, v9  }
0x4dd: {  	v9 =	vld.idx.msk [tilespmem:v10+s3+$0x0], $0xffff;
	_ =	sdelay $0x4  }
0x4de: {  	v9 =	vshrl.u32 v9, $0xC  }
0x4df: {  	v9 =	vand.u32 $0x3, v9  }
0x4e0: {  	v12 =	vshll.u32 v9, $0xA  }
0x4e1: {  	v10 =	vadd.s32 v8, v12  }
0x4e2: {  	v10 =	vand.u32 $0xFFFFFF80, v10  }
0x4e3: {  	v7 =	vor.u32 v7, v10;
	_ =	sdelay $0x1  }
0x4e4: {  	v9 =	vshll.u32 v9, $0x8;
	v8 =	vshra.s32 v8, $0x2  }
0x4e5: {  	v9 =	vadd.s32 v8, v9  }
0x4e6: {  	v13 =	vadd.s32 v19, v9  }
0x4e7: {  	v8 =	vand.u32 $0x7F, v8;
	v10 =	vand.u32 $0xFFFFFF80, v13;
	v7 =	vld.idx.msk [tilespmem:v7+s17+$0x0], $0xffff  }
0x4e8: {  	v10 =	vor.u32 v8, v10;
	_ =	sdelay $0x3  }
0x4e9: {  	[tilespmem:v38+s25+$0x0] =	vst.idx.msk $0xffff, v7  }
0x4ea: {  	v7 =	vld.idx.msk [tilespmem:v10+s3+$0x0], $0xffff;
	_ =	sdelay $0x4  }
0x4eb: {  	v7 =	vshrl.u32 v7, $0xA  }
0x4ec: {  	v7 =	vand.u32 $0x3, v7  }
0x4ed: {  	v14 =	vshll.u32 v7, $0xA  }
0x4ee: {  	v10 =	vadd.s32 v9, v14  }
0x4ef: {  	v10 =	vand.u32 $0xFFFFFF80, v10  }
0x4f0: {  	v8 =	vor.u32 v8, v10;
	_ =	sdelay $0x1  }
0x4f1: {  	v7 =	vshll.u32 v7, $0x8;
	v9 =	vshra.s32 v9, $0x2  }
0x4f2: {  	v7 =	vadd.s32 v9, v7  }
0x4f3: {  	v15 =	vadd.s32 v19, v7  }
0x4f4: {  	v9 =	vand.u32 $0x7F, v9;
	v10 =	vand.u32 $0xFFFFFF80, v15;
	v8 =	vld.idx.msk [tilespmem:v8+s17+$0x0], $0xffff  }
0x4f5: {  	v10 =	vor.u32 v9, v10;
	_ =	sdelay $0x3  }
0x4f6: {  	[tilespmem:v39+s25+$0x0] =	vst.idx.msk $0xffff, v8  }
0x4f7: {  	v8 =	vld.idx.msk [tilespmem:v10+s3+$0x0], $0xffff;
	_ =	sdelay $0x4  }
0x4f8: {  	v8 =	vshrl.u32 v8, $0x8  }
0x4f9: {  	v8 =	vand.u32 $0x3, v8  }
0x4fa: {  	v21 =	vshll.u32 v8, $0xA  }
0x4fb: {  	v10 =	vadd.s32 v7, v21  }
0x4fc: {  	v10 =	vand.u32 $0xFFFFFF80, v10  }
0x4fd: {  	v9 =	vor.u32 v9, v10;
	_ =	sdelay $0x1  }
0x4fe: {  	v8 =	vshll.u32 v8, $0x8;
	v7 =	vshra.s32 v7, $0x2  }
0x4ff: {  	v8 =	vadd.s32 v7, v8  }
0x500: {  	v22 =	vadd.s32 v19, v8  }
0x501: {  	v7 =	vand.u32 $0x7F, v7;
	v10 =	vand.u32 $0xFFFFFF80, v22;
	v9 =	vld.idx.msk [tilespmem:v9+s17+$0x0], $0xffff  }
0x502: {  	v10 =	vor.u32 v7, v10;
	_ =	sdelay $0x3  }
0x503: {  	[tilespmem:v40+s25+$0x0] =	vst.idx.msk $0xffff, v9  }
0x504: {  	v9 =	vld.idx.msk [tilespmem:v10+s3+$0x0], $0xffff;
	_ =	sdelay $0x4  }
0x505: {  	v9 =	vshrl.u32 v9, $0x6  }
0x506: {  	v9 =	vand.u32 $0x3, v9  }
0x507: {  	v23 =	vshll.u32 v9, $0xA  }
0x508: {  	v10 =	vadd.s32 v8, v23  }
0x509: {  	v10 =	vand.u32 $0xFFFFFF80, v10  }
0x50a: {  	v7 =	vor.u32 v7, v10;
	_ =	sdelay $0x1  }
0x50b: {  	v9 =	vshll.u32 v9, $0x8;
	v8 =	vshra.s32 v8, $0x2  }
0x50c: {  	v9 =	vadd.s32 v8, v9  }
0x50d: {  	v24 =	vadd.s32 v19, v9  }
0x50e: {  	v8 =	vand.u32 $0x7F, v8;
	v10 =	vand.u32 $0xFFFFFF80, v24;
	v7 =	vld.idx.msk [tilespmem:v7+s17+$0x0], $0xffff  }
0x50f: {  	v10 =	vor.u32 v8, v10;
	_ =	sdelay $0x3  }
0x510: {  	[tilespmem:v41+s25+$0x0] =	vst.idx.msk $0xffff, v7  }
0x511: {  	v7 =	vld.idx.msk [tilespmem:v10+s3+$0x0], $0xffff;
	_ =	sdelay $0x4  }
0x512: {  	v7 =	vshrl.u32 v7, $0x4  }
0x513: {  	v7 =	vand.u32 $0x3, v7  }
0x514: {  	v25 =	vshll.u32 v7, $0xA  }
0x515: {  	v10 =	vadd.s32 v9, v25  }
0x516: {  	v10 =	vand.u32 $0xFFFFFF80, v10  }
0x517: {  	v8 =	vor.u32 v8, v10;
	_ =	sdelay $0x1  }
0x518: {  	v7 =	vshll.u32 v7, $0x8;
	v9 =	vshra.s32 v9, $0x2  }
0x519: {  	v7 =	vadd.s32 v9, v7  }
0x51a: {  	v26 =	vadd.s32 v19, v7  }
0x51b: {  	v9 =	vand.u32 $0x7F, v9;
	v10 =	vand.u32 $0xFFFFFF80, v26;
	v8 =	vld.idx.msk [tilespmem:v8+s17+$0x0], $0xffff  }
0x51c: {  	v10 =	vor.u32 v9, v10;
	_ =	sdelay $0x3  }
0x51d: {  	[tilespmem:v42+s25+$0x0] =	vst.idx.msk $0xffff, v8  }
0x51e: {  	v8 =	vld.idx.msk [tilespmem:v10+s3+$0x0], $0xffff;
	_ =	sdelay $0x4  }
0x51f: {  	v8 =	vshrl.u32 v8, $0x2  }
0x520: {  	v8 =	vand.u32 $0x3, v8  }
0x521: {  	v27 =	vshll.u32 v8, $0xA  }
0x522: {  	v10 =	vadd.s32 v7, v27  }
0x523: {  	v10 =	vand.u32 $0xFFFFFF80, v10  }
0x524: {  	v9 =	vor.u32 v9, v10;
	_ =	sdelay $0x1  }
0x525: {  	v8 =	vshll.u32 v8, $0x8;
	v7 =	vshra.s32 v7, $0x2  }
0x526: {  	v8 =	vadd.s32 v7, v8  }
0x527: {  	v28 =	vadd.s32 v19, v8  }
0x528: {  	v7 =	vand.u32 $0x7F, v7;
	v10 =	vand.u32 $0xFFFFFF80, v28;
	v9 =	vld.idx.msk [tilespmem:v9+s17+$0x0], $0xffff  }
0x529: {  	v10 =	vor.u32 v7, v10;
	_ =	sdelay $0x3  }
0x52a: {  	[tilespmem:v43+s25+$0x0] =	vst.idx.msk $0xffff, v9  }
0x52b: {  	v9 =	vld.idx.msk [tilespmem:v10+s3+$0x0], $0xffff;
	_ =	sdelay $0x4  }
0x52c: {  	v9 =	vand.u32 $0x3, v9  }
0x52d: {  	v29 =	vshll.u32 v9, $0xA  }
0x52e: {  	v10 =	vadd.s32 v8, v29  }
0x52f: {  	v10 =	vand.u32 $0xFFFFFF80, v10  }
0x530: {  	v7 =	vor.u32 v7, v10;
	_ =	sdelay $0x1  }
0x531: {  	v9 =	vshll.u32 v9, $0x8;
	v8 =	vshra.s32 v8, $0x2  }
0x532: {  	v9 =	vadd.s32 v9, v8  }
0x533: {  	v30 =	vadd.s32 v36, v9  }
0x534: {  	v8 =	vand.u32 $0x7F, v8;
	v10 =	vand.u32 $0xFFFFFF80, v30;
	v7 =	vld.idx.msk [tilespmem:v7+s17+$0x0], $0xffff  }
0x535: {  	v10 =	vor.u32 v8, v10;
	_ =	sdelay $0x3  }
0x536: {  	[tilespmem:v44+s25+$0x0] =	vst.idx.msk $0xffff, v7  }
0x537: {  	v7 =	vld.idx.msk [tilespmem:v10+s3+$0x0], $0xffff;
	_ =	sdelay $0x4  }
0x538: {  	v7 =	vshrl.u32 v7, $0x1E  }
0x539: {  	v31 =	vshll.u32 v7, $0xA  }
0x53a: {  	v10 =	vadd.s32 v9, v31  }
0x53b: {  	v10 =	vand.u32 $0xFFFFFF80, v10  }
0x53c: {  	v8 =	vor.u32 v8, v10;
	_ =	sdelay $0x1  }
0x53d: {  	v7 =	vshll.u32 v7, $0x8;
	v9 =	vshra.s32 v9, $0x2  }
0x53e: {  	v7 =	vadd.s32 v9, v7  }
0x53f: {  	v32 =	vadd.s32 v36, v7  }
0x540: {  	v9 =	vand.u32 $0x7F, v9;
	v10 =	vand.u32 $0xFFFFFF80, v32;
	v8 =	vld.idx.msk [tilespmem:v8+s17+$0x0], $0xffff  }
0x541: {  	v10 =	vor.u32 v9, v10;
	_ =	sdelay $0x3  }
0x542: {  	[tilespmem:v45+s25+$0x0] =	vst.idx.msk $0xffff, v8  }
0x543: {  	v8 =	vld.idx.msk [tilespmem:v10+s3+$0x0], $0xffff;
	_ =	sdelay $0x4  }
0x544: {  	v8 =	vshrl.u32 v8, $0x1C  }
0x545: {  	v8 =	vand.u32 $0x3, v8  }
0x546: {  	v33 =	vshll.u32 v8, $0xA  }
0x547: {  	v10 =	vadd.s32 v7, v33  }
0x548: {  	v10 =	vand.u32 $0xFFFFFF80, v10  }
0x549: {  	v9 =	vor.u32 v9, v10;
	_ =	sdelay $0x1  }
0x54a: {  	v8 =	vshll.u32 v8, $0x8;
	v7 =	vshra.s32 v7, $0x2  }
0x54b: {  	v8 =	vadd.s32 v7, v8  }
0x54c: {  	v34 =	vadd.s32 v36, v8  }
0x54d: {  	v7 =	vand.u32 $0x7F, v7;
	v10 =	vand.u32 $0xFFFFFF80, v34;
	v9 =	vld.idx.msk [tilespmem:v9+s17+$0x0], $0xffff  }
0x54e: {  	v10 =	vor.u32 v7, v10;
	_ =	sdelay $0x3  }
0x54f: {  	[tilespmem:v46+s25+$0x0] =	vst.idx.msk $0xffff, v9  }
0x550: {  	v9 =	vld.idx.msk [tilespmem:v10+s3+$0x0], $0xffff;
	_ =	sdelay $0x4  }
0x551: {  	v9 =	vshrl.u32 v9, $0x1A  }
0x552: {  	v9 =	vand.u32 $0x3, v9  }
0x553: {  	v35 =	vshll.u32 v9, $0xA  }
0x554: {  	v10 =	vadd.s32 v8, v35  }
0x555: {  	v10 =	vand.u32 $0xFFFFFF80, v10  }
0x556: {  	v7 =	vor.u32 v7, v10;
	_ =	sdelay $0x1  }
0x557: {  	v9 =	vshll.u32 v9, $0x8;
	v8 =	vshra.s32 v8, $0x2  }
0x558: {  	v9 =	vadd.s32 v8, v9  }
0x559: {  	v37 =	vadd.s32 v36, v9  }
0x55a: {  	v8 =	vand.u32 $0x7F, v8;
	v10 =	vand.u32 $0xFFFFFF80, v37;
	v7 =	vld.idx.msk [tilespmem:v7+s17+$0x0], $0xffff  }
0x55b: {  	v10 =	vor.u32 v8, v10;
	_ =	sdelay $0x3  }
0x55c: {  	[tilespmem:v47+s25+$0x0] =	vst.idx.msk $0xffff, v7  }
0x55d: {  	v7 =	vld.idx.msk [tilespmem:v10+s3+$0x0], $0xffff;
	_ =	sdelay $0x4  }
0x55e: {  	v7 =	vshrl.u32 v7, $0x18  }
0x55f: {  	v7 =	vand.u32 $0x3, v7  }
0x560: {  	v38 =	vshll.u32 v7, $0xA  }
0x561: {  	v10 =	vadd.s32 v9, v38  }
0x562: {  	v10 =	vand.u32 $0xFFFFFF80, v10  }
0x563: {  	v8 =	vor.u32 v8, v10;
	_ =	sdelay $0x1  }
0x564: {  	v7 =	vshll.u32 v7, $0x8;
	v9 =	vshra.s32 v9, $0x2  }
0x565: {  	v7 =	vadd.s32 v9, v7  }
0x566: {  	v39 =	vadd.s32 v36, v7  }
0x567: {  	v9 =	vand.u32 $0x7F, v9;
	v10 =	vand.u32 $0xFFFFFF80, v39;
	v8 =	vld.idx.msk [tilespmem:v8+s17+$0x0], $0xffff  }
0x568: {  	v10 =	vor.u32 v9, v10;
	_ =	sdelay $0x3  }
0x569: {  	[tilespmem:v48+s25+$0x0] =	vst.idx.msk $0xffff, v8  }
0x56a: {  	v8 =	vld.idx.msk [tilespmem:v10+s3+$0x0], $0xffff;
	_ =	sdelay $0x4  }
0x56b: {  	v8 =	vshrl.u32 v8, $0x16  }
0x56c: {  	v8 =	vand.u32 $0x3, v8  }
0x56d: {  	v40 =	vshll.u32 v8, $0xA  }
0x56e: {  	v10 =	vadd.s32 v7, v40  }
0x56f: {  	v10 =	vand.u32 $0xFFFFFF80, v10  }
0x570: {  	v9 =	vor.u32 v9, v10;
	_ =	sdelay $0x1  }
0x571: {  	v8 =	vshll.u32 v8, $0x8;
	v7 =	vshra.s32 v7, $0x2  }
0x572: {  	v8 =	vadd.s32 v7, v8  }
0x573: {  	v41 =	vadd.s32 v36, v8  }
0x574: {  	v7 =	vand.u32 $0x7F, v7;
	v10 =	vand.u32 $0xFFFFFF80, v41;
	v9 =	vld.idx.msk [tilespmem:v9+s17+$0x0], $0xffff  }
0x575: {  	v10 =	vor.u32 v7, v10;
	_ =	sdelay $0x3  }
0x576: {  	[tilespmem:v49+s25+$0x0] =	vst.idx.msk $0xffff, v9  }
0x577: {  	v9 =	vld.idx.msk [tilespmem:v10+s3+$0x0], $0xffff;
	_ =	sdelay $0x4  }
0x578: {  	v9 =	vshrl.u32 v9, $0x14  }
0x579: {  	v9 =	vand.u32 $0x3, v9  }
0x57a: {  	v42 =	vshll.u32 v9, $0xA  }
0x57b: {  	v10 =	vadd.s32 v8, v42  }
0x57c: {  	v10 =	vand.u32 $0xFFFFFF80, v10  }
0x57d: {  	v7 =	vor.u32 v7, v10;
	_ =	sdelay $0x1  }
0x57e: {  	v9 =	vshll.u32 v9, $0x8;
	v8 =	vshra.s32 v8, $0x2  }
0x57f: {  	v9 =	vadd.s32 v8, v9  }
0x580: {  	v43 =	vadd.s32 v36, v9  }
0x581: {  	v8 =	vand.u32 $0x7F, v8;
	v10 =	vand.u32 $0xFFFFFF80, v43;
	v7 =	vld.idx.msk [tilespmem:v7+s17+$0x0], $0xffff  }
0x582: {  	v10 =	vor.u32 v8, v10;
	_ =	sdelay $0x3  }
0x583: {  	[tilespmem:v50+s25+$0x0] =	vst.idx.msk $0xffff, v7  }
0x584: {  	v7 =	vld.idx.msk [tilespmem:v10+s3+$0x0], $0xffff;
	_ =	sdelay $0x4  }
0x585: {  	v7 =	vshrl.u32 v7, $0x12  }
0x586: {  	v7 =	vand.u32 $0x3, v7  }
0x587: {  	v44 =	vshll.u32 v7, $0xA  }
0x588: {  	v10 =	vadd.s32 v9, v44  }
0x589: {  	v10 =	vand.u32 $0xFFFFFF80, v10  }
0x58a: {  	v8 =	vor.u32 v8, v10;
	_ =	sdelay $0x1  }
0x58b: {  	v7 =	vshll.u32 v7, $0x8;
	v9 =	vshra.s32 v9, $0x2  }
0x58c: {  	v7 =	vadd.s32 v9, v7  }
0x58d: {  	v45 =	vadd.s32 v36, v7  }
0x58e: {  	v9 =	vand.u32 $0x7F, v9;
	v10 =	vand.u32 $0xFFFFFF80, v45;
	v8 =	vld.idx.msk [tilespmem:v8+s17+$0x0], $0xffff  }
0x58f: {  	v10 =	vor.u32 v9, v10;
	_ =	sdelay $0x3  }
0x590: {  	[tilespmem:v51+s25+$0x0] =	vst.idx.msk $0xffff, v8  }
0x591: {  	v8 =	vld.idx.msk [tilespmem:v10+s3+$0x0], $0xffff;
	_ =	sdelay $0x4  }
0x592: {  	v8 =	vshrl.u32 v8, $0x10  }
0x593: {  	v8 =	vand.u32 $0x3, v8  }
0x594: {  	v46 =	vshll.u32 v8, $0xA  }
0x595: {  	v10 =	vadd.s32 v7, v46  }
0x596: {  	v10 =	vand.u32 $0xFFFFFF80, v10  }
0x597: {  	v9 =	vor.u32 v9, v10;
	_ =	sdelay $0x1  }
0x598: {  	v8 =	vshll.u32 v8, $0x8;
	v7 =	vshra.s32 v7, $0x2  }
0x599: {  	v8 =	vadd.s32 v7, v8  }
0x59a: {  	v47 =	vadd.s32 v36, v8  }
0x59b: {  	v7 =	vand.u32 $0x7F, v7;
	v10 =	vand.u32 $0xFFFFFF80, v47;
	v9 =	vld.idx.msk [tilespmem:v9+s17+$0x0], $0xffff  }
0x59c: {  	v10 =	vor.u32 v7, v10;
	_ =	sdelay $0x3  }
0x59d: {  	[tilespmem:v52+s25+$0x0] =	vst.idx.msk $0xffff, v9  }
0x59e: {  	v9 =	vld.idx.msk [tilespmem:v10+s3+$0x0], $0xffff;
	_ =	sdelay $0x4  }
0x59f: {  	v9 =	vshrl.u32 v9, $0xE  }
0x5a0: {  	v9 =	vand.u32 $0x3, v9  }
0x5a1: {  	v48 =	vshll.u32 v9, $0xA  }
0x5a2: {  	v10 =	vadd.s32 v8, v48  }
0x5a3: {  	v10 =	vand.u32 $0xFFFFFF80, v10  }
0x5a4: {  	v7 =	vor.u32 v7, v10;
	_ =	sdelay $0x1  }
0x5a5: {  	v9 =	vshll.u32 v9, $0x8;
	v8 =	vshra.s32 v8, $0x2  }
0x5a6: {  	v9 =	vadd.s32 v8, v9  }
0x5a7: {  	v49 =	vadd.s32 v36, v9  }
0x5a8: {  	v8 =	vand.u32 $0x7F, v8;
	v10 =	vand.u32 $0xFFFFFF80, v49;
	v7 =	vld.idx.msk [tilespmem:v7+s17+$0x0], $0xffff  }
0x5a9: {  	v10 =	vor.u32 v8, v10;
	_ =	sdelay $0x3  }
0x5aa: {  	[tilespmem:v53+s25+$0x0] =	vst.idx.msk $0xffff, v7  }
0x5ab: {  	v7 =	vld.idx.msk [tilespmem:v10+s3+$0x0], $0xffff;
	_ =	sdelay $0x4  }
0x5ac: {  	v7 =	vshrl.u32 v7, $0xC  }
0x5ad: {  	v7 =	vand.u32 $0x3, v7  }
0x5ae: {  	v50 =	vshll.u32 v7, $0xA  }
0x5af: {  	v10 =	vadd.s32 v9, v50  }
0x5b0: {  	v10 =	vand.u32 $0xFFFFFF80, v10  }
0x5b1: {  	v8 =	vor.u32 v8, v10;
	_ =	sdelay $0x1  }
0x5b2: {  	v7 =	vshll.u32 v7, $0x8;
	v9 =	vshra.s32 v9, $0x2  }
0x5b3: {  	v7 =	vadd.s32 v9, v7  }
0x5b4: {  	v51 =	vadd.s32 v36, v7  }
0x5b5: {  	v9 =	vand.u32 $0x7F, v9;
	v10 =	vand.u32 $0xFFFFFF80, v51;
	v8 =	vld.idx.msk [tilespmem:v8+s17+$0x0], $0xffff  }
0x5b6: {  	v10 =	vor.u32 v9, v10;
	_ =	sdelay $0x3  }
0x5b7: {  	[tilespmem:v54+s25+$0x0] =	vst.idx.msk $0xffff, v8  }
0x5b8: {  	v8 =	vld.idx.msk [tilespmem:v10+s3+$0x0], $0xffff;
	_ =	sdelay $0x4  }
0x5b9: {  	v8 =	vshrl.u32 v8, $0xA  }
0x5ba: {  	v8 =	vand.u32 $0x3, v8  }
0x5bb: {  	v52 =	vshll.u32 v8, $0xA  }
0x5bc: {  	v10 =	vadd.s32 v7, v52  }
0x5bd: {  	v10 =	vand.u32 $0xFFFFFF80, v10  }
0x5be: {  	v9 =	vor.u32 v9, v10;
	_ =	sdelay $0x1  }
0x5bf: {  	v8 =	vshll.u32 v8, $0x8;
	v7 =	vshra.s32 v7, $0x2  }
0x5c0: {  	v8 =	vadd.s32 v7, v8  }
0x5c1: {  	v53 =	vadd.s32 v36, v8  }
0x5c2: {  	v7 =	vand.u32 $0x7F, v7;
	v10 =	vand.u32 $0xFFFFFF80, v53;
	v9 =	vld.idx.msk [tilespmem:v9+s17+$0x0], $0xffff  }
0x5c3: {  	v10 =	vor.u32 v7, v10;
	_ =	sdelay $0x3  }
0x5c4: {  	[tilespmem:v55+s25+$0x0] =	vst.idx.msk $0xffff, v9  }
0x5c5: {  	v9 =	vld.idx.msk [tilespmem:v10+s3+$0x0], $0xffff;
	_ =	sdelay $0x4  }
0x5c6: {  	v9 =	vshrl.u32 v9, $0x8  }
0x5c7: {  	v9 =	vand.u32 $0x3, v9  }
0x5c8: {  	v54 =	vshll.u32 v9, $0xA  }
0x5c9: {  	v10 =	vadd.s32 v8, v54  }
0x5ca: {  	v10 =	vand.u32 $0xFFFFFF80, v10  }
0x5cb: {  	v7 =	vor.u32 v7, v10;
	_ =	sdelay $0x1  }
0x5cc: {  	v9 =	vshll.u32 v9, $0x8;
	v8 =	vshra.s32 v8, $0x2  }
0x5cd: {  	v9 =	vadd.s32 v8, v9  }
0x5ce: {  	v55 =	vadd.s32 v36, v9  }
0x5cf: {  	v8 =	vand.u32 $0x7F, v8;
	v10 =	vand.u32 $0xFFFFFF80, v55;
	v7 =	vld.idx.msk [tilespmem:v7+s17+$0x0], $0xffff  }
0x5d0: {  	v10 =	vor.u32 v8, v10;
	_ =	sdelay $0x3  }
0x5d1: {  	[tilespmem:v56+s25+$0x0] =	vst.idx.msk $0xffff, v7  }
0x5d2: {  	v7 =	vld.idx.msk [tilespmem:v10+s3+$0x0], $0xffff;
	_ =	sdelay $0x4  }
0x5d3: {  	v7 =	vshrl.u32 v7, $0x6  }
0x5d4: {  	v7 =	vand.u32 $0x3, v7  }
0x5d5: {  	v56 =	vshll.u32 v7, $0xA  }
0x5d6: {  	v10 =	vadd.s32 v9, v56  }
0x5d7: {  	v10 =	vand.u32 $0xFFFFFF80, v10  }
0x5d8: {  	v8 =	vor.u32 v8, v10;
	_ =	sdelay $0x1  }
0x5d9: {  	v7 =	vshll.u32 v7, $0x8;
	v9 =	vshra.s32 v9, $0x2  }
0x5da: {  	v7 =	vadd.s32 v9, v7  }
0x5db: {  	v12 =	vadd.s32 v36, v7  }
0x5dc: {  	v9 =	vand.u32 $0x7F, v9;
	v10 =	vand.u32 $0xFFFFFF80, v12;
	v8 =	vld.idx.msk [tilespmem:v8+s17+$0x0], $0xffff  }
0x5dd: {  	v10 =	vor.u32 v9, v10;
	_ =	sdelay $0x3  }
0x5de: {  	[tilespmem:v57+s25+$0x0] =	vst.idx.msk $0xffff, v8  }
0x5df: {  	v8 =	vld.idx.msk [tilespmem:v10+s3+$0x0], $0xffff;
	_ =	sdelay $0x4  }
0x5e0: {  	v8 =	vshrl.u32 v8, $0x4  }
0x5e1: {  	v8 =	vand.u32 $0x3, v8  }
0x5e2: {  	v13 =	vshll.u32 v8, $0xA  }
0x5e3: {  	v10 =	vadd.s32 v7, v13  }
0x5e4: {  	v10 =	vand.u32 $0xFFFFFF80, v10  }
0x5e5: {  	v9 =	vor.u32 v9, v10;
	_ =	sdelay $0x1  }
0x5e6: {  	v8 =	vshll.u32 v8, $0x8;
	v7 =	vshra.s32 v7, $0x2  }
0x5e7: {  	v8 =	vadd.s32 v7, v8  }
0x5e8: {  	v14 =	vadd.s32 v36, v8  }
0x5e9: {  	v7 =	vand.u32 $0x7F, v7;
	v10 =	vand.u32 $0xFFFFFF80, v14;
	v9 =	vld.idx.msk [tilespmem:v9+s17+$0x0], $0xffff  }
0x5ea: {  	v10 =	vor.u32 v7, v10;
	_ =	sdelay $0x3  }
0x5eb: {  	[tilespmem:v58+s25+$0x0] =	vst.idx.msk $0xffff, v9  }
0x5ec: {  	v9 =	vld.idx.msk [tilespmem:v10+s3+$0x0], $0xffff;
	_ =	sdelay $0x4  }
0x5ed: {  	v9 =	vshrl.u32 v9, $0x2  }
0x5ee: {  	v9 =	vand.u32 $0x3, v9  }
0x5ef: {  	v15 =	vshll.u32 v9, $0xA  }
0x5f0: {  	v10 =	vadd.s32 v8, v15  }
0x5f1: {  	v10 =	vand.u32 $0xFFFFFF80, v10  }
0x5f2: {  	v7 =	vor.u32 v7, v10;
	_ =	sdelay $0x1  }
0x5f3: {  	v9 =	vshll.u32 v9, $0x8;
	v8 =	vshra.s32 v8, $0x2  }
0x5f4: {  	v9 =	vadd.s32 v8, v9  }
0x5f5: {  	v21 =	vadd.s32 v36, v9  }
0x5f6: {  	v8 =	vand.u32 $0x7F, v8;
	v10 =	vand.u32 $0xFFFFFF80, v21;
	v7 =	vld.idx.msk [tilespmem:v7+s17+$0x0], $0xffff  }
0x5f7: {  	v10 =	vor.u32 v8, v10;
	_ =	sdelay $0x3  }
0x5f8: {  	[tilespmem:v59+s25+$0x0] =	vst.idx.msk $0xffff, v7  }
0x5f9: {  	v7 =	vld.idx.msk [tilespmem:v10+s3+$0x0], $0xffff;
	_ =	sdelay $0x4  }
0x5fa: {  	v7 =	vand.u32 $0x3, v7  }
0x5fb: {  	v22 =	vshll.u32 v7, $0xA  }
0x5fc: {  	v10 =	vadd.s32 v9, v22  }
0x5fd: {  	v10 =	vand.u32 $0xFFFFFF80, v10  }
0x5fe: {  	v8 =	vor.u32 v8, v10;
	_ =	sdelay $0x1  }
0x5ff: {  	v7 =	vshll.u32 v7, $0x8;
	v9 =	vshra.s32 v9, $0x2  }
0x600: {  	v7 =	vadd.s32 v7, v9  }
0x601: {  	v23 =	vadd.s32 v0, v7  }
0x602: {  	v9 =	vand.u32 $0x7F, v9;
	v10 =	vand.u32 $0xFFFFFF80, v23;
	v8 =	vld.idx.msk [tilespmem:v8+s17+$0x0], $0xffff  }
0x603: {  	v10 =	vor.u32 v9, v10;
	_ =	sdelay $0x3  }
0x604: {  	[tilespmem:v60+s25+$0x0] =	vst.idx.msk $0xffff, v8  }
0x605: {  	v8 =	vld.idx.msk [tilespmem:v10+s3+$0x0], $0xffff;
	_ =	sdelay $0x4  }
0x606: {  	v8 =	vshrl.u32 v8, $0x1E  }
0x607: {  	v24 =	vshll.u32 v8, $0xA  }
0x608: {  	v10 =	vadd.s32 v7, v24  }
0x609: {  	v10 =	vand.u32 $0xFFFFFF80, v10  }
0x60a: {  	v9 =	vor.u32 v9, v10;
	_ =	sdelay $0x1  }
0x60b: {  	v8 =	vshll.u32 v8, $0x8;
	v7 =	vshra.s32 v7, $0x2  }
0x60c: {  	v8 =	vadd.s32 v7, v8  }
0x60d: {  	v25 =	vadd.s32 v0, v8  }
0x60e: {  	v7 =	vand.u32 $0x7F, v7;
	v10 =	vand.u32 $0xFFFFFF80, v25;
	v9 =	vld.idx.msk [tilespmem:v9+s17+$0x0], $0xffff  }
0x60f: {  	v10 =	vor.u32 v7, v10;
	_ =	sdelay $0x3  }
0x610: {  	[tilespmem:v61+s25+$0x0] =	vst.idx.msk $0xffff, v9  }
0x611: {  	v9 =	vld.idx.msk [tilespmem:v10+s3+$0x0], $0xffff;
	_ =	sdelay $0x4  }
0x612: {  	v9 =	vshrl.u32 v9, $0x1C  }
0x613: {  	v9 =	vand.u32 $0x3, v9  }
0x614: {  	v26 =	vshll.u32 v9, $0xA  }
0x615: {  	v10 =	vadd.s32 v8, v26  }
0x616: {  	v10 =	vand.u32 $0xFFFFFF80, v10  }
0x617: {  	v7 =	vor.u32 v7, v10;
	_ =	sdelay $0x1  }
0x618: {  	v9 =	vshll.u32 v9, $0x8;
	v8 =	vshra.s32 v8, $0x2  }
0x619: {  	v9 =	vadd.s32 v8, v9  }
0x61a: {  	v27 =	vadd.s32 v0, v9  }
0x61b: {  	v8 =	vand.u32 $0x7F, v8;
	v10 =	vand.u32 $0xFFFFFF80, v27;
	v7 =	vld.idx.msk [tilespmem:v7+s17+$0x0], $0xffff  }
0x61c: {  	v10 =	vor.u32 v8, v10;
	_ =	sdelay $0x3  }
0x61d: {  	[tilespmem:v62+s25+$0x0] =	vst.idx.msk $0xffff, v7  }
0x61e: {  	v7 =	vld.idx.msk [tilespmem:v10+s3+$0x0], $0xffff;
	_ =	sdelay $0x4  }
0x61f: {  	v7 =	vshrl.u32 v7, $0x1A  }
0x620: {  	v7 =	vand.u32 $0x3, v7  }
0x621: {  	v28 =	vshll.u32 v7, $0xA  }
0x622: {  	v10 =	vadd.s32 v9, v28  }
0x623: {  	v10 =	vand.u32 $0xFFFFFF80, v10  }
0x624: {  	v8 =	vor.u32 v8, v10;
	_ =	sdelay $0x1  }
0x625: {  	v7 =	vshll.u32 v7, $0x8;
	v9 =	vshra.s32 v9, $0x2  }
0x626: {  	v7 =	vadd.s32 v9, v7  }
0x627: {  	v29 =	vadd.s32 v0, v7  }
0x628: {  	v9 =	vand.u32 $0x7F, v9;
	v10 =	vand.u32 $0xFFFFFF80, v29;
	v8 =	vld.idx.msk [tilespmem:v8+s17+$0x0], $0xffff  }
0x629: {  	v10 =	vor.u32 v9, v10;
	_ =	sdelay $0x3  }
0x62a: {  	[tilespmem:v63+s25+$0x0] =	vst.idx.msk $0xffff, v8  }
0x62b: {  	v8 =	vld.idx.msk [tilespmem:v10+s3+$0x0], $0xffff;
	_ =	sdelay $0x4  }
0x62c: {  	v8 =	vshrl.u32 v8, $0x18  }
0x62d: {  	v8 =	vand.u32 $0x3, v8  }
0x62e: {  	v30 =	vshll.u32 v8, $0xA  }
0x62f: {  	v10 =	vadd.s32 v7, v30  }
0x630: {  	v10 =	vand.u32 $0xFFFFFF80, v10  }
0x631: {  	v9 =	vor.u32 v9, v10;
	_ =	sdelay $0x1  }
0x632: {  	v32 =	vld [tilespmem:$0x1FF90];
	v8 =	vshll.u32 v8, $0x8;
	v7 =	vshra.s32 v7, $0x2  }
0x633: {  	v8 =	vadd.s32 v7, v8  }
0x634: {  	v31 =	vadd.s32 v0, v8  }
0x635: {  	v7 =	vand.u32 $0x7F, v7;
	v10 =	vand.u32 $0xFFFFFF80, v31;
	v9 =	vld.idx.msk [tilespmem:v9+s17+$0x0], $0xffff  }
0x636: {  	v10 =	vor.u32 v7, v10;
	_ =	sdelay $0x3  }
0x637: {  	[tilespmem:v32+s25+$0x0] =	vst.idx.msk $0xffff, v9  }
0x638: {  	v9 =	vld.idx.msk [tilespmem:v10+s3+$0x0], $0xffff;
	_ =	sdelay $0x4  }
0x639: {  	v9 =	vshrl.u32 v9, $0x16  }
0x63a: {  	v9 =	vand.u32 $0x3, v9  }
0x63b: {  	v33 =	vshll.u32 v9, $0xA  }
0x63c: {  	v10 =	vadd.s32 v8, v33  }
0x63d: {  	v10 =	vand.u32 $0xFFFFFF80, v10  }
0x63e: {  	v7 =	vor.u32 v7, v10;
	_ =	sdelay $0x1  }
0x63f: {  	v35 =	vld [tilespmem:$0x1FFA0];
	v9 =	vshll.u32 v9, $0x8;
	v8 =	vshra.s32 v8, $0x2  }
0x640: {  	v9 =	vadd.s32 v8, v9  }
0x641: {  	v34 =	vadd.s32 v0, v9  }
0x642: {  	v8 =	vand.u32 $0x7F, v8;
	v10 =	vand.u32 $0xFFFFFF80, v34;
	v7 =	vld.idx.msk [tilespmem:v7+s17+$0x0], $0xffff  }
0x643: {  	v10 =	vor.u32 v8, v10;
	_ =	sdelay $0x3  }
0x644: {  	[tilespmem:v35+s25+$0x0] =	vst.idx.msk $0xffff, v7  }
0x645: {  	v7 =	vld.idx.msk [tilespmem:v10+s3+$0x0], $0xffff;
	_ =	sdelay $0x4  }
0x646: {  	v7 =	vshrl.u32 v7, $0x14  }
0x647: {  	v7 =	vand.u32 $0x3, v7  }
0x648: {  	v37 =	vshll.u32 v7, $0xA  }
0x649: {  	v10 =	vadd.s32 v9, v37  }
0x64a: {  	v10 =	vand.u32 $0xFFFFFF80, v10  }
0x64b: {  	v8 =	vor.u32 v8, v10;
	_ =	sdelay $0x1  }
0x64c: {  	v39 =	vld [tilespmem:$0x1FFB0];
	v7 =	vshll.u32 v7, $0x8;
	v9 =	vshra.s32 v9, $0x2  }
0x64d: {  	v7 =	vadd.s32 v9, v7  }
0x64e: {  	v38 =	vadd.s32 v0, v7  }
0x64f: {  	v9 =	vand.u32 $0x7F, v9;
	v10 =	vand.u32 $0xFFFFFF80, v38;
	v8 =	vld.idx.msk [tilespmem:v8+s17+$0x0], $0xffff  }
0x650: {  	v10 =	vor.u32 v9, v10;
	_ =	sdelay $0x3  }
0x651: {  	[tilespmem:v39+s25+$0x0] =	vst.idx.msk $0xffff, v8  }
0x652: {  	v8 =	vld.idx.msk [tilespmem:v10+s3+$0x0], $0xffff;
	_ =	sdelay $0x4  }
0x653: {  	v8 =	vshrl.u32 v8, $0x12  }
0x654: {  	v8 =	vand.u32 $0x3, v8  }
0x655: {  	v40 =	vshll.u32 v8, $0xA  }
0x656: {  	v10 =	vadd.s32 v7, v40  }
0x657: {  	v10 =	vand.u32 $0xFFFFFF80, v10  }
0x658: {  	v9 =	vor.u32 v9, v10;
	_ =	sdelay $0x1  }
0x659: {  	v42 =	vld [tilespmem:$0x1FFC0];
	v8 =	vshll.u32 v8, $0x8;
	v7 =	vshra.s32 v7, $0x2  }
0x65a: {  	v8 =	vadd.s32 v7, v8  }
0x65b: {  	v41 =	vadd.s32 v0, v8  }
0x65c: {  	v7 =	vand.u32 $0x7F, v7;
	v10 =	vand.u32 $0xFFFFFF80, v41;
	v9 =	vld.idx.msk [tilespmem:v9+s17+$0x0], $0xffff  }
0x65d: {  	v10 =	vor.u32 v7, v10;
	_ =	sdelay $0x3  }
0x65e: {  	[tilespmem:v42+s25+$0x0] =	vst.idx.msk $0xffff, v9  }
0x65f: {  	v9 =	vld.idx.msk [tilespmem:v10+s3+$0x0], $0xffff;
	_ =	sdelay $0x4  }
0x660: {  	v9 =	vshrl.u32 v9, $0x10  }
0x661: {  	v9 =	vand.u32 $0x3, v9  }
0x662: {  	v43 =	vshll.u32 v9, $0xA  }
0x663: {  	v10 =	vadd.s32 v8, v43  }
0x664: {  	v10 =	vand.u32 $0xFFFFFF80, v10  }
0x665: {  	v7 =	vor.u32 v7, v10;
	_ =	sdelay $0x1  }
0x666: {  	v45 =	vld [tilespmem:$0x1FFD0];
	v9 =	vshll.u32 v9, $0x8;
	v8 =	vshra.s32 v8, $0x2  }
0x667: {  	v9 =	vadd.s32 v8, v9  }
0x668: {  	v44 =	vadd.s32 v0, v9  }
0x669: {  	v8 =	vand.u32 $0x7F, v8;
	v10 =	vand.u32 $0xFFFFFF80, v44;
	v7 =	vld.idx.msk [tilespmem:v7+s17+$0x0], $0xffff  }
0x66a: {  	v10 =	vor.u32 v8, v10;
	_ =	sdelay $0x3  }
0x66b: {  	[tilespmem:v45+s25+$0x0] =	vst.idx.msk $0xffff, v7  }
0x66c: {  	v7 =	vld.idx.msk [tilespmem:v10+s3+$0x0], $0xffff;
	_ =	sdelay $0x4  }
0x66d: {  	v7 =	vshrl.u32 v7, $0xE  }
0x66e: {  	v7 =	vand.u32 $0x3, v7  }
0x66f: {  	v46 =	vshll.u32 v7, $0xA  }
0x670: {  	v10 =	vadd.s32 v9, v46  }
0x671: {  	v10 =	vand.u32 $0xFFFFFF80, v10  }
0x672: {  	v8 =	vor.u32 v8, v10;
	_ =	sdelay $0x1  }
0x673: {  	v48 =	vld [tilespmem:$0x1FFE0];
	v7 =	vshll.u32 v7, $0x8;
	v9 =	vshra.s32 v9, $0x2  }
0x674: {  	v7 =	vadd.s32 v9, v7  }
0x675: {  	v47 =	vadd.s32 v0, v7  }
0x676: {  	v9 =	vand.u32 $0x7F, v9;
	v10 =	vand.u32 $0xFFFFFF80, v47;
	v8 =	vld.idx.msk [tilespmem:v8+s17+$0x0], $0xffff  }
0x677: {  	v10 =	vor.u32 v9, v10;
	_ =	sdelay $0x3  }
0x678: {  	[tilespmem:v48+s25+$0x0] =	vst.idx.msk $0xffff, v8  }
0x679: {  	v8 =	vld.idx.msk [tilespmem:v10+s3+$0x0], $0xffff;
	_ =	sdelay $0x4  }
0x67a: {  	v8 =	vshrl.u32 v8, $0xC  }
0x67b: {  	v8 =	vand.u32 $0x3, v8  }
0x67c: {  	v49 =	vshll.u32 v8, $0xA  }
0x67d: {  	v10 =	vadd.s32 v7, v49  }
0x67e: {  	v10 =	vand.u32 $0xFFFFFF80, v10  }
0x67f: {  	v9 =	vor.u32 v9, v10;
	_ =	sdelay $0x1  }
0x680: {  	v51 =	vld [tilespmem:$0x1FFF0];
	v8 =	vshll.u32 v8, $0x8;
	v7 =	vshra.s32 v7, $0x2  }
0x681: {  	v8 =	vadd.s32 v7, v8  }
0x682: {  	v50 =	vadd.s32 v0, v8  }
0x683: {  	v7 =	vand.u32 $0x7F, v7;
	v10 =	vand.u32 $0xFFFFFF80, v50;
	v9 =	vld.idx.msk [tilespmem:v9+s17+$0x0], $0xffff  }
0x684: {  	v10 =	vor.u32 v7, v10;
	_ =	sdelay $0x3  }
0x685: {  	[tilespmem:v51+s25+$0x0] =	vst.idx.msk $0xffff, v9  }
0x686: {  	v9 =	vld.idx.msk [tilespmem:v10+s3+$0x0], $0xffff;
	_ =	sdelay $0x4  }
0x687: {  	v9 =	vshrl.u32 v9, $0xA  }
0x688: {  	v9 =	vand.u32 $0x3, v9  }
0x689: {  	v52 =	vshll.u32 v9, $0xA  }
0x68a: {  	v10 =	vadd.s32 v8, v52  }
0x68b: {  	v10 =	vand.u32 $0xFFFFFF80, v10  }
0x68c: {  	v7 =	vor.u32 v7, v10;
	_ =	sdelay $0x1  }
0x68d: {  	v54 =	vld [tilespmem:$0x1FC50];
	v9 =	vshll.u32 v9, $0x8;
	v8 =	vshra.s32 v8, $0x2  }
0x68e: {  	v9 =	vadd.s32 v8, v9  }
0x68f: {  	v53 =	vadd.s32 v0, v9  }
0x690: {  	v8 =	vand.u32 $0x7F, v8;
	v10 =	vand.u32 $0xFFFFFF80, v53;
	v7 =	vld.idx.msk [tilespmem:v7+s17+$0x0], $0xffff  }
0x691: {  	v10 =	vor.u32 v8, v10;
	_ =	sdelay $0x3  }
0x692: {  	[tilespmem:v54+s25+$0x0] =	vst.idx.msk $0xffff, v7  }
0x693: {  	v7 =	vld.idx.msk [tilespmem:v10+s3+$0x0], $0xffff;
	_ =	sdelay $0x4  }
0x694: {  	v7 =	vshrl.u32 v7, $0x8  }
0x695: {  	v7 =	vand.u32 $0x3, v7  }
0x696: {  	v55 =	vshll.u32 v7, $0xA  }
0x697: {  	v10 =	vadd.s32 v9, v55  }
0x698: {  	v10 =	vand.u32 $0xFFFFFF80, v10  }
0x699: {  	v8 =	vor.u32 v8, v10;
	_ =	sdelay $0x1  }
0x69a: {  	v7 =	vshll.u32 v7, $0x8;
	v9 =	vshra.s32 v9, $0x2  }
0x69b: {  	v7 =	vadd.s32 v9, v7  }
0x69c: {  	v56 =	vadd.s32 v0, v7  }
0x69d: {  	v9 =	vand.u32 $0x7F, v9;
	v10 =	vand.u32 $0xFFFFFF80, v56;
	v8 =	vld.idx.msk [tilespmem:v8+s17+$0x0], $0xffff  }
0x69e: {  	v10 =	vor.u32 v9, v10;
	_ =	sdelay $0x3  }
0x69f: {  	[tilespmem:v3+s25+$0x0] =	vst.idx.msk $0xffff, v8  }
0x6a0: {  	v3 =	vld.idx.msk [tilespmem:v10+s3+$0x0], $0xffff;
	_ =	sdelay $0x4  }
0x6a1: {  	v3 =	vshrl.u32 v3, $0x6  }
0x6a2: {  	v3 =	vand.u32 $0x3, v3  }
0x6a3: {  	v57 =	vshll.u32 v3, $0xA  }
0x6a4: {  	v8 =	vadd.s32 v7, v57  }
0x6a5: {  	v8 =	vand.u32 $0xFFFFFF80, v8  }
0x6a6: {  	v8 =	vor.u32 v9, v8;
	_ =	sdelay $0x1  }
0x6a7: {  	v3 =	vshll.u32 v3, $0x8;
	v7 =	vshra.s32 v7, $0x2  }
0x6a8: {  	v3 =	vadd.s32 v7, v3  }
0x6a9: {  	v58 =	vadd.s32 v0, v3  }
0x6aa: {  	v7 =	vand.u32 $0x7F, v7;
	v9 =	vand.u32 $0xFFFFFF80, v58;
	v8 =	vld.idx.msk [tilespmem:v8+s17+$0x0], $0xffff  }
0x6ab: {  	v9 =	vor.u32 v7, v9;
	_ =	sdelay $0x3  }
0x6ac: {  	[tilespmem:v4+s25+$0x0] =	vst.idx.msk $0xffff, v8  }
0x6ad: {  	v4 =	vld.idx.msk [tilespmem:v9+s3+$0x0], $0xffff;
	_ =	sdelay $0x4  }
0x6ae: {  	v4 =	vshrl.u32 v4, $0x4  }
0x6af: {  	v4 =	vand.u32 $0x3, v4  }
0x6b0: {  	v59 =	vshll.u32 v4, $0xA  }
0x6b1: {  	v8 =	vadd.s32 v3, v59  }
0x6b2: {  	v8 =	vand.u32 $0xFFFFFF80, v8  }
0x6b3: {  	v7 =	vor.u32 v7, v8;
	_ =	sdelay $0x1  }
0x6b4: {  	v4 =	vshll.u32 v4, $0x8;
	v3 =	vshra.s32 v3, $0x2  }
0x6b5: {  	v4 =	vadd.s32 v3, v4  }
0x6b6: {  	v60 =	vadd.s32 v0, v4  }
0x6b7: {  	v3 =	vand.u32 $0x7F, v3;
	v8 =	vand.u32 $0xFFFFFF80, v60;
	v7 =	vld.idx.msk [tilespmem:v7+s17+$0x0], $0xffff  }
0x6b8: {  	v8 =	vor.u32 v3, v8;
	_ =	sdelay $0x3  }
0x6b9: {  	[tilespmem:v5+s25+$0x0] =	vst.idx.msk $0xffff, v7  }
0x6ba: {  	v5 =	vld.idx.msk [tilespmem:v8+s3+$0x0], $0xffff;
	_ =	sdelay $0x4  }
0x6bb: {  	v5 =	vshrl.u32 v5, $0x2  }
0x6bc: {  	v5 =	vand.u32 $0x3, v5  }
0x6bd: {  	v61 =	vshll.u32 v5, $0xA  }
0x6be: {  	v7 =	vadd.s32 v4, v61  }
0x6bf: {  	v7 =	vand.u32 $0xFFFFFF80, v7  }
0x6c0: {  	v3 =	vor.u32 v3, v7;
	_ =	sdelay $0x1  }
0x6c1: {  	v5 =	vshll.u32 v5, $0x8;
	v4 =	vshra.s32 v4, $0x2  }
0x6c2: {  	v5 =	vadd.s32 v4, v5  }
0x6c3: {  	v62 =	vadd.s32 v0, v5  }
0x6c4: {  	v4 =	vand.u32 $0x7F, v4;
	v7 =	vand.u32 $0xFFFFFF80, v62;
	v3 =	vld.idx.msk [tilespmem:v3+s17+$0x0], $0xffff  }
0x6c5: {  	v4 =	vor.u32 v4, v7;
	_ =	sdelay $0x3  }
0x6c6: {  	[tilespmem:v6+s25+$0x0] =	vst.idx.msk $0xffff, v3  }
0x6c7: {  	v3 =	vld.idx.msk [tilespmem:v4+s3+$0x0], $0xffff;
	_ =	sdelay $0x4  }
0x6c8: {  	v63 =	vshll.u32 v5, $0x2;
	v3 =	vand.u32 $0x3, v3  }
0x6c9: {  	v3 =	vor.u32 v3, v63;
	_ =	sdelay $0x4  }
0x6ca: {  	v3 =	vld.idx.msk [tilespmem:v3+s17+$0x0], $0xffff;
	_ =	sdelay $0x3  }
0x6cb: {  	p0 =	sne.s32 s16, $0x1  }
.Ltmp0:
0x6cc: {  	[tilespmem:v1+s25+$0x0] =	vst.idx.msk $0xffff, v3;
	(pc) =	sbr.rel @p0 .LBB2_1-.Ltmp0, $4  }
0x6cd: {  	[hbm4b:s15+s3] =	stream.linear.scatter [tilespmem:s25], [sflag:$0x1], $0x400, $0x38;
	[tilespmem:$0x11480] =	vst v63  }
0x6ce: {  	_ =	swait.ge [sflag:s18], $0x400  }
0x6cf: {  	[sflag:s18] =	ssyncset.done $0x0  }
0x6d0: {  	s16 =	sadd.s32 $0xFFFFFFFF, s16;
	[sflag:s18] =	ssyncadd.s32 $0xFFFFFC00  }
0x6d1: {  	_ =	sfence.sel $0x180000  }
0x6d2: {  	[bflag:$0x0] =	sbarrier.arrive $0xFFFF  }
0x6d3: {  	p0 =	sne.s32 s2, $0x0;
	_ =	strace $0x90000047  }
0x6d4: {  	s0 =	sadd.s32 @!p0 $0x100000, s1;
	[bflag:$0x2] =	sbarrier.arrive $0xFFFF  }
0x6d5: {  	[sflag:s0] =	ssyncadd.tile.s32 @!p0 $0x1;
	_ =	shalt  }
.Lfunc_end2:
_tile_overlayer_lowered:
.L_overlay_start_2:
0x6d6: {  	(tag) =	ssettag $0x2  }
0x6d7: {  	s0 =	rddreg [dreg:$0x0];
	s2 =	stileid.u32  }
0x6d8: {  	s1 =	rddreg [dreg:$0x1];
	p0 =	sne.s32 s2, $0x0  }
0x6d9: {  	s3 =	rddreg [dreg:$0x2];
	[bflag:$0x3] =	sbarrier.arrive $0xFFFF;
	s2 =	simm.s32 @!p0 $0x1C01  }
0x6da: {  	[timem:s3], [sflag:s2] =	dma.local @!p0 [hbm:s0], s1  }
0x6db: {  	s0 =	simm.s32 @!p0 $0x1  }
0x6dc: {  	_ =	swait.ge @!p0 [sflag:s0], s1  }
0x6dd: {  	s1 =	ssub.s32 @!p0 $0x0, s1;
	[sflag:s0] =	ssyncset.done @!p0 $0x0  }
0x6de: {  	[sflag:s0] =	ssyncadd.s32 @!p0 s1  }
0x6df: {  	[bflag:$0x3] =	sbarrier.arrive $0xFFFF  }
0x6e0: {  	_ =	shalt  }

</sc_bundles>
